<compile_context>
chip_gen: v7x
topology: tpu7x:2x2x1
jax: 0.10.2.dev20260603
libtpu: 0.0.44.dev20260713+nightly
codegen_flags: <defaults>
</compile_context>

<pallas_src>
import math

import jax
import jax.numpy as jnp
import numpy as np
from jax import lax
from jax.experimental import pallas as pl
from jax.experimental.pallas import tpu as pltpu
from jax.experimental.pallas import tpu_sc as plsc

D_EMB = 128
MAX_MODEL_LEN = 2048
B = 16
L = 2048

NC = 2
NS = 16
LANES = 16
NW = NC * NS
ROWS = B * L
CHUNK = 128
N_TOTAL_CHUNKS = ROWS // CHUNK
CH_PER_SEQ = L // CHUNK
CH_PER_W = N_TOTAL_CHUNKS // NW
NBUF = 4
GROUPS = D_EMB // LANES
INV_SQRT_D = 1.0 / math.sqrt(D_EMB)


def _precompute_pe_t():
    pos_arg = np.arange(0, MAX_MODEL_LEN, dtype=np.float32)
    dim_arg = (10000.0 ** ((np.arange(0, D_EMB, dtype=np.float32) / 2.0)
                           / D_EMB)).reshape(-1, 1).astype(np.float32)
    pe = (pos_arg / dim_arg).astype(np.float32)
    pe[::2] = np.sin(pe[::2])
    pe[1::2] = np.cos(pe[1::2])
    return np.ascontiguousarray(pe.T)


_PE_T = _precompute_pe_t()
_ZEROS = np.zeros((CHUNK, D_EMB), np.float32)


def _tec_body(tokens_hbm, pe_hbm, len_hbm, emb_hbm, zeros_hbm, out_hbm,
              idx_v, rows0, rows1, rows2, rows3, len_v, pe_sh, z_sh,
              i_sem, stage_sem, z_sem, g_sem,
              pf_sem0, pf_sem1, pf_sem2, pf_sem3,
              wb_sem0, wb_sem1, wb_sem2, wb_sem3):
    cid = lax.axis_index("c")
    sid = lax.axis_index("s")

    wid = cid * NS + sid

    bs = [8 * cid + j for j in range(CH_PER_W)]
    ps = [lax.rem(wid + 2 * j, CH_PER_SEQ) for j in range(CH_PER_W)]
    cids = [bs[j] * CH_PER_SEQ + ps[j] for j in range(CH_PER_W)]

    idesc = []
    for j in range(CH_PER_W):
        d = pltpu.make_async_copy(
            tokens_hbm.at[pl.ds(cids[j], 1), :], idx_v.at[pl.ds(j, 1), :],
            i_sem)
        d.start()
        idesc.append(d)

    pe_stage = pltpu.make_async_copy(
        pe_hbm.at[pl.ds(sid * (L // NS), L // NS), :],
        pe_sh.at[pl.ds(sid * (L // NS), L // NS), :], stage_sem)
    pe_stage.start()

    pltpu.sync_copy(len_hbm, len_v.at[pl.ds(0, B)])
    nvks = []
    for j in range(CH_PER_W):
        len_b = len_v[pl.ds(bs[j], LANES)][0]
        nvks.append(jnp.clip(len_b - ps[j] * CHUNK, 0, CHUNK))

    @pl.when(sid == 0)
    def _():
        pltpu.sync_copy(zeros_hbm, z_sh)

    pe_stage.wait()
    plsc.subcore_barrier()

    bufs = [rows0, rows1, rows2, rows3]
    pf_sems = [pf_sem0, pf_sem1, pf_sem2, pf_sem3]
    wb_sems = [wb_sem0, wb_sem1, wb_sem2, wb_sem3]
    zero_vec = jnp.zeros((LANES,), jnp.float32)

    def pf_desc(j):
        return pltpu.make_async_copy(
            pe_sh.at[pl.ds(ps[j] * CHUNK, CHUNK), :],
            bufs[j % NBUF], pf_sems[j % NBUF])

    def g_desc(j):
        return pltpu.make_async_copy(
            emb_hbm.at[idx_v.at[j]], bufs[j % NBUF], g_sem)

    def wb_desc(j):
        return pltpu.make_async_copy(
            bufs[j % NBUF],
            out_hbm.at[pl.ds(cids[j] * CHUNK, CHUNK), :], wb_sems[j % NBUF])

    def zwb_desc(j):
        return pltpu.make_async_copy(
            z_sh, out_hbm.at[pl.ds(cids[j] * CHUNK, CHUNK), :], z_sem)

    def issue_pf(j):
        @pl.when(nvks[j] > 0)
        def _():
            pf_desc(j).start()

    def issue_gather(j):
        @pl.when(nvks[j] > 0)
        def _():
            pf_desc(j).wait()
            pltpu.async_copy(emb_hbm.at[idx_v.at[j]], bufs[j % NBUF], g_sem,
                             add=True)

    def wait_gather(j):
        @pl.when(nvks[j] > 0)
        def _():
            g_desc(j).wait()

    def retire_wb(j):
        @pl.when(nvks[j] > 0)
        def _():
            wb_desc(j).wait()

    def compute_and_wb(j):
        nvk = nvks[j]
        buf = bufs[j % NBUF]

        @pl.when(nvk > 0)
        def _():
            def scale_body(r, carry):
                for c in range(GROUPS):
                    sl = pl.ds(c * LANES, LANES)
                    buf[r, sl] = buf[r, sl] * INV_SQRT_D
                return carry

            lax.fori_loop(0, nvk, scale_body, 0)

            def tail_body(r, carry):
                for c in range(GROUPS):
                    buf[r, pl.ds(c * LANES, LANES)] = zero_vec
                return carry

            lax.fori_loop(nvk, CHUNK, tail_body, 0)
            wb_desc(j).start()

        @pl.when(nvk <= 0)
        def _():
            zwb_desc(j).start()

    for d in idesc:
        d.wait()
    issue_pf(0)
    issue_gather(0)
    issue_pf(1)
    for j in range(CH_PER_W):
        wait_gather(j)
        if j >= 2:
            retire_wb(j - 2)
        if j + 2 < CH_PER_W:
            issue_pf(j + 2)
        if j + 1 < CH_PER_W:
            issue_gather(j + 1)
        compute_and_wb(j)
    retire_wb(CH_PER_W - 2)
    retire_wb(CH_PER_W - 1)
    for j in range(CH_PER_W):
        @pl.when(nvks[j] <= 0)
        def _(j=j):
            zwb_desc(j).wait()


@jax.jit
def _run(tokens_2d, pe_t, lengths, emb_matrix, zeros):
    mesh = plsc.VectorSubcoreMesh(core_axis_name="c", subcore_axis_name="s",
                                  num_cores=NC, num_subcores=NS)
    out = pl.kernel(
        _tec_body,
        out_type=jax.ShapeDtypeStruct((ROWS, D_EMB), jnp.float32),
        mesh=mesh,
        scratch_types=[
            pltpu.VMEM((CH_PER_W, CHUNK), jnp.int32),
            pltpu.VMEM((CHUNK, D_EMB), jnp.float32),
            pltpu.VMEM((CHUNK, D_EMB), jnp.float32),
            pltpu.VMEM((CHUNK, D_EMB), jnp.float32),
            pltpu.VMEM((CHUNK, D_EMB), jnp.float32),
            pltpu.VMEM((B + LANES,), jnp.int32),
            pltpu.VMEM_SHARED((L, D_EMB), jnp.float32),
            pltpu.VMEM_SHARED((CHUNK, D_EMB), jnp.float32),
            pltpu.SemaphoreType.DMA,
            pltpu.SemaphoreType.DMA,
            pltpu.SemaphoreType.DMA,
            pltpu.SemaphoreType.DMA,
            pltpu.SemaphoreType.DMA,
            pltpu.SemaphoreType.DMA,
            pltpu.SemaphoreType.DMA,
            pltpu.SemaphoreType.DMA,
            pltpu.SemaphoreType.DMA,
            pltpu.SemaphoreType.DMA,
            pltpu.SemaphoreType.DMA,
            pltpu.SemaphoreType.DMA,
        ],
    )(tokens_2d, pe_t, lengths, emb_matrix, zeros)
    return out.reshape(B, L, D_EMB)


_DEV_CONSTS = {}


def kernel(tokens, lengths, emb_matrix):
    if "pe" not in _DEV_CONSTS:
        _DEV_CONSTS["pe"] = jax.device_put(_PE_T)
        _DEV_CONSTS["zeros"] = jax.device_put(_ZEROS)
    tokens_2d = tokens.reshape(N_TOTAL_CHUNKS, CHUNK).astype(jnp.int32)
    return _run(tokens_2d, _DEV_CONSTS["pe"],
                lengths.astype(jnp.int32), emb_matrix, _DEV_CONSTS["zeros"])

# --- scband reference (transcript-rebuilt; emitter-appended) ---
"""Pipeline reference for scband-embeddings-60636348285163 (READ-ONLY COPY).

The authoritative reference and input builder live on the scoring server;
editing this copy changes nothing except your own understanding.
"""

import jax, jax.numpy as jnp
import numpy as np

D_EMB = 128
VOCAB = 100000
MAX_MODEL_LEN = 2048
B = 16
L = 2048


def precompute_pe(max_model_len, d_emb):
    pos_arg = jnp.arange(0, max_model_len, dtype=jnp.float32)
    dim_arg = (10000.0 ** ((jnp.arange(0, d_emb, dtype=jnp.float32) / 2.0) / d_emb)).reshape(-1, 1)
    pe = pos_arg / dim_arg  # (d_emb, max_model_len)
    pe = pe.at[::2].set(jnp.sin(pe[::2]))
    pe = pe.at[1::2].set(jnp.cos(pe[1::2]))
    return pe


def setup_inputs(seed: int = 0) -> dict:
    key = jax.random.key(seed)
    k1, k2, k3 = jax.random.split(key, 3)
    tokens = jax.random.randint(k1, (B, L), 0, VOCAB)  # padded ragged token ids
    lengths = jax.random.randint(k2, (B,), 1, L + 1).astype(jnp.int32)  # per-sequence lengths
    emb_matrix = jax.random.normal(k3, (VOCAB, D_EMB), dtype=jnp.float32) * 0.02
    return {"tokens": tokens, "lengths": lengths, "emb_matrix": emb_matrix}


def reference(tokens, lengths, emb_matrix):
    # Faithful translation of Embeddings.forward for a ragged batch.
    # The torch module loops over sequences; here the ragged List[List[int]] is
    # represented as padded `tokens` [B, L] + `lengths` [B]. For each sequence i,
    # rows [0:lengths[i]) get emb_matrix[token] + pe.T[pos]; padded rows stay zero.
    d_emb = emb_matrix.shape[1]
    pe = precompute_pe(MAX_MODEL_LEN, d_emb)  # (d_emb, max_model_len)
    x_emb = jnp.take(emb_matrix, tokens, axis=0)  # gather: (B, L, d_emb)
    pos = jnp.arange(tokens.shape[1])
    x_emb = x_emb + pe.T[pos][None, :, :]  # add positional encoding per position
    mask = (pos[None, :] < lengths[:, None])[:, :, None]  # valid-token mask
    x_emb = jnp.where(mask, x_emb, 0.0)
    x_emb = x_emb / jnp.sqrt(jnp.asarray(d_emb, dtype=jnp.float32))
    return x_emb

if __name__ == "__main__":
    import jax
    _d = setup_inputs()
    print(jax.jit(kernel)(*tuple(_d.values())))

</pallas_src>

<mosaic_0001>
#map = affine_map<(d0, d1) -> (0, 0)>
#map1 = affine_map<(d0, d1) -> (0)>
module attributes {stable_mosaic.version = 14 : i64} {
  func.func @_tec_body(%arg0: i32, %arg1: i32, %arg2: memref<256x128xi32, #tpu.memory_space<hbm>>, %arg3: memref<2048x128xf32, #tpu.memory_space<hbm>>, %arg4: memref<16xi32, #tpu.memory_space<hbm>>, %arg5: memref<100000x128xf32, #tpu.memory_space<hbm>>, %arg6: memref<128x128xf32, #tpu.memory_space<hbm>>, %arg7: memref<32768x128xf32, #tpu.memory_space<hbm>>, %arg8: memref<8x128xi32, #tpu.memory_space<vmem>>, %arg9: memref<128x128xf32, #tpu.memory_space<vmem>>, %arg10: memref<128x128xf32, #tpu.memory_space<vmem>>, %arg11: memref<128x128xf32, #tpu.memory_space<vmem>>, %arg12: memref<128x128xf32, #tpu.memory_space<vmem>>, %arg13: memref<32xi32, #tpu.memory_space<vmem>>, %arg14: memref<2048x128xf32, #tpu.memory_space<vmem_shared>>, %arg15: memref<128x128xf32, #tpu.memory_space<vmem_shared>>, %arg16: memref<!tpu.dma_semaphore, #tpu.memory_space<semaphore_mem>>, %arg17: memref<!tpu.dma_semaphore, #tpu.memory_space<semaphore_mem>>, %arg18: memref<!tpu.dma_semaphore, #tpu.memory_space<semaphore_mem>>, %arg19: memref<!tpu.dma_semaphore, #tpu.memory_space<semaphore_mem>>, %arg20: memref<!tpu.dma_semaphore, #tpu.memory_space<semaphore_mem>>, %arg21: memref<!tpu.dma_semaphore, #tpu.memory_space<semaphore_mem>>, %arg22: memref<!tpu.dma_semaphore, #tpu.memory_space<semaphore_mem>>, %arg23: memref<!tpu.dma_semaphore, #tpu.memory_space<semaphore_mem>>, %arg24: memref<!tpu.dma_semaphore, #tpu.memory_space<semaphore_mem>>, %arg25: memref<!tpu.dma_semaphore, #tpu.memory_space<semaphore_mem>>, %arg26: memref<!tpu.dma_semaphore, #tpu.memory_space<semaphore_mem>>, %arg27: memref<!tpu.dma_semaphore, #tpu.memory_space<semaphore_mem>>) attributes {dimension_semantics = [#tpu.dimension_semantics<core_parallel>, #tpu.dimension_semantics<subcore_parallel>], iteration_bounds = array<i64: 2, 16>, scalar_prefetch = 0 : i64, scratch_operands = 20 : i64, tpu.core_type = #tpu.core_type<sc_vector_subcore>, window_params = [{transform_indices = #map}, {transform_indices = #map}, {transform_indices = #map1}, {transform_indices = #map}, {transform_indices = #map}, {transform_indices = #map}]} {
    %mul3A = arith.constant 16 : i32
    %mul3A_0 = arith.muli %arg0, %mul3A : i32
    %add3A = arith.addi %mul3A_0, %arg1 : i32
    %mul3A_1 = arith.constant 8 : i32
    %mul3A_2 = arith.muli %mul3A_1, %arg0 : i32
    %add3A_3 = arith.constant 0 : i32
    %add3A_4 = arith.addi %mul3A_2, %add3A_3 : i32
    %mul3A_5 = arith.constant 8 : i32
    %mul3A_6 = arith.muli %mul3A_5, %arg0 : i32
    %add3A_7 = arith.constant 1 : i32
    %add3A_8 = arith.addi %mul3A_6, %add3A_7 : i32
    %mul3A_9 = arith.constant 8 : i32
    %mul3A_10 = arith.muli %mul3A_9, %arg0 : i32
    %add3A_11 = arith.constant 2 : i32
    %add3A_12 = arith.addi %mul3A_10, %add3A_11 : i32
    %mul3A_13 = arith.constant 8 : i32
    %mul3A_14 = arith.muli %mul3A_13, %arg0 : i32
    %add3A_15 = arith.constant 3 : i32
    %add3A_16 = arith.addi %mul3A_14, %add3A_15 : i32
    %mul3A_17 = arith.constant 8 : i32
    %mul3A_18 = arith.muli %mul3A_17, %arg0 : i32
    %add3A_19 = arith.constant 4 : i32
    %add3A_20 = arith.addi %mul3A_18, %add3A_19 : i32
    %mul3A_21 = arith.constant 8 : i32
    %mul3A_22 = arith.muli %mul3A_21, %arg0 : i32
    %add3A_23 = arith.constant 5 : i32
    %add3A_24 = arith.addi %mul3A_22, %add3A_23 : i32
    %mul3A_25 = arith.constant 8 : i32
    %mul3A_26 = arith.muli %mul3A_25, %arg0 : i32
    %add3A_27 = arith.constant 6 : i32
    %add3A_28 = arith.addi %mul3A_26, %add3A_27 : i32
    %mul3A_29 = arith.constant 8 : i32
    %mul3A_30 = arith.muli %mul3A_29, %arg0 : i32
    %add3A_31 = arith.constant 7 : i32
    %add3A_32 = arith.addi %mul3A_30, %add3A_31 : i32
    %add3A_33 = arith.constant 0 : i32
    %add3A_34 = arith.addi %add3A, %add3A_33 : i32
    %rem3A = arith.constant 16 : i32
    %rem3A_35 = arith.remsi %add3A_34, %rem3A : i32
    %add3A_36 = arith.constant 2 : i32
    %add3A_37 = arith.addi %add3A, %add3A_36 : i32
    %rem3A_38 = arith.constant 16 : i32
    %rem3A_39 = arith.remsi %add3A_37, %rem3A_38 : i32
    %add3A_40 = arith.constant 4 : i32
    %add3A_41 = arith.addi %add3A, %add3A_40 : i32
    %rem3A_42 = arith.constant 16 : i32
    %rem3A_43 = arith.remsi %add3A_41, %rem3A_42 : i32
    %add3A_44 = arith.constant 6 : i32
    %add3A_45 = arith.addi %add3A, %add3A_44 : i32
    %rem3A_46 = arith.constant 16 : i32
    %rem3A_47 = arith.remsi %add3A_45, %rem3A_46 : i32
    %add3A_48 = arith.constant 8 : i32
    %add3A_49 = arith.addi %add3A, %add3A_48 : i32
    %rem3A_50 = arith.constant 16 : i32
    %rem3A_51 = arith.remsi %add3A_49, %rem3A_50 : i32
    %add3A_52 = arith.constant 10 : i32
    %add3A_53 = arith.addi %add3A, %add3A_52 : i32
    %rem3A_54 = arith.constant 16 : i32
    %rem3A_55 = arith.remsi %add3A_53, %rem3A_54 : i32
    %add3A_56 = arith.constant 12 : i32
    %add3A_57 = arith.addi %add3A, %add3A_56 : i32
    %rem3A_58 = arith.constant 16 : i32
    %rem3A_59 = arith.remsi %add3A_57, %rem3A_58 : i32
    %add3A_60 = arith.constant 14 : i32
    %add3A_61 = arith.addi %add3A, %add3A_60 : i32
    %rem3A_62 = arith.constant 16 : i32
    %rem3A_63 = arith.remsi %add3A_61, %rem3A_62 : i32
    %mul3A_64 = arith.constant 16 : i32
    %mul3A_65 = arith.muli %add3A_4, %mul3A_64 : i32
    %add3A_66 = arith.addi %mul3A_65, %rem3A_35 : i32
    %mul3A_67 = arith.constant 16 : i32
    %mul3A_68 = arith.muli %add3A_8, %mul3A_67 : i32
    %add3A_69 = arith.addi %mul3A_68, %rem3A_39 : i32
    %mul3A_70 = arith.constant 16 : i32
    %mul3A_71 = arith.muli %add3A_12, %mul3A_70 : i32
    %add3A_72 = arith.addi %mul3A_71, %rem3A_43 : i32
    %mul3A_73 = arith.constant 16 : i32
    %mul3A_74 = arith.muli %add3A_16, %mul3A_73 : i32
    %add3A_75 = arith.addi %mul3A_74, %rem3A_47 : i32
    %mul3A_76 = arith.constant 16 : i32
    %mul3A_77 = arith.muli %add3A_20, %mul3A_76 : i32
    %add3A_78 = arith.addi %mul3A_77, %rem3A_51 : i32
    %mul3A_79 = arith.constant 16 : i32
    %mul3A_80 = arith.muli %add3A_24, %mul3A_79 : i32
    %add3A_81 = arith.addi %mul3A_80, %rem3A_55 : i32
    %mul3A_82 = arith.constant 16 : i32
    %mul3A_83 = arith.muli %add3A_28, %mul3A_82 : i32
    %add3A_84 = arith.addi %mul3A_83, %rem3A_59 : i32
    %mul3A_85 = arith.constant 16 : i32
    %mul3A_86 = arith.muli %add3A_32, %mul3A_85 : i32
    %add3A_87 = arith.addi %mul3A_86, %rem3A_63 : i32
    %dma_start3A = arith.constant 0 : i32
    %dma_start3A_88 = arith.constant 0 : i32
    %dma_start3A_89 = tpu.memref_slice %arg8[%dma_start3A, %dma_start3A_88] : memref<8x128xi32, #tpu.memory_space<vmem>> -> memref<1x128xi32, #tpu.memory_space<vmem>>
    %dma_start3A_90 = arith.constant 0 : i32
    %dma_start3A_91 = tpu.memref_slice %arg2[%add3A_66, %dma_start3A_90] : memref<256x128xi32, #tpu.memory_space<hbm>> -> memref<1x128xi32, #tpu.memory_space<hbm>>
    %dma_start3A_92 = arith.constant 0 : i32
    %dma_start3A_93 = arith.constant 0 : i32
    %dma_start3A_94 = tpu.memref_slice %arg8[%dma_start3A_92, %dma_start3A_93] : memref<8x128xi32, #tpu.memory_space<vmem>> -> memref<1x128xi32, #tpu.memory_space<vmem>>
    %dma_start3A_95 = arith.constant 0 : i32
    %dma_start3A_96 = tpu.memref_slice %arg2[%add3A_66, %dma_start3A_95] : memref<256x128xi32, #tpu.memory_space<hbm>> -> memref<1x128xi32, #tpu.memory_space<hbm>>
    tpu.enqueue_dma source(%dma_start3A_96 : memref<1x128xi32, #tpu.memory_space<hbm>>) target(%dma_start3A_94 : memref<1x128xi32, #tpu.memory_space<vmem>>) target_semaphore(%arg16 : memref<!tpu.dma_semaphore, #tpu.memory_space<semaphore_mem>>)
    %dma_start3A_97 = arith.constant 1 : i32
    %dma_start3A_98 = arith.constant 0 : i32
    %dma_start3A_99 = tpu.memref_slice %arg8[%dma_start3A_97, %dma_start3A_98] : memref<8x128xi32, #tpu.memory_space<vmem>> -> memref<1x128xi32, #tpu.memory_space<vmem>>
    %dma_start3A_100 = arith.constant 0 : i32
    %dma_start3A_101 = tpu.memref_slice %arg2[%add3A_69, %dma_start3A_100] : memref<256x128xi32, #tpu.memory_space<hbm>> -> memref<1x128xi32, #tpu.memory_space<hbm>>
    %dma_start3A_102 = arith.constant 1 : i32
    %dma_start3A_103 = arith.constant 0 : i32
    %dma_start3A_104 = tpu.memref_slice %arg8[%dma_start3A_102, %dma_start3A_103] : memref<8x128xi32, #tpu.memory_space<vmem>> -> memref<1x128xi32, #tpu.memory_space<vmem>>
    %dma_start3A_105 = arith.constant 0 : i32
    %dma_start3A_106 = tpu.memref_slice %arg2[%add3A_69, %dma_start3A_105] : memref<256x128xi32, #tpu.memory_space<hbm>> -> memref<1x128xi32, #tpu.memory_space<hbm>>
    tpu.enqueue_dma source(%dma_start3A_106 : memref<1x128xi32, #tpu.memory_space<hbm>>) target(%dma_start3A_104 : memref<1x128xi32, #tpu.memory_space<vmem>>) target_semaphore(%arg16 : memref<!tpu.dma_semaphore, #tpu.memory_space<semaphore_mem>>)
    %dma_start3A_107 = arith.constant 2 : i32
    %dma_start3A_108 = arith.constant 0 : i32
    %dma_start3A_109 = tpu.memref_slice %arg8[%dma_start3A_107, %dma_start3A_108] : memref<8x128xi32, #tpu.memory_space<vmem>> -> memref<1x128xi32, #tpu.memory_space<vmem>>
    %dma_start3A_110 = arith.constant 0 : i32
    %dma_start3A_111 = tpu.memref_slice %arg2[%add3A_72, %dma_start3A_110] : memref<256x128xi32, #tpu.memory_space<hbm>> -> memref<1x128xi32, #tpu.memory_space<hbm>>
    %dma_start3A_112 = arith.constant 2 : i32
    %dma_start3A_113 = arith.constant 0 : i32
    %dma_start3A_114 = tpu.memref_slice %arg8[%dma_start3A_112, %dma_start3A_113] : memref<8x128xi32, #tpu.memory_space<vmem>> -> memref<1x128xi32, #tpu.memory_space<vmem>>
    %dma_start3A_115 = arith.constant 0 : i32
    %dma_start3A_116 = tpu.memref_slice %arg2[%add3A_72, %dma_start3A_115] : memref<256x128xi32, #tpu.memory_space<hbm>> -> memref<1x128xi32, #tpu.memory_space<hbm>>
    tpu.enqueue_dma source(%dma_start3A_116 : memref<1x128xi32, #tpu.memory_space<hbm>>) target(%dma_start3A_114 : memref<1x128xi32, #tpu.memory_space<vmem>>) target_semaphore(%arg16 : memref<!tpu.dma_semaphore, #tpu.memory_space<semaphore_mem>>)
    %dma_start3A_117 = arith.constant 3 : i32
    %dma_start3A_118 = arith.constant 0 : i32
    %dma_start3A_119 = tpu.memref_slice %arg8[%dma_start3A_117, %dma_start3A_118] : memref<8x128xi32, #tpu.memory_space<vmem>> -> memref<1x128xi32, #tpu.memory_space<vmem>>
    %dma_start3A_120 = arith.constant 0 : i32
    %dma_start3A_121 = tpu.memref_slice %arg2[%add3A_75, %dma_start3A_120] : memref<256x128xi32, #tpu.memory_space<hbm>> -> memref<1x128xi32, #tpu.memory_space<hbm>>
    %dma_start3A_122 = arith.constant 3 : i32
    %dma_start3A_123 = arith.constant 0 : i32
    %dma_start3A_124 = tpu.memref_slice %arg8[%dma_start3A_122, %dma_start3A_123] : memref<8x128xi32, #tpu.memory_space<vmem>> -> memref<1x128xi32, #tpu.memory_space<vmem>>
    %dma_start3A_125 = arith.constant 0 : i32
    %dma_start3A_126 = tpu.memref_slice %arg2[%add3A_75, %dma_start3A_125] : memref<256x128xi32, #tpu.memory_space<hbm>> -> memref<1x128xi32, #tpu.memory_space<hbm>>
    tpu.enqueue_dma source(%dma_start3A_126 : memref<1x128xi32, #tpu.memory_space<hbm>>) target(%dma_start3A_124 : memref<1x128xi32, #tpu.memory_space<vmem>>) target_semaphore(%arg16 : memref<!tpu.dma_semaphore, #tpu.memory_space<semaphore_mem>>)
    %dma_start3A_127 = arith.constant 4 : i32
    %dma_start3A_128 = arith.constant 0 : i32
    %dma_start3A_129 = tpu.memref_slice %arg8[%dma_start3A_127, %dma_start3A_128] : memref<8x128xi32, #tpu.memory_space<vmem>> -> memref<1x128xi32, #tpu.memory_space<vmem>>
    %dma_start3A_130 = arith.constant 0 : i32
    %dma_start3A_131 = tpu.memref_slice %arg2[%add3A_78, %dma_start3A_130] : memref<256x128xi32, #tpu.memory_space<hbm>> -> memref<1x128xi32, #tpu.memory_space<hbm>>
    %dma_start3A_132 = arith.constant 4 : i32
    %dma_start3A_133 = arith.constant 0 : i32
    %dma_start3A_134 = tpu.memref_slice %arg8[%dma_start3A_132, %dma_start3A_133] : memref<8x128xi32, #tpu.memory_space<vmem>> -> memref<1x128xi32, #tpu.memory_space<vmem>>
    %dma_start3A_135 = arith.constant 0 : i32
    %dma_start3A_136 = tpu.memref_slice %arg2[%add3A_78, %dma_start3A_135] : memref<256x128xi32, #tpu.memory_space<hbm>> -> memref<1x128xi32, #tpu.memory_space<hbm>>
    tpu.enqueue_dma source(%dma_start3A_136 : memref<1x128xi32, #tpu.memory_space<hbm>>) target(%dma_start3A_134 : memref<1x128xi32, #tpu.memory_space<vmem>>) target_semaphore(%arg16 : memref<!tpu.dma_semaphore, #tpu.memory_space<semaphore_mem>>)
    %dma_start3A_137 = arith.constant 5 : i32
    %dma_start3A_138 = arith.constant 0 : i32
    %dma_start3A_139 = tpu.memref_slice %arg8[%dma_start3A_137, %dma_start3A_138] : memref<8x128xi32, #tpu.memory_space<vmem>> -> memref<1x128xi32, #tpu.memory_space<vmem>>
    %dma_start3A_140 = arith.constant 0 : i32
    %dma_start3A_141 = tpu.memref_slice %arg2[%add3A_81, %dma_start3A_140] : memref<256x128xi32, #tpu.memory_space<hbm>> -> memref<1x128xi32, #tpu.memory_space<hbm>>
    %dma_start3A_142 = arith.constant 5 : i32
    %dma_start3A_143 = arith.constant 0 : i32
    %dma_start3A_144 = tpu.memref_slice %arg8[%dma_start3A_142, %dma_start3A_143] : memref<8x128xi32, #tpu.memory_space<vmem>> -> memref<1x128xi32, #tpu.memory_space<vmem>>
    %dma_start3A_145 = arith.constant 0 : i32
    %dma_start3A_146 = tpu.memref_slice %arg2[%add3A_81, %dma_start3A_145] : memref<256x128xi32, #tpu.memory_space<hbm>> -> memref<1x128xi32, #tpu.memory_space<hbm>>
    tpu.enqueue_dma source(%dma_start3A_146 : memref<1x128xi32, #tpu.memory_space<hbm>>) target(%dma_start3A_144 : memref<1x128xi32, #tpu.memory_space<vmem>>) target_semaphore(%arg16 : memref<!tpu.dma_semaphore, #tpu.memory_space<semaphore_mem>>)
    %dma_start3A_147 = arith.constant 6 : i32
    %dma_start3A_148 = arith.constant 0 : i32
    %dma_start3A_149 = tpu.memref_slice %arg8[%dma_start3A_147, %dma_start3A_148] : memref<8x128xi32, #tpu.memory_space<vmem>> -> memref<1x128xi32, #tpu.memory_space<vmem>>
    %dma_start3A_150 = arith.constant 0 : i32
    %dma_start3A_151 = tpu.memref_slice %arg2[%add3A_84, %dma_start3A_150] : memref<256x128xi32, #tpu.memory_space<hbm>> -> memref<1x128xi32, #tpu.memory_space<hbm>>
    %dma_start3A_152 = arith.constant 6 : i32
    %dma_start3A_153 = arith.constant 0 : i32
    %dma_start3A_154 = tpu.memref_slice %arg8[%dma_start3A_152, %dma_start3A_153] : memref<8x128xi32, #tpu.memory_space<vmem>> -> memref<1x128xi32, #tpu.memory_space<vmem>>
    %dma_start3A_155 = arith.constant 0 : i32
    %dma_start3A_156 = tpu.memref_slice %arg2[%add3A_84, %dma_start3A_155] : memref<256x128xi32, #tpu.memory_space<hbm>> -> memref<1x128xi32, #tpu.memory_space<hbm>>
    tpu.enqueue_dma source(%dma_start3A_156 : memref<1x128xi32, #tpu.memory_space<hbm>>) target(%dma_start3A_154 : memref<1x128xi32, #tpu.memory_space<vmem>>) target_semaphore(%arg16 : memref<!tpu.dma_semaphore, #tpu.memory_space<semaphore_mem>>)
    %dma_start3A_157 = arith.constant 7 : i32
    %dma_start3A_158 = arith.constant 0 : i32
    %dma_start3A_159 = tpu.memref_slice %arg8[%dma_start3A_157, %dma_start3A_158] : memref<8x128xi32, #tpu.memory_space<vmem>> -> memref<1x128xi32, #tpu.memory_space<vmem>>
    %dma_start3A_160 = arith.constant 0 : i32
    %dma_start3A_161 = tpu.memref_slice %arg2[%add3A_87, %dma_start3A_160] : memref<256x128xi32, #tpu.memory_space<hbm>> -> memref<1x128xi32, #tpu.memory_space<hbm>>
    %dma_start3A_162 = arith.constant 7 : i32
    %dma_start3A_163 = arith.constant 0 : i32
    %dma_start3A_164 = tpu.memref_slice %arg8[%dma_start3A_162, %dma_start3A_163] : memref<8x128xi32, #tpu.memory_space<vmem>> -> memref<1x128xi32, #tpu.memory_space<vmem>>
    %dma_start3A_165 = arith.constant 0 : i32
    %dma_start3A_166 = tpu.memref_slice %arg2[%add3A_87, %dma_start3A_165] : memref<256x128xi32, #tpu.memory_space<hbm>> -> memref<1x128xi32, #tpu.memory_space<hbm>>
    tpu.enqueue_dma source(%dma_start3A_166 : memref<1x128xi32, #tpu.memory_space<hbm>>) target(%dma_start3A_164 : memref<1x128xi32, #tpu.memory_space<vmem>>) target_semaphore(%arg16 : memref<!tpu.dma_semaphore, #tpu.memory_space<semaphore_mem>>)
    %mul3A_167 = arith.constant 128 : i32
    %mul3A_168 = arith.muli %arg1, %mul3A_167 : i32
    %mul3A_169 = arith.constant 128 : i32
    %mul3A_170 = arith.muli %arg1, %mul3A_169 : i32
    %dma_start3A_171 = arith.constant 0 : i32
    %dma_start3A_172 = tpu.memref_slice %arg14[%mul3A_170, %dma_start3A_171] : memref<2048x128xf32, #tpu.memory_space<vmem_shared>> -> memref<128x128xf32, #tpu.memory_space<vmem_shared>>
    %dma_start3A_173 = arith.constant 0 : i32
    %dma_start3A_174 = tpu.memref_slice %arg3[%mul3A_168, %dma_start3A_173] : memref<2048x128xf32, #tpu.memory_space<hbm>> -> memref<128x128xf32, #tpu.memory_space<hbm>>
    tpu.enqueue_dma source(%dma_start3A_174 : memref<128x128xf32, #tpu.memory_space<hbm>>) target(%dma_start3A_172 : memref<128x128xf32, #tpu.memory_space<vmem_shared>>) target_semaphore(%arg17 : memref<!tpu.dma_semaphore, #tpu.memory_space<semaphore_mem>>)
    "tpu.region"() ({
      %run_scoped3A = tpu.sem_alloc : memref<!tpu.dma_semaphore, #tpu.memory_space<semaphore_mem>>
      %dma_start3A_628 = arith.constant 0 : i32
      %dma_start3A_629 = tpu.memref_slice %arg13[%dma_start3A_628] : memref<32xi32, #tpu.memory_space<vmem>> -> memref<16xi32, #tpu.memory_space<vmem>>
      %dma_start3A_630 = arith.constant 0 : i32
      %dma_start3A_631 = tpu.memref_slice %arg13[%dma_start3A_630] : memref<32xi32, #tpu.memory_space<vmem>> -> memref<16xi32, #tpu.memory_space<vmem>>
      tpu.enqueue_dma source(%arg4 : memref<16xi32, #tpu.memory_space<hbm>>) target(%dma_start3A_631 : memref<16xi32, #tpu.memory_space<vmem>>) target_semaphore(%run_scoped3A : memref<!tpu.dma_semaphore, #tpu.memory_space<semaphore_mem>>)
      %dma_wait3A_632 = arith.constant 0 : i32
      %dma_wait3A_633 = tpu.memref_slice %arg13[%dma_wait3A_632] : memref<32xi32, #tpu.memory_space<vmem>> -> memref<16xi32, #tpu.memory_space<vmem>>
      %dma_wait3A_634 = arith.constant 0 : i32
      %dma_wait3A_635 = tpu.memref_slice %arg13[%dma_wait3A_634] : memref<32xi32, #tpu.memory_space<vmem>> -> memref<16xi32, #tpu.memory_space<vmem>>
      tpu.wait_dma2 semaphore(%run_scoped3A : memref<!tpu.dma_semaphore, #tpu.memory_space<semaphore_mem>>) src(%arg4 : memref<16xi32, #tpu.memory_space<hbm>>) dst(%dma_wait3A_635 : memref<16xi32, #tpu.memory_space<vmem>>)
      tpu.yield
    }) : () -> ()
    %get3A = arith.index_cast %add3A_4 : i32 to index
    %get3A_175 = tpu.vector_load %arg13[%get3A] {strides = array<i32>} : memref<32xi32, #tpu.memory_space<vmem>>, vector<16xi32>,
    %get3A_176 = vector.shape_cast %get3A_175 : vector<16xi32> to vector<16xi32>
    %slice3A = vector.extract_strided_slice %get3A_176 {offsets = [0], sizes = [1], strides = [1]} : vector<16xi32> to vector<1xi32>
    %squeeze3A = vector.extract %slice3A[0] : i32 from vector<1xi32>
    %mul3A_177 = arith.constant 128 : i32
    %mul3A_178 = arith.muli %rem3A_35, %mul3A_177 : i32
    %sub3A = arith.subi %squeeze3A, %mul3A_178 : i32
    %jit3A = arith.constant 0 : i32
    %jit3A_179 = arith.constant 128 : i32
    %max3A = arith.maxsi %jit3A, %sub3A : i32
    %min3A = arith.minsi %jit3A_179, %max3A : i32
    %get3A_180 = arith.index_cast %add3A_8 : i32 to index
    %get3A_181 = tpu.vector_load %arg13[%get3A_180] {strides = array<i32>} : memref<32xi32, #tpu.memory_space<vmem>>, vector<16xi32>,
    %get3A_182 = vector.shape_cast %get3A_181 : vector<16xi32> to vector<16xi32>
    %slice3A_183 = vector.extract_strided_slice %get3A_182 {offsets = [0], sizes = [1], strides = [1]} : vector<16xi32> to vector<1xi32>
    %squeeze3A_184 = vector.extract %slice3A_183[0] : i32 from vector<1xi32>
    %mul3A_185 = arith.constant 128 : i32
    %mul3A_186 = arith.muli %rem3A_39, %mul3A_185 : i32
    %sub3A_187 = arith.subi %squeeze3A_184, %mul3A_186 : i32
    %jit3A_188 = arith.constant 0 : i32
    %jit3A_189 = arith.constant 128 : i32
    %max3A_190 = arith.maxsi %jit3A_188, %sub3A_187 : i32
    %min3A_191 = arith.minsi %jit3A_189, %max3A_190 : i32
    %get3A_192 = arith.index_cast %add3A_12 : i32 to index
    %get3A_193 = tpu.vector_load %arg13[%get3A_192] {strides = array<i32>} : memref<32xi32, #tpu.memory_space<vmem>>, vector<16xi32>,
    %get3A_194 = vector.shape_cast %get3A_193 : vector<16xi32> to vector<16xi32>
    %slice3A_195 = vector.extract_strided_slice %get3A_194 {offsets = [0], sizes = [1], strides = [1]} : vector<16xi32> to vector<1xi32>
    %squeeze3A_196 = vector.extract %slice3A_195[0] : i32 from vector<1xi32>
    %mul3A_197 = arith.constant 128 : i32
    %mul3A_198 = arith.muli %rem3A_43, %mul3A_197 : i32
    %sub3A_199 = arith.subi %squeeze3A_196, %mul3A_198 : i32
    %jit3A_200 = arith.constant 0 : i32
    %jit3A_201 = arith.constant 128 : i32
    %max3A_202 = arith.maxsi %jit3A_200, %sub3A_199 : i32
    %min3A_203 = arith.minsi %jit3A_201, %max3A_202 : i32
    %get3A_204 = arith.index_cast %add3A_16 : i32 to index
    %get3A_205 = tpu.vector_load %arg13[%get3A_204] {strides = array<i32>} : memref<32xi32, #tpu.memory_space<vmem>>, vector<16xi32>,
    %get3A_206 = vector.shape_cast %get3A_205 : vector<16xi32> to vector<16xi32>
    %slice3A_207 = vector.extract_strided_slice %get3A_206 {offsets = [0], sizes = [1], strides = [1]} : vector<16xi32> to vector<1xi32>
    %squeeze3A_208 = vector.extract %slice3A_207[0] : i32 from vector<1xi32>
    %mul3A_209 = arith.constant 128 : i32
    %mul3A_210 = arith.muli %rem3A_47, %mul3A_209 : i32
    %sub3A_211 = arith.subi %squeeze3A_208, %mul3A_210 : i32
    %jit3A_212 = arith.constant 0 : i32
    %jit3A_213 = arith.constant 128 : i32
    %max3A_214 = arith.maxsi %jit3A_212, %sub3A_211 : i32
    %min3A_215 = arith.minsi %jit3A_213, %max3A_214 : i32
    %get3A_216 = arith.index_cast %add3A_20 : i32 to index
    %get3A_217 = tpu.vector_load %arg13[%get3A_216] {strides = array<i32>} : memref<32xi32, #tpu.memory_space<vmem>>, vector<16xi32>,
    %get3A_218 = vector.shape_cast %get3A_217 : vector<16xi32> to vector<16xi32>
    %slice3A_219 = vector.extract_strided_slice %get3A_218 {offsets = [0], sizes = [1], strides = [1]} : vector<16xi32> to vector<1xi32>
    %squeeze3A_220 = vector.extract %slice3A_219[0] : i32 from vector<1xi32>
    %mul3A_221 = arith.constant 128 : i32
    %mul3A_222 = arith.muli %rem3A_51, %mul3A_221 : i32
    %sub3A_223 = arith.subi %squeeze3A_220, %mul3A_222 : i32
    %jit3A_224 = arith.constant 0 : i32
    %jit3A_225 = arith.constant 128 : i32
    %max3A_226 = arith.maxsi %jit3A_224, %sub3A_223 : i32
    %min3A_227 = arith.minsi %jit3A_225, %max3A_226 : i32
    %get3A_228 = arith.index_cast %add3A_24 : i32 to index
    %get3A_229 = tpu.vector_load %arg13[%get3A_228] {strides = array<i32>} : memref<32xi32, #tpu.memory_space<vmem>>, vector<16xi32>,
    %get3A_230 = vector.shape_cast %get3A_229 : vector<16xi32> to vector<16xi32>
    %slice3A_231 = vector.extract_strided_slice %get3A_230 {offsets = [0], sizes = [1], strides = [1]} : vector<16xi32> to vector<1xi32>
    %squeeze3A_232 = vector.extract %slice3A_231[0] : i32 from vector<1xi32>
    %mul3A_233 = arith.constant 128 : i32
    %mul3A_234 = arith.muli %rem3A_55, %mul3A_233 : i32
    %sub3A_235 = arith.subi %squeeze3A_232, %mul3A_234 : i32
    %jit3A_236 = arith.constant 0 : i32
    %jit3A_237 = arith.constant 128 : i32
    %max3A_238 = arith.maxsi %jit3A_236, %sub3A_235 : i32
    %min3A_239 = arith.minsi %jit3A_237, %max3A_238 : i32
    %get3A_240 = arith.index_cast %add3A_28 : i32 to index
    %get3A_241 = tpu.vector_load %arg13[%get3A_240] {strides = array<i32>} : memref<32xi32, #tpu.memory_space<vmem>>, vector<16xi32>,
    %get3A_242 = vector.shape_cast %get3A_241 : vector<16xi32> to vector<16xi32>
    %slice3A_243 = vector.extract_strided_slice %get3A_242 {offsets = [0], sizes = [1], strides = [1]} : vector<16xi32> to vector<1xi32>
    %squeeze3A_244 = vector.extract %slice3A_243[0] : i32 from vector<1xi32>
    %mul3A_245 = arith.constant 128 : i32
    %mul3A_246 = arith.muli %rem3A_59, %mul3A_245 : i32
    %sub3A_247 = arith.subi %squeeze3A_244, %mul3A_246 : i32
    %jit3A_248 = arith.constant 0 : i32
    %jit3A_249 = arith.constant 128 : i32
    %max3A_250 = arith.maxsi %jit3A_248, %sub3A_247 : i32
    %min3A_251 = arith.minsi %jit3A_249, %max3A_250 : i32
    %get3A_252 = arith.index_cast %add3A_32 : i32 to index
    %get3A_253 = tpu.vector_load %arg13[%get3A_252] {strides = array<i32>} : memref<32xi32, #tpu.memory_space<vmem>>, vector<16xi32>,
    %get3A_254 = vector.shape_cast %get3A_253 : vector<16xi32> to vector<16xi32>
    %slice3A_255 = vector.extract_strided_slice %get3A_254 {offsets = [0], sizes = [1], strides = [1]} : vector<16xi32> to vector<1xi32>
    %squeeze3A_256 = vector.extract %slice3A_255[0] : i32 from vector<1xi32>
    %mul3A_257 = arith.constant 128 : i32
    %mul3A_258 = arith.muli %rem3A_63, %mul3A_257 : i32
    %sub3A_259 = arith.subi %squeeze3A_256, %mul3A_258 : i32
    %jit3A_260 = arith.constant 0 : i32
    %jit3A_261 = arith.constant 128 : i32
    %max3A_262 = arith.maxsi %jit3A_260, %sub3A_259 : i32
    %min3A_263 = arith.minsi %jit3A_261, %max3A_262 : i32
    %eq3A = arith.constant 0 : i32
    %eq3A_264 = arith.cmpi eq, %arg1, %eq3A : i32
    %convert_element_type3A = arith.extui %eq3A_264 : i1 to i32
    %cond3A = arith.constant 0 : i32
    %cond3A_265 = arith.cmpi ne, %convert_element_type3A, %cond3A : i32
    scf.if %cond3A_265 {
      "tpu.region"() ({
        %run_scoped3A = tpu.sem_alloc : memref<!tpu.dma_semaphore, #tpu.memory_space<semaphore_mem>>
        tpu.enqueue_dma source(%arg6 : memref<128x128xf32, #tpu.memory_space<hbm>>) target(%arg15 : memref<128x128xf32, #tpu.memory_space<vmem_shared>>) target_semaphore(%run_scoped3A : memref<!tpu.dma_semaphore, #tpu.memory_space<semaphore_mem>>)
        tpu.wait_dma2 semaphore(%run_scoped3A : memref<!tpu.dma_semaphore, #tpu.memory_space<semaphore_mem>>) src(%arg6 : memref<128x128xf32, #tpu.memory_space<hbm>>) dst(%arg15 : memref<128x128xf32, #tpu.memory_space<vmem_shared>>)
        tpu.yield
      }) : () -> ()
    } else {
    }
    %dma_wait3A = arith.constant 0 : i32
    %dma_wait3A_266 = tpu.memref_slice %arg14[%mul3A_170, %dma_wait3A] : memref<2048x128xf32, #tpu.memory_space<vmem_shared>> -> memref<128x128xf32, #tpu.memory_space<vmem_shared>>
    %dma_wait3A_267 = arith.constant 0 : i32
    %dma_wait3A_268 = tpu.memref_slice %arg3[%mul3A_168, %dma_wait3A_267] : memref<2048x128xf32, #tpu.memory_space<hbm>> -> memref<128x128xf32, #tpu.memory_space<hbm>>
    tpu.wait_dma2 semaphore(%arg17 : memref<!tpu.dma_semaphore, #tpu.memory_space<semaphore_mem>>) src(%dma_wait3A_268 : memref<128x128xf32, #tpu.memory_space<hbm>>) dst(%dma_wait3A_266 : memref<128x128xf32, #tpu.memory_space<vmem_shared>>)
    %barrier3A = arith.constant 0 : index
    tpu.barrier barrier_id(%barrier3A)
    %broadcast_in_dim3A = arith.constant 0.000000e+00 : f32
    %broadcast_in_dim3A_269 = vector.broadcast %broadcast_in_dim3A : f32 to vector<16xf32>
    %dma_wait3A_270 = arith.constant 0 : i32
    %dma_wait3A_271 = arith.constant 0 : i32
    %dma_wait3A_272 = tpu.memref_slice %arg8[%dma_wait3A_270, %dma_wait3A_271] : memref<8x128xi32, #tpu.memory_space<vmem>> -> memref<1x128xi32, #tpu.memory_space<vmem>>
    %dma_wait3A_273 = arith.constant 0 : i32
    %dma_wait3A_274 = tpu.memref_slice %arg2[%add3A_66, %dma_wait3A_273] : memref<256x128xi32, #tpu.memory_space<hbm>> -> memref<1x128xi32, #tpu.memory_space<hbm>>
    %dma_wait3A_275 = arith.constant 0 : i32
    %dma_wait3A_276 = arith.constant 0 : i32
    %dma_wait3A_277 = tpu.memref_slice %arg8[%dma_wait3A_275, %dma_wait3A_276] : memref<8x128xi32, #tpu.memory_space<vmem>> -> memref<1x128xi32, #tpu.memory_space<vmem>>
    %dma_wait3A_278 = arith.constant 0 : i32
    %dma_wait3A_279 = tpu.memref_slice %arg2[%add3A_66, %dma_wait3A_278] : memref<256x128xi32, #tpu.memory_space<hbm>> -> memref<1x128xi32, #tpu.memory_space<hbm>>
    tpu.wait_dma2 semaphore(%arg16 : memref<!tpu.dma_semaphore, #tpu.memory_space<semaphore_mem>>) src(%dma_wait3A_279 : memref<1x128xi32, #tpu.memory_space<hbm>>) dst(%dma_wait3A_277 : memref<1x128xi32, #tpu.memory_space<vmem>>)
    %dma_wait3A_280 = arith.constant 1 : i32
    %dma_wait3A_281 = arith.constant 0 : i32
    %dma_wait3A_282 = tpu.memref_slice %arg8[%dma_wait3A_280, %dma_wait3A_281] : memref<8x128xi32, #tpu.memory_space<vmem>> -> memref<1x128xi32, #tpu.memory_space<vmem>>
    %dma_wait3A_283 = arith.constant 0 : i32
    %dma_wait3A_284 = tpu.memref_slice %arg2[%add3A_69, %dma_wait3A_283] : memref<256x128xi32, #tpu.memory_space<hbm>> -> memref<1x128xi32, #tpu.memory_space<hbm>>
    %dma_wait3A_285 = arith.constant 1 : i32
    %dma_wait3A_286 = arith.constant 0 : i32
    %dma_wait3A_287 = tpu.memref_slice %arg8[%dma_wait3A_285, %dma_wait3A_286] : memref<8x128xi32, #tpu.memory_space<vmem>> -> memref<1x128xi32, #tpu.memory_space<vmem>>
    %dma_wait3A_288 = arith.constant 0 : i32
    %dma_wait3A_289 = tpu.memref_slice %arg2[%add3A_69, %dma_wait3A_288] : memref<256x128xi32, #tpu.memory_space<hbm>> -> memref<1x128xi32, #tpu.memory_space<hbm>>
    tpu.wait_dma2 semaphore(%arg16 : memref<!tpu.dma_semaphore, #tpu.memory_space<semaphore_mem>>) src(%dma_wait3A_289 : memref<1x128xi32, #tpu.memory_space<hbm>>) dst(%dma_wait3A_287 : memref<1x128xi32, #tpu.memory_space<vmem>>)
    %dma_wait3A_290 = arith.constant 2 : i32
    %dma_wait3A_291 = arith.constant 0 : i32
    %dma_wait3A_292 = tpu.memref_slice %arg8[%dma_wait3A_290, %dma_wait3A_291] : memref<8x128xi32, #tpu.memory_space<vmem>> -> memref<1x128xi32, #tpu.memory_space<vmem>>
    %dma_wait3A_293 = arith.constant 0 : i32
    %dma_wait3A_294 = tpu.memref_slice %arg2[%add3A_72, %dma_wait3A_293] : memref<256x128xi32, #tpu.memory_space<hbm>> -> memref<1x128xi32, #tpu.memory_space<hbm>>
    %dma_wait3A_295 = arith.constant 2 : i32
    %dma_wait3A_296 = arith.constant 0 : i32
    %dma_wait3A_297 = tpu.memref_slice %arg8[%dma_wait3A_295, %dma_wait3A_296] : memref<8x128xi32, #tpu.memory_space<vmem>> -> memref<1x128xi32, #tpu.memory_space<vmem>>
    %dma_wait3A_298 = arith.constant 0 : i32
    %dma_wait3A_299 = tpu.memref_slice %arg2[%add3A_72, %dma_wait3A_298] : memref<256x128xi32, #tpu.memory_space<hbm>> -> memref<1x128xi32, #tpu.memory_space<hbm>>
    tpu.wait_dma2 semaphore(%arg16 : memref<!tpu.dma_semaphore, #tpu.memory_space<semaphore_mem>>) src(%dma_wait3A_299 : memref<1x128xi32, #tpu.memory_space<hbm>>) dst(%dma_wait3A_297 : memref<1x128xi32, #tpu.memory_space<vmem>>)
    %dma_wait3A_300 = arith.constant 3 : i32
    %dma_wait3A_301 = arith.constant 0 : i32
    %dma_wait3A_302 = tpu.memref_slice %arg8[%dma_wait3A_300, %dma_wait3A_301] : memref<8x128xi32, #tpu.memory_space<vmem>> -> memref<1x128xi32, #tpu.memory_space<vmem>>
    %dma_wait3A_303 = arith.constant 0 : i32
    %dma_wait3A_304 = tpu.memref_slice %arg2[%add3A_75, %dma_wait3A_303] : memref<256x128xi32, #tpu.memory_space<hbm>> -> memref<1x128xi32, #tpu.memory_space<hbm>>
    %dma_wait3A_305 = arith.constant 3 : i32
    %dma_wait3A_306 = arith.constant 0 : i32
    %dma_wait3A_307 = tpu.memref_slice %arg8[%dma_wait3A_305, %dma_wait3A_306] : memref<8x128xi32, #tpu.memory_space<vmem>> -> memref<1x128xi32, #tpu.memory_space<vmem>>
    %dma_wait3A_308 = arith.constant 0 : i32
    %dma_wait3A_309 = tpu.memref_slice %arg2[%add3A_75, %dma_wait3A_308] : memref<256x128xi32, #tpu.memory_space<hbm>> -> memref<1x128xi32, #tpu.memory_space<hbm>>
    tpu.wait_dma2 semaphore(%arg16 : memref<!tpu.dma_semaphore, #tpu.memory_space<semaphore_mem>>) src(%dma_wait3A_309 : memref<1x128xi32, #tpu.memory_space<hbm>>) dst(%dma_wait3A_307 : memref<1x128xi32, #tpu.memory_space<vmem>>)
    %dma_wait3A_310 = arith.constant 4 : i32
    %dma_wait3A_311 = arith.constant 0 : i32
    %dma_wait3A_312 = tpu.memref_slice %arg8[%dma_wait3A_310, %dma_wait3A_311] : memref<8x128xi32, #tpu.memory_space<vmem>> -> memref<1x128xi32, #tpu.memory_space<vmem>>
    %dma_wait3A_313 = arith.constant 0 : i32
    %dma_wait3A_314 = tpu.memref_slice %arg2[%add3A_78, %dma_wait3A_313] : memref<256x128xi32, #tpu.memory_space<hbm>> -> memref<1x128xi32, #tpu.memory_space<hbm>>
    %dma_wait3A_315 = arith.constant 4 : i32
    %dma_wait3A_316 = arith.constant 0 : i32
    %dma_wait3A_317 = tpu.memref_slice %arg8[%dma_wait3A_315, %dma_wait3A_316] : memref<8x128xi32, #tpu.memory_space<vmem>> -> memref<1x128xi32, #tpu.memory_space<vmem>>
    %dma_wait3A_318 = arith.constant 0 : i32
    %dma_wait3A_319 = tpu.memref_slice %arg2[%add3A_78, %dma_wait3A_318] : memref<256x128xi32, #tpu.memory_space<hbm>> -> memref<1x128xi32, #tpu.memory_space<hbm>>
    tpu.wait_dma2 semaphore(%arg16 : memref<!tpu.dma_semaphore, #tpu.memory_space<semaphore_mem>>) src(%dma_wait3A_319 : memref<1x128xi32, #tpu.memory_space<hbm>>) dst(%dma_wait3A_317 : memref<1x128xi32, #tpu.memory_space<vmem>>)
    %dma_wait3A_320 = arith.constant 5 : i32
    %dma_wait3A_321 = arith.constant 0 : i32
    %dma_wait3A_322 = tpu.memref_slice %arg8[%dma_wait3A_320, %dma_wait3A_321] : memref<8x128xi32, #tpu.memory_space<vmem>> -> memref<1x128xi32, #tpu.memory_space<vmem>>
    %dma_wait3A_323 = arith.constant 0 : i32
    %dma_wait3A_324 = tpu.memref_slice %arg2[%add3A_81, %dma_wait3A_323] : memref<256x128xi32, #tpu.memory_space<hbm>> -> memref<1x128xi32, #tpu.memory_space<hbm>>
    %dma_wait3A_325 = arith.constant 5 : i32
    %dma_wait3A_326 = arith.constant 0 : i32
    %dma_wait3A_327 = tpu.memref_slice %arg8[%dma_wait3A_325, %dma_wait3A_326] : memref<8x128xi32, #tpu.memory_space<vmem>> -> memref<1x128xi32, #tpu.memory_space<vmem>>
    %dma_wait3A_328 = arith.constant 0 : i32
    %dma_wait3A_329 = tpu.memref_slice %arg2[%add3A_81, %dma_wait3A_328] : memref<256x128xi32, #tpu.memory_space<hbm>> -> memref<1x128xi32, #tpu.memory_space<hbm>>
    tpu.wait_dma2 semaphore(%arg16 : memref<!tpu.dma_semaphore, #tpu.memory_space<semaphore_mem>>) src(%dma_wait3A_329 : memref<1x128xi32, #tpu.memory_space<hbm>>) dst(%dma_wait3A_327 : memref<1x128xi32, #tpu.memory_space<vmem>>)
    %dma_wait3A_330 = arith.constant 6 : i32
    %dma_wait3A_331 = arith.constant 0 : i32
    %dma_wait3A_332 = tpu.memref_slice %arg8[%dma_wait3A_330, %dma_wait3A_331] : memref<8x128xi32, #tpu.memory_space<vmem>> -> memref<1x128xi32, #tpu.memory_space<vmem>>
    %dma_wait3A_333 = arith.constant 0 : i32
    %dma_wait3A_334 = tpu.memref_slice %arg2[%add3A_84, %dma_wait3A_333] : memref<256x128xi32, #tpu.memory_space<hbm>> -> memref<1x128xi32, #tpu.memory_space<hbm>>
    %dma_wait3A_335 = arith.constant 6 : i32
    %dma_wait3A_336 = arith.constant 0 : i32
    %dma_wait3A_337 = tpu.memref_slice %arg8[%dma_wait3A_335, %dma_wait3A_336] : memref<8x128xi32, #tpu.memory_space<vmem>> -> memref<1x128xi32, #tpu.memory_space<vmem>>
    %dma_wait3A_338 = arith.constant 0 : i32
    %dma_wait3A_339 = tpu.memref_slice %arg2[%add3A_84, %dma_wait3A_338] : memref<256x128xi32, #tpu.memory_space<hbm>> -> memref<1x128xi32, #tpu.memory_space<hbm>>
    tpu.wait_dma2 semaphore(%arg16 : memref<!tpu.dma_semaphore, #tpu.memory_space<semaphore_mem>>) src(%dma_wait3A_339 : memref<1x128xi32, #tpu.memory_space<hbm>>) dst(%dma_wait3A_337 : memref<1x128xi32, #tpu.memory_space<vmem>>)
    %dma_wait3A_340 = arith.constant 7 : i32
    %dma_wait3A_341 = arith.constant 0 : i32
    %dma_wait3A_342 = tpu.memref_slice %arg8[%dma_wait3A_340, %dma_wait3A_341] : memref<8x128xi32, #tpu.memory_space<vmem>> -> memref<1x128xi32, #tpu.memory_space<vmem>>
    %dma_wait3A_343 = arith.constant 0 : i32
    %dma_wait3A_344 = tpu.memref_slice %arg2[%add3A_87, %dma_wait3A_343] : memref<256x128xi32, #tpu.memory_space<hbm>> -> memref<1x128xi32, #tpu.memory_space<hbm>>
    %dma_wait3A_345 = arith.constant 7 : i32
    %dma_wait3A_346 = arith.constant 0 : i32
    %dma_wait3A_347 = tpu.memref_slice %arg8[%dma_wait3A_345, %dma_wait3A_346] : memref<8x128xi32, #tpu.memory_space<vmem>> -> memref<1x128xi32, #tpu.memory_space<vmem>>
    %dma_wait3A_348 = arith.constant 0 : i32
    %dma_wait3A_349 = tpu.memref_slice %arg2[%add3A_87, %dma_wait3A_348] : memref<256x128xi32, #tpu.memory_space<hbm>> -> memref<1x128xi32, #tpu.memory_space<hbm>>
    tpu.wait_dma2 semaphore(%arg16 : memref<!tpu.dma_semaphore, #tpu.memory_space<semaphore_mem>>) src(%dma_wait3A_349 : memref<1x128xi32, #tpu.memory_space<hbm>>) dst(%dma_wait3A_347 : memref<1x128xi32, #tpu.memory_space<vmem>>)
    %gt3A = arith.constant 0 : i32
    %gt3A_350 = arith.cmpi sgt, %min3A, %gt3A : i32
    %convert_element_type3A_351 = arith.extui %gt3A_350 : i1 to i32
    %cond3A_352 = arith.constant 0 : i32
    %cond3A_353 = arith.cmpi ne, %convert_element_type3A_351, %cond3A_352 : i32
    scf.if %cond3A_353 {
      %mul3A_628 = arith.constant 128 : i32
      %mul3A_629 = arith.muli %rem3A_35, %mul3A_628 : i32
      %dma_start3A_630 = arith.constant 0 : i32
      %dma_start3A_631 = tpu.memref_slice %arg14[%mul3A_629, %dma_start3A_630] : memref<2048x128xf32, #tpu.memory_space<vmem_shared>> -> memref<128x128xf32, #tpu.memory_space<vmem_shared>>
      %dma_start3A_632 = arith.constant 0 : i32
      %dma_start3A_633 = tpu.memref_slice %arg14[%mul3A_629, %dma_start3A_632] : memref<2048x128xf32, #tpu.memory_space<vmem_shared>> -> memref<128x128xf32, #tpu.memory_space<vmem_shared>>
      tpu.enqueue_dma source(%dma_start3A_633 : memref<128x128xf32, #tpu.memory_space<vmem_shared>>) target(%arg9 : memref<128x128xf32, #tpu.memory_space<vmem>>) target_semaphore(%arg20 : memref<!tpu.dma_semaphore, #tpu.memory_space<semaphore_mem>>)
    } else {
    }
    %gt3A_354 = arith.constant 0 : i32
    %gt3A_355 = arith.cmpi sgt, %min3A, %gt3A_354 : i32
    %convert_element_type3A_356 = arith.extui %gt3A_355 : i1 to i32
    %cond3A_357 = arith.constant 0 : i32
    %cond3A_358 = arith.cmpi ne, %convert_element_type3A_356, %cond3A_357 : i32
    scf.if %cond3A_358 {
      %mul3A_628 = arith.constant 128 : i32
      %mul3A_629 = arith.muli %rem3A_35, %mul3A_628 : i32
      %dma_wait3A_630 = arith.constant 0 : i32
      %dma_wait3A_631 = tpu.memref_slice %arg14[%mul3A_629, %dma_wait3A_630] : memref<2048x128xf32, #tpu.memory_space<vmem_shared>> -> memref<128x128xf32, #tpu.memory_space<vmem_shared>>
      %dma_wait3A_632 = arith.constant 0 : i32
      %dma_wait3A_633 = tpu.memref_slice %arg14[%mul3A_629, %dma_wait3A_632] : memref<2048x128xf32, #tpu.memory_space<vmem_shared>> -> memref<128x128xf32, #tpu.memory_space<vmem_shared>>
      tpu.wait_dma2 semaphore(%arg20 : memref<!tpu.dma_semaphore, #tpu.memory_space<semaphore_mem>>) src(%dma_wait3A_633 : memref<128x128xf32, #tpu.memory_space<vmem_shared>>) dst(%arg9 : memref<128x128xf32, #tpu.memory_space<vmem>>)
      %dma_start3A_634 = arith.constant 0 : i32
      %dma_start3A_635 = arith.constant 0 : i32
      %dma_start3A_636 = tpu.memref_slice %arg8[%dma_start3A_634, %dma_start3A_635] : memref<8x128xi32, #tpu.memory_space<vmem>> -> memref<1x128xi32, #tpu.memory_space<vmem>>
      %dma_start3A_637 = tpu.memref_squeeze %dma_start3A_636 : memref<1x128xi32, #tpu.memory_space<vmem>> -> memref<128xi32, #tpu.memory_space<vmem>>
      %dma_start3A_638 = arith.constant 0 : i32
      %dma_start3A_639 = arith.constant 0 : i32
      %dma_start3A_640 = tpu.memref_slice %arg5[%dma_start3A_638, %dma_start3A_639] : memref<100000x128xf32, #tpu.memory_space<hbm>> -> memref<100000x128xf32, #tpu.memory_space<hbm>>
      tpu.enqueue_indirect_dma source(%dma_start3A_640 : memref<100000x128xf32, #tpu.memory_space<hbm>>) target(%arg9 : memref<128x128xf32, #tpu.memory_space<vmem>>) offsets(%dma_start3A_637 : memref<128xi32, #tpu.memory_space<vmem>>) semaphore(%arg19 : memref<!tpu.dma_semaphore, #tpu.memory_space<semaphore_mem>>) {add = true}
    } else {
    }
    %gt3A_359 = arith.constant 0 : i32
    %gt3A_360 = arith.cmpi sgt, %min3A_191, %gt3A_359 : i32
    %convert_element_type3A_361 = arith.extui %gt3A_360 : i1 to i32
    %cond3A_362 = arith.constant 0 : i32
    %cond3A_363 = arith.cmpi ne, %convert_element_type3A_361, %cond3A_362 : i32
    scf.if %cond3A_363 {
      %mul3A_628 = arith.constant 128 : i32
      %mul3A_629 = arith.muli %rem3A_39, %mul3A_628 : i32
      %dma_start3A_630 = arith.constant 0 : i32
      %dma_start3A_631 = tpu.memref_slice %arg14[%mul3A_629, %dma_start3A_630] : memref<2048x128xf32, #tpu.memory_space<vmem_shared>> -> memref<128x128xf32, #tpu.memory_space<vmem_shared>>
      %dma_start3A_632 = arith.constant 0 : i32
      %dma_start3A_633 = tpu.memref_slice %arg14[%mul3A_629, %dma_start3A_632] : memref<2048x128xf32, #tpu.memory_space<vmem_shared>> -> memref<128x128xf32, #tpu.memory_space<vmem_shared>>
      tpu.enqueue_dma source(%dma_start3A_633 : memref<128x128xf32, #tpu.memory_space<vmem_shared>>) target(%arg10 : memref<128x128xf32, #tpu.memory_space<vmem>>) target_semaphore(%arg21 : memref<!tpu.dma_semaphore, #tpu.memory_space<semaphore_mem>>)
    } else {
    }
    %gt3A_364 = arith.constant 0 : i32
    %gt3A_365 = arith.cmpi sgt, %min3A, %gt3A_364 : i32
    %convert_element_type3A_366 = arith.extui %gt3A_365 : i1 to i32
    %cond3A_367 = arith.constant 0 : i32
    %cond3A_368 = arith.cmpi ne, %convert_element_type3A_366, %cond3A_367 : i32
    scf.if %cond3A_368 {
      %dma_wait3A_628 = arith.constant 0 : i32
      %dma_wait3A_629 = arith.constant 0 : i32
      %dma_wait3A_630 = tpu.memref_slice %arg8[%dma_wait3A_628, %dma_wait3A_629] : memref<8x128xi32, #tpu.memory_space<vmem>> -> memref<1x128xi32, #tpu.memory_space<vmem>>
      %dma_wait3A_631 = tpu.memref_squeeze %dma_wait3A_630 : memref<1x128xi32, #tpu.memory_space<vmem>> -> memref<128xi32, #tpu.memory_space<vmem>>
      %dma_wait3A_632 = arith.constant 0 : i32
      %dma_wait3A_633 = arith.constant 0 : i32
      %dma_wait3A_634 = tpu.memref_slice %arg5[%dma_wait3A_632, %dma_wait3A_633] : memref<100000x128xf32, #tpu.memory_space<hbm>> -> memref<100000x128xf32, #tpu.memory_space<hbm>>
      tpu.wait_indirect_dma semaphore(%arg19 : memref<!tpu.dma_semaphore, #tpu.memory_space<semaphore_mem>>) src(%dma_wait3A_634 : memref<100000x128xf32, #tpu.memory_space<hbm>>) dst(%arg9 : memref<128x128xf32, #tpu.memory_space<vmem>>)
    } else {
    }
    %gt3A_369 = arith.constant 0 : i32
    %gt3A_370 = arith.cmpi sgt, %min3A_203, %gt3A_369 : i32
    %convert_element_type3A_371 = arith.extui %gt3A_370 : i1 to i32
    %cond3A_372 = arith.constant 0 : i32
    %cond3A_373 = arith.cmpi ne, %convert_element_type3A_371, %cond3A_372 : i32
    scf.if %cond3A_373 {
      %mul3A_628 = arith.constant 128 : i32
      %mul3A_629 = arith.muli %rem3A_43, %mul3A_628 : i32
      %dma_start3A_630 = arith.constant 0 : i32
      %dma_start3A_631 = tpu.memref_slice %arg14[%mul3A_629, %dma_start3A_630] : memref<2048x128xf32, #tpu.memory_space<vmem_shared>> -> memref<128x128xf32, #tpu.memory_space<vmem_shared>>
      %dma_start3A_632 = arith.constant 0 : i32
      %dma_start3A_633 = tpu.memref_slice %arg14[%mul3A_629, %dma_start3A_632] : memref<2048x128xf32, #tpu.memory_space<vmem_shared>> -> memref<128x128xf32, #tpu.memory_space<vmem_shared>>
      tpu.enqueue_dma source(%dma_start3A_633 : memref<128x128xf32, #tpu.memory_space<vmem_shared>>) target(%arg11 : memref<128x128xf32, #tpu.memory_space<vmem>>) target_semaphore(%arg22 : memref<!tpu.dma_semaphore, #tpu.memory_space<semaphore_mem>>)
    } else {
    }
    %gt3A_374 = arith.constant 0 : i32
    %gt3A_375 = arith.cmpi sgt, %min3A_191, %gt3A_374 : i32
    %convert_element_type3A_376 = arith.extui %gt3A_375 : i1 to i32
    %cond3A_377 = arith.constant 0 : i32
    %cond3A_378 = arith.cmpi ne, %convert_element_type3A_376, %cond3A_377 : i32
    scf.if %cond3A_378 {
      %mul3A_628 = arith.constant 128 : i32
      %mul3A_629 = arith.muli %rem3A_39, %mul3A_628 : i32
      %dma_wait3A_630 = arith.constant 0 : i32
      %dma_wait3A_631 = tpu.memref_slice %arg14[%mul3A_629, %dma_wait3A_630] : memref<2048x128xf32, #tpu.memory_space<vmem_shared>> -> memref<128x128xf32, #tpu.memory_space<vmem_shared>>
      %dma_wait3A_632 = arith.constant 0 : i32
      %dma_wait3A_633 = tpu.memref_slice %arg14[%mul3A_629, %dma_wait3A_632] : memref<2048x128xf32, #tpu.memory_space<vmem_shared>> -> memref<128x128xf32, #tpu.memory_space<vmem_shared>>
      tpu.wait_dma2 semaphore(%arg21 : memref<!tpu.dma_semaphore, #tpu.memory_space<semaphore_mem>>) src(%dma_wait3A_633 : memref<128x128xf32, #tpu.memory_space<vmem_shared>>) dst(%arg10 : memref<128x128xf32, #tpu.memory_space<vmem>>)
      %dma_start3A_634 = arith.constant 1 : i32
      %dma_start3A_635 = arith.constant 0 : i32
      %dma_start3A_636 = tpu.memref_slice %arg8[%dma_start3A_634, %dma_start3A_635] : memref<8x128xi32, #tpu.memory_space<vmem>> -> memref<1x128xi32, #tpu.memory_space<vmem>>
      %dma_start3A_637 = tpu.memref_squeeze %dma_start3A_636 : memref<1x128xi32, #tpu.memory_space<vmem>> -> memref<128xi32, #tpu.memory_space<vmem>>
      %dma_start3A_638 = arith.constant 0 : i32
      %dma_start3A_639 = arith.constant 0 : i32
      %dma_start3A_640 = tpu.memref_slice %arg5[%dma_start3A_638, %dma_start3A_639] : memref<100000x128xf32, #tpu.memory_space<hbm>> -> memref<100000x128xf32, #tpu.memory_space<hbm>>
      tpu.enqueue_indirect_dma source(%dma_start3A_640 : memref<100000x128xf32, #tpu.memory_space<hbm>>) target(%arg10 : memref<128x128xf32, #tpu.memory_space<vmem>>) offsets(%dma_start3A_637 : memref<128xi32, #tpu.memory_space<vmem>>) semaphore(%arg19 : memref<!tpu.dma_semaphore, #tpu.memory_space<semaphore_mem>>) {add = true}
    } else {
    }
    %gt3A_379 = arith.constant 0 : i32
    %gt3A_380 = arith.cmpi sgt, %min3A, %gt3A_379 : i32
    %convert_element_type3A_381 = arith.extui %gt3A_380 : i1 to i32
    %cond3A_382 = arith.constant 0 : i32
    %cond3A_383 = arith.cmpi ne, %convert_element_type3A_381, %cond3A_382 : i32
    scf.if %cond3A_383 {
      %while3A = arith.constant 0 : i32
      %while3A_628 = arith.constant 0 : i32
      %while3A_629 = arith.subi %min3A, %while3A_628 : i32
      %while3A_630 = arith.addi %while3A_628, %while3A_629 : i32
      %while3A_631 = arith.constant 1 : i32
      %while3A_632 = arith.divsi %while3A_629, %while3A_631 : i32
      %while3A_633 = arith.muli %while3A_632, %while3A_631 : i32
      %while3A_634 = arith.addi %while3A_628, %while3A_633 : i32
      %while3A_635 = arith.constant 1 : i32
      scf.for %while3A_653 = %while3A_628 to %while3A_634 step %while3A_635  : i32 {
        %get3A_654 = arith.index_cast %while3A_653 : i32 to index
        %get3A_655 = arith.constant 0 : index
        %get3A_656 = tpu.vector_load %arg9[%get3A_654, %get3A_655] {strides = array<i32>} : memref<128x128xf32, #tpu.memory_space<vmem>>, vector<1x16xf32>,
        %get3A_657 = vector.shape_cast %get3A_656 : vector<1x16xf32> to vector<16xf32>
        %mul3A_658 = arith.constant 0.0883883461 : f32
        %mul3A_659 = vector.broadcast %mul3A_658 : f32 to vector<16xf32>
        %mul3A_660 = arith.mulf %get3A_657, %mul3A_659 : vector<16xf32>
        %swap3A = arith.index_cast %while3A_653 : i32 to index
        %swap3A_661 = arith.constant 0 : index
        %swap3A_662 = tpu.vector_load %arg9[%swap3A, %swap3A_661] {strides = array<i32>} : memref<128x128xf32, #tpu.memory_space<vmem>>, vector<1x16xf32>,
        %swap3A_663 = vector.shape_cast %swap3A_662 : vector<1x16xf32> to vector<16xf32>
        %swap3A_664 = vector.shape_cast %mul3A_660 : vector<16xf32> to vector<1x16xf32>
        tpu.vector_store %arg9[%swap3A, %swap3A_661], %swap3A_664 {strides = array<i32>} : memref<128x128xf32, #tpu.memory_space<vmem>>, vector<1x16xf32>,
        %get3A_665 = arith.index_cast %while3A_653 : i32 to index
        %get3A_666 = arith.constant 16 : index
        %get3A_667 = tpu.vector_load %arg9[%get3A_665, %get3A_666] {strides = array<i32>} : memref<128x128xf32, #tpu.memory_space<vmem>>, vector<1x16xf32>,
        %get3A_668 = vector.shape_cast %get3A_667 : vector<1x16xf32> to vector<16xf32>
        %mul3A_669 = arith.constant 0.0883883461 : f32
        %mul3A_670 = vector.broadcast %mul3A_669 : f32 to vector<16xf32>
        %mul3A_671 = arith.mulf %get3A_668, %mul3A_670 : vector<16xf32>
        %swap3A_672 = arith.index_cast %while3A_653 : i32 to index
        %swap3A_673 = arith.constant 16 : index
        %swap3A_674 = tpu.vector_load %arg9[%swap3A_672, %swap3A_673] {strides = array<i32>} : memref<128x128xf32, #tpu.memory_space<vmem>>, vector<1x16xf32>,
        %swap3A_675 = vector.shape_cast %swap3A_674 : vector<1x16xf32> to vector<16xf32>
        %swap3A_676 = vector.shape_cast %mul3A_671 : vector<16xf32> to vector<1x16xf32>
        tpu.vector_store %arg9[%swap3A_672, %swap3A_673], %swap3A_676 {strides = array<i32>} : memref<128x128xf32, #tpu.memory_space<vmem>>, vector<1x16xf32>,
        %get3A_677 = arith.index_cast %while3A_653 : i32 to index
        %get3A_678 = arith.constant 32 : index
        %get3A_679 = tpu.vector_load %arg9[%get3A_677, %get3A_678] {strides = array<i32>} : memref<128x128xf32, #tpu.memory_space<vmem>>, vector<1x16xf32>,
        %get3A_680 = vector.shape_cast %get3A_679 : vector<1x16xf32> to vector<16xf32>
        %mul3A_681 = arith.constant 0.0883883461 : f32
        %mul3A_682 = vector.broadcast %mul3A_681 : f32 to vector<16xf32>
        %mul3A_683 = arith.mulf %get3A_680, %mul3A_682 : vector<16xf32>
        %swap3A_684 = arith.index_cast %while3A_653 : i32 to index
        %swap3A_685 = arith.constant 32 : index
        %swap3A_686 = tpu.vector_load %arg9[%swap3A_684, %swap3A_685] {strides = array<i32>} : memref<128x128xf32, #tpu.memory_space<vmem>>, vector<1x16xf32>,
        %swap3A_687 = vector.shape_cast %swap3A_686 : vector<1x16xf32> to vector<16xf32>
        %swap3A_688 = vector.shape_cast %mul3A_683 : vector<16xf32> to vector<1x16xf32>
        tpu.vector_store %arg9[%swap3A_684, %swap3A_685], %swap3A_688 {strides = array<i32>} : memref<128x128xf32, #tpu.memory_space<vmem>>, vector<1x16xf32>,
        %get3A_689 = arith.index_cast %while3A_653 : i32 to index
        %get3A_690 = arith.constant 48 : index
        %get3A_691 = tpu.vector_load %arg9[%get3A_689, %get3A_690] {strides = array<i32>} : memref<128x128xf32, #tpu.memory_space<vmem>>, vector<1x16xf32>,
        %get3A_692 = vector.shape_cast %get3A_691 : vector<1x16xf32> to vector<16xf32>
        %mul3A_693 = arith.constant 0.0883883461 : f32
        %mul3A_694 = vector.broadcast %mul3A_693 : f32 to vector<16xf32>
        %mul3A_695 = arith.mulf %get3A_692, %mul3A_694 : vector<16xf32>
        %swap3A_696 = arith.index_cast %while3A_653 : i32 to index
        %swap3A_697 = arith.constant 48 : index
        %swap3A_698 = tpu.vector_load %arg9[%swap3A_696, %swap3A_697] {strides = array<i32>} : memref<128x128xf32, #tpu.memory_space<vmem>>, vector<1x16xf32>,
        %swap3A_699 = vector.shape_cast %swap3A_698 : vector<1x16xf32> to vector<16xf32>
        %swap3A_700 = vector.shape_cast %mul3A_695 : vector<16xf32> to vector<1x16xf32>
        tpu.vector_store %arg9[%swap3A_696, %swap3A_697], %swap3A_700 {strides = array<i32>} : memref<128x128xf32, #tpu.memory_space<vmem>>, vector<1x16xf32>,
        %get3A_701 = arith.index_cast %while3A_653 : i32 to index
        %get3A_702 = arith.constant 64 : index
        %get3A_703 = tpu.vector_load %arg9[%get3A_701, %get3A_702] {strides = array<i32>} : memref<128x128xf32, #tpu.memory_space<vmem>>, vector<1x16xf32>,
        %get3A_704 = vector.shape_cast %get3A_703 : vector<1x16xf32> to vector<16xf32>
        %mul3A_705 = arith.constant 0.0883883461 : f32
        %mul3A_706 = vector.broadcast %mul3A_705 : f32 to vector<16xf32>
        %mul3A_707 = arith.mulf %get3A_704, %mul3A_706 : vector<16xf32>
        %swap3A_708 = arith.index_cast %while3A_653 : i32 to index
        %swap3A_709 = arith.constant 64 : index
        %swap3A_710 = tpu.vector_load %arg9[%swap3A_708, %swap3A_709] {strides = array<i32>} : memref<128x128xf32, #tpu.memory_space<vmem>>, vector<1x16xf32>,
        %swap3A_711 = vector.shape_cast %swap3A_710 : vector<1x16xf32> to vector<16xf32>
        %swap3A_712 = vector.shape_cast %mul3A_707 : vector<16xf32> to vector<1x16xf32>
        tpu.vector_store %arg9[%swap3A_708, %swap3A_709], %swap3A_712 {strides = array<i32>} : memref<128x128xf32, #tpu.memory_space<vmem>>, vector<1x16xf32>,
        %get3A_713 = arith.index_cast %while3A_653 : i32 to index
        %get3A_714 = arith.constant 80 : index
        %get3A_715 = tpu.vector_load %arg9[%get3A_713, %get3A_714] {strides = array<i32>} : memref<128x128xf32, #tpu.memory_space<vmem>>, vector<1x16xf32>,
        %get3A_716 = vector.shape_cast %get3A_715 : vector<1x16xf32> to vector<16xf32>
        %mul3A_717 = arith.constant 0.0883883461 : f32
        %mul3A_718 = vector.broadcast %mul3A_717 : f32 to vector<16xf32>
        %mul3A_719 = arith.mulf %get3A_716, %mul3A_718 : vector<16xf32>
        %swap3A_720 = arith.index_cast %while3A_653 : i32 to index
        %swap3A_721 = arith.constant 80 : index
        %swap3A_722 = tpu.vector_load %arg9[%swap3A_720, %swap3A_721] {strides = array<i32>} : memref<128x128xf32, #tpu.memory_space<vmem>>, vector<1x16xf32>,
        %swap3A_723 = vector.shape_cast %swap3A_722 : vector<1x16xf32> to vector<16xf32>
        %swap3A_724 = vector.shape_cast %mul3A_719 : vector<16xf32> to vector<1x16xf32>
        tpu.vector_store %arg9[%swap3A_720, %swap3A_721], %swap3A_724 {strides = array<i32>} : memref<128x128xf32, #tpu.memory_space<vmem>>, vector<1x16xf32>,
        %get3A_725 = arith.index_cast %while3A_653 : i32 to index
        %get3A_726 = arith.constant 96 : index
        %get3A_727 = tpu.vector_load %arg9[%get3A_725, %get3A_726] {strides = array<i32>} : memref<128x128xf32, #tpu.memory_space<vmem>>, vector<1x16xf32>,
        %get3A_728 = vector.shape_cast %get3A_727 : vector<1x16xf32> to vector<16xf32>
        %mul3A_729 = arith.constant 0.0883883461 : f32
        %mul3A_730 = vector.broadcast %mul3A_729 : f32 to vector<16xf32>
        %mul3A_731 = arith.mulf %get3A_728, %mul3A_730 : vector<16xf32>
        %swap3A_732 = arith.index_cast %while3A_653 : i32 to index
        %swap3A_733 = arith.constant 96 : index
        %swap3A_734 = tpu.vector_load %arg9[%swap3A_732, %swap3A_733] {strides = array<i32>} : memref<128x128xf32, #tpu.memory_space<vmem>>, vector<1x16xf32>,
        %swap3A_735 = vector.shape_cast %swap3A_734 : vector<1x16xf32> to vector<16xf32>
        %swap3A_736 = vector.shape_cast %mul3A_731 : vector<16xf32> to vector<1x16xf32>
        tpu.vector_store %arg9[%swap3A_732, %swap3A_733], %swap3A_736 {strides = array<i32>} : memref<128x128xf32, #tpu.memory_space<vmem>>, vector<1x16xf32>,
        %get3A_737 = arith.index_cast %while3A_653 : i32 to index
        %get3A_738 = arith.constant 112 : index
        %get3A_739 = tpu.vector_load %arg9[%get3A_737, %get3A_738] {strides = array<i32>} : memref<128x128xf32, #tpu.memory_space<vmem>>, vector<1x16xf32>,
        %get3A_740 = vector.shape_cast %get3A_739 : vector<1x16xf32> to vector<16xf32>
        %mul3A_741 = arith.constant 0.0883883461 : f32
        %mul3A_742 = vector.broadcast %mul3A_741 : f32 to vector<16xf32>
        %mul3A_743 = arith.mulf %get3A_740, %mul3A_742 : vector<16xf32>
        %swap3A_744 = arith.index_cast %while3A_653 : i32 to index
        %swap3A_745 = arith.constant 112 : index
        %swap3A_746 = tpu.vector_load %arg9[%swap3A_744, %swap3A_745] {strides = array<i32>} : memref<128x128xf32, #tpu.memory_space<vmem>>, vector<1x16xf32>,
        %swap3A_747 = vector.shape_cast %swap3A_746 : vector<1x16xf32> to vector<16xf32>
        %swap3A_748 = vector.shape_cast %mul3A_743 : vector<16xf32> to vector<1x16xf32>
        tpu.vector_store %arg9[%swap3A_744, %swap3A_745], %swap3A_748 {strides = array<i32>} : memref<128x128xf32, #tpu.memory_space<vmem>>, vector<1x16xf32>,
      }
      %while3A_636 = arith.constant 1 : i32
      scf.for %while3A_653 = %while3A_634 to %while3A_630 step %while3A_636  : i32 {
        %get3A_654 = arith.index_cast %while3A_653 : i32 to index
        %get3A_655 = arith.constant 0 : index
        %get3A_656 = tpu.vector_load %arg9[%get3A_654, %get3A_655] {strides = array<i32>} : memref<128x128xf32, #tpu.memory_space<vmem>>, vector<1x16xf32>,
        %get3A_657 = vector.shape_cast %get3A_656 : vector<1x16xf32> to vector<16xf32>
        %mul3A_658 = arith.constant 0.0883883461 : f32
        %mul3A_659 = vector.broadcast %mul3A_658 : f32 to vector<16xf32>
        %mul3A_660 = arith.mulf %get3A_657, %mul3A_659 : vector<16xf32>
        %swap3A = arith.index_cast %while3A_653 : i32 to index
        %swap3A_661 = arith.constant 0 : index
        %swap3A_662 = tpu.vector_load %arg9[%swap3A, %swap3A_661] {strides = array<i32>} : memref<128x128xf32, #tpu.memory_space<vmem>>, vector<1x16xf32>,
        %swap3A_663 = vector.shape_cast %swap3A_662 : vector<1x16xf32> to vector<16xf32>
        %swap3A_664 = vector.shape_cast %mul3A_660 : vector<16xf32> to vector<1x16xf32>
        tpu.vector_store %arg9[%swap3A, %swap3A_661], %swap3A_664 {strides = array<i32>} : memref<128x128xf32, #tpu.memory_space<vmem>>, vector<1x16xf32>,
        %get3A_665 = arith.index_cast %while3A_653 : i32 to index
        %get3A_666 = arith.constant 16 : index
        %get3A_667 = tpu.vector_load %arg9[%get3A_665, %get3A_666] {strides = array<i32>} : memref<128x128xf32, #tpu.memory_space<vmem>>, vector<1x16xf32>,
        %get3A_668 = vector.shape_cast %get3A_667 : vector<1x16xf32> to vector<16xf32>
        %mul3A_669 = arith.constant 0.0883883461 : f32
        %mul3A_670 = vector.broadcast %mul3A_669 : f32 to vector<16xf32>
        %mul3A_671 = arith.mulf %get3A_668, %mul3A_670 : vector<16xf32>
        %swap3A_672 = arith.index_cast %while3A_653 : i32 to index
        %swap3A_673 = arith.constant 16 : index
        %swap3A_674 = tpu.vector_load %arg9[%swap3A_672, %swap3A_673] {strides = array<i32>} : memref<128x128xf32, #tpu.memory_space<vmem>>, vector<1x16xf32>,
        %swap3A_675 = vector.shape_cast %swap3A_674 : vector<1x16xf32> to vector<16xf32>
        %swap3A_676 = vector.shape_cast %mul3A_671 : vector<16xf32> to vector<1x16xf32>
        tpu.vector_store %arg9[%swap3A_672, %swap3A_673], %swap3A_676 {strides = array<i32>} : memref<128x128xf32, #tpu.memory_space<vmem>>, vector<1x16xf32>,
        %get3A_677 = arith.index_cast %while3A_653 : i32 to index
        %get3A_678 = arith.constant 32 : index
        %get3A_679 = tpu.vector_load %arg9[%get3A_677, %get3A_678] {strides = array<i32>} : memref<128x128xf32, #tpu.memory_space<vmem>>, vector<1x16xf32>,
        %get3A_680 = vector.shape_cast %get3A_679 : vector<1x16xf32> to vector<16xf32>
        %mul3A_681 = arith.constant 0.0883883461 : f32
        %mul3A_682 = vector.broadcast %mul3A_681 : f32 to vector<16xf32>
        %mul3A_683 = arith.mulf %get3A_680, %mul3A_682 : vector<16xf32>
        %swap3A_684 = arith.index_cast %while3A_653 : i32 to index
        %swap3A_685 = arith.constant 32 : index
        %swap3A_686 = tpu.vector_load %arg9[%swap3A_684, %swap3A_685] {strides = array<i32>} : memref<128x128xf32, #tpu.memory_space<vmem>>, vector<1x16xf32>,
        %swap3A_687 = vector.shape_cast %swap3A_686 : vector<1x16xf32> to vector<16xf32>
        %swap3A_688 = vector.shape_cast %mul3A_683 : vector<16xf32> to vector<1x16xf32>
        tpu.vector_store %arg9[%swap3A_684, %swap3A_685], %swap3A_688 {strides = array<i32>} : memref<128x128xf32, #tpu.memory_space<vmem>>, vector<1x16xf32>,
        %get3A_689 = arith.index_cast %while3A_653 : i32 to index
        %get3A_690 = arith.constant 48 : index
        %get3A_691 = tpu.vector_load %arg9[%get3A_689, %get3A_690] {strides = array<i32>} : memref<128x128xf32, #tpu.memory_space<vmem>>, vector<1x16xf32>,
        %get3A_692 = vector.shape_cast %get3A_691 : vector<1x16xf32> to vector<16xf32>
        %mul3A_693 = arith.constant 0.0883883461 : f32
        %mul3A_694 = vector.broadcast %mul3A_693 : f32 to vector<16xf32>
        %mul3A_695 = arith.mulf %get3A_692, %mul3A_694 : vector<16xf32>
        %swap3A_696 = arith.index_cast %while3A_653 : i32 to index
        %swap3A_697 = arith.constant 48 : index
        %swap3A_698 = tpu.vector_load %arg9[%swap3A_696, %swap3A_697] {strides = array<i32>} : memref<128x128xf32, #tpu.memory_space<vmem>>, vector<1x16xf32>,
        %swap3A_699 = vector.shape_cast %swap3A_698 : vector<1x16xf32> to vector<16xf32>
        %swap3A_700 = vector.shape_cast %mul3A_695 : vector<16xf32> to vector<1x16xf32>
        tpu.vector_store %arg9[%swap3A_696, %swap3A_697], %swap3A_700 {strides = array<i32>} : memref<128x128xf32, #tpu.memory_space<vmem>>, vector<1x16xf32>,
        %get3A_701 = arith.index_cast %while3A_653 : i32 to index
        %get3A_702 = arith.constant 64 : index
        %get3A_703 = tpu.vector_load %arg9[%get3A_701, %get3A_702] {strides = array<i32>} : memref<128x128xf32, #tpu.memory_space<vmem>>, vector<1x16xf32>,
        %get3A_704 = vector.shape_cast %get3A_703 : vector<1x16xf32> to vector<16xf32>
        %mul3A_705 = arith.constant 0.0883883461 : f32
        %mul3A_706 = vector.broadcast %mul3A_705 : f32 to vector<16xf32>
        %mul3A_707 = arith.mulf %get3A_704, %mul3A_706 : vector<16xf32>
        %swap3A_708 = arith.index_cast %while3A_653 : i32 to index
        %swap3A_709 = arith.constant 64 : index
        %swap3A_710 = tpu.vector_load %arg9[%swap3A_708, %swap3A_709] {strides = array<i32>} : memref<128x128xf32, #tpu.memory_space<vmem>>, vector<1x16xf32>,
        %swap3A_711 = vector.shape_cast %swap3A_710 : vector<1x16xf32> to vector<16xf32>
        %swap3A_712 = vector.shape_cast %mul3A_707 : vector<16xf32> to vector<1x16xf32>
        tpu.vector_store %arg9[%swap3A_708, %swap3A_709], %swap3A_712 {strides = array<i32>} : memref<128x128xf32, #tpu.memory_space<vmem>>, vector<1x16xf32>,
        %get3A_713 = arith.index_cast %while3A_653 : i32 to index
        %get3A_714 = arith.constant 80 : index
        %get3A_715 = tpu.vector_load %arg9[%get3A_713, %get3A_714] {strides = array<i32>} : memref<128x128xf32, #tpu.memory_space<vmem>>, vector<1x16xf32>,
        %get3A_716 = vector.shape_cast %get3A_715 : vector<1x16xf32> to vector<16xf32>
        %mul3A_717 = arith.constant 0.0883883461 : f32
        %mul3A_718 = vector.broadcast %mul3A_717 : f32 to vector<16xf32>
        %mul3A_719 = arith.mulf %get3A_716, %mul3A_718 : vector<16xf32>
        %swap3A_720 = arith.index_cast %while3A_653 : i32 to index
        %swap3A_721 = arith.constant 80 : index
        %swap3A_722 = tpu.vector_load %arg9[%swap3A_720, %swap3A_721] {strides = array<i32>} : memref<128x128xf32, #tpu.memory_space<vmem>>, vector<1x16xf32>,
        %swap3A_723 = vector.shape_cast %swap3A_722 : vector<1x16xf32> to vector<16xf32>
        %swap3A_724 = vector.shape_cast %mul3A_719 : vector<16xf32> to vector<1x16xf32>
        tpu.vector_store %arg9[%swap3A_720, %swap3A_721], %swap3A_724 {strides = array<i32>} : memref<128x128xf32, #tpu.memory_space<vmem>>, vector<1x16xf32>,
        %get3A_725 = arith.index_cast %while3A_653 : i32 to index
        %get3A_726 = arith.constant 96 : index
        %get3A_727 = tpu.vector_load %arg9[%get3A_725, %get3A_726] {strides = array<i32>} : memref<128x128xf32, #tpu.memory_space<vmem>>, vector<1x16xf32>,
        %get3A_728 = vector.shape_cast %get3A_727 : vector<1x16xf32> to vector<16xf32>
        %mul3A_729 = arith.constant 0.0883883461 : f32
        %mul3A_730 = vector.broadcast %mul3A_729 : f32 to vector<16xf32>
        %mul3A_731 = arith.mulf %get3A_728, %mul3A_730 : vector<16xf32>
        %swap3A_732 = arith.index_cast %while3A_653 : i32 to index
        %swap3A_733 = arith.constant 96 : index
        %swap3A_734 = tpu.vector_load %arg9[%swap3A_732, %swap3A_733] {strides = array<i32>} : memref<128x128xf32, #tpu.memory_space<vmem>>, vector<1x16xf32>,
        %swap3A_735 = vector.shape_cast %swap3A_734 : vector<1x16xf32> to vector<16xf32>
        %swap3A_736 = vector.shape_cast %mul3A_731 : vector<16xf32> to vector<1x16xf32>
        tpu.vector_store %arg9[%swap3A_732, %swap3A_733], %swap3A_736 {strides = array<i32>} : memref<128x128xf32, #tpu.memory_space<vmem>>, vector<1x16xf32>,
        %get3A_737 = arith.index_cast %while3A_653 : i32 to index
        %get3A_738 = arith.constant 112 : index
        %get3A_739 = tpu.vector_load %arg9[%get3A_737, %get3A_738] {strides = array<i32>} : memref<128x128xf32, #tpu.memory_space<vmem>>, vector<1x16xf32>,
        %get3A_740 = vector.shape_cast %get3A_739 : vector<1x16xf32> to vector<16xf32>
        %mul3A_741 = arith.constant 0.0883883461 : f32
        %mul3A_742 = vector.broadcast %mul3A_741 : f32 to vector<16xf32>
        %mul3A_743 = arith.mulf %get3A_740, %mul3A_742 : vector<16xf32>
        %swap3A_744 = arith.index_cast %while3A_653 : i32 to index
        %swap3A_745 = arith.constant 112 : index
        %swap3A_746 = tpu.vector_load %arg9[%swap3A_744, %swap3A_745] {strides = array<i32>} : memref<128x128xf32, #tpu.memory_space<vmem>>, vector<1x16xf32>,
        %swap3A_747 = vector.shape_cast %swap3A_746 : vector<1x16xf32> to vector<16xf32>
        %swap3A_748 = vector.shape_cast %mul3A_743 : vector<16xf32> to vector<1x16xf32>
        tpu.vector_store %arg9[%swap3A_744, %swap3A_745], %swap3A_748 {strides = array<i32>} : memref<128x128xf32, #tpu.memory_space<vmem>>, vector<1x16xf32>,
      }
      %while3A_637 = arith.constant 0 : i32
      %while3A_638 = arith.constant 128 : i32
      %while3A_639 = arith.subi %while3A_638, %min3A : i32
      %while3A_640 = arith.addi %min3A, %while3A_639 : i32
      %while3A_641 = arith.constant 1 : i32
      %while3A_642 = arith.divsi %while3A_639, %while3A_641 : i32
      %while3A_643 = arith.muli %while3A_642, %while3A_641 : i32
      %while3A_644 = arith.addi %min3A, %while3A_643 : i32
      %while3A_645 = arith.constant 1 : i32
      scf.for %while3A_653 = %min3A to %while3A_644 step %while3A_645  : i32 {
        %swap3A = arith.index_cast %while3A_653 : i32 to index
        %swap3A_654 = arith.constant 0 : index
        %swap3A_655 = tpu.vector_load %arg9[%swap3A, %swap3A_654] {strides = array<i32>} : memref<128x128xf32, #tpu.memory_space<vmem>>, vector<1x16xf32>,
        %swap3A_656 = vector.shape_cast %swap3A_655 : vector<1x16xf32> to vector<16xf32>
        %swap3A_657 = vector.shape_cast %broadcast_in_dim3A_269 : vector<16xf32> to vector<1x16xf32>
        tpu.vector_store %arg9[%swap3A, %swap3A_654], %swap3A_657 {strides = array<i32>} : memref<128x128xf32, #tpu.memory_space<vmem>>, vector<1x16xf32>,
        %swap3A_658 = arith.index_cast %while3A_653 : i32 to index
        %swap3A_659 = arith.constant 16 : index
        %swap3A_660 = tpu.vector_load %arg9[%swap3A_658, %swap3A_659] {strides = array<i32>} : memref<128x128xf32, #tpu.memory_space<vmem>>, vector<1x16xf32>,
        %swap3A_661 = vector.shape_cast %swap3A_660 : vector<1x16xf32> to vector<16xf32>
        %swap3A_662 = vector.shape_cast %broadcast_in_dim3A_269 : vector<16xf32> to vector<1x16xf32>
        tpu.vector_store %arg9[%swap3A_658, %swap3A_659], %swap3A_662 {strides = array<i32>} : memref<128x128xf32, #tpu.memory_space<vmem>>, vector<1x16xf32>,
        %swap3A_663 = arith.index_cast %while3A_653 : i32 to index
        %swap3A_664 = arith.constant 32 : index
        %swap3A_665 = tpu.vector_load %arg9[%swap3A_663, %swap3A_664] {strides = array<i32>} : memref<128x128xf32, #tpu.memory_space<vmem>>, vector<1x16xf32>,
        %swap3A_666 = vector.shape_cast %swap3A_665 : vector<1x16xf32> to vector<16xf32>
        %swap3A_667 = vector.shape_cast %broadcast_in_dim3A_269 : vector<16xf32> to vector<1x16xf32>
        tpu.vector_store %arg9[%swap3A_663, %swap3A_664], %swap3A_667 {strides = array<i32>} : memref<128x128xf32, #tpu.memory_space<vmem>>, vector<1x16xf32>,
        %swap3A_668 = arith.index_cast %while3A_653 : i32 to index
        %swap3A_669 = arith.constant 48 : index
        %swap3A_670 = tpu.vector_load %arg9[%swap3A_668, %swap3A_669] {strides = array<i32>} : memref<128x128xf32, #tpu.memory_space<vmem>>, vector<1x16xf32>,
        %swap3A_671 = vector.shape_cast %swap3A_670 : vector<1x16xf32> to vector<16xf32>
        %swap3A_672 = vector.shape_cast %broadcast_in_dim3A_269 : vector<16xf32> to vector<1x16xf32>
        tpu.vector_store %arg9[%swap3A_668, %swap3A_669], %swap3A_672 {strides = array<i32>} : memref<128x128xf32, #tpu.memory_space<vmem>>, vector<1x16xf32>,
        %swap3A_673 = arith.index_cast %while3A_653 : i32 to index
        %swap3A_674 = arith.constant 64 : index
        %swap3A_675 = tpu.vector_load %arg9[%swap3A_673, %swap3A_674] {strides = array<i32>} : memref<128x128xf32, #tpu.memory_space<vmem>>, vector<1x16xf32>,
        %swap3A_676 = vector.shape_cast %swap3A_675 : vector<1x16xf32> to vector<16xf32>
        %swap3A_677 = vector.shape_cast %broadcast_in_dim3A_269 : vector<16xf32> to vector<1x16xf32>
        tpu.vector_store %arg9[%swap3A_673, %swap3A_674], %swap3A_677 {strides = array<i32>} : memref<128x128xf32, #tpu.memory_space<vmem>>, vector<1x16xf32>,
        %swap3A_678 = arith.index_cast %while3A_653 : i32 to index
        %swap3A_679 = arith.constant 80 : index
        %swap3A_680 = tpu.vector_load %arg9[%swap3A_678, %swap3A_679] {strides = array<i32>} : memref<128x128xf32, #tpu.memory_space<vmem>>, vector<1x16xf32>,
        %swap3A_681 = vector.shape_cast %swap3A_680 : vector<1x16xf32> to vector<16xf32>
        %swap3A_682 = vector.shape_cast %broadcast_in_dim3A_269 : vector<16xf32> to vector<1x16xf32>
        tpu.vector_store %arg9[%swap3A_678, %swap3A_679], %swap3A_682 {strides = array<i32>} : memref<128x128xf32, #tpu.memory_space<vmem>>, vector<1x16xf32>,
        %swap3A_683 = arith.index_cast %while3A_653 : i32 to index
        %swap3A_684 = arith.constant 96 : index
        %swap3A_685 = tpu.vector_load %arg9[%swap3A_683, %swap3A_684] {strides = array<i32>} : memref<128x128xf32, #tpu.memory_space<vmem>>, vector<1x16xf32>,
        %swap3A_686 = vector.shape_cast %swap3A_685 : vector<1x16xf32> to vector<16xf32>
        %swap3A_687 = vector.shape_cast %broadcast_in_dim3A_269 : vector<16xf32> to vector<1x16xf32>
        tpu.vector_store %arg9[%swap3A_683, %swap3A_684], %swap3A_687 {strides = array<i32>} : memref<128x128xf32, #tpu.memory_space<vmem>>, vector<1x16xf32>,
        %swap3A_688 = arith.index_cast %while3A_653 : i32 to index
        %swap3A_689 = arith.constant 112 : index
        %swap3A_690 = tpu.vector_load %arg9[%swap3A_688, %swap3A_689] {strides = array<i32>} : memref<128x128xf32, #tpu.memory_space<vmem>>, vector<1x16xf32>,
        %swap3A_691 = vector.shape_cast %swap3A_690 : vector<1x16xf32> to vector<16xf32>
        %swap3A_692 = vector.shape_cast %broadcast_in_dim3A_269 : vector<16xf32> to vector<1x16xf32>
        tpu.vector_store %arg9[%swap3A_688, %swap3A_689], %swap3A_692 {strides = array<i32>} : memref<128x128xf32, #tpu.memory_space<vmem>>, vector<1x16xf32>,
      }
      %while3A_646 = arith.constant 1 : i32
      scf.for %while3A_653 = %while3A_644 to %while3A_640 step %while3A_646  : i32 {
        %swap3A = arith.index_cast %while3A_653 : i32 to index
        %swap3A_654 = arith.constant 0 : index
        %swap3A_655 = tpu.vector_load %arg9[%swap3A, %swap3A_654] {strides = array<i32>} : memref<128x128xf32, #tpu.memory_space<vmem>>, vector<1x16xf32>,
        %swap3A_656 = vector.shape_cast %swap3A_655 : vector<1x16xf32> to vector<16xf32>
        %swap3A_657 = vector.shape_cast %broadcast_in_dim3A_269 : vector<16xf32> to vector<1x16xf32>
        tpu.vector_store %arg9[%swap3A, %swap3A_654], %swap3A_657 {strides = array<i32>} : memref<128x128xf32, #tpu.memory_space<vmem>>, vector<1x16xf32>,
        %swap3A_658 = arith.index_cast %while3A_653 : i32 to index
        %swap3A_659 = arith.constant 16 : index
        %swap3A_660 = tpu.vector_load %arg9[%swap3A_658, %swap3A_659] {strides = array<i32>} : memref<128x128xf32, #tpu.memory_space<vmem>>, vector<1x16xf32>,
        %swap3A_661 = vector.shape_cast %swap3A_660 : vector<1x16xf32> to vector<16xf32>
        %swap3A_662 = vector.shape_cast %broadcast_in_dim3A_269 : vector<16xf32> to vector<1x16xf32>
        tpu.vector_store %arg9[%swap3A_658, %swap3A_659], %swap3A_662 {strides = array<i32>} : memref<128x128xf32, #tpu.memory_space<vmem>>, vector<1x16xf32>,
        %swap3A_663 = arith.index_cast %while3A_653 : i32 to index
        %swap3A_664 = arith.constant 32 : index
        %swap3A_665 = tpu.vector_load %arg9[%swap3A_663, %swap3A_664] {strides = array<i32>} : memref<128x128xf32, #tpu.memory_space<vmem>>, vector<1x16xf32>,
        %swap3A_666 = vector.shape_cast %swap3A_665 : vector<1x16xf32> to vector<16xf32>
        %swap3A_667 = vector.shape_cast %broadcast_in_dim3A_269 : vector<16xf32> to vector<1x16xf32>
        tpu.vector_store %arg9[%swap3A_663, %swap3A_664], %swap3A_667 {strides = array<i32>} : memref<128x128xf32, #tpu.memory_space<vmem>>, vector<1x16xf32>,
        %swap3A_668 = arith.index_cast %while3A_653 : i32 to index
        %swap3A_669 = arith.constant 48 : index
        %swap3A_670 = tpu.vector_load %arg9[%swap3A_668, %swap3A_669] {strides = array<i32>} : memref<128x128xf32, #tpu.memory_space<vmem>>, vector<1x16xf32>,
        %swap3A_671 = vector.shape_cast %swap3A_670 : vector<1x16xf32> to vector<16xf32>
        %swap3A_672 = vector.shape_cast %broadcast_in_dim3A_269 : vector<16xf32> to vector<1x16xf32>
        tpu.vector_store %arg9[%swap3A_668, %swap3A_669], %swap3A_672 {strides = array<i32>} : memref<128x128xf32, #tpu.memory_space<vmem>>, vector<1x16xf32>,
        %swap3A_673 = arith.index_cast %while3A_653 : i32 to index
        %swap3A_674 = arith.constant 64 : index
        %swap3A_675 = tpu.vector_load %arg9[%swap3A_673, %swap3A_674] {strides = array<i32>} : memref<128x128xf32, #tpu.memory_space<vmem>>, vector<1x16xf32>,
        %swap3A_676 = vector.shape_cast %swap3A_675 : vector<1x16xf32> to vector<16xf32>
        %swap3A_677 = vector.shape_cast %broadcast_in_dim3A_269 : vector<16xf32> to vector<1x16xf32>
        tpu.vector_store %arg9[%swap3A_673, %swap3A_674], %swap3A_677 {strides = array<i32>} : memref<128x128xf32, #tpu.memory_space<vmem>>, vector<1x16xf32>,
        %swap3A_678 = arith.index_cast %while3A_653 : i32 to index
        %swap3A_679 = arith.constant 80 : index
        %swap3A_680 = tpu.vector_load %arg9[%swap3A_678, %swap3A_679] {strides = array<i32>} : memref<128x128xf32, #tpu.memory_space<vmem>>, vector<1x16xf32>,
        %swap3A_681 = vector.shape_cast %swap3A_680 : vector<1x16xf32> to vector<16xf32>
        %swap3A_682 = vector.shape_cast %broadcast_in_dim3A_269 : vector<16xf32> to vector<1x16xf32>
        tpu.vector_store %arg9[%swap3A_678, %swap3A_679], %swap3A_682 {strides = array<i32>} : memref<128x128xf32, #tpu.memory_space<vmem>>, vector<1x16xf32>,
        %swap3A_683 = arith.index_cast %while3A_653 : i32 to index
        %swap3A_684 = arith.constant 96 : index
        %swap3A_685 = tpu.vector_load %arg9[%swap3A_683, %swap3A_684] {strides = array<i32>} : memref<128x128xf32, #tpu.memory_space<vmem>>, vector<1x16xf32>,
        %swap3A_686 = vector.shape_cast %swap3A_685 : vector<1x16xf32> to vector<16xf32>
        %swap3A_687 = vector.shape_cast %broadcast_in_dim3A_269 : vector<16xf32> to vector<1x16xf32>
        tpu.vector_store %arg9[%swap3A_683, %swap3A_684], %swap3A_687 {strides = array<i32>} : memref<128x128xf32, #tpu.memory_space<vmem>>, vector<1x16xf32>,
        %swap3A_688 = arith.index_cast %while3A_653 : i32 to index
        %swap3A_689 = arith.constant 112 : index
        %swap3A_690 = tpu.vector_load %arg9[%swap3A_688, %swap3A_689] {strides = array<i32>} : memref<128x128xf32, #tpu.memory_space<vmem>>, vector<1x16xf32>,
        %swap3A_691 = vector.shape_cast %swap3A_690 : vector<1x16xf32> to vector<16xf32>
        %swap3A_692 = vector.shape_cast %broadcast_in_dim3A_269 : vector<16xf32> to vector<1x16xf32>
        tpu.vector_store %arg9[%swap3A_688, %swap3A_689], %swap3A_692 {strides = array<i32>} : memref<128x128xf32, #tpu.memory_space<vmem>>, vector<1x16xf32>,
      }
      %mul3A_647 = arith.constant 128 : i32
      %mul3A_648 = arith.muli %add3A_66, %mul3A_647 : i32
      %dma_start3A_649 = arith.constant 0 : i32
      %dma_start3A_650 = tpu.memref_slice %arg7[%mul3A_648, %dma_start3A_649] : memref<32768x128xf32, #tpu.memory_space<hbm>> -> memref<128x128xf32, #tpu.memory_space<hbm>>
      %dma_start3A_651 = arith.constant 0 : i32
      %dma_start3A_652 = tpu.memref_slice %arg7[%mul3A_648, %dma_start3A_651] : memref<32768x128xf32, #tpu.memory_space<hbm>> -> memref<128x128xf32, #tpu.memory_space<hbm>>
      tpu.enqueue_dma source(%arg9 : memref<128x128xf32, #tpu.memory_space<vmem>>) target(%dma_start3A_652 : memref<128x128xf32, #tpu.memory_space<hbm>>) target_semaphore(%arg24 : memref<!tpu.dma_semaphore, #tpu.memory_space<semaphore_mem>>)
    } else {
    }
    %le3A = arith.constant 0 : i32
    %le3A_384 = arith.cmpi sle, %min3A, %le3A : i32
    %convert_element_type3A_385 = arith.extui %le3A_384 : i1 to i32
    %cond3A_386 = arith.constant 0 : i32
    %cond3A_387 = arith.cmpi ne, %convert_element_type3A_385, %cond3A_386 : i32
    scf.if %cond3A_387 {
      %mul3A_628 = arith.constant 128 : i32
      %mul3A_629 = arith.muli %add3A_66, %mul3A_628 : i32
      %dma_start3A_630 = arith.constant 0 : i32
      %dma_start3A_631 = tpu.memref_slice %arg7[%mul3A_629, %dma_start3A_630] : memref<32768x128xf32, #tpu.memory_space<hbm>> -> memref<128x128xf32, #tpu.memory_space<hbm>>
      tpu.enqueue_dma source(%arg15 : memref<128x128xf32, #tpu.memory_space<vmem_shared>>) target(%dma_start3A_631 : memref<128x128xf32, #tpu.memory_space<hbm>>) target_semaphore(%arg18 : memref<!tpu.dma_semaphore, #tpu.memory_space<semaphore_mem>>)
    } else {
    }
    %gt3A_388 = arith.constant 0 : i32
    %gt3A_389 = arith.cmpi sgt, %min3A_191, %gt3A_388 : i32
    %convert_element_type3A_390 = arith.extui %gt3A_389 : i1 to i32
    %cond3A_391 = arith.constant 0 : i32
    %cond3A_392 = arith.cmpi ne, %convert_element_type3A_390, %cond3A_391 : i32
    scf.if %cond3A_392 {
      %dma_wait3A_628 = arith.constant 1 : i32
      %dma_wait3A_629 = arith.constant 0 : i32
      %dma_wait3A_630 = tpu.memref_slice %arg8[%dma_wait3A_628, %dma_wait3A_629] : memref<8x128xi32, #tpu.memory_space<vmem>> -> memref<1x128xi32, #tpu.memory_space<vmem>>
      %dma_wait3A_631 = tpu.memref_squeeze %dma_wait3A_630 : memref<1x128xi32, #tpu.memory_space<vmem>> -> memref<128xi32, #tpu.memory_space<vmem>>
      %dma_wait3A_632 = arith.constant 0 : i32
      %dma_wait3A_633 = arith.constant 0 : i32
      %dma_wait3A_634 = tpu.memref_slice %arg5[%dma_wait3A_632, %dma_wait3A_633] : memref<100000x128xf32, #tpu.memory_space<hbm>> -> memref<100000x128xf32, #tpu.memory_space<hbm>>
      tpu.wait_indirect_dma semaphore(%arg19 : memref<!tpu.dma_semaphore, #tpu.memory_space<semaphore_mem>>) src(%dma_wait3A_634 : memref<100000x128xf32, #tpu.memory_space<hbm>>) dst(%arg10 : memref<128x128xf32, #tpu.memory_space<vmem>>)
    } else {
    }
    %gt3A_393 = arith.constant 0 : i32
    %gt3A_394 = arith.cmpi sgt, %min3A_215, %gt3A_393 : i32
    %convert_element_type3A_395 = arith.extui %gt3A_394 : i1 to i32
    %cond3A_396 = arith.constant 0 : i32
    %cond3A_397 = arith.cmpi ne, %convert_element_type3A_395, %cond3A_396 : i32
    scf.if %cond3A_397 {
      %mul3A_628 = arith.constant 128 : i32
      %mul3A_629 = arith.muli %rem3A_47, %mul3A_628 : i32
      %dma_start3A_630 = arith.constant 0 : i32
      %dma_start3A_631 = tpu.memref_slice %arg14[%mul3A_629, %dma_start3A_630] : memref<2048x128xf32, #tpu.memory_space<vmem_shared>> -> memref<128x128xf32, #tpu.memory_space<vmem_shared>>
      %dma_start3A_632 = arith.constant 0 : i32
      %dma_start3A_633 = tpu.memref_slice %arg14[%mul3A_629, %dma_start3A_632] : memref<2048x128xf32, #tpu.memory_space<vmem_shared>> -> memref<128x128xf32, #tpu.memory_space<vmem_shared>>
      tpu.enqueue_dma source(%dma_start3A_633 : memref<128x128xf32, #tpu.memory_space<vmem_shared>>) target(%arg12 : memref<128x128xf32, #tpu.memory_space<vmem>>) target_semaphore(%arg23 : memref<!tpu.dma_semaphore, #tpu.memory_space<semaphore_mem>>)
    } else {
    }
    %gt3A_398 = arith.constant 0 : i32
    %gt3A_399 = arith.cmpi sgt, %min3A_203, %gt3A_398 : i32
    %convert_element_type3A_400 = arith.extui %gt3A_399 : i1 to i32
    %cond3A_401 = arith.constant 0 : i32
    %cond3A_402 = arith.cmpi ne, %convert_element_type3A_400, %cond3A_401 : i32
    scf.if %cond3A_402 {
      %mul3A_628 = arith.constant 128 : i32
      %mul3A_629 = arith.muli %rem3A_43, %mul3A_628 : i32
      %dma_wait3A_630 = arith.constant 0 : i32
      %dma_wait3A_631 = tpu.memref_slice %arg14[%mul3A_629, %dma_wait3A_630] : memref<2048x128xf32, #tpu.memory_space<vmem_shared>> -> memref<128x128xf32, #tpu.memory_space<vmem_shared>>
      %dma_wait3A_632 = arith.constant 0 : i32
      %dma_wait3A_633 = tpu.memref_slice %arg14[%mul3A_629, %dma_wait3A_632] : memref<2048x128xf32, #tpu.memory_space<vmem_shared>> -> memref<128x128xf32, #tpu.memory_space<vmem_shared>>
      tpu.wait_dma2 semaphore(%arg22 : memref<!tpu.dma_semaphore, #tpu.memory_space<semaphore_mem>>) src(%dma_wait3A_633 : memref<128x128xf32, #tpu.memory_space<vmem_shared>>) dst(%arg11 : memref<128x128xf32, #tpu.memory_space<vmem>>)
      %dma_start3A_634 = arith.constant 2 : i32
      %dma_start3A_635 = arith.constant 0 : i32
      %dma_start3A_636 = tpu.memref_slice %arg8[%dma_start3A_634, %dma_start3A_635] : memref<8x128xi32, #tpu.memory_space<vmem>> -> memref<1x128xi32, #tpu.memory_space<vmem>>
      %dma_start3A_637 = tpu.memref_squeeze %dma_start3A_636 : memref<1x128xi32, #tpu.memory_space<vmem>> -> memref<128xi32, #tpu.memory_space<vmem>>
      %dma_start3A_638 = arith.constant 0 : i32
      %dma_start3A_639 = arith.constant 0 : i32
      %dma_start3A_640 = tpu.memref_slice %arg5[%dma_start3A_638, %dma_start3A_639] : memref<100000x128xf32, #tpu.memory_space<hbm>> -> memref<100000x128xf32, #tpu.memory_space<hbm>>
      tpu.enqueue_indirect_dma source(%dma_start3A_640 : memref<100000x128xf32, #tpu.memory_space<hbm>>) target(%arg11 : memref<128x128xf32, #tpu.memory_space<vmem>>) offsets(%dma_start3A_637 : memref<128xi32, #tpu.memory_space<vmem>>) semaphore(%arg19 : memref<!tpu.dma_semaphore, #tpu.memory_space<semaphore_mem>>) {add = true}
    } else {
    }
    %gt3A_403 = arith.constant 0 : i32
    %gt3A_404 = arith.cmpi sgt, %min3A_191, %gt3A_403 : i32
    %convert_element_type3A_405 = arith.extui %gt3A_404 : i1 to i32
    %cond3A_406 = arith.constant 0 : i32
    %cond3A_407 = arith.cmpi ne, %convert_element_type3A_405, %cond3A_406 : i32
    scf.if %cond3A_407 {
      %while3A = arith.constant 0 : i32
      %while3A_628 = arith.constant 0 : i32
      %while3A_629 = arith.subi %min3A_191, %while3A_628 : i32
      %while3A_630 = arith.addi %while3A_628, %while3A_629 : i32
      %while3A_631 = arith.constant 1 : i32
      %while3A_632 = arith.divsi %while3A_629, %while3A_631 : i32
      %while3A_633 = arith.muli %while3A_632, %while3A_631 : i32
      %while3A_634 = arith.addi %while3A_628, %while3A_633 : i32
      %while3A_635 = arith.constant 1 : i32
      scf.for %while3A_653 = %while3A_628 to %while3A_634 step %while3A_635  : i32 {
        %get3A_654 = arith.index_cast %while3A_653 : i32 to index
        %get3A_655 = arith.constant 0 : index
        %get3A_656 = tpu.vector_load %arg10[%get3A_654, %get3A_655] {strides = array<i32>} : memref<128x128xf32, #tpu.memory_space<vmem>>, vector<1x16xf32>,
        %get3A_657 = vector.shape_cast %get3A_656 : vector<1x16xf32> to vector<16xf32>
        %mul3A_658 = arith.constant 0.0883883461 : f32
        %mul3A_659 = vector.broadcast %mul3A_658 : f32 to vector<16xf32>
        %mul3A_660 = arith.mulf %get3A_657, %mul3A_659 : vector<16xf32>
        %swap3A = arith.index_cast %while3A_653 : i32 to index
        %swap3A_661 = arith.constant 0 : index
        %swap3A_662 = tpu.vector_load %arg10[%swap3A, %swap3A_661] {strides = array<i32>} : memref<128x128xf32, #tpu.memory_space<vmem>>, vector<1x16xf32>,
        %swap3A_663 = vector.shape_cast %swap3A_662 : vector<1x16xf32> to vector<16xf32>
        %swap3A_664 = vector.shape_cast %mul3A_660 : vector<16xf32> to vector<1x16xf32>
        tpu.vector_store %arg10[%swap3A, %swap3A_661], %swap3A_664 {strides = array<i32>} : memref<128x128xf32, #tpu.memory_space<vmem>>, vector<1x16xf32>,
        %get3A_665 = arith.index_cast %while3A_653 : i32 to index
        %get3A_666 = arith.constant 16 : index
        %get3A_667 = tpu.vector_load %arg10[%get3A_665, %get3A_666] {strides = array<i32>} : memref<128x128xf32, #tpu.memory_space<vmem>>, vector<1x16xf32>,
        %get3A_668 = vector.shape_cast %get3A_667 : vector<1x16xf32> to vector<16xf32>
        %mul3A_669 = arith.constant 0.0883883461 : f32
        %mul3A_670 = vector.broadcast %mul3A_669 : f32 to vector<16xf32>
        %mul3A_671 = arith.mulf %get3A_668, %mul3A_670 : vector<16xf32>
        %swap3A_672 = arith.index_cast %while3A_653 : i32 to index
        %swap3A_673 = arith.constant 16 : index
        %swap3A_674 = tpu.vector_load %arg10[%swap3A_672, %swap3A_673] {strides = array<i32>} : memref<128x128xf32, #tpu.memory_space<vmem>>, vector<1x16xf32>,
        %swap3A_675 = vector.shape_cast %swap3A_674 : vector<1x16xf32> to vector<16xf32>
        %swap3A_676 = vector.shape_cast %mul3A_671 : vector<16xf32> to vector<1x16xf32>
        tpu.vector_store %arg10[%swap3A_672, %swap3A_673], %swap3A_676 {strides = array<i32>} : memref<128x128xf32, #tpu.memory_space<vmem>>, vector<1x16xf32>,
        %get3A_677 = arith.index_cast %while3A_653 : i32 to index
        %get3A_678 = arith.constant 32 : index
        %get3A_679 = tpu.vector_load %arg10[%get3A_677, %get3A_678] {strides = array<i32>} : memref<128x128xf32, #tpu.memory_space<vmem>>, vector<1x16xf32>,
        %get3A_680 = vector.shape_cast %get3A_679 : vector<1x16xf32> to vector<16xf32>
        %mul3A_681 = arith.constant 0.0883883461 : f32
        %mul3A_682 = vector.broadcast %mul3A_681 : f32 to vector<16xf32>
        %mul3A_683 = arith.mulf %get3A_680, %mul3A_682 : vector<16xf32>
        %swap3A_684 = arith.index_cast %while3A_653 : i32 to index
        %swap3A_685 = arith.constant 32 : index
        %swap3A_686 = tpu.vector_load %arg10[%swap3A_684, %swap3A_685] {strides = array<i32>} : memref<128x128xf32, #tpu.memory_space<vmem>>, vector<1x16xf32>,
        %swap3A_687 = vector.shape_cast %swap3A_686 : vector<1x16xf32> to vector<16xf32>
        %swap3A_688 = vector.shape_cast %mul3A_683 : vector<16xf32> to vector<1x16xf32>
        tpu.vector_store %arg10[%swap3A_684, %swap3A_685], %swap3A_688 {strides = array<i32>} : memref<128x128xf32, #tpu.memory_space<vmem>>, vector<1x16xf32>,
        %get3A_689 = arith.index_cast %while3A_653 : i32 to index
        %get3A_690 = arith.constant 48 : index
        %get3A_691 = tpu.vector_load %arg10[%get3A_689, %get3A_690] {strides = array<i32>} : memref<128x128xf32, #tpu.memory_space<vmem>>, vector<1x16xf32>,
        %get3A_692 = vector.shape_cast %get3A_691 : vector<1x16xf32> to vector<16xf32>
        %mul3A_693 = arith.constant 0.0883883461 : f32
        %mul3A_694 = vector.broadcast %mul3A_693 : f32 to vector<16xf32>
        %mul3A_695 = arith.mulf %get3A_692, %mul3A_694 : vector<16xf32>
        %swap3A_696 = arith.index_cast %while3A_653 : i32 to index
        %swap3A_697 = arith.constant 48 : index
        %swap3A_698 = tpu.vector_load %arg10[%swap3A_696, %swap3A_697] {strides = array<i32>} : memref<128x128xf32, #tpu.memory_space<vmem>>, vector<1x16xf32>,
        %swap3A_699 = vector.shape_cast %swap3A_698 : vector<1x16xf32> to vector<16xf32>
        %swap3A_700 = vector.shape_cast %mul3A_695 : vector<16xf32> to vector<1x16xf32>
        tpu.vector_store %arg10[%swap3A_696, %swap3A_697], %swap3A_700 {strides = array<i32>} : memref<128x128xf32, #tpu.memory_space<vmem>>, vector<1x16xf32>,
        %get3A_701 = arith.index_cast %while3A_653 : i32 to index
        %get3A_702 = arith.constant 64 : index
        %get3A_703 = tpu.vector_load %arg10[%get3A_701, %get3A_702] {strides = array<i32>} : memref<128x128xf32, #tpu.memory_space<vmem>>, vector<1x16xf32>,
        %get3A_704 = vector.shape_cast %get3A_703 : vector<1x16xf32> to vector<16xf32>
        %mul3A_705 = arith.constant 0.0883883461 : f32
        %mul3A_706 = vector.broadcast %mul3A_705 : f32 to vector<16xf32>
        %mul3A_707 = arith.mulf %get3A_704, %mul3A_706 : vector<16xf32>
        %swap3A_708 = arith.index_cast %while3A_653 : i32 to index
        %swap3A_709 = arith.constant 64 : index
        %swap3A_710 = tpu.vector_load %arg10[%swap3A_708, %swap3A_709] {strides = array<i32>} : memref<128x128xf32, #tpu.memory_space<vmem>>, vector<1x16xf32>,
        %swap3A_711 = vector.shape_cast %swap3A_710 : vector<1x16xf32> to vector<16xf32>
        %swap3A_712 = vector.shape_cast %mul3A_707 : vector<16xf32> to vector<1x16xf32>
        tpu.vector_store %arg10[%swap3A_708, %swap3A_709], %swap3A_712 {strides = array<i32>} : memref<128x128xf32, #tpu.memory_space<vmem>>, vector<1x16xf32>,
        %get3A_713 = arith.index_cast %while3A_653 : i32 to index
        %get3A_714 = arith.constant 80 : index
        %get3A_715 = tpu.vector_load %arg10[%get3A_713, %get3A_714] {strides = array<i32>} : memref<128x128xf32, #tpu.memory_space<vmem>>, vector<1x16xf32>,
        %get3A_716 = vector.shape_cast %get3A_715 : vector<1x16xf32> to vector<16xf32>
        %mul3A_717 = arith.constant 0.0883883461 : f32
        %mul3A_718 = vector.broadcast %mul3A_717 : f32 to vector<16xf32>
        %mul3A_719 = arith.mulf %get3A_716, %mul3A_718 : vector<16xf32>
        %swap3A_720 = arith.index_cast %while3A_653 : i32 to index
        %swap3A_721 = arith.constant 80 : index
        %swap3A_722 = tpu.vector_load %arg10[%swap3A_720, %swap3A_721] {strides = array<i32>} : memref<128x128xf32, #tpu.memory_space<vmem>>, vector<1x16xf32>,
        %swap3A_723 = vector.shape_cast %swap3A_722 : vector<1x16xf32> to vector<16xf32>
        %swap3A_724 = vector.shape_cast %mul3A_719 : vector<16xf32> to vector<1x16xf32>
        tpu.vector_store %arg10[%swap3A_720, %swap3A_721], %swap3A_724 {strides = array<i32>} : memref<128x128xf32, #tpu.memory_space<vmem>>, vector<1x16xf32>,
        %get3A_725 = arith.index_cast %while3A_653 : i32 to index
        %get3A_726 = arith.constant 96 : index
        %get3A_727 = tpu.vector_load %arg10[%get3A_725, %get3A_726] {strides = array<i32>} : memref<128x128xf32, #tpu.memory_space<vmem>>, vector<1x16xf32>,
        %get3A_728 = vector.shape_cast %get3A_727 : vector<1x16xf32> to vector<16xf32>
        %mul3A_729 = arith.constant 0.0883883461 : f32
        %mul3A_730 = vector.broadcast %mul3A_729 : f32 to vector<16xf32>
        %mul3A_731 = arith.mulf %get3A_728, %mul3A_730 : vector<16xf32>
        %swap3A_732 = arith.index_cast %while3A_653 : i32 to index
        %swap3A_733 = arith.constant 96 : index
        %swap3A_734 = tpu.vector_load %arg10[%swap3A_732, %swap3A_733] {strides = array<i32>} : memref<128x128xf32, #tpu.memory_space<vmem>>, vector<1x16xf32>,
        %swap3A_735 = vector.shape_cast %swap3A_734 : vector<1x16xf32> to vector<16xf32>
        %swap3A_736 = vector.shape_cast %mul3A_731 : vector<16xf32> to vector<1x16xf32>
        tpu.vector_store %arg10[%swap3A_732, %swap3A_733], %swap3A_736 {strides = array<i32>} : memref<128x128xf32, #tpu.memory_space<vmem>>, vector<1x16xf32>,
        %get3A_737 = arith.index_cast %while3A_653 : i32 to index
        %get3A_738 = arith.constant 112 : index
        %get3A_739 = tpu.vector_load %arg10[%get3A_737, %get3A_738] {strides = array<i32>} : memref<128x128xf32, #tpu.memory_space<vmem>>, vector<1x16xf32>,
        %get3A_740 = vector.shape_cast %get3A_739 : vector<1x16xf32> to vector<16xf32>
        %mul3A_741 = arith.constant 0.0883883461 : f32
        %mul3A_742 = vector.broadcast %mul3A_741 : f32 to vector<16xf32>
        %mul3A_743 = arith.mulf %get3A_740, %mul3A_742 : vector<16xf32>
        %swap3A_744 = arith.index_cast %while3A_653 : i32 to index
        %swap3A_745 = arith.constant 112 : index
        %swap3A_746 = tpu.vector_load %arg10[%swap3A_744, %swap3A_745] {strides = array<i32>} : memref<128x128xf32, #tpu.memory_space<vmem>>, vector<1x16xf32>,
        %swap3A_747 = vector.shape_cast %swap3A_746 : vector<1x16xf32> to vector<16xf32>
        %swap3A_748 = vector.shape_cast %mul3A_743 : vector<16xf32> to vector<1x16xf32>
        tpu.vector_store %arg10[%swap3A_744, %swap3A_745], %swap3A_748 {strides = array<i32>} : memref<128x128xf32, #tpu.memory_space<vmem>>, vector<1x16xf32>,
      }
      %while3A_636 = arith.constant 1 : i32
      scf.for %while3A_653 = %while3A_634 to %while3A_630 step %while3A_636  : i32 {
        %get3A_654 = arith.index_cast %while3A_653 : i32 to index
        %get3A_655 = arith.constant 0 : index
        %get3A_656 = tpu.vector_load %arg10[%get3A_654, %get3A_655] {strides = array<i32>} : memref<128x128xf32, #tpu.memory_space<vmem>>, vector<1x16xf32>,
        %get3A_657 = vector.shape_cast %get3A_656 : vector<1x16xf32> to vector<16xf32>
        %mul3A_658 = arith.constant 0.0883883461 : f32
        %mul3A_659 = vector.broadcast %mul3A_658 : f32 to vector<16xf32>
        %mul3A_660 = arith.mulf %get3A_657, %mul3A_659 : vector<16xf32>
        %swap3A = arith.index_cast %while3A_653 : i32 to index
        %swap3A_661 = arith.constant 0 : index
        %swap3A_662 = tpu.vector_load %arg10[%swap3A, %swap3A_661] {strides = array<i32>} : memref<128x128xf32, #tpu.memory_space<vmem>>, vector<1x16xf32>,
        %swap3A_663 = vector.shape_cast %swap3A_662 : vector<1x16xf32> to vector<16xf32>
        %swap3A_664 = vector.shape_cast %mul3A_660 : vector<16xf32> to vector<1x16xf32>
        tpu.vector_store %arg10[%swap3A, %swap3A_661], %swap3A_664 {strides = array<i32>} : memref<128x128xf32, #tpu.memory_space<vmem>>, vector<1x16xf32>,
        %get3A_665 = arith.index_cast %while3A_653 : i32 to index
        %get3A_666 = arith.constant 16 : index
        %get3A_667 = tpu.vector_load %arg10[%get3A_665, %get3A_666] {strides = array<i32>} : memref<128x128xf32, #tpu.memory_space<vmem>>, vector<1x16xf32>,
        %get3A_668 = vector.shape_cast %get3A_667 : vector<1x16xf32> to vector<16xf32>
        %mul3A_669 = arith.constant 0.0883883461 : f32
        %mul3A_670 = vector.broadcast %mul3A_669 : f32 to vector<16xf32>
        %mul3A_671 = arith.mulf %get3A_668, %mul3A_670 : vector<16xf32>
        %swap3A_672 = arith.index_cast %while3A_653 : i32 to index
        %swap3A_673 = arith.constant 16 : index
        %swap3A_674 = tpu.vector_load %arg10[%swap3A_672, %swap3A_673] {strides = array<i32>} : memref<128x128xf32, #tpu.memory_space<vmem>>, vector<1x16xf32>,
        %swap3A_675 = vector.shape_cast %swap3A_674 : vector<1x16xf32> to vector<16xf32>
        %swap3A_676 = vector.shape_cast %mul3A_671 : vector<16xf32> to vector<1x16xf32>
        tpu.vector_store %arg10[%swap3A_672, %swap3A_673], %swap3A_676 {strides = array<i32>} : memref<128x128xf32, #tpu.memory_space<vmem>>, vector<1x16xf32>,
        %get3A_677 = arith.index_cast %while3A_653 : i32 to index
        %get3A_678 = arith.constant 32 : index
        %get3A_679 = tpu.vector_load %arg10[%get3A_677, %get3A_678] {strides = array<i32>} : memref<128x128xf32, #tpu.memory_space<vmem>>, vector<1x16xf32>,
        %get3A_680 = vector.shape_cast %get3A_679 : vector<1x16xf32> to vector<16xf32>
        %mul3A_681 = arith.constant 0.0883883461 : f32
        %mul3A_682 = vector.broadcast %mul3A_681 : f32 to vector<16xf32>
        %mul3A_683 = arith.mulf %get3A_680, %mul3A_682 : vector<16xf32>
        %swap3A_684 = arith.index_cast %while3A_653 : i32 to index
        %swap3A_685 = arith.constant 32 : index
        %swap3A_686 = tpu.vector_load %arg10[%swap3A_684, %swap3A_685] {strides = array<i32>} : memref<128x128xf32, #tpu.memory_space<vmem>>, vector<1x16xf32>,
        %swap3A_687 = vector.shape_cast %swap3A_686 : vector<1x16xf32> to vector<16xf32>
        %swap3A_688 = vector.shape_cast %mul3A_683 : vector<16xf32> to vector<1x16xf32>
        tpu.vector_store %arg10[%swap3A_684, %swap3A_685], %swap3A_688 {strides = array<i32>} : memref<128x128xf32, #tpu.memory_space<vmem>>, vector<1x16xf32>,
        %get3A_689 = arith.index_cast %while3A_653 : i32 to index
        %get3A_690 = arith.constant 48 : index
        %get3A_691 = tpu.vector_load %arg10[%get3A_689, %get3A_690] {strides = array<i32>} : memref<128x128xf32, #tpu.memory_space<vmem>>, vector<1x16xf32>,
        %get3A_692 = vector.shape_cast %get3A_691 : vector<1x16xf32> to vector<16xf32>
        %mul3A_693 = arith.constant 0.0883883461 : f32
        %mul3A_694 = vector.broadcast %mul3A_693 : f32 to vector<16xf32>
        %mul3A_695 = arith.mulf %get3A_692, %mul3A_694 : vector<16xf32>
        %swap3A_696 = arith.index_cast %while3A_653 : i32 to index
        %swap3A_697 = arith.constant 48 : index
        %swap3A_698 = tpu.vector_load %arg10[%swap3A_696, %swap3A_697] {strides = array<i32>} : memref<128x128xf32, #tpu.memory_space<vmem>>, vector<1x16xf32>,
        %swap3A_699 = vector.shape_cast %swap3A_698 : vector<1x16xf32> to vector<16xf32>
        %swap3A_700 = vector.shape_cast %mul3A_695 : vector<16xf32> to vector<1x16xf32>
        tpu.vector_store %arg10[%swap3A_696, %swap3A_697], %swap3A_700 {strides = array<i32>} : memref<128x128xf32, #tpu.memory_space<vmem>>, vector<1x16xf32>,
        %get3A_701 = arith.index_cast %while3A_653 : i32 to index
        %get3A_702 = arith.constant 64 : index
        %get3A_703 = tpu.vector_load %arg10[%get3A_701, %get3A_702] {strides = array<i32>} : memref<128x128xf32, #tpu.memory_space<vmem>>, vector<1x16xf32>,
        %get3A_704 = vector.shape_cast %get3A_703 : vector<1x16xf32> to vector<16xf32>
        %mul3A_705 = arith.constant 0.0883883461 : f32
        %mul3A_706 = vector.broadcast %mul3A_705 : f32 to vector<16xf32>
        %mul3A_707 = arith.mulf %get3A_704, %mul3A_706 : vector<16xf32>
        %swap3A_708 = arith.index_cast %while3A_653 : i32 to index
        %swap3A_709 = arith.constant 64 : index
        %swap3A_710 = tpu.vector_load %arg10[%swap3A_708, %swap3A_709] {strides = array<i32>} : memref<128x128xf32, #tpu.memory_space<vmem>>, vector<1x16xf32>,
        %swap3A_711 = vector.shape_cast %swap3A_710 : vector<1x16xf32> to vector<16xf32>
        %swap3A_712 = vector.shape_cast %mul3A_707 : vector<16xf32> to vector<1x16xf32>
        tpu.vector_store %arg10[%swap3A_708, %swap3A_709], %swap3A_712 {strides = array<i32>} : memref<128x128xf32, #tpu.memory_space<vmem>>, vector<1x16xf32>,
        %get3A_713 = arith.index_cast %while3A_653 : i32 to index
        %get3A_714 = arith.constant 80 : index
        %get3A_715 = tpu.vector_load %arg10[%get3A_713, %get3A_714] {strides = array<i32>} : memref<128x128xf32, #tpu.memory_space<vmem>>, vector<1x16xf32>,
        %get3A_716 = vector.shape_cast %get3A_715 : vector<1x16xf32> to vector<16xf32>
        %mul3A_717 = arith.constant 0.0883883461 : f32
        %mul3A_718 = vector.broadcast %mul3A_717 : f32 to vector<16xf32>
        %mul3A_719 = arith.mulf %get3A_716, %mul3A_718 : vector<16xf32>
        %swap3A_720 = arith.index_cast %while3A_653 : i32 to index
        %swap3A_721 = arith.constant 80 : index
        %swap3A_722 = tpu.vector_load %arg10[%swap3A_720, %swap3A_721] {strides = array<i32>} : memref<128x128xf32, #tpu.memory_space<vmem>>, vector<1x16xf32>,
        %swap3A_723 = vector.shape_cast %swap3A_722 : vector<1x16xf32> to vector<16xf32>
        %swap3A_724 = vector.shape_cast %mul3A_719 : vector<16xf32> to vector<1x16xf32>
        tpu.vector_store %arg10[%swap3A_720, %swap3A_721], %swap3A_724 {strides = array<i32>} : memref<128x128xf32, #tpu.memory_space<vmem>>, vector<1x16xf32>,
        %get3A_725 = arith.index_cast %while3A_653 : i32 to index
        %get3A_726 = arith.constant 96 : index
        %get3A_727 = tpu.vector_load %arg10[%get3A_725, %get3A_726] {strides = array<i32>} : memref<128x128xf32, #tpu.memory_space<vmem>>, vector<1x16xf32>,
        %get3A_728 = vector.shape_cast %get3A_727 : vector<1x16xf32> to vector<16xf32>
        %mul3A_729 = arith.constant 0.0883883461 : f32
        %mul3A_730 = vector.broadcast %mul3A_729 : f32 to vector<16xf32>
        %mul3A_731 = arith.mulf %get3A_728, %mul3A_730 : vector<16xf32>
        %swap3A_732 = arith.index_cast %while3A_653 : i32 to index
        %swap3A_733 = arith.constant 96 : index
        %swap3A_734 = tpu.vector_load %arg10[%swap3A_732, %swap3A_733] {strides = array<i32>} : memref<128x128xf32, #tpu.memory_space<vmem>>, vector<1x16xf32>,
        %swap3A_735 = vector.shape_cast %swap3A_734 : vector<1x16xf32> to vector<16xf32>
        %swap3A_736 = vector.shape_cast %mul3A_731 : vector<16xf32> to vector<1x16xf32>
        tpu.vector_store %arg10[%swap3A_732, %swap3A_733], %swap3A_736 {strides = array<i32>} : memref<128x128xf32, #tpu.memory_space<vmem>>, vector<1x16xf32>,
        %get3A_737 = arith.index_cast %while3A_653 : i32 to index
        %get3A_738 = arith.constant 112 : index
        %get3A_739 = tpu.vector_load %arg10[%get3A_737, %get3A_738] {strides = array<i32>} : memref<128x128xf32, #tpu.memory_space<vmem>>, vector<1x16xf32>,
        %get3A_740 = vector.shape_cast %get3A_739 : vector<1x16xf32> to vector<16xf32>
        %mul3A_741 = arith.constant 0.0883883461 : f32
        %mul3A_742 = vector.broadcast %mul3A_741 : f32 to vector<16xf32>
        %mul3A_743 = arith.mulf %get3A_740, %mul3A_742 : vector<16xf32>
        %swap3A_744 = arith.index_cast %while3A_653 : i32 to index
        %swap3A_745 = arith.constant 112 : index
        %swap3A_746 = tpu.vector_load %arg10[%swap3A_744, %swap3A_745] {strides = array<i32>} : memref<128x128xf32, #tpu.memory_space<vmem>>, vector<1x16xf32>,
        %swap3A_747 = vector.shape_cast %swap3A_746 : vector<1x16xf32> to vector<16xf32>
        %swap3A_748 = vector.shape_cast %mul3A_743 : vector<16xf32> to vector<1x16xf32>
        tpu.vector_store %arg10[%swap3A_744, %swap3A_745], %swap3A_748 {strides = array<i32>} : memref<128x128xf32, #tpu.memory_space<vmem>>, vector<1x16xf32>,
      }
      %while3A_637 = arith.constant 0 : i32
      %while3A_638 = arith.constant 128 : i32
      %while3A_639 = arith.subi %while3A_638, %min3A_191 : i32
      %while3A_640 = arith.addi %min3A_191, %while3A_639 : i32
      %while3A_641 = arith.constant 1 : i32
      %while3A_642 = arith.divsi %while3A_639, %while3A_641 : i32
      %while3A_643 = arith.muli %while3A_642, %while3A_641 : i32
      %while3A_644 = arith.addi %min3A_191, %while3A_643 : i32
      %while3A_645 = arith.constant 1 : i32
      scf.for %while3A_653 = %min3A_191 to %while3A_644 step %while3A_645  : i32 {
        %swap3A = arith.index_cast %while3A_653 : i32 to index
        %swap3A_654 = arith.constant 0 : index
        %swap3A_655 = tpu.vector_load %arg10[%swap3A, %swap3A_654] {strides = array<i32>} : memref<128x128xf32, #tpu.memory_space<vmem>>, vector<1x16xf32>,
        %swap3A_656 = vector.shape_cast %swap3A_655 : vector<1x16xf32> to vector<16xf32>
        %swap3A_657 = vector.shape_cast %broadcast_in_dim3A_269 : vector<16xf32> to vector<1x16xf32>
        tpu.vector_store %arg10[%swap3A, %swap3A_654], %swap3A_657 {strides = array<i32>} : memref<128x128xf32, #tpu.memory_space<vmem>>, vector<1x16xf32>,
        %swap3A_658 = arith.index_cast %while3A_653 : i32 to index
        %swap3A_659 = arith.constant 16 : index
        %swap3A_660 = tpu.vector_load %arg10[%swap3A_658, %swap3A_659] {strides = array<i32>} : memref<128x128xf32, #tpu.memory_space<vmem>>, vector<1x16xf32>,
        %swap3A_661 = vector.shape_cast %swap3A_660 : vector<1x16xf32> to vector<16xf32>
        %swap3A_662 = vector.shape_cast %broadcast_in_dim3A_269 : vector<16xf32> to vector<1x16xf32>
        tpu.vector_store %arg10[%swap3A_658, %swap3A_659], %swap3A_662 {strides = array<i32>} : memref<128x128xf32, #tpu.memory_space<vmem>>, vector<1x16xf32>,
        %swap3A_663 = arith.index_cast %while3A_653 : i32 to index
        %swap3A_664 = arith.constant 32 : index
        %swap3A_665 = tpu.vector_load %arg10[%swap3A_663, %swap3A_664] {strides = array<i32>} : memref<128x128xf32, #tpu.memory_space<vmem>>, vector<1x16xf32>,
        %swap3A_666 = vector.shape_cast %swap3A_665 : vector<1x16xf32> to vector<16xf32>
        %swap3A_667 = vector.shape_cast %broadcast_in_dim3A_269 : vector<16xf32> to vector<1x16xf32>
        tpu.vector_store %arg10[%swap3A_663, %swap3A_664], %swap3A_667 {strides = array<i32>} : memref<128x128xf32, #tpu.memory_space<vmem>>, vector<1x16xf32>,
        %swap3A_668 = arith.index_cast %while3A_653 : i32 to index
        %swap3A_669 = arith.constant 48 : index
        %swap3A_670 = tpu.vector_load %arg10[%swap3A_668, %swap3A_669] {strides = array<i32>} : memref<128x128xf32, #tpu.memory_space<vmem>>, vector<1x16xf32>,
        %swap3A_671 = vector.shape_cast %swap3A_670 : vector<1x16xf32> to vector<16xf32>
        %swap3A_672 = vector.shape_cast %broadcast_in_dim3A_269 : vector<16xf32> to vector<1x16xf32>
        tpu.vector_store %arg10[%swap3A_668, %swap3A_669], %swap3A_672 {strides = array<i32>} : memref<128x128xf32, #tpu.memory_space<vmem>>, vector<1x16xf32>,
        %swap3A_673 = arith.index_cast %while3A_653 : i32 to index
        %swap3A_674 = arith.constant 64 : index
        %swap3A_675 = tpu.vector_load %arg10[%swap3A_673, %swap3A_674] {strides = array<i32>} : memref<128x128xf32, #tpu.memory_space<vmem>>, vector<1x16xf32>,
        %swap3A_676 = vector.shape_cast %swap3A_675 : vector<1x16xf32> to vector<16xf32>
        %swap3A_677 = vector.shape_cast %broadcast_in_dim3A_269 : vector<16xf32> to vector<1x16xf32>
        tpu.vector_store %arg10[%swap3A_673, %swap3A_674], %swap3A_677 {strides = array<i32>} : memref<128x128xf32, #tpu.memory_space<vmem>>, vector<1x16xf32>,
        %swap3A_678 = arith.index_cast %while3A_653 : i32 to index
        %swap3A_679 = arith.constant 80 : index
        %swap3A_680 = tpu.vector_load %arg10[%swap3A_678, %swap3A_679] {strides = array<i32>} : memref<128x128xf32, #tpu.memory_space<vmem>>, vector<1x16xf32>,
        %swap3A_681 = vector.shape_cast %swap3A_680 : vector<1x16xf32> to vector<16xf32>
        %swap3A_682 = vector.shape_cast %broadcast_in_dim3A_269 : vector<16xf32> to vector<1x16xf32>
        tpu.vector_store %arg10[%swap3A_678, %swap3A_679], %swap3A_682 {strides = array<i32>} : memref<128x128xf32, #tpu.memory_space<vmem>>, vector<1x16xf32>,
        %swap3A_683 = arith.index_cast %while3A_653 : i32 to index
        %swap3A_684 = arith.constant 96 : index
        %swap3A_685 = tpu.vector_load %arg10[%swap3A_683, %swap3A_684] {strides = array<i32>} : memref<128x128xf32, #tpu.memory_space<vmem>>, vector<1x16xf32>,
        %swap3A_686 = vector.shape_cast %swap3A_685 : vector<1x16xf32> to vector<16xf32>
        %swap3A_687 = vector.shape_cast %broadcast_in_dim3A_269 : vector<16xf32> to vector<1x16xf32>
        tpu.vector_store %arg10[%swap3A_683, %swap3A_684], %swap3A_687 {strides = array<i32>} : memref<128x128xf32, #tpu.memory_space<vmem>>, vector<1x16xf32>,
        %swap3A_688 = arith.index_cast %while3A_653 : i32 to index
        %swap3A_689 = arith.constant 112 : index
        %swap3A_690 = tpu.vector_load %arg10[%swap3A_688, %swap3A_689] {strides = array<i32>} : memref<128x128xf32, #tpu.memory_space<vmem>>, vector<1x16xf32>,
        %swap3A_691 = vector.shape_cast %swap3A_690 : vector<1x16xf32> to vector<16xf32>
        %swap3A_692 = vector.shape_cast %broadcast_in_dim3A_269 : vector<16xf32> to vector<1x16xf32>
        tpu.vector_store %arg10[%swap3A_688, %swap3A_689], %swap3A_692 {strides = array<i32>} : memref<128x128xf32, #tpu.memory_space<vmem>>, vector<1x16xf32>,
      }
      %while3A_646 = arith.constant 1 : i32
      scf.for %while3A_653 = %while3A_644 to %while3A_640 step %while3A_646  : i32 {
        %swap3A = arith.index_cast %while3A_653 : i32 to index
        %swap3A_654 = arith.constant 0 : index
        %swap3A_655 = tpu.vector_load %arg10[%swap3A, %swap3A_654] {strides = array<i32>} : memref<128x128xf32, #tpu.memory_space<vmem>>, vector<1x16xf32>,
        %swap3A_656 = vector.shape_cast %swap3A_655 : vector<1x16xf32> to vector<16xf32>
        %swap3A_657 = vector.shape_cast %broadcast_in_dim3A_269 : vector<16xf32> to vector<1x16xf32>
        tpu.vector_store %arg10[%swap3A, %swap3A_654], %swap3A_657 {strides = array<i32>} : memref<128x128xf32, #tpu.memory_space<vmem>>, vector<1x16xf32>,
        %swap3A_658 = arith.index_cast %while3A_653 : i32 to index
        %swap3A_659 = arith.constant 16 : index
        %swap3A_660 = tpu.vector_load %arg10[%swap3A_658, %swap3A_659] {strides = array<i32>} : memref<128x128xf32, #tpu.memory_space<vmem>>, vector<1x16xf32>,
        %swap3A_661 = vector.shape_cast %swap3A_660 : vector<1x16xf32> to vector<16xf32>
        %swap3A_662 = vector.shape_cast %broadcast_in_dim3A_269 : vector<16xf32> to vector<1x16xf32>
        tpu.vector_store %arg10[%swap3A_658, %swap3A_659], %swap3A_662 {strides = array<i32>} : memref<128x128xf32, #tpu.memory_space<vmem>>, vector<1x16xf32>,
        %swap3A_663 = arith.index_cast %while3A_653 : i32 to index
        %swap3A_664 = arith.constant 32 : index
        %swap3A_665 = tpu.vector_load %arg10[%swap3A_663, %swap3A_664] {strides = array<i32>} : memref<128x128xf32, #tpu.memory_space<vmem>>, vector<1x16xf32>,
        %swap3A_666 = vector.shape_cast %swap3A_665 : vector<1x16xf32> to vector<16xf32>
        %swap3A_667 = vector.shape_cast %broadcast_in_dim3A_269 : vector<16xf32> to vector<1x16xf32>
        tpu.vector_store %arg10[%swap3A_663, %swap3A_664], %swap3A_667 {strides = array<i32>} : memref<128x128xf32, #tpu.memory_space<vmem>>, vector<1x16xf32>,
        %swap3A_668 = arith.index_cast %while3A_653 : i32 to index
        %swap3A_669 = arith.constant 48 : index
        %swap3A_670 = tpu.vector_load %arg10[%swap3A_668, %swap3A_669] {strides = array<i32>} : memref<128x128xf32, #tpu.memory_space<vmem>>, vector<1x16xf32>,
        %swap3A_671 = vector.shape_cast %swap3A_670 : vector<1x16xf32> to vector<16xf32>
        %swap3A_672 = vector.shape_cast %broadcast_in_dim3A_269 : vector<16xf32> to vector<1x16xf32>
        tpu.vector_store %arg10[%swap3A_668, %swap3A_669], %swap3A_672 {strides = array<i32>} : memref<128x128xf32, #tpu.memory_space<vmem>>, vector<1x16xf32>,
        %swap3A_673 = arith.index_cast %while3A_653 : i32 to index
        %swap3A_674 = arith.constant 64 : index
        %swap3A_675 = tpu.vector_load %arg10[%swap3A_673, %swap3A_674] {strides = array<i32>} : memref<128x128xf32, #tpu.memory_space<vmem>>, vector<1x16xf32>,
        %swap3A_676 = vector.shape_cast %swap3A_675 : vector<1x16xf32> to vector<16xf32>
        %swap3A_677 = vector.shape_cast %broadcast_in_dim3A_269 : vector<16xf32> to vector<1x16xf32>
        tpu.vector_store %arg10[%swap3A_673, %swap3A_674], %swap3A_677 {strides = array<i32>} : memref<128x128xf32, #tpu.memory_space<vmem>>, vector<1x16xf32>,
        %swap3A_678 = arith.index_cast %while3A_653 : i32 to index
        %swap3A_679 = arith.constant 80 : index
        %swap3A_680 = tpu.vector_load %arg10[%swap3A_678, %swap3A_679] {strides = array<i32>} : memref<128x128xf32, #tpu.memory_space<vmem>>, vector<1x16xf32>,
        %swap3A_681 = vector.shape_cast %swap3A_680 : vector<1x16xf32> to vector<16xf32>
        %swap3A_682 = vector.shape_cast %broadcast_in_dim3A_269 : vector<16xf32> to vector<1x16xf32>
        tpu.vector_store %arg10[%swap3A_678, %swap3A_679], %swap3A_682 {strides = array<i32>} : memref<128x128xf32, #tpu.memory_space<vmem>>, vector<1x16xf32>,
        %swap3A_683 = arith.index_cast %while3A_653 : i32 to index
        %swap3A_684 = arith.constant 96 : index
        %swap3A_685 = tpu.vector_load %arg10[%swap3A_683, %swap3A_684] {strides = array<i32>} : memref<128x128xf32, #tpu.memory_space<vmem>>, vector<1x16xf32>,
        %swap3A_686 = vector.shape_cast %swap3A_685 : vector<1x16xf32> to vector<16xf32>
        %swap3A_687 = vector.shape_cast %broadcast_in_dim3A_269 : vector<16xf32> to vector<1x16xf32>
        tpu.vector_store %arg10[%swap3A_683, %swap3A_684], %swap3A_687 {strides = array<i32>} : memref<128x128xf32, #tpu.memory_space<vmem>>, vector<1x16xf32>,
        %swap3A_688 = arith.index_cast %while3A_653 : i32 to index
        %swap3A_689 = arith.constant 112 : index
        %swap3A_690 = tpu.vector_load %arg10[%swap3A_688, %swap3A_689] {strides = array<i32>} : memref<128x128xf32, #tpu.memory_space<vmem>>, vector<1x16xf32>,
        %swap3A_691 = vector.shape_cast %swap3A_690 : vector<1x16xf32> to vector<16xf32>
        %swap3A_692 = vector.shape_cast %broadcast_in_dim3A_269 : vector<16xf32> to vector<1x16xf32>
        tpu.vector_store %arg10[%swap3A_688, %swap3A_689], %swap3A_692 {strides = array<i32>} : memref<128x128xf32, #tpu.memory_space<vmem>>, vector<1x16xf32>,
      }
      %mul3A_647 = arith.constant 128 : i32
      %mul3A_648 = arith.muli %add3A_69, %mul3A_647 : i32
      %dma_start3A_649 = arith.constant 0 : i32
      %dma_start3A_650 = tpu.memref_slice %arg7[%mul3A_648, %dma_start3A_649] : memref<32768x128xf32, #tpu.memory_space<hbm>> -> memref<128x128xf32, #tpu.memory_space<hbm>>
      %dma_start3A_651 = arith.constant 0 : i32
      %dma_start3A_652 = tpu.memref_slice %arg7[%mul3A_648, %dma_start3A_651] : memref<32768x128xf32, #tpu.memory_space<hbm>> -> memref<128x128xf32, #tpu.memory_space<hbm>>
      tpu.enqueue_dma source(%arg10 : memref<128x128xf32, #tpu.memory_space<vmem>>) target(%dma_start3A_652 : memref<128x128xf32, #tpu.memory_space<hbm>>) target_semaphore(%arg25 : memref<!tpu.dma_semaphore, #tpu.memory_space<semaphore_mem>>)
    } else {
    }
    %le3A_408 = arith.constant 0 : i32
    %le3A_409 = arith.cmpi sle, %min3A_191, %le3A_408 : i32
    %convert_element_type3A_410 = arith.extui %le3A_409 : i1 to i32
    %cond3A_411 = arith.constant 0 : i32
    %cond3A_412 = arith.cmpi ne, %convert_element_type3A_410, %cond3A_411 : i32
    scf.if %cond3A_412 {
      %mul3A_628 = arith.constant 128 : i32
      %mul3A_629 = arith.muli %add3A_69, %mul3A_628 : i32
      %dma_start3A_630 = arith.constant 0 : i32
      %dma_start3A_631 = tpu.memref_slice %arg7[%mul3A_629, %dma_start3A_630] : memref<32768x128xf32, #tpu.memory_space<hbm>> -> memref<128x128xf32, #tpu.memory_space<hbm>>
      tpu.enqueue_dma source(%arg15 : memref<128x128xf32, #tpu.memory_space<vmem_shared>>) target(%dma_start3A_631 : memref<128x128xf32, #tpu.memory_space<hbm>>) target_semaphore(%arg18 : memref<!tpu.dma_semaphore, #tpu.memory_space<semaphore_mem>>)
    } else {
    }
    %gt3A_413 = arith.constant 0 : i32
    %gt3A_414 = arith.cmpi sgt, %min3A_203, %gt3A_413 : i32
    %convert_element_type3A_415 = arith.extui %gt3A_414 : i1 to i32
    %cond3A_416 = arith.constant 0 : i32
    %cond3A_417 = arith.cmpi ne, %convert_element_type3A_415, %cond3A_416 : i32
    scf.if %cond3A_417 {
      %dma_wait3A_628 = arith.constant 2 : i32
      %dma_wait3A_629 = arith.constant 0 : i32
      %dma_wait3A_630 = tpu.memref_slice %arg8[%dma_wait3A_628, %dma_wait3A_629] : memref<8x128xi32, #tpu.memory_space<vmem>> -> memref<1x128xi32, #tpu.memory_space<vmem>>
      %dma_wait3A_631 = tpu.memref_squeeze %dma_wait3A_630 : memref<1x128xi32, #tpu.memory_space<vmem>> -> memref<128xi32, #tpu.memory_space<vmem>>
      %dma_wait3A_632 = arith.constant 0 : i32
      %dma_wait3A_633 = arith.constant 0 : i32
      %dma_wait3A_634 = tpu.memref_slice %arg5[%dma_wait3A_632, %dma_wait3A_633] : memref<100000x128xf32, #tpu.memory_space<hbm>> -> memref<100000x128xf32, #tpu.memory_space<hbm>>
      tpu.wait_indirect_dma semaphore(%arg19 : memref<!tpu.dma_semaphore, #tpu.memory_space<semaphore_mem>>) src(%dma_wait3A_634 : memref<100000x128xf32, #tpu.memory_space<hbm>>) dst(%arg11 : memref<128x128xf32, #tpu.memory_space<vmem>>)
    } else {
    }
    %gt3A_418 = arith.constant 0 : i32
    %gt3A_419 = arith.cmpi sgt, %min3A, %gt3A_418 : i32
    %convert_element_type3A_420 = arith.extui %gt3A_419 : i1 to i32
    %cond3A_421 = arith.constant 0 : i32
    %cond3A_422 = arith.cmpi ne, %convert_element_type3A_420, %cond3A_421 : i32
    scf.if %cond3A_422 {
      %mul3A_628 = arith.constant 128 : i32
      %mul3A_629 = arith.muli %add3A_66, %mul3A_628 : i32
      %dma_wait3A_630 = arith.constant 0 : i32
      %dma_wait3A_631 = tpu.memref_slice %arg7[%mul3A_629, %dma_wait3A_630] : memref<32768x128xf32, #tpu.memory_space<hbm>> -> memref<128x128xf32, #tpu.memory_space<hbm>>
      %dma_wait3A_632 = arith.constant 0 : i32
      %dma_wait3A_633 = tpu.memref_slice %arg7[%mul3A_629, %dma_wait3A_632] : memref<32768x128xf32, #tpu.memory_space<hbm>> -> memref<128x128xf32, #tpu.memory_space<hbm>>
      tpu.wait_dma2 semaphore(%arg24 : memref<!tpu.dma_semaphore, #tpu.memory_space<semaphore_mem>>) src(%arg9 : memref<128x128xf32, #tpu.memory_space<vmem>>) dst(%dma_wait3A_633 : memref<128x128xf32, #tpu.memory_space<hbm>>)
    } else {
    }
    %gt3A_423 = arith.constant 0 : i32
    %gt3A_424 = arith.cmpi sgt, %min3A_227, %gt3A_423 : i32
    %convert_element_type3A_425 = arith.extui %gt3A_424 : i1 to i32
    %cond3A_426 = arith.constant 0 : i32
    %cond3A_427 = arith.cmpi ne, %convert_element_type3A_425, %cond3A_426 : i32
    scf.if %cond3A_427 {
      %mul3A_628 = arith.constant 128 : i32
      %mul3A_629 = arith.muli %rem3A_51, %mul3A_628 : i32
      %dma_start3A_630 = arith.constant 0 : i32
      %dma_start3A_631 = tpu.memref_slice %arg14[%mul3A_629, %dma_start3A_630] : memref<2048x128xf32, #tpu.memory_space<vmem_shared>> -> memref<128x128xf32, #tpu.memory_space<vmem_shared>>
      %dma_start3A_632 = arith.constant 0 : i32
      %dma_start3A_633 = tpu.memref_slice %arg14[%mul3A_629, %dma_start3A_632] : memref<2048x128xf32, #tpu.memory_space<vmem_shared>> -> memref<128x128xf32, #tpu.memory_space<vmem_shared>>
      tpu.enqueue_dma source(%dma_start3A_633 : memref<128x128xf32, #tpu.memory_space<vmem_shared>>) target(%arg9 : memref<128x128xf32, #tpu.memory_space<vmem>>) target_semaphore(%arg20 : memref<!tpu.dma_semaphore, #tpu.memory_space<semaphore_mem>>)
    } else {
    }
    %gt3A_428 = arith.constant 0 : i32
    %gt3A_429 = arith.cmpi sgt, %min3A_215, %gt3A_428 : i32
    %convert_element_type3A_430 = arith.extui %gt3A_429 : i1 to i32
    %cond3A_431 = arith.constant 0 : i32
    %cond3A_432 = arith.cmpi ne, %convert_element_type3A_430, %cond3A_431 : i32
    scf.if %cond3A_432 {
      %mul3A_628 = arith.constant 128 : i32
      %mul3A_629 = arith.muli %rem3A_47, %mul3A_628 : i32
      %dma_wait3A_630 = arith.constant 0 : i32
      %dma_wait3A_631 = tpu.memref_slice %arg14[%mul3A_629, %dma_wait3A_630] : memref<2048x128xf32, #tpu.memory_space<vmem_shared>> -> memref<128x128xf32, #tpu.memory_space<vmem_shared>>
      %dma_wait3A_632 = arith.constant 0 : i32
      %dma_wait3A_633 = tpu.memref_slice %arg14[%mul3A_629, %dma_wait3A_632] : memref<2048x128xf32, #tpu.memory_space<vmem_shared>> -> memref<128x128xf32, #tpu.memory_space<vmem_shared>>
      tpu.wait_dma2 semaphore(%arg23 : memref<!tpu.dma_semaphore, #tpu.memory_space<semaphore_mem>>) src(%dma_wait3A_633 : memref<128x128xf32, #tpu.memory_space<vmem_shared>>) dst(%arg12 : memref<128x128xf32, #tpu.memory_space<vmem>>)
      %dma_start3A_634 = arith.constant 3 : i32
      %dma_start3A_635 = arith.constant 0 : i32
      %dma_start3A_636 = tpu.memref_slice %arg8[%dma_start3A_634, %dma_start3A_635] : memref<8x128xi32, #tpu.memory_space<vmem>> -> memref<1x128xi32, #tpu.memory_space<vmem>>
      %dma_start3A_637 = tpu.memref_squeeze %dma_start3A_636 : memref<1x128xi32, #tpu.memory_space<vmem>> -> memref<128xi32, #tpu.memory_space<vmem>>
      %dma_start3A_638 = arith.constant 0 : i32
      %dma_start3A_639 = arith.constant 0 : i32
      %dma_start3A_640 = tpu.memref_slice %arg5[%dma_start3A_638, %dma_start3A_639] : memref<100000x128xf32, #tpu.memory_space<hbm>> -> memref<100000x128xf32, #tpu.memory_space<hbm>>
      tpu.enqueue_indirect_dma source(%dma_start3A_640 : memref<100000x128xf32, #tpu.memory_space<hbm>>) target(%arg12 : memref<128x128xf32, #tpu.memory_space<vmem>>) offsets(%dma_start3A_637 : memref<128xi32, #tpu.memory_space<vmem>>) semaphore(%arg19 : memref<!tpu.dma_semaphore, #tpu.memory_space<semaphore_mem>>) {add = true}
    } else {
    }
    %gt3A_433 = arith.constant 0 : i32
    %gt3A_434 = arith.cmpi sgt, %min3A_203, %gt3A_433 : i32
    %convert_element_type3A_435 = arith.extui %gt3A_434 : i1 to i32
    %cond3A_436 = arith.constant 0 : i32
    %cond3A_437 = arith.cmpi ne, %convert_element_type3A_435, %cond3A_436 : i32
    scf.if %cond3A_437 {
      %while3A = arith.constant 0 : i32
      %while3A_628 = arith.constant 0 : i32
      %while3A_629 = arith.subi %min3A_203, %while3A_628 : i32
      %while3A_630 = arith.addi %while3A_628, %while3A_629 : i32
      %while3A_631 = arith.constant 1 : i32
      %while3A_632 = arith.divsi %while3A_629, %while3A_631 : i32
      %while3A_633 = arith.muli %while3A_632, %while3A_631 : i32
      %while3A_634 = arith.addi %while3A_628, %while3A_633 : i32
      %while3A_635 = arith.constant 1 : i32
      scf.for %while3A_653 = %while3A_628 to %while3A_634 step %while3A_635  : i32 {
        %get3A_654 = arith.index_cast %while3A_653 : i32 to index
        %get3A_655 = arith.constant 0 : index
        %get3A_656 = tpu.vector_load %arg11[%get3A_654, %get3A_655] {strides = array<i32>} : memref<128x128xf32, #tpu.memory_space<vmem>>, vector<1x16xf32>,
        %get3A_657 = vector.shape_cast %get3A_656 : vector<1x16xf32> to vector<16xf32>
        %mul3A_658 = arith.constant 0.0883883461 : f32
        %mul3A_659 = vector.broadcast %mul3A_658 : f32 to vector<16xf32>
        %mul3A_660 = arith.mulf %get3A_657, %mul3A_659 : vector<16xf32>
        %swap3A = arith.index_cast %while3A_653 : i32 to index
        %swap3A_661 = arith.constant 0 : index
        %swap3A_662 = tpu.vector_load %arg11[%swap3A, %swap3A_661] {strides = array<i32>} : memref<128x128xf32, #tpu.memory_space<vmem>>, vector<1x16xf32>,
        %swap3A_663 = vector.shape_cast %swap3A_662 : vector<1x16xf32> to vector<16xf32>
        %swap3A_664 = vector.shape_cast %mul3A_660 : vector<16xf32> to vector<1x16xf32>
        tpu.vector_store %arg11[%swap3A, %swap3A_661], %swap3A_664 {strides = array<i32>} : memref<128x128xf32, #tpu.memory_space<vmem>>, vector<1x16xf32>,
        %get3A_665 = arith.index_cast %while3A_653 : i32 to index
        %get3A_666 = arith.constant 16 : index
        %get3A_667 = tpu.vector_load %arg11[%get3A_665, %get3A_666] {strides = array<i32>} : memref<128x128xf32, #tpu.memory_space<vmem>>, vector<1x16xf32>,
        %get3A_668 = vector.shape_cast %get3A_667 : vector<1x16xf32> to vector<16xf32>
        %mul3A_669 = arith.constant 0.0883883461 : f32
        %mul3A_670 = vector.broadcast %mul3A_669 : f32 to vector<16xf32>
        %mul3A_671 = arith.mulf %get3A_668, %mul3A_670 : vector<16xf32>
        %swap3A_672 = arith.index_cast %while3A_653 : i32 to index
        %swap3A_673 = arith.constant 16 : index
        %swap3A_674 = tpu.vector_load %arg11[%swap3A_672, %swap3A_673] {strides = array<i32>} : memref<128x128xf32, #tpu.memory_space<vmem>>, vector<1x16xf32>,
        %swap3A_675 = vector.shape_cast %swap3A_674 : vector<1x16xf32> to vector<16xf32>
        %swap3A_676 = vector.shape_cast %mul3A_671 : vector<16xf32> to vector<1x16xf32>
        tpu.vector_store %arg11[%swap3A_672, %swap3A_673], %swap3A_676 {strides = array<i32>} : memref<128x128xf32, #tpu.memory_space<vmem>>, vector<1x16xf32>,
        %get3A_677 = arith.index_cast %while3A_653 : i32 to index
        %get3A_678 = arith.constant 32 : index
        %get3A_679 = tpu.vector_load %arg11[%get3A_677, %get3A_678] {strides = array<i32>} : memref<128x128xf32, #tpu.memory_space<vmem>>, vector<1x16xf32>,
        %get3A_680 = vector.shape_cast %get3A_679 : vector<1x16xf32> to vector<16xf32>
        %mul3A_681 = arith.constant 0.0883883461 : f32
        %mul3A_682 = vector.broadcast %mul3A_681 : f32 to vector<16xf32>
        %mul3A_683 = arith.mulf %get3A_680, %mul3A_682 : vector<16xf32>
        %swap3A_684 = arith.index_cast %while3A_653 : i32 to index
        %swap3A_685 = arith.constant 32 : index
        %swap3A_686 = tpu.vector_load %arg11[%swap3A_684, %swap3A_685] {strides = array<i32>} : memref<128x128xf32, #tpu.memory_space<vmem>>, vector<1x16xf32>,
        %swap3A_687 = vector.shape_cast %swap3A_686 : vector<1x16xf32> to vector<16xf32>
        %swap3A_688 = vector.shape_cast %mul3A_683 : vector<16xf32> to vector<1x16xf32>
        tpu.vector_store %arg11[%swap3A_684, %swap3A_685], %swap3A_688 {strides = array<i32>} : memref<128x128xf32, #tpu.memory_space<vmem>>, vector<1x16xf32>,
        %get3A_689 = arith.index_cast %while3A_653 : i32 to index
        %get3A_690 = arith.constant 48 : index
        %get3A_691 = tpu.vector_load %arg11[%get3A_689, %get3A_690] {strides = array<i32>} : memref<128x128xf32, #tpu.memory_space<vmem>>, vector<1x16xf32>,
        %get3A_692 = vector.shape_cast %get3A_691 : vector<1x16xf32> to vector<16xf32>
        %mul3A_693 = arith.constant 0.0883883461 : f32
        %mul3A_694 = vector.broadcast %mul3A_693 : f32 to vector<16xf32>
        %mul3A_695 = arith.mulf %get3A_692, %mul3A_694 : vector<16xf32>
        %swap3A_696 = arith.index_cast %while3A_653 : i32 to index
        %swap3A_697 = arith.constant 48 : index
        %swap3A_698 = tpu.vector_load %arg11[%swap3A_696, %swap3A_697] {strides = array<i32>} : memref<128x128xf32, #tpu.memory_space<vmem>>, vector<1x16xf32>,
        %swap3A_699 = vector.shape_cast %swap3A_698 : vector<1x16xf32> to vector<16xf32>
        %swap3A_700 = vector.shape_cast %mul3A_695 : vector<16xf32> to vector<1x16xf32>
        tpu.vector_store %arg11[%swap3A_696, %swap3A_697], %swap3A_700 {strides = array<i32>} : memref<128x128xf32, #tpu.memory_space<vmem>>, vector<1x16xf32>,
        %get3A_701 = arith.index_cast %while3A_653 : i32 to index
        %get3A_702 = arith.constant 64 : index
        %get3A_703 = tpu.vector_load %arg11[%get3A_701, %get3A_702] {strides = array<i32>} : memref<128x128xf32, #tpu.memory_space<vmem>>, vector<1x16xf32>,
        %get3A_704 = vector.shape_cast %get3A_703 : vector<1x16xf32> to vector<16xf32>
        %mul3A_705 = arith.constant 0.0883883461 : f32
        %mul3A_706 = vector.broadcast %mul3A_705 : f32 to vector<16xf32>
        %mul3A_707 = arith.mulf %get3A_704, %mul3A_706 : vector<16xf32>
        %swap3A_708 = arith.index_cast %while3A_653 : i32 to index
        %swap3A_709 = arith.constant 64 : index
        %swap3A_710 = tpu.vector_load %arg11[%swap3A_708, %swap3A_709] {strides = array<i32>} : memref<128x128xf32, #tpu.memory_space<vmem>>, vector<1x16xf32>,
        %swap3A_711 = vector.shape_cast %swap3A_710 : vector<1x16xf32> to vector<16xf32>
        %swap3A_712 = vector.shape_cast %mul3A_707 : vector<16xf32> to vector<1x16xf32>
        tpu.vector_store %arg11[%swap3A_708, %swap3A_709], %swap3A_712 {strides = array<i32>} : memref<128x128xf32, #tpu.memory_space<vmem>>, vector<1x16xf32>,
        %get3A_713 = arith.index_cast %while3A_653 : i32 to index
        %get3A_714 = arith.constant 80 : index
        %get3A_715 = tpu.vector_load %arg11[%get3A_713, %get3A_714] {strides = array<i32>} : memref<128x128xf32, #tpu.memory_space<vmem>>, vector<1x16xf32>,
        %get3A_716 = vector.shape_cast %get3A_715 : vector<1x16xf32> to vector<16xf32>
        %mul3A_717 = arith.constant 0.0883883461 : f32
        %mul3A_718 = vector.broadcast %mul3A_717 : f32 to vector<16xf32>
        %mul3A_719 = arith.mulf %get3A_716, %mul3A_718 : vector<16xf32>
        %swap3A_720 = arith.index_cast %while3A_653 : i32 to index
        %swap3A_721 = arith.constant 80 : index
        %swap3A_722 = tpu.vector_load %arg11[%swap3A_720, %swap3A_721] {strides = array<i32>} : memref<128x128xf32, #tpu.memory_space<vmem>>, vector<1x16xf32>,
        %swap3A_723 = vector.shape_cast %swap3A_722 : vector<1x16xf32> to vector<16xf32>
        %swap3A_724 = vector.shape_cast %mul3A_719 : vector<16xf32> to vector<1x16xf32>
        tpu.vector_store %arg11[%swap3A_720, %swap3A_721], %swap3A_724 {strides = array<i32>} : memref<128x128xf32, #tpu.memory_space<vmem>>, vector<1x16xf32>,
        %get3A_725 = arith.index_cast %while3A_653 : i32 to index
        %get3A_726 = arith.constant 96 : index
        %get3A_727 = tpu.vector_load %arg11[%get3A_725, %get3A_726] {strides = array<i32>} : memref<128x128xf32, #tpu.memory_space<vmem>>, vector<1x16xf32>,
        %get3A_728 = vector.shape_cast %get3A_727 : vector<1x16xf32> to vector<16xf32>
        %mul3A_729 = arith.constant 0.0883883461 : f32
        %mul3A_730 = vector.broadcast %mul3A_729 : f32 to vector<16xf32>
        %mul3A_731 = arith.mulf %get3A_728, %mul3A_730 : vector<16xf32>
        %swap3A_732 = arith.index_cast %while3A_653 : i32 to index
        %swap3A_733 = arith.constant 96 : index
        %swap3A_734 = tpu.vector_load %arg11[%swap3A_732, %swap3A_733] {strides = array<i32>} : memref<128x128xf32, #tpu.memory_space<vmem>>, vector<1x16xf32>,
        %swap3A_735 = vector.shape_cast %swap3A_734 : vector<1x16xf32> to vector<16xf32>
        %swap3A_736 = vector.shape_cast %mul3A_731 : vector<16xf32> to vector<1x16xf32>
        tpu.vector_store %arg11[%swap3A_732, %swap3A_733], %swap3A_736 {strides = array<i32>} : memref<128x128xf32, #tpu.memory_space<vmem>>, vector<1x16xf32>,
        %get3A_737 = arith.index_cast %while3A_653 : i32 to index
        %get3A_738 = arith.constant 112 : index
        %get3A_739 = tpu.vector_load %arg11[%get3A_737, %get3A_738] {strides = array<i32>} : memref<128x128xf32, #tpu.memory_space<vmem>>, vector<1x16xf32>,
        %get3A_740 = vector.shape_cast %get3A_739 : vector<1x16xf32> to vector<16xf32>
        %mul3A_741 = arith.constant 0.0883883461 : f32
        %mul3A_742 = vector.broadcast %mul3A_741 : f32 to vector<16xf32>
        %mul3A_743 = arith.mulf %get3A_740, %mul3A_742 : vector<16xf32>
        %swap3A_744 = arith.index_cast %while3A_653 : i32 to index
        %swap3A_745 = arith.constant 112 : index
        %swap3A_746 = tpu.vector_load %arg11[%swap3A_744, %swap3A_745] {strides = array<i32>} : memref<128x128xf32, #tpu.memory_space<vmem>>, vector<1x16xf32>,
        %swap3A_747 = vector.shape_cast %swap3A_746 : vector<1x16xf32> to vector<16xf32>
        %swap3A_748 = vector.shape_cast %mul3A_743 : vector<16xf32> to vector<1x16xf32>
        tpu.vector_store %arg11[%swap3A_744, %swap3A_745], %swap3A_748 {strides = array<i32>} : memref<128x128xf32, #tpu.memory_space<vmem>>, vector<1x16xf32>,
      }
      %while3A_636 = arith.constant 1 : i32
      scf.for %while3A_653 = %while3A_634 to %while3A_630 step %while3A_636  : i32 {
        %get3A_654 = arith.index_cast %while3A_653 : i32 to index
        %get3A_655 = arith.constant 0 : index
        %get3A_656 = tpu.vector_load %arg11[%get3A_654, %get3A_655] {strides = array<i32>} : memref<128x128xf32, #tpu.memory_space<vmem>>, vector<1x16xf32>,
        %get3A_657 = vector.shape_cast %get3A_656 : vector<1x16xf32> to vector<16xf32>
        %mul3A_658 = arith.constant 0.0883883461 : f32
        %mul3A_659 = vector.broadcast %mul3A_658 : f32 to vector<16xf32>
        %mul3A_660 = arith.mulf %get3A_657, %mul3A_659 : vector<16xf32>
        %swap3A = arith.index_cast %while3A_653 : i32 to index
        %swap3A_661 = arith.constant 0 : index
        %swap3A_662 = tpu.vector_load %arg11[%swap3A, %swap3A_661] {strides = array<i32>} : memref<128x128xf32, #tpu.memory_space<vmem>>, vector<1x16xf32>,
        %swap3A_663 = vector.shape_cast %swap3A_662 : vector<1x16xf32> to vector<16xf32>
        %swap3A_664 = vector.shape_cast %mul3A_660 : vector<16xf32> to vector<1x16xf32>
        tpu.vector_store %arg11[%swap3A, %swap3A_661], %swap3A_664 {strides = array<i32>} : memref<128x128xf32, #tpu.memory_space<vmem>>, vector<1x16xf32>,
        %get3A_665 = arith.index_cast %while3A_653 : i32 to index
        %get3A_666 = arith.constant 16 : index
        %get3A_667 = tpu.vector_load %arg11[%get3A_665, %get3A_666] {strides = array<i32>} : memref<128x128xf32, #tpu.memory_space<vmem>>, vector<1x16xf32>,
        %get3A_668 = vector.shape_cast %get3A_667 : vector<1x16xf32> to vector<16xf32>
        %mul3A_669 = arith.constant 0.0883883461 : f32
        %mul3A_670 = vector.broadcast %mul3A_669 : f32 to vector<16xf32>
        %mul3A_671 = arith.mulf %get3A_668, %mul3A_670 : vector<16xf32>
        %swap3A_672 = arith.index_cast %while3A_653 : i32 to index
        %swap3A_673 = arith.constant 16 : index
        %swap3A_674 = tpu.vector_load %arg11[%swap3A_672, %swap3A_673] {strides = array<i32>} : memref<128x128xf32, #tpu.memory_space<vmem>>, vector<1x16xf32>,
        %swap3A_675 = vector.shape_cast %swap3A_674 : vector<1x16xf32> to vector<16xf32>
        %swap3A_676 = vector.shape_cast %mul3A_671 : vector<16xf32> to vector<1x16xf32>
        tpu.vector_store %arg11[%swap3A_672, %swap3A_673], %swap3A_676 {strides = array<i32>} : memref<128x128xf32, #tpu.memory_space<vmem>>, vector<1x16xf32>,
        %get3A_677 = arith.index_cast %while3A_653 : i32 to index
        %get3A_678 = arith.constant 32 : index
        %get3A_679 = tpu.vector_load %arg11[%get3A_677, %get3A_678] {strides = array<i32>} : memref<128x128xf32, #tpu.memory_space<vmem>>, vector<1x16xf32>,
        %get3A_680 = vector.shape_cast %get3A_679 : vector<1x16xf32> to vector<16xf32>
        %mul3A_681 = arith.constant 0.0883883461 : f32
        %mul3A_682 = vector.broadcast %mul3A_681 : f32 to vector<16xf32>
        %mul3A_683 = arith.mulf %get3A_680, %mul3A_682 : vector<16xf32>
        %swap3A_684 = arith.index_cast %while3A_653 : i32 to index
        %swap3A_685 = arith.constant 32 : index
        %swap3A_686 = tpu.vector_load %arg11[%swap3A_684, %swap3A_685] {strides = array<i32>} : memref<128x128xf32, #tpu.memory_space<vmem>>, vector<1x16xf32>,
        %swap3A_687 = vector.shape_cast %swap3A_686 : vector<1x16xf32> to vector<16xf32>
        %swap3A_688 = vector.shape_cast %mul3A_683 : vector<16xf32> to vector<1x16xf32>
        tpu.vector_store %arg11[%swap3A_684, %swap3A_685], %swap3A_688 {strides = array<i32>} : memref<128x128xf32, #tpu.memory_space<vmem>>, vector<1x16xf32>,
        %get3A_689 = arith.index_cast %while3A_653 : i32 to index
        %get3A_690 = arith.constant 48 : index
        %get3A_691 = tpu.vector_load %arg11[%get3A_689, %get3A_690] {strides = array<i32>} : memref<128x128xf32, #tpu.memory_space<vmem>>, vector<1x16xf32>,
        %get3A_692 = vector.shape_cast %get3A_691 : vector<1x16xf32> to vector<16xf32>
        %mul3A_693 = arith.constant 0.0883883461 : f32
        %mul3A_694 = vector.broadcast %mul3A_693 : f32 to vector<16xf32>
        %mul3A_695 = arith.mulf %get3A_692, %mul3A_694 : vector<16xf32>
        %swap3A_696 = arith.index_cast %while3A_653 : i32 to index
        %swap3A_697 = arith.constant 48 : index
        %swap3A_698 = tpu.vector_load %arg11[%swap3A_696, %swap3A_697] {strides = array<i32>} : memref<128x128xf32, #tpu.memory_space<vmem>>, vector<1x16xf32>,
        %swap3A_699 = vector.shape_cast %swap3A_698 : vector<1x16xf32> to vector<16xf32>
        %swap3A_700 = vector.shape_cast %mul3A_695 : vector<16xf32> to vector<1x16xf32>
        tpu.vector_store %arg11[%swap3A_696, %swap3A_697], %swap3A_700 {strides = array<i32>} : memref<128x128xf32, #tpu.memory_space<vmem>>, vector<1x16xf32>,
        %get3A_701 = arith.index_cast %while3A_653 : i32 to index
        %get3A_702 = arith.constant 64 : index
        %get3A_703 = tpu.vector_load %arg11[%get3A_701, %get3A_702] {strides = array<i32>} : memref<128x128xf32, #tpu.memory_space<vmem>>, vector<1x16xf32>,
        %get3A_704 = vector.shape_cast %get3A_703 : vector<1x16xf32> to vector<16xf32>
        %mul3A_705 = arith.constant 0.0883883461 : f32
        %mul3A_706 = vector.broadcast %mul3A_705 : f32 to vector<16xf32>
        %mul3A_707 = arith.mulf %get3A_704, %mul3A_706 : vector<16xf32>
        %swap3A_708 = arith.index_cast %while3A_653 : i32 to index
        %swap3A_709 = arith.constant 64 : index
        %swap3A_710 = tpu.vector_load %arg11[%swap3A_708, %swap3A_709] {strides = array<i32>} : memref<128x128xf32, #tpu.memory_space<vmem>>, vector<1x16xf32>,
        %swap3A_711 = vector.shape_cast %swap3A_710 : vector<1x16xf32> to vector<16xf32>
        %swap3A_712 = vector.shape_cast %mul3A_707 : vector<16xf32> to vector<1x16xf32>
        tpu.vector_store %arg11[%swap3A_708, %swap3A_709], %swap3A_712 {strides = array<i32>} : memref<128x128xf32, #tpu.memory_space<vmem>>, vector<1x16xf32>,
        %get3A_713 = arith.index_cast %while3A_653 : i32 to index
        %get3A_714 = arith.constant 80 : index
        %get3A_715 = tpu.vector_load %arg11[%get3A_713, %get3A_714] {strides = array<i32>} : memref<128x128xf32, #tpu.memory_space<vmem>>, vector<1x16xf32>,
        %get3A_716 = vector.shape_cast %get3A_715 : vector<1x16xf32> to vector<16xf32>
        %mul3A_717 = arith.constant 0.0883883461 : f32
        %mul3A_718 = vector.broadcast %mul3A_717 : f32 to vector<16xf32>
        %mul3A_719 = arith.mulf %get3A_716, %mul3A_718 : vector<16xf32>
        %swap3A_720 = arith.index_cast %while3A_653 : i32 to index
        %swap3A_721 = arith.constant 80 : index
        %swap3A_722 = tpu.vector_load %arg11[%swap3A_720, %swap3A_721] {strides = array<i32>} : memref<128x128xf32, #tpu.memory_space<vmem>>, vector<1x16xf32>,
        %swap3A_723 = vector.shape_cast %swap3A_722 : vector<1x16xf32> to vector<16xf32>
        %swap3A_724 = vector.shape_cast %mul3A_719 : vector<16xf32> to vector<1x16xf32>
        tpu.vector_store %arg11[%swap3A_720, %swap3A_721], %swap3A_724 {strides = array<i32>} : memref<128x128xf32, #tpu.memory_space<vmem>>, vector<1x16xf32>,
        %get3A_725 = arith.index_cast %while3A_653 : i32 to index
        %get3A_726 = arith.constant 96 : index
        %get3A_727 = tpu.vector_load %arg11[%get3A_725, %get3A_726] {strides = array<i32>} : memref<128x128xf32, #tpu.memory_space<vmem>>, vector<1x16xf32>,
        %get3A_728 = vector.shape_cast %get3A_727 : vector<1x16xf32> to vector<16xf32>
        %mul3A_729 = arith.constant 0.0883883461 : f32
        %mul3A_730 = vector.broadcast %mul3A_729 : f32 to vector<16xf32>
        %mul3A_731 = arith.mulf %get3A_728, %mul3A_730 : vector<16xf32>
        %swap3A_732 = arith.index_cast %while3A_653 : i32 to index
        %swap3A_733 = arith.constant 96 : index
        %swap3A_734 = tpu.vector_load %arg11[%swap3A_732, %swap3A_733] {strides = array<i32>} : memref<128x128xf32, #tpu.memory_space<vmem>>, vector<1x16xf32>,
        %swap3A_735 = vector.shape_cast %swap3A_734 : vector<1x16xf32> to vector<16xf32>
        %swap3A_736 = vector.shape_cast %mul3A_731 : vector<16xf32> to vector<1x16xf32>
        tpu.vector_store %arg11[%swap3A_732, %swap3A_733], %swap3A_736 {strides = array<i32>} : memref<128x128xf32, #tpu.memory_space<vmem>>, vector<1x16xf32>,
        %get3A_737 = arith.index_cast %while3A_653 : i32 to index
        %get3A_738 = arith.constant 112 : index
        %get3A_739 = tpu.vector_load %arg11[%get3A_737, %get3A_738] {strides = array<i32>} : memref<128x128xf32, #tpu.memory_space<vmem>>, vector<1x16xf32>,
        %get3A_740 = vector.shape_cast %get3A_739 : vector<1x16xf32> to vector<16xf32>
        %mul3A_741 = arith.constant 0.0883883461 : f32
        %mul3A_742 = vector.broadcast %mul3A_741 : f32 to vector<16xf32>
        %mul3A_743 = arith.mulf %get3A_740, %mul3A_742 : vector<16xf32>
        %swap3A_744 = arith.index_cast %while3A_653 : i32 to index
        %swap3A_745 = arith.constant 112 : index
        %swap3A_746 = tpu.vector_load %arg11[%swap3A_744, %swap3A_745] {strides = array<i32>} : memref<128x128xf32, #tpu.memory_space<vmem>>, vector<1x16xf32>,
        %swap3A_747 = vector.shape_cast %swap3A_746 : vector<1x16xf32> to vector<16xf32>
        %swap3A_748 = vector.shape_cast %mul3A_743 : vector<16xf32> to vector<1x16xf32>
        tpu.vector_store %arg11[%swap3A_744, %swap3A_745], %swap3A_748 {strides = array<i32>} : memref<128x128xf32, #tpu.memory_space<vmem>>, vector<1x16xf32>,
      }
      %while3A_637 = arith.constant 0 : i32
      %while3A_638 = arith.constant 128 : i32
      %while3A_639 = arith.subi %while3A_638, %min3A_203 : i32
      %while3A_640 = arith.addi %min3A_203, %while3A_639 : i32
      %while3A_641 = arith.constant 1 : i32
      %while3A_642 = arith.divsi %while3A_639, %while3A_641 : i32
      %while3A_643 = arith.muli %while3A_642, %while3A_641 : i32
      %while3A_644 = arith.addi %min3A_203, %while3A_643 : i32
      %while3A_645 = arith.constant 1 : i32
      scf.for %while3A_653 = %min3A_203 to %while3A_644 step %while3A_645  : i32 {
        %swap3A = arith.index_cast %while3A_653 : i32 to index
        %swap3A_654 = arith.constant 0 : index
        %swap3A_655 = tpu.vector_load %arg11[%swap3A, %swap3A_654] {strides = array<i32>} : memref<128x128xf32, #tpu.memory_space<vmem>>, vector<1x16xf32>,
        %swap3A_656 = vector.shape_cast %swap3A_655 : vector<1x16xf32> to vector<16xf32>
        %swap3A_657 = vector.shape_cast %broadcast_in_dim3A_269 : vector<16xf32> to vector<1x16xf32>
        tpu.vector_store %arg11[%swap3A, %swap3A_654], %swap3A_657 {strides = array<i32>} : memref<128x128xf32, #tpu.memory_space<vmem>>, vector<1x16xf32>,
        %swap3A_658 = arith.index_cast %while3A_653 : i32 to index
        %swap3A_659 = arith.constant 16 : index
        %swap3A_660 = tpu.vector_load %arg11[%swap3A_658, %swap3A_659] {strides = array<i32>} : memref<128x128xf32, #tpu.memory_space<vmem>>, vector<1x16xf32>,
        %swap3A_661 = vector.shape_cast %swap3A_660 : vector<1x16xf32> to vector<16xf32>
        %swap3A_662 = vector.shape_cast %broadcast_in_dim3A_269 : vector<16xf32> to vector<1x16xf32>
        tpu.vector_store %arg11[%swap3A_658, %swap3A_659], %swap3A_662 {strides = array<i32>} : memref<128x128xf32, #tpu.memory_space<vmem>>, vector<1x16xf32>,
        %swap3A_663 = arith.index_cast %while3A_653 : i32 to index
        %swap3A_664 = arith.constant 32 : index
        %swap3A_665 = tpu.vector_load %arg11[%swap3A_663, %swap3A_664] {strides = array<i32>} : memref<128x128xf32, #tpu.memory_space<vmem>>, vector<1x16xf32>,
        %swap3A_666 = vector.shape_cast %swap3A_665 : vector<1x16xf32> to vector<16xf32>
        %swap3A_667 = vector.shape_cast %broadcast_in_dim3A_269 : vector<16xf32> to vector<1x16xf32>
        tpu.vector_store %arg11[%swap3A_663, %swap3A_664], %swap3A_667 {strides = array<i32>} : memref<128x128xf32, #tpu.memory_space<vmem>>, vector<1x16xf32>,
        %swap3A_668 = arith.index_cast %while3A_653 : i32 to index
        %swap3A_669 = arith.constant 48 : index
        %swap3A_670 = tpu.vector_load %arg11[%swap3A_668, %swap3A_669] {strides = array<i32>} : memref<128x128xf32, #tpu.memory_space<vmem>>, vector<1x16xf32>,
        %swap3A_671 = vector.shape_cast %swap3A_670 : vector<1x16xf32> to vector<16xf32>
        %swap3A_672 = vector.shape_cast %broadcast_in_dim3A_269 : vector<16xf32> to vector<1x16xf32>
        tpu.vector_store %arg11[%swap3A_668, %swap3A_669], %swap3A_672 {strides = array<i32>} : memref<128x128xf32, #tpu.memory_space<vmem>>, vector<1x16xf32>,
        %swap3A_673 = arith.index_cast %while3A_653 : i32 to index
        %swap3A_674 = arith.constant 64 : index
        %swap3A_675 = tpu.vector_load %arg11[%swap3A_673, %swap3A_674] {strides = array<i32>} : memref<128x128xf32, #tpu.memory_space<vmem>>, vector<1x16xf32>,
        %swap3A_676 = vector.shape_cast %swap3A_675 : vector<1x16xf32> to vector<16xf32>
        %swap3A_677 = vector.shape_cast %broadcast_in_dim3A_269 : vector<16xf32> to vector<1x16xf32>
        tpu.vector_store %arg11[%swap3A_673, %swap3A_674], %swap3A_677 {strides = array<i32>} : memref<128x128xf32, #tpu.memory_space<vmem>>, vector<1x16xf32>,
        %swap3A_678 = arith.index_cast %while3A_653 : i32 to index
        %swap3A_679 = arith.constant 80 : index
        %swap3A_680 = tpu.vector_load %arg11[%swap3A_678, %swap3A_679] {strides = array<i32>} : memref<128x128xf32, #tpu.memory_space<vmem>>, vector<1x16xf32>,
        %swap3A_681 = vector.shape_cast %swap3A_680 : vector<1x16xf32> to vector<16xf32>
        %swap3A_682 = vector.shape_cast %broadcast_in_dim3A_269 : vector<16xf32> to vector<1x16xf32>
        tpu.vector_store %arg11[%swap3A_678, %swap3A_679], %swap3A_682 {strides = array<i32>} : memref<128x128xf32, #tpu.memory_space<vmem>>, vector<1x16xf32>,
        %swap3A_683 = arith.index_cast %while3A_653 : i32 to index
        %swap3A_684 = arith.constant 96 : index
        %swap3A_685 = tpu.vector_load %arg11[%swap3A_683, %swap3A_684] {strides = array<i32>} : memref<128x128xf32, #tpu.memory_space<vmem>>, vector<1x16xf32>,
        %swap3A_686 = vector.shape_cast %swap3A_685 : vector<1x16xf32> to vector<16xf32>
        %swap3A_687 = vector.shape_cast %broadcast_in_dim3A_269 : vector<16xf32> to vector<1x16xf32>
        tpu.vector_store %arg11[%swap3A_683, %swap3A_684], %swap3A_687 {strides = array<i32>} : memref<128x128xf32, #tpu.memory_space<vmem>>, vector<1x16xf32>,
        %swap3A_688 = arith.index_cast %while3A_653 : i32 to index
        %swap3A_689 = arith.constant 112 : index
        %swap3A_690 = tpu.vector_load %arg11[%swap3A_688, %swap3A_689] {strides = array<i32>} : memref<128x128xf32, #tpu.memory_space<vmem>>, vector<1x16xf32>,
        %swap3A_691 = vector.shape_cast %swap3A_690 : vector<1x16xf32> to vector<16xf32>
        %swap3A_692 = vector.shape_cast %broadcast_in_dim3A_269 : vector<16xf32> to vector<1x16xf32>
        tpu.vector_store %arg11[%swap3A_688, %swap3A_689], %swap3A_692 {strides = array<i32>} : memref<128x128xf32, #tpu.memory_space<vmem>>, vector<1x16xf32>,
      }
      %while3A_646 = arith.constant 1 : i32
      scf.for %while3A_653 = %while3A_644 to %while3A_640 step %while3A_646  : i32 {
        %swap3A = arith.index_cast %while3A_653 : i32 to index
        %swap3A_654 = arith.constant 0 : index
        %swap3A_655 = tpu.vector_load %arg11[%swap3A, %swap3A_654] {strides = array<i32>} : memref<128x128xf32, #tpu.memory_space<vmem>>, vector<1x16xf32>,
        %swap3A_656 = vector.shape_cast %swap3A_655 : vector<1x16xf32> to vector<16xf32>
        %swap3A_657 = vector.shape_cast %broadcast_in_dim3A_269 : vector<16xf32> to vector<1x16xf32>
        tpu.vector_store %arg11[%swap3A, %swap3A_654], %swap3A_657 {strides = array<i32>} : memref<128x128xf32, #tpu.memory_space<vmem>>, vector<1x16xf32>,
        %swap3A_658 = arith.index_cast %while3A_653 : i32 to index
        %swap3A_659 = arith.constant 16 : index
        %swap3A_660 = tpu.vector_load %arg11[%swap3A_658, %swap3A_659] {strides = array<i32>} : memref<128x128xf32, #tpu.memory_space<vmem>>, vector<1x16xf32>,
        %swap3A_661 = vector.shape_cast %swap3A_660 : vector<1x16xf32> to vector<16xf32>
        %swap3A_662 = vector.shape_cast %broadcast_in_dim3A_269 : vector<16xf32> to vector<1x16xf32>
        tpu.vector_store %arg11[%swap3A_658, %swap3A_659], %swap3A_662 {strides = array<i32>} : memref<128x128xf32, #tpu.memory_space<vmem>>, vector<1x16xf32>,
        %swap3A_663 = arith.index_cast %while3A_653 : i32 to index
        %swap3A_664 = arith.constant 32 : index
        %swap3A_665 = tpu.vector_load %arg11[%swap3A_663, %swap3A_664] {strides = array<i32>} : memref<128x128xf32, #tpu.memory_space<vmem>>, vector<1x16xf32>,
        %swap3A_666 = vector.shape_cast %swap3A_665 : vector<1x16xf32> to vector<16xf32>
        %swap3A_667 = vector.shape_cast %broadcast_in_dim3A_269 : vector<16xf32> to vector<1x16xf32>
        tpu.vector_store %arg11[%swap3A_663, %swap3A_664], %swap3A_667 {strides = array<i32>} : memref<128x128xf32, #tpu.memory_space<vmem>>, vector<1x16xf32>,
        %swap3A_668 = arith.index_cast %while3A_653 : i32 to index
        %swap3A_669 = arith.constant 48 : index
        %swap3A_670 = tpu.vector_load %arg11[%swap3A_668, %swap3A_669] {strides = array<i32>} : memref<128x128xf32, #tpu.memory_space<vmem>>, vector<1x16xf32>,
        %swap3A_671 = vector.shape_cast %swap3A_670 : vector<1x16xf32> to vector<16xf32>
        %swap3A_672 = vector.shape_cast %broadcast_in_dim3A_269 : vector<16xf32> to vector<1x16xf32>
        tpu.vector_store %arg11[%swap3A_668, %swap3A_669], %swap3A_672 {strides = array<i32>} : memref<128x128xf32, #tpu.memory_space<vmem>>, vector<1x16xf32>,
        %swap3A_673 = arith.index_cast %while3A_653 : i32 to index
        %swap3A_674 = arith.constant 64 : index
        %swap3A_675 = tpu.vector_load %arg11[%swap3A_673, %swap3A_674] {strides = array<i32>} : memref<128x128xf32, #tpu.memory_space<vmem>>, vector<1x16xf32>,
        %swap3A_676 = vector.shape_cast %swap3A_675 : vector<1x16xf32> to vector<16xf32>
        %swap3A_677 = vector.shape_cast %broadcast_in_dim3A_269 : vector<16xf32> to vector<1x16xf32>
        tpu.vector_store %arg11[%swap3A_673, %swap3A_674], %swap3A_677 {strides = array<i32>} : memref<128x128xf32, #tpu.memory_space<vmem>>, vector<1x16xf32>,
        %swap3A_678 = arith.index_cast %while3A_653 : i32 to index
        %swap3A_679 = arith.constant 80 : index
        %swap3A_680 = tpu.vector_load %arg11[%swap3A_678, %swap3A_679] {strides = array<i32>} : memref<128x128xf32, #tpu.memory_space<vmem>>, vector<1x16xf32>,
        %swap3A_681 = vector.shape_cast %swap3A_680 : vector<1x16xf32> to vector<16xf32>
        %swap3A_682 = vector.shape_cast %broadcast_in_dim3A_269 : vector<16xf32> to vector<1x16xf32>
        tpu.vector_store %arg11[%swap3A_678, %swap3A_679], %swap3A_682 {strides = array<i32>} : memref<128x128xf32, #tpu.memory_space<vmem>>, vector<1x16xf32>,
        %swap3A_683 = arith.index_cast %while3A_653 : i32 to index
        %swap3A_684 = arith.constant 96 : index
        %swap3A_685 = tpu.vector_load %arg11[%swap3A_683, %swap3A_684] {strides = array<i32>} : memref<128x128xf32, #tpu.memory_space<vmem>>, vector<1x16xf32>,
        %swap3A_686 = vector.shape_cast %swap3A_685 : vector<1x16xf32> to vector<16xf32>
        %swap3A_687 = vector.shape_cast %broadcast_in_dim3A_269 : vector<16xf32> to vector<1x16xf32>
        tpu.vector_store %arg11[%swap3A_683, %swap3A_684], %swap3A_687 {strides = array<i32>} : memref<128x128xf32, #tpu.memory_space<vmem>>, vector<1x16xf32>,
        %swap3A_688 = arith.index_cast %while3A_653 : i32 to index
        %swap3A_689 = arith.constant 112 : index
        %swap3A_690 = tpu.vector_load %arg11[%swap3A_688, %swap3A_689] {strides = array<i32>} : memref<128x128xf32, #tpu.memory_space<vmem>>, vector<1x16xf32>,
        %swap3A_691 = vector.shape_cast %swap3A_690 : vector<1x16xf32> to vector<16xf32>
        %swap3A_692 = vector.shape_cast %broadcast_in_dim3A_269 : vector<16xf32> to vector<1x16xf32>
        tpu.vector_store %arg11[%swap3A_688, %swap3A_689], %swap3A_692 {strides = array<i32>} : memref<128x128xf32, #tpu.memory_space<vmem>>, vector<1x16xf32>,
      }
      %mul3A_647 = arith.constant 128 : i32
      %mul3A_648 = arith.muli %add3A_72, %mul3A_647 : i32
      %dma_start3A_649 = arith.constant 0 : i32
      %dma_start3A_650 = tpu.memref_slice %arg7[%mul3A_648, %dma_start3A_649] : memref<32768x128xf32, #tpu.memory_space<hbm>> -> memref<128x128xf32, #tpu.memory_space<hbm>>
      %dma_start3A_651 = arith.constant 0 : i32
      %dma_start3A_652 = tpu.memref_slice %arg7[%mul3A_648, %dma_start3A_651] : memref<32768x128xf32, #tpu.memory_space<hbm>> -> memref<128x128xf32, #tpu.memory_space<hbm>>
      tpu.enqueue_dma source(%arg11 : memref<128x128xf32, #tpu.memory_space<vmem>>) target(%dma_start3A_652 : memref<128x128xf32, #tpu.memory_space<hbm>>) target_semaphore(%arg26 : memref<!tpu.dma_semaphore, #tpu.memory_space<semaphore_mem>>)
    } else {
    }
    %le3A_438 = arith.constant 0 : i32
    %le3A_439 = arith.cmpi sle, %min3A_203, %le3A_438 : i32
    %convert_element_type3A_440 = arith.extui %le3A_439 : i1 to i32
    %cond3A_441 = arith.constant 0 : i32
    %cond3A_442 = arith.cmpi ne, %convert_element_type3A_440, %cond3A_441 : i32
    scf.if %cond3A_442 {
      %mul3A_628 = arith.constant 128 : i32
      %mul3A_629 = arith.muli %add3A_72, %mul3A_628 : i32
      %dma_start3A_630 = arith.constant 0 : i32
      %dma_start3A_631 = tpu.memref_slice %arg7[%mul3A_629, %dma_start3A_630] : memref<32768x128xf32, #tpu.memory_space<hbm>> -> memref<128x128xf32, #tpu.memory_space<hbm>>
      tpu.enqueue_dma source(%arg15 : memref<128x128xf32, #tpu.memory_space<vmem_shared>>) target(%dma_start3A_631 : memref<128x128xf32, #tpu.memory_space<hbm>>) target_semaphore(%arg18 : memref<!tpu.dma_semaphore, #tpu.memory_space<semaphore_mem>>)
    } else {
    }
    %gt3A_443 = arith.constant 0 : i32
    %gt3A_444 = arith.cmpi sgt, %min3A_215, %gt3A_443 : i32
    %convert_element_type3A_445 = arith.extui %gt3A_444 : i1 to i32
    %cond3A_446 = arith.constant 0 : i32
    %cond3A_447 = arith.cmpi ne, %convert_element_type3A_445, %cond3A_446 : i32
    scf.if %cond3A_447 {
      %dma_wait3A_628 = arith.constant 3 : i32
      %dma_wait3A_629 = arith.constant 0 : i32
      %dma_wait3A_630 = tpu.memref_slice %arg8[%dma_wait3A_628, %dma_wait3A_629] : memref<8x128xi32, #tpu.memory_space<vmem>> -> memref<1x128xi32, #tpu.memory_space<vmem>>
      %dma_wait3A_631 = tpu.memref_squeeze %dma_wait3A_630 : memref<1x128xi32, #tpu.memory_space<vmem>> -> memref<128xi32, #tpu.memory_space<vmem>>
      %dma_wait3A_632 = arith.constant 0 : i32
      %dma_wait3A_633 = arith.constant 0 : i32
      %dma_wait3A_634 = tpu.memref_slice %arg5[%dma_wait3A_632, %dma_wait3A_633] : memref<100000x128xf32, #tpu.memory_space<hbm>> -> memref<100000x128xf32, #tpu.memory_space<hbm>>
      tpu.wait_indirect_dma semaphore(%arg19 : memref<!tpu.dma_semaphore, #tpu.memory_space<semaphore_mem>>) src(%dma_wait3A_634 : memref<100000x128xf32, #tpu.memory_space<hbm>>) dst(%arg12 : memref<128x128xf32, #tpu.memory_space<vmem>>)
    } else {
    }
    %gt3A_448 = arith.constant 0 : i32
    %gt3A_449 = arith.cmpi sgt, %min3A_191, %gt3A_448 : i32
    %convert_element_type3A_450 = arith.extui %gt3A_449 : i1 to i32
    %cond3A_451 = arith.constant 0 : i32
    %cond3A_452 = arith.cmpi ne, %convert_element_type3A_450, %cond3A_451 : i32
    scf.if %cond3A_452 {
      %mul3A_628 = arith.constant 128 : i32
      %mul3A_629 = arith.muli %add3A_69, %mul3A_628 : i32
      %dma_wait3A_630 = arith.constant 0 : i32
      %dma_wait3A_631 = tpu.memref_slice %arg7[%mul3A_629, %dma_wait3A_630] : memref<32768x128xf32, #tpu.memory_space<hbm>> -> memref<128x128xf32, #tpu.memory_space<hbm>>
      %dma_wait3A_632 = arith.constant 0 : i32
      %dma_wait3A_633 = tpu.memref_slice %arg7[%mul3A_629, %dma_wait3A_632] : memref<32768x128xf32, #tpu.memory_space<hbm>> -> memref<128x128xf32, #tpu.memory_space<hbm>>
      tpu.wait_dma2 semaphore(%arg25 : memref<!tpu.dma_semaphore, #tpu.memory_space<semaphore_mem>>) src(%arg10 : memref<128x128xf32, #tpu.memory_space<vmem>>) dst(%dma_wait3A_633 : memref<128x128xf32, #tpu.memory_space<hbm>>)
    } else {
    }
    %gt3A_453 = arith.constant 0 : i32
    %gt3A_454 = arith.cmpi sgt, %min3A_239, %gt3A_453 : i32
    %convert_element_type3A_455 = arith.extui %gt3A_454 : i1 to i32
    %cond3A_456 = arith.constant 0 : i32
    %cond3A_457 = arith.cmpi ne, %convert_element_type3A_455, %cond3A_456 : i32
    scf.if %cond3A_457 {
      %mul3A_628 = arith.constant 128 : i32
      %mul3A_629 = arith.muli %rem3A_55, %mul3A_628 : i32
      %dma_start3A_630 = arith.constant 0 : i32
      %dma_start3A_631 = tpu.memref_slice %arg14[%mul3A_629, %dma_start3A_630] : memref<2048x128xf32, #tpu.memory_space<vmem_shared>> -> memref<128x128xf32, #tpu.memory_space<vmem_shared>>
      %dma_start3A_632 = arith.constant 0 : i32
      %dma_start3A_633 = tpu.memref_slice %arg14[%mul3A_629, %dma_start3A_632] : memref<2048x128xf32, #tpu.memory_space<vmem_shared>> -> memref<128x128xf32, #tpu.memory_space<vmem_shared>>
      tpu.enqueue_dma source(%dma_start3A_633 : memref<128x128xf32, #tpu.memory_space<vmem_shared>>) target(%arg10 : memref<128x128xf32, #tpu.memory_space<vmem>>) target_semaphore(%arg21 : memref<!tpu.dma_semaphore, #tpu.memory_space<semaphore_mem>>)
    } else {
    }
    %gt3A_458 = arith.constant 0 : i32
    %gt3A_459 = arith.cmpi sgt, %min3A_227, %gt3A_458 : i32
    %convert_element_type3A_460 = arith.extui %gt3A_459 : i1 to i32
    %cond3A_461 = arith.constant 0 : i32
    %cond3A_462 = arith.cmpi ne, %convert_element_type3A_460, %cond3A_461 : i32
    scf.if %cond3A_462 {
      %mul3A_628 = arith.constant 128 : i32
      %mul3A_629 = arith.muli %rem3A_51, %mul3A_628 : i32
      %dma_wait3A_630 = arith.constant 0 : i32
      %dma_wait3A_631 = tpu.memref_slice %arg14[%mul3A_629, %dma_wait3A_630] : memref<2048x128xf32, #tpu.memory_space<vmem_shared>> -> memref<128x128xf32, #tpu.memory_space<vmem_shared>>
      %dma_wait3A_632 = arith.constant 0 : i32
      %dma_wait3A_633 = tpu.memref_slice %arg14[%mul3A_629, %dma_wait3A_632] : memref<2048x128xf32, #tpu.memory_space<vmem_shared>> -> memref<128x128xf32, #tpu.memory_space<vmem_shared>>
      tpu.wait_dma2 semaphore(%arg20 : memref<!tpu.dma_semaphore, #tpu.memory_space<semaphore_mem>>) src(%dma_wait3A_633 : memref<128x128xf32, #tpu.memory_space<vmem_shared>>) dst(%arg9 : memref<128x128xf32, #tpu.memory_space<vmem>>)
      %dma_start3A_634 = arith.constant 4 : i32
      %dma_start3A_635 = arith.constant 0 : i32
      %dma_start3A_636 = tpu.memref_slice %arg8[%dma_start3A_634, %dma_start3A_635] : memref<8x128xi32, #tpu.memory_space<vmem>> -> memref<1x128xi32, #tpu.memory_space<vmem>>
      %dma_start3A_637 = tpu.memref_squeeze %dma_start3A_636 : memref<1x128xi32, #tpu.memory_space<vmem>> -> memref<128xi32, #tpu.memory_space<vmem>>
      %dma_start3A_638 = arith.constant 0 : i32
      %dma_start3A_639 = arith.constant 0 : i32
      %dma_start3A_640 = tpu.memref_slice %arg5[%dma_start3A_638, %dma_start3A_639] : memref<100000x128xf32, #tpu.memory_space<hbm>> -> memref<100000x128xf32, #tpu.memory_space<hbm>>
      tpu.enqueue_indirect_dma source(%dma_start3A_640 : memref<100000x128xf32, #tpu.memory_space<hbm>>) target(%arg9 : memref<128x128xf32, #tpu.memory_space<vmem>>) offsets(%dma_start3A_637 : memref<128xi32, #tpu.memory_space<vmem>>) semaphore(%arg19 : memref<!tpu.dma_semaphore, #tpu.memory_space<semaphore_mem>>) {add = true}
    } else {
    }
    %gt3A_463 = arith.constant 0 : i32
    %gt3A_464 = arith.cmpi sgt, %min3A_215, %gt3A_463 : i32
    %convert_element_type3A_465 = arith.extui %gt3A_464 : i1 to i32
    %cond3A_466 = arith.constant 0 : i32
    %cond3A_467 = arith.cmpi ne, %convert_element_type3A_465, %cond3A_466 : i32
    scf.if %cond3A_467 {
      %while3A = arith.constant 0 : i32
      %while3A_628 = arith.constant 0 : i32
      %while3A_629 = arith.subi %min3A_215, %while3A_628 : i32
      %while3A_630 = arith.addi %while3A_628, %while3A_629 : i32
      %while3A_631 = arith.constant 1 : i32
      %while3A_632 = arith.divsi %while3A_629, %while3A_631 : i32
      %while3A_633 = arith.muli %while3A_632, %while3A_631 : i32
      %while3A_634 = arith.addi %while3A_628, %while3A_633 : i32
      %while3A_635 = arith.constant 1 : i32
      scf.for %while3A_653 = %while3A_628 to %while3A_634 step %while3A_635  : i32 {
        %get3A_654 = arith.index_cast %while3A_653 : i32 to index
        %get3A_655 = arith.constant 0 : index
        %get3A_656 = tpu.vector_load %arg12[%get3A_654, %get3A_655] {strides = array<i32>} : memref<128x128xf32, #tpu.memory_space<vmem>>, vector<1x16xf32>,
        %get3A_657 = vector.shape_cast %get3A_656 : vector<1x16xf32> to vector<16xf32>
        %mul3A_658 = arith.constant 0.0883883461 : f32
        %mul3A_659 = vector.broadcast %mul3A_658 : f32 to vector<16xf32>
        %mul3A_660 = arith.mulf %get3A_657, %mul3A_659 : vector<16xf32>
        %swap3A = arith.index_cast %while3A_653 : i32 to index
        %swap3A_661 = arith.constant 0 : index
        %swap3A_662 = tpu.vector_load %arg12[%swap3A, %swap3A_661] {strides = array<i32>} : memref<128x128xf32, #tpu.memory_space<vmem>>, vector<1x16xf32>,
        %swap3A_663 = vector.shape_cast %swap3A_662 : vector<1x16xf32> to vector<16xf32>
        %swap3A_664 = vector.shape_cast %mul3A_660 : vector<16xf32> to vector<1x16xf32>
        tpu.vector_store %arg12[%swap3A, %swap3A_661], %swap3A_664 {strides = array<i32>} : memref<128x128xf32, #tpu.memory_space<vmem>>, vector<1x16xf32>,
        %get3A_665 = arith.index_cast %while3A_653 : i32 to index
        %get3A_666 = arith.constant 16 : index
        %get3A_667 = tpu.vector_load %arg12[%get3A_665, %get3A_666] {strides = array<i32>} : memref<128x128xf32, #tpu.memory_space<vmem>>, vector<1x16xf32>,
        %get3A_668 = vector.shape_cast %get3A_667 : vector<1x16xf32> to vector<16xf32>
        %mul3A_669 = arith.constant 0.0883883461 : f32
        %mul3A_670 = vector.broadcast %mul3A_669 : f32 to vector<16xf32>
        %mul3A_671 = arith.mulf %get3A_668, %mul3A_670 : vector<16xf32>
        %swap3A_672 = arith.index_cast %while3A_653 : i32 to index
        %swap3A_673 = arith.constant 16 : index
        %swap3A_674 = tpu.vector_load %arg12[%swap3A_672, %swap3A_673] {strides = array<i32>} : memref<128x128xf32, #tpu.memory_space<vmem>>, vector<1x16xf32>,
        %swap3A_675 = vector.shape_cast %swap3A_674 : vector<1x16xf32> to vector<16xf32>
        %swap3A_676 = vector.shape_cast %mul3A_671 : vector<16xf32> to vector<1x16xf32>
        tpu.vector_store %arg12[%swap3A_672, %swap3A_673], %swap3A_676 {strides = array<i32>} : memref<128x128xf32, #tpu.memory_space<vmem>>, vector<1x16xf32>,
        %get3A_677 = arith.index_cast %while3A_653 : i32 to index
        %get3A_678 = arith.constant 32 : index
        %get3A_679 = tpu.vector_load %arg12[%get3A_677, %get3A_678] {strides = array<i32>} : memref<128x128xf32, #tpu.memory_space<vmem>>, vector<1x16xf32>,
        %get3A_680 = vector.shape_cast %get3A_679 : vector<1x16xf32> to vector<16xf32>
        %mul3A_681 = arith.constant 0.0883883461 : f32
        %mul3A_682 = vector.broadcast %mul3A_681 : f32 to vector<16xf32>
        %mul3A_683 = arith.mulf %get3A_680, %mul3A_682 : vector<16xf32>
        %swap3A_684 = arith.index_cast %while3A_653 : i32 to index
        %swap3A_685 = arith.constant 32 : index
        %swap3A_686 = tpu.vector_load %arg12[%swap3A_684, %swap3A_685] {strides = array<i32>} : memref<128x128xf32, #tpu.memory_space<vmem>>, vector<1x16xf32>,
        %swap3A_687 = vector.shape_cast %swap3A_686 : vector<1x16xf32> to vector<16xf32>
        %swap3A_688 = vector.shape_cast %mul3A_683 : vector<16xf32> to vector<1x16xf32>
        tpu.vector_store %arg12[%swap3A_684, %swap3A_685], %swap3A_688 {strides = array<i32>} : memref<128x128xf32, #tpu.memory_space<vmem>>, vector<1x16xf32>,
        %get3A_689 = arith.index_cast %while3A_653 : i32 to index
        %get3A_690 = arith.constant 48 : index
        %get3A_691 = tpu.vector_load %arg12[%get3A_689, %get3A_690] {strides = array<i32>} : memref<128x128xf32, #tpu.memory_space<vmem>>, vector<1x16xf32>,
        %get3A_692 = vector.shape_cast %get3A_691 : vector<1x16xf32> to vector<16xf32>
        %mul3A_693 = arith.constant 0.0883883461 : f32
        %mul3A_694 = vector.broadcast %mul3A_693 : f32 to vector<16xf32>
        %mul3A_695 = arith.mulf %get3A_692, %mul3A_694 : vector<16xf32>
        %swap3A_696 = arith.index_cast %while3A_653 : i32 to index
        %swap3A_697 = arith.constant 48 : index
        %swap3A_698 = tpu.vector_load %arg12[%swap3A_696, %swap3A_697] {strides = array<i32>} : memref<128x128xf32, #tpu.memory_space<vmem>>, vector<1x16xf32>,
        %swap3A_699 = vector.shape_cast %swap3A_698 : vector<1x16xf32> to vector<16xf32>
        %swap3A_700 = vector.shape_cast %mul3A_695 : vector<16xf32> to vector<1x16xf32>
        tpu.vector_store %arg12[%swap3A_696, %swap3A_697], %swap3A_700 {strides = array<i32>} : memref<128x128xf32, #tpu.memory_space<vmem>>, vector<1x16xf32>,
        %get3A_701 = arith.index_cast %while3A_653 : i32 to index
        %get3A_702 = arith.constant 64 : index
        %get3A_703 = tpu.vector_load %arg12[%get3A_701, %get3A_702] {strides = array<i32>} : memref<128x128xf32, #tpu.memory_space<vmem>>, vector<1x16xf32>,
        %get3A_704 = vector.shape_cast %get3A_703 : vector<1x16xf32> to vector<16xf32>
        %mul3A_705 = arith.constant 0.0883883461 : f32
        %mul3A_706 = vector.broadcast %mul3A_705 : f32 to vector<16xf32>
        %mul3A_707 = arith.mulf %get3A_704, %mul3A_706 : vector<16xf32>
        %swap3A_708 = arith.index_cast %while3A_653 : i32 to index
        %swap3A_709 = arith.constant 64 : index
        %swap3A_710 = tpu.vector_load %arg12[%swap3A_708, %swap3A_709] {strides = array<i32>} : memref<128x128xf32, #tpu.memory_space<vmem>>, vector<1x16xf32>,
        %swap3A_711 = vector.shape_cast %swap3A_710 : vector<1x16xf32> to vector<16xf32>
        %swap3A_712 = vector.shape_cast %mul3A_707 : vector<16xf32> to vector<1x16xf32>
        tpu.vector_store %arg12[%swap3A_708, %swap3A_709], %swap3A_712 {strides = array<i32>} : memref<128x128xf32, #tpu.memory_space<vmem>>, vector<1x16xf32>,
        %get3A_713 = arith.index_cast %while3A_653 : i32 to index
        %get3A_714 = arith.constant 80 : index
        %get3A_715 = tpu.vector_load %arg12[%get3A_713, %get3A_714] {strides = array<i32>} : memref<128x128xf32, #tpu.memory_space<vmem>>, vector<1x16xf32>,
        %get3A_716 = vector.shape_cast %get3A_715 : vector<1x16xf32> to vector<16xf32>
        %mul3A_717 = arith.constant 0.0883883461 : f32
        %mul3A_718 = vector.broadcast %mul3A_717 : f32 to vector<16xf32>
        %mul3A_719 = arith.mulf %get3A_716, %mul3A_718 : vector<16xf32>
        %swap3A_720 = arith.index_cast %while3A_653 : i32 to index
        %swap3A_721 = arith.constant 80 : index
        %swap3A_722 = tpu.vector_load %arg12[%swap3A_720, %swap3A_721] {strides = array<i32>} : memref<128x128xf32, #tpu.memory_space<vmem>>, vector<1x16xf32>,
        %swap3A_723 = vector.shape_cast %swap3A_722 : vector<1x16xf32> to vector<16xf32>
        %swap3A_724 = vector.shape_cast %mul3A_719 : vector<16xf32> to vector<1x16xf32>
        tpu.vector_store %arg12[%swap3A_720, %swap3A_721], %swap3A_724 {strides = array<i32>} : memref<128x128xf32, #tpu.memory_space<vmem>>, vector<1x16xf32>,
        %get3A_725 = arith.index_cast %while3A_653 : i32 to index
        %get3A_726 = arith.constant 96 : index
        %get3A_727 = tpu.vector_load %arg12[%get3A_725, %get3A_726] {strides = array<i32>} : memref<128x128xf32, #tpu.memory_space<vmem>>, vector<1x16xf32>,
        %get3A_728 = vector.shape_cast %get3A_727 : vector<1x16xf32> to vector<16xf32>
        %mul3A_729 = arith.constant 0.0883883461 : f32
        %mul3A_730 = vector.broadcast %mul3A_729 : f32 to vector<16xf32>
        %mul3A_731 = arith.mulf %get3A_728, %mul3A_730 : vector<16xf32>
        %swap3A_732 = arith.index_cast %while3A_653 : i32 to index
        %swap3A_733 = arith.constant 96 : index
        %swap3A_734 = tpu.vector_load %arg12[%swap3A_732, %swap3A_733] {strides = array<i32>} : memref<128x128xf32, #tpu.memory_space<vmem>>, vector<1x16xf32>,
        %swap3A_735 = vector.shape_cast %swap3A_734 : vector<1x16xf32> to vector<16xf32>
        %swap3A_736 = vector.shape_cast %mul3A_731 : vector<16xf32> to vector<1x16xf32>
        tpu.vector_store %arg12[%swap3A_732, %swap3A_733], %swap3A_736 {strides = array<i32>} : memref<128x128xf32, #tpu.memory_space<vmem>>, vector<1x16xf32>,
        %get3A_737 = arith.index_cast %while3A_653 : i32 to index
        %get3A_738 = arith.constant 112 : index
        %get3A_739 = tpu.vector_load %arg12[%get3A_737, %get3A_738] {strides = array<i32>} : memref<128x128xf32, #tpu.memory_space<vmem>>, vector<1x16xf32>,
        %get3A_740 = vector.shape_cast %get3A_739 : vector<1x16xf32> to vector<16xf32>
        %mul3A_741 = arith.constant 0.0883883461 : f32
        %mul3A_742 = vector.broadcast %mul3A_741 : f32 to vector<16xf32>
        %mul3A_743 = arith.mulf %get3A_740, %mul3A_742 : vector<16xf32>
        %swap3A_744 = arith.index_cast %while3A_653 : i32 to index
        %swap3A_745 = arith.constant 112 : index
        %swap3A_746 = tpu.vector_load %arg12[%swap3A_744, %swap3A_745] {strides = array<i32>} : memref<128x128xf32, #tpu.memory_space<vmem>>, vector<1x16xf32>,
        %swap3A_747 = vector.shape_cast %swap3A_746 : vector<1x16xf32> to vector<16xf32>
        %swap3A_748 = vector.shape_cast %mul3A_743 : vector<16xf32> to vector<1x16xf32>
        tpu.vector_store %arg12[%swap3A_744, %swap3A_745], %swap3A_748 {strides = array<i32>} : memref<128x128xf32, #tpu.memory_space<vmem>>, vector<1x16xf32>,
      }
      %while3A_636 = arith.constant 1 : i32
      scf.for %while3A_653 = %while3A_634 to %while3A_630 step %while3A_636  : i32 {
        %get3A_654 = arith.index_cast %while3A_653 : i32 to index
        %get3A_655 = arith.constant 0 : index
        %get3A_656 = tpu.vector_load %arg12[%get3A_654, %get3A_655] {strides = array<i32>} : memref<128x128xf32, #tpu.memory_space<vmem>>, vector<1x16xf32>,
        %get3A_657 = vector.shape_cast %get3A_656 : vector<1x16xf32> to vector<16xf32>
        %mul3A_658 = arith.constant 0.0883883461 : f32
        %mul3A_659 = vector.broadcast %mul3A_658 : f32 to vector<16xf32>
        %mul3A_660 = arith.mulf %get3A_657, %mul3A_659 : vector<16xf32>
        %swap3A = arith.index_cast %while3A_653 : i32 to index
        %swap3A_661 = arith.constant 0 : index
        %swap3A_662 = tpu.vector_load %arg12[%swap3A, %swap3A_661] {strides = array<i32>} : memref<128x128xf32, #tpu.memory_space<vmem>>, vector<1x16xf32>,
        %swap3A_663 = vector.shape_cast %swap3A_662 : vector<1x16xf32> to vector<16xf32>
        %swap3A_664 = vector.shape_cast %mul3A_660 : vector<16xf32> to vector<1x16xf32>
        tpu.vector_store %arg12[%swap3A, %swap3A_661], %swap3A_664 {strides = array<i32>} : memref<128x128xf32, #tpu.memory_space<vmem>>, vector<1x16xf32>,
        %get3A_665 = arith.index_cast %while3A_653 : i32 to index
        %get3A_666 = arith.constant 16 : index
        %get3A_667 = tpu.vector_load %arg12[%get3A_665, %get3A_666] {strides = array<i32>} : memref<128x128xf32, #tpu.memory_space<vmem>>, vector<1x16xf32>,
        %get3A_668 = vector.shape_cast %get3A_667 : vector<1x16xf32> to vector<16xf32>
        %mul3A_669 = arith.constant 0.0883883461 : f32
        %mul3A_670 = vector.broadcast %mul3A_669 : f32 to vector<16xf32>
        %mul3A_671 = arith.mulf %get3A_668, %mul3A_670 : vector<16xf32>
        %swap3A_672 = arith.index_cast %while3A_653 : i32 to index
        %swap3A_673 = arith.constant 16 : index
        %swap3A_674 = tpu.vector_load %arg12[%swap3A_672, %swap3A_673] {strides = array<i32>} : memref<128x128xf32, #tpu.memory_space<vmem>>, vector<1x16xf32>,
        %swap3A_675 = vector.shape_cast %swap3A_674 : vector<1x16xf32> to vector<16xf32>
        %swap3A_676 = vector.shape_cast %mul3A_671 : vector<16xf32> to vector<1x16xf32>
        tpu.vector_store %arg12[%swap3A_672, %swap3A_673], %swap3A_676 {strides = array<i32>} : memref<128x128xf32, #tpu.memory_space<vmem>>, vector<1x16xf32>,
        %get3A_677 = arith.index_cast %while3A_653 : i32 to index
        %get3A_678 = arith.constant 32 : index
        %get3A_679 = tpu.vector_load %arg12[%get3A_677, %get3A_678] {strides = array<i32>} : memref<128x128xf32, #tpu.memory_space<vmem>>, vector<1x16xf32>,
        %get3A_680 = vector.shape_cast %get3A_679 : vector<1x16xf32> to vector<16xf32>
        %mul3A_681 = arith.constant 0.0883883461 : f32
        %mul3A_682 = vector.broadcast %mul3A_681 : f32 to vector<16xf32>
        %mul3A_683 = arith.mulf %get3A_680, %mul3A_682 : vector<16xf32>
        %swap3A_684 = arith.index_cast %while3A_653 : i32 to index
        %swap3A_685 = arith.constant 32 : index
        %swap3A_686 = tpu.vector_load %arg12[%swap3A_684, %swap3A_685] {strides = array<i32>} : memref<128x128xf32, #tpu.memory_space<vmem>>, vector<1x16xf32>,
        %swap3A_687 = vector.shape_cast %swap3A_686 : vector<1x16xf32> to vector<16xf32>
        %swap3A_688 = vector.shape_cast %mul3A_683 : vector<16xf32> to vector<1x16xf32>
        tpu.vector_store %arg12[%swap3A_684, %swap3A_685], %swap3A_688 {strides = array<i32>} : memref<128x128xf32, #tpu.memory_space<vmem>>, vector<1x16xf32>,
        %get3A_689 = arith.index_cast %while3A_653 : i32 to index
        %get3A_690 = arith.constant 48 : index
        %get3A_691 = tpu.vector_load %arg12[%get3A_689, %get3A_690] {strides = array<i32>} : memref<128x128xf32, #tpu.memory_space<vmem>>, vector<1x16xf32>,
        %get3A_692 = vector.shape_cast %get3A_691 : vector<1x16xf32> to vector<16xf32>
        %mul3A_693 = arith.constant 0.0883883461 : f32
        %mul3A_694 = vector.broadcast %mul3A_693 : f32 to vector<16xf32>
        %mul3A_695 = arith.mulf %get3A_692, %mul3A_694 : vector<16xf32>
        %swap3A_696 = arith.index_cast %while3A_653 : i32 to index
        %swap3A_697 = arith.constant 48 : index
        %swap3A_698 = tpu.vector_load %arg12[%swap3A_696, %swap3A_697] {strides = array<i32>} : memref<128x128xf32, #tpu.memory_space<vmem>>, vector<1x16xf32>,
        %swap3A_699 = vector.shape_cast %swap3A_698 : vector<1x16xf32> to vector<16xf32>
        %swap3A_700 = vector.shape_cast %mul3A_695 : vector<16xf32> to vector<1x16xf32>
        tpu.vector_store %arg12[%swap3A_696, %swap3A_697], %swap3A_700 {strides = array<i32>} : memref<128x128xf32, #tpu.memory_space<vmem>>, vector<1x16xf32>,
        %get3A_701 = arith.index_cast %while3A_653 : i32 to index
        %get3A_702 = arith.constant 64 : index
        %get3A_703 = tpu.vector_load %arg12[%get3A_701, %get3A_702] {strides = array<i32>} : memref<128x128xf32, #tpu.memory_space<vmem>>, vector<1x16xf32>,
        %get3A_704 = vector.shape_cast %get3A_703 : vector<1x16xf32> to vector<16xf32>
        %mul3A_705 = arith.constant 0.0883883461 : f32
        %mul3A_706 = vector.broadcast %mul3A_705 : f32 to vector<16xf32>
        %mul3A_707 = arith.mulf %get3A_704, %mul3A_706 : vector<16xf32>
        %swap3A_708 = arith.index_cast %while3A_653 : i32 to index
        %swap3A_709 = arith.constant 64 : index
        %swap3A_710 = tpu.vector_load %arg12[%swap3A_708, %swap3A_709] {strides = array<i32>} : memref<128x128xf32, #tpu.memory_space<vmem>>, vector<1x16xf32>,
        %swap3A_711 = vector.shape_cast %swap3A_710 : vector<1x16xf32> to vector<16xf32>
        %swap3A_712 = vector.shape_cast %mul3A_707 : vector<16xf32> to vector<1x16xf32>
        tpu.vector_store %arg12[%swap3A_708, %swap3A_709], %swap3A_712 {strides = array<i32>} : memref<128x128xf32, #tpu.memory_space<vmem>>, vector<1x16xf32>,
        %get3A_713 = arith.index_cast %while3A_653 : i32 to index
        %get3A_714 = arith.constant 80 : index
        %get3A_715 = tpu.vector_load %arg12[%get3A_713, %get3A_714] {strides = array<i32>} : memref<128x128xf32, #tpu.memory_space<vmem>>, vector<1x16xf32>,
        %get3A_716 = vector.shape_cast %get3A_715 : vector<1x16xf32> to vector<16xf32>
        %mul3A_717 = arith.constant 0.0883883461 : f32
        %mul3A_718 = vector.broadcast %mul3A_717 : f32 to vector<16xf32>
        %mul3A_719 = arith.mulf %get3A_716, %mul3A_718 : vector<16xf32>
        %swap3A_720 = arith.index_cast %while3A_653 : i32 to index
        %swap3A_721 = arith.constant 80 : index
        %swap3A_722 = tpu.vector_load %arg12[%swap3A_720, %swap3A_721] {strides = array<i32>} : memref<128x128xf32, #tpu.memory_space<vmem>>, vector<1x16xf32>,
        %swap3A_723 = vector.shape_cast %swap3A_722 : vector<1x16xf32> to vector<16xf32>
        %swap3A_724 = vector.shape_cast %mul3A_719 : vector<16xf32> to vector<1x16xf32>
        tpu.vector_store %arg12[%swap3A_720, %swap3A_721], %swap3A_724 {strides = array<i32>} : memref<128x128xf32, #tpu.memory_space<vmem>>, vector<1x16xf32>,
        %get3A_725 = arith.index_cast %while3A_653 : i32 to index
        %get3A_726 = arith.constant 96 : index
        %get3A_727 = tpu.vector_load %arg12[%get3A_725, %get3A_726] {strides = array<i32>} : memref<128x128xf32, #tpu.memory_space<vmem>>, vector<1x16xf32>,
        %get3A_728 = vector.shape_cast %get3A_727 : vector<1x16xf32> to vector<16xf32>
        %mul3A_729 = arith.constant 0.0883883461 : f32
        %mul3A_730 = vector.broadcast %mul3A_729 : f32 to vector<16xf32>
        %mul3A_731 = arith.mulf %get3A_728, %mul3A_730 : vector<16xf32>
        %swap3A_732 = arith.index_cast %while3A_653 : i32 to index
        %swap3A_733 = arith.constant 96 : index
        %swap3A_734 = tpu.vector_load %arg12[%swap3A_732, %swap3A_733] {strides = array<i32>} : memref<128x128xf32, #tpu.memory_space<vmem>>, vector<1x16xf32>,
        %swap3A_735 = vector.shape_cast %swap3A_734 : vector<1x16xf32> to vector<16xf32>
        %swap3A_736 = vector.shape_cast %mul3A_731 : vector<16xf32> to vector<1x16xf32>
        tpu.vector_store %arg12[%swap3A_732, %swap3A_733], %swap3A_736 {strides = array<i32>} : memref<128x128xf32, #tpu.memory_space<vmem>>, vector<1x16xf32>,
        %get3A_737 = arith.index_cast %while3A_653 : i32 to index
        %get3A_738 = arith.constant 112 : index
        %get3A_739 = tpu.vector_load %arg12[%get3A_737, %get3A_738] {strides = array<i32>} : memref<128x128xf32, #tpu.memory_space<vmem>>, vector<1x16xf32>,
        %get3A_740 = vector.shape_cast %get3A_739 : vector<1x16xf32> to vector<16xf32>
        %mul3A_741 = arith.constant 0.0883883461 : f32
        %mul3A_742 = vector.broadcast %mul3A_741 : f32 to vector<16xf32>
        %mul3A_743 = arith.mulf %get3A_740, %mul3A_742 : vector<16xf32>
        %swap3A_744 = arith.index_cast %while3A_653 : i32 to index
        %swap3A_745 = arith.constant 112 : index
        %swap3A_746 = tpu.vector_load %arg12[%swap3A_744, %swap3A_745] {strides = array<i32>} : memref<128x128xf32, #tpu.memory_space<vmem>>, vector<1x16xf32>,
        %swap3A_747 = vector.shape_cast %swap3A_746 : vector<1x16xf32> to vector<16xf32>
        %swap3A_748 = vector.shape_cast %mul3A_743 : vector<16xf32> to vector<1x16xf32>
        tpu.vector_store %arg12[%swap3A_744, %swap3A_745], %swap3A_748 {strides = array<i32>} : memref<128x128xf32, #tpu.memory_space<vmem>>, vector<1x16xf32>,
      }
      %while3A_637 = arith.constant 0 : i32
      %while3A_638 = arith.constant 128 : i32
      %while3A_639 = arith.subi %while3A_638, %min3A_215 : i32
      %while3A_640 = arith.addi %min3A_215, %while3A_639 : i32
      %while3A_641 = arith.constant 1 : i32
      %while3A_642 = arith.divsi %while3A_639, %while3A_641 : i32
      %while3A_643 = arith.muli %while3A_642, %while3A_641 : i32
      %while3A_644 = arith.addi %min3A_215, %while3A_643 : i32
      %while3A_645 = arith.constant 1 : i32
      scf.for %while3A_653 = %min3A_215 to %while3A_644 step %while3A_645  : i32 {
        %swap3A = arith.index_cast %while3A_653 : i32 to index
        %swap3A_654 = arith.constant 0 : index
        %swap3A_655 = tpu.vector_load %arg12[%swap3A, %swap3A_654] {strides = array<i32>} : memref<128x128xf32, #tpu.memory_space<vmem>>, vector<1x16xf32>,
        %swap3A_656 = vector.shape_cast %swap3A_655 : vector<1x16xf32> to vector<16xf32>
        %swap3A_657 = vector.shape_cast %broadcast_in_dim3A_269 : vector<16xf32> to vector<1x16xf32>
        tpu.vector_store %arg12[%swap3A, %swap3A_654], %swap3A_657 {strides = array<i32>} : memref<128x128xf32, #tpu.memory_space<vmem>>, vector<1x16xf32>,
        %swap3A_658 = arith.index_cast %while3A_653 : i32 to index
        %swap3A_659 = arith.constant 16 : index
        %swap3A_660 = tpu.vector_load %arg12[%swap3A_658, %swap3A_659] {strides = array<i32>} : memref<128x128xf32, #tpu.memory_space<vmem>>, vector<1x16xf32>,
        %swap3A_661 = vector.shape_cast %swap3A_660 : vector<1x16xf32> to vector<16xf32>
        %swap3A_662 = vector.shape_cast %broadcast_in_dim3A_269 : vector<16xf32> to vector<1x16xf32>
        tpu.vector_store %arg12[%swap3A_658, %swap3A_659], %swap3A_662 {strides = array<i32>} : memref<128x128xf32, #tpu.memory_space<vmem>>, vector<1x16xf32>,
        %swap3A_663 = arith.index_cast %while3A_653 : i32 to index
        %swap3A_664 = arith.constant 32 : index
        %swap3A_665 = tpu.vector_load %arg12[%swap3A_663, %swap3A_664] {strides = array<i32>} : memref<128x128xf32, #tpu.memory_space<vmem>>, vector<1x16xf32>,
        %swap3A_666 = vector.shape_cast %swap3A_665 : vector<1x16xf32> to vector<16xf32>
        %swap3A_667 = vector.shape_cast %broadcast_in_dim3A_269 : vector<16xf32> to vector<1x16xf32>
        tpu.vector_store %arg12[%swap3A_663, %swap3A_664], %swap3A_667 {strides = array<i32>} : memref<128x128xf32, #tpu.memory_space<vmem>>, vector<1x16xf32>,
        %swap3A_668 = arith.index_cast %while3A_653 : i32 to index
        %swap3A_669 = arith.constant 48 : index
        %swap3A_670 = tpu.vector_load %arg12[%swap3A_668, %swap3A_669] {strides = array<i32>} : memref<128x128xf32, #tpu.memory_space<vmem>>, vector<1x16xf32>,
        %swap3A_671 = vector.shape_cast %swap3A_670 : vector<1x16xf32> to vector<16xf32>
        %swap3A_672 = vector.shape_cast %broadcast_in_dim3A_269 : vector<16xf32> to vector<1x16xf32>
        tpu.vector_store %arg12[%swap3A_668, %swap3A_669], %swap3A_672 {strides = array<i32>} : memref<128x128xf32, #tpu.memory_space<vmem>>, vector<1x16xf32>,
        %swap3A_673 = arith.index_cast %while3A_653 : i32 to index
        %swap3A_674 = arith.constant 64 : index
        %swap3A_675 = tpu.vector_load %arg12[%swap3A_673, %swap3A_674] {strides = array<i32>} : memref<128x128xf32, #tpu.memory_space<vmem>>, vector<1x16xf32>,
        %swap3A_676 = vector.shape_cast %swap3A_675 : vector<1x16xf32> to vector<16xf32>
        %swap3A_677 = vector.shape_cast %broadcast_in_dim3A_269 : vector<16xf32> to vector<1x16xf32>
        tpu.vector_store %arg12[%swap3A_673, %swap3A_674], %swap3A_677 {strides = array<i32>} : memref<128x128xf32, #tpu.memory_space<vmem>>, vector<1x16xf32>,
        %swap3A_678 = arith.index_cast %while3A_653 : i32 to index
        %swap3A_679 = arith.constant 80 : index
        %swap3A_680 = tpu.vector_load %arg12[%swap3A_678, %swap3A_679] {strides = array<i32>} : memref<128x128xf32, #tpu.memory_space<vmem>>, vector<1x16xf32>,
        %swap3A_681 = vector.shape_cast %swap3A_680 : vector<1x16xf32> to vector<16xf32>
        %swap3A_682 = vector.shape_cast %broadcast_in_dim3A_269 : vector<16xf32> to vector<1x16xf32>
        tpu.vector_store %arg12[%swap3A_678, %swap3A_679], %swap3A_682 {strides = array<i32>} : memref<128x128xf32, #tpu.memory_space<vmem>>, vector<1x16xf32>,
        %swap3A_683 = arith.index_cast %while3A_653 : i32 to index
        %swap3A_684 = arith.constant 96 : index
        %swap3A_685 = tpu.vector_load %arg12[%swap3A_683, %swap3A_684] {strides = array<i32>} : memref<128x128xf32, #tpu.memory_space<vmem>>, vector<1x16xf32>,
        %swap3A_686 = vector.shape_cast %swap3A_685 : vector<1x16xf32> to vector<16xf32>
        %swap3A_687 = vector.shape_cast %broadcast_in_dim3A_269 : vector<16xf32> to vector<1x16xf32>
        tpu.vector_store %arg12[%swap3A_683, %swap3A_684], %swap3A_687 {strides = array<i32>} : memref<128x128xf32, #tpu.memory_space<vmem>>, vector<1x16xf32>,
        %swap3A_688 = arith.index_cast %while3A_653 : i32 to index
        %swap3A_689 = arith.constant 112 : index
        %swap3A_690 = tpu.vector_load %arg12[%swap3A_688, %swap3A_689] {strides = array<i32>} : memref<128x128xf32, #tpu.memory_space<vmem>>, vector<1x16xf32>,
        %swap3A_691 = vector.shape_cast %swap3A_690 : vector<1x16xf32> to vector<16xf32>
        %swap3A_692 = vector.shape_cast %broadcast_in_dim3A_269 : vector<16xf32> to vector<1x16xf32>
        tpu.vector_store %arg12[%swap3A_688, %swap3A_689], %swap3A_692 {strides = array<i32>} : memref<128x128xf32, #tpu.memory_space<vmem>>, vector<1x16xf32>,
      }
      %while3A_646 = arith.constant 1 : i32
      scf.for %while3A_653 = %while3A_644 to %while3A_640 step %while3A_646  : i32 {
        %swap3A = arith.index_cast %while3A_653 : i32 to index
        %swap3A_654 = arith.constant 0 : index
        %swap3A_655 = tpu.vector_load %arg12[%swap3A, %swap3A_654] {strides = array<i32>} : memref<128x128xf32, #tpu.memory_space<vmem>>, vector<1x16xf32>,
        %swap3A_656 = vector.shape_cast %swap3A_655 : vector<1x16xf32> to vector<16xf32>
        %swap3A_657 = vector.shape_cast %broadcast_in_dim3A_269 : vector<16xf32> to vector<1x16xf32>
        tpu.vector_store %arg12[%swap3A, %swap3A_654], %swap3A_657 {strides = array<i32>} : memref<128x128xf32, #tpu.memory_space<vmem>>, vector<1x16xf32>,
        %swap3A_658 = arith.index_cast %while3A_653 : i32 to index
        %swap3A_659 = arith.constant 16 : index
        %swap3A_660 = tpu.vector_load %arg12[%swap3A_658, %swap3A_659] {strides = array<i32>} : memref<128x128xf32, #tpu.memory_space<vmem>>, vector<1x16xf32>,
        %swap3A_661 = vector.shape_cast %swap3A_660 : vector<1x16xf32> to vector<16xf32>
        %swap3A_662 = vector.shape_cast %broadcast_in_dim3A_269 : vector<16xf32> to vector<1x16xf32>
        tpu.vector_store %arg12[%swap3A_658, %swap3A_659], %swap3A_662 {strides = array<i32>} : memref<128x128xf32, #tpu.memory_space<vmem>>, vector<1x16xf32>,
        %swap3A_663 = arith.index_cast %while3A_653 : i32 to index
        %swap3A_664 = arith.constant 32 : index
        %swap3A_665 = tpu.vector_load %arg12[%swap3A_663, %swap3A_664] {strides = array<i32>} : memref<128x128xf32, #tpu.memory_space<vmem>>, vector<1x16xf32>,
        %swap3A_666 = vector.shape_cast %swap3A_665 : vector<1x16xf32> to vector<16xf32>
        %swap3A_667 = vector.shape_cast %broadcast_in_dim3A_269 : vector<16xf32> to vector<1x16xf32>
        tpu.vector_store %arg12[%swap3A_663, %swap3A_664], %swap3A_667 {strides = array<i32>} : memref<128x128xf32, #tpu.memory_space<vmem>>, vector<1x16xf32>,
        %swap3A_668 = arith.index_cast %while3A_653 : i32 to index
        %swap3A_669 = arith.constant 48 : index
        %swap3A_670 = tpu.vector_load %arg12[%swap3A_668, %swap3A_669] {strides = array<i32>} : memref<128x128xf32, #tpu.memory_space<vmem>>, vector<1x16xf32>,
        %swap3A_671 = vector.shape_cast %swap3A_670 : vector<1x16xf32> to vector<16xf32>
        %swap3A_672 = vector.shape_cast %broadcast_in_dim3A_269 : vector<16xf32> to vector<1x16xf32>
        tpu.vector_store %arg12[%swap3A_668, %swap3A_669], %swap3A_672 {strides = array<i32>} : memref<128x128xf32, #tpu.memory_space<vmem>>, vector<1x16xf32>,
        %swap3A_673 = arith.index_cast %while3A_653 : i32 to index
        %swap3A_674 = arith.constant 64 : index
        %swap3A_675 = tpu.vector_load %arg12[%swap3A_673, %swap3A_674] {strides = array<i32>} : memref<128x128xf32, #tpu.memory_space<vmem>>, vector<1x16xf32>,
        %swap3A_676 = vector.shape_cast %swap3A_675 : vector<1x16xf32> to vector<16xf32>
        %swap3A_677 = vector.shape_cast %broadcast_in_dim3A_269 : vector<16xf32> to vector<1x16xf32>
        tpu.vector_store %arg12[%swap3A_673, %swap3A_674], %swap3A_677 {strides = array<i32>} : memref<128x128xf32, #tpu.memory_space<vmem>>, vector<1x16xf32>,
        %swap3A_678 = arith.index_cast %while3A_653 : i32 to index
        %swap3A_679 = arith.constant 80 : index
        %swap3A_680 = tpu.vector_load %arg12[%swap3A_678, %swap3A_679] {strides = array<i32>} : memref<128x128xf32, #tpu.memory_space<vmem>>, vector<1x16xf32>,
        %swap3A_681 = vector.shape_cast %swap3A_680 : vector<1x16xf32> to vector<16xf32>
        %swap3A_682 = vector.shape_cast %broadcast_in_dim3A_269 : vector<16xf32> to vector<1x16xf32>
        tpu.vector_store %arg12[%swap3A_678, %swap3A_679], %swap3A_682 {strides = array<i32>} : memref<128x128xf32, #tpu.memory_space<vmem>>, vector<1x16xf32>,
        %swap3A_683 = arith.index_cast %while3A_653 : i32 to index
        %swap3A_684 = arith.constant 96 : index
        %swap3A_685 = tpu.vector_load %arg12[%swap3A_683, %swap3A_684] {strides = array<i32>} : memref<128x128xf32, #tpu.memory_space<vmem>>, vector<1x16xf32>,
        %swap3A_686 = vector.shape_cast %swap3A_685 : vector<1x16xf32> to vector<16xf32>
        %swap3A_687 = vector.shape_cast %broadcast_in_dim3A_269 : vector<16xf32> to vector<1x16xf32>
        tpu.vector_store %arg12[%swap3A_683, %swap3A_684], %swap3A_687 {strides = array<i32>} : memref<128x128xf32, #tpu.memory_space<vmem>>, vector<1x16xf32>,
        %swap3A_688 = arith.index_cast %while3A_653 : i32 to index
        %swap3A_689 = arith.constant 112 : index
        %swap3A_690 = tpu.vector_load %arg12[%swap3A_688, %swap3A_689] {strides = array<i32>} : memref<128x128xf32, #tpu.memory_space<vmem>>, vector<1x16xf32>,
        %swap3A_691 = vector.shape_cast %swap3A_690 : vector<1x16xf32> to vector<16xf32>
        %swap3A_692 = vector.shape_cast %broadcast_in_dim3A_269 : vector<16xf32> to vector<1x16xf32>
        tpu.vector_store %arg12[%swap3A_688, %swap3A_689], %swap3A_692 {strides = array<i32>} : memref<128x128xf32, #tpu.memory_space<vmem>>, vector<1x16xf32>,
      }
      %mul3A_647 = arith.constant 128 : i32
      %mul3A_648 = arith.muli %add3A_75, %mul3A_647 : i32
      %dma_start3A_649 = arith.constant 0 : i32
      %dma_start3A_650 = tpu.memref_slice %arg7[%mul3A_648, %dma_start3A_649] : memref<32768x128xf32, #tpu.memory_space<hbm>> -> memref<128x128xf32, #tpu.memory_space<hbm>>
      %dma_start3A_651 = arith.constant 0 : i32
      %dma_start3A_652 = tpu.memref_slice %arg7[%mul3A_648, %dma_start3A_651] : memref<32768x128xf32, #tpu.memory_space<hbm>> -> memref<128x128xf32, #tpu.memory_space<hbm>>
      tpu.enqueue_dma source(%arg12 : memref<128x128xf32, #tpu.memory_space<vmem>>) target(%dma_start3A_652 : memref<128x128xf32, #tpu.memory_space<hbm>>) target_semaphore(%arg27 : memref<!tpu.dma_semaphore, #tpu.memory_space<semaphore_mem>>)
    } else {
    }
    %le3A_468 = arith.constant 0 : i32
    %le3A_469 = arith.cmpi sle, %min3A_215, %le3A_468 : i32
    %convert_element_type3A_470 = arith.extui %le3A_469 : i1 to i32
    %cond3A_471 = arith.constant 0 : i32
    %cond3A_472 = arith.cmpi ne, %convert_element_type3A_470, %cond3A_471 : i32
    scf.if %cond3A_472 {
      %mul3A_628 = arith.constant 128 : i32
      %mul3A_629 = arith.muli %add3A_75, %mul3A_628 : i32
      %dma_start3A_630 = arith.constant 0 : i32
      %dma_start3A_631 = tpu.memref_slice %arg7[%mul3A_629, %dma_start3A_630] : memref<32768x128xf32, #tpu.memory_space<hbm>> -> memref<128x128xf32, #tpu.memory_space<hbm>>
      tpu.enqueue_dma source(%arg15 : memref<128x128xf32, #tpu.memory_space<vmem_shared>>) target(%dma_start3A_631 : memref<128x128xf32, #tpu.memory_space<hbm>>) target_semaphore(%arg18 : memref<!tpu.dma_semaphore, #tpu.memory_space<semaphore_mem>>)
    } else {
    }
    %gt3A_473 = arith.constant 0 : i32
    %gt3A_474 = arith.cmpi sgt, %min3A_227, %gt3A_473 : i32
    %convert_element_type3A_475 = arith.extui %gt3A_474 : i1 to i32
    %cond3A_476 = arith.constant 0 : i32
    %cond3A_477 = arith.cmpi ne, %convert_element_type3A_475, %cond3A_476 : i32
    scf.if %cond3A_477 {
      %dma_wait3A_628 = arith.constant 4 : i32
      %dma_wait3A_629 = arith.constant 0 : i32
      %dma_wait3A_630 = tpu.memref_slice %arg8[%dma_wait3A_628, %dma_wait3A_629] : memref<8x128xi32, #tpu.memory_space<vmem>> -> memref<1x128xi32, #tpu.memory_space<vmem>>
      %dma_wait3A_631 = tpu.memref_squeeze %dma_wait3A_630 : memref<1x128xi32, #tpu.memory_space<vmem>> -> memref<128xi32, #tpu.memory_space<vmem>>
      %dma_wait3A_632 = arith.constant 0 : i32
      %dma_wait3A_633 = arith.constant 0 : i32
      %dma_wait3A_634 = tpu.memref_slice %arg5[%dma_wait3A_632, %dma_wait3A_633] : memref<100000x128xf32, #tpu.memory_space<hbm>> -> memref<100000x128xf32, #tpu.memory_space<hbm>>
      tpu.wait_indirect_dma semaphore(%arg19 : memref<!tpu.dma_semaphore, #tpu.memory_space<semaphore_mem>>) src(%dma_wait3A_634 : memref<100000x128xf32, #tpu.memory_space<hbm>>) dst(%arg9 : memref<128x128xf32, #tpu.memory_space<vmem>>)
    } else {
    }
    %gt3A_478 = arith.constant 0 : i32
    %gt3A_479 = arith.cmpi sgt, %min3A_203, %gt3A_478 : i32
    %convert_element_type3A_480 = arith.extui %gt3A_479 : i1 to i32
    %cond3A_481 = arith.constant 0 : i32
    %cond3A_482 = arith.cmpi ne, %convert_element_type3A_480, %cond3A_481 : i32
    scf.if %cond3A_482 {
      %mul3A_628 = arith.constant 128 : i32
      %mul3A_629 = arith.muli %add3A_72, %mul3A_628 : i32
      %dma_wait3A_630 = arith.constant 0 : i32
      %dma_wait3A_631 = tpu.memref_slice %arg7[%mul3A_629, %dma_wait3A_630] : memref<32768x128xf32, #tpu.memory_space<hbm>> -> memref<128x128xf32, #tpu.memory_space<hbm>>
      %dma_wait3A_632 = arith.constant 0 : i32
      %dma_wait3A_633 = tpu.memref_slice %arg7[%mul3A_629, %dma_wait3A_632] : memref<32768x128xf32, #tpu.memory_space<hbm>> -> memref<128x128xf32, #tpu.memory_space<hbm>>
      tpu.wait_dma2 semaphore(%arg26 : memref<!tpu.dma_semaphore, #tpu.memory_space<semaphore_mem>>) src(%arg11 : memref<128x128xf32, #tpu.memory_space<vmem>>) dst(%dma_wait3A_633 : memref<128x128xf32, #tpu.memory_space<hbm>>)
    } else {
    }
    %gt3A_483 = arith.constant 0 : i32
    %gt3A_484 = arith.cmpi sgt, %min3A_251, %gt3A_483 : i32
    %convert_element_type3A_485 = arith.extui %gt3A_484 : i1 to i32
    %cond3A_486 = arith.constant 0 : i32
    %cond3A_487 = arith.cmpi ne, %convert_element_type3A_485, %cond3A_486 : i32
    scf.if %cond3A_487 {
      %mul3A_628 = arith.constant 128 : i32
      %mul3A_629 = arith.muli %rem3A_59, %mul3A_628 : i32
      %dma_start3A_630 = arith.constant 0 : i32
      %dma_start3A_631 = tpu.memref_slice %arg14[%mul3A_629, %dma_start3A_630] : memref<2048x128xf32, #tpu.memory_space<vmem_shared>> -> memref<128x128xf32, #tpu.memory_space<vmem_shared>>
      %dma_start3A_632 = arith.constant 0 : i32
      %dma_start3A_633 = tpu.memref_slice %arg14[%mul3A_629, %dma_start3A_632] : memref<2048x128xf32, #tpu.memory_space<vmem_shared>> -> memref<128x128xf32, #tpu.memory_space<vmem_shared>>
      tpu.enqueue_dma source(%dma_start3A_633 : memref<128x128xf32, #tpu.memory_space<vmem_shared>>) target(%arg11 : memref<128x128xf32, #tpu.memory_space<vmem>>) target_semaphore(%arg22 : memref<!tpu.dma_semaphore, #tpu.memory_space<semaphore_mem>>)
    } else {
    }
    %gt3A_488 = arith.constant 0 : i32
    %gt3A_489 = arith.cmpi sgt, %min3A_239, %gt3A_488 : i32
    %convert_element_type3A_490 = arith.extui %gt3A_489 : i1 to i32
    %cond3A_491 = arith.constant 0 : i32
    %cond3A_492 = arith.cmpi ne, %convert_element_type3A_490, %cond3A_491 : i32
    scf.if %cond3A_492 {
      %mul3A_628 = arith.constant 128 : i32
      %mul3A_629 = arith.muli %rem3A_55, %mul3A_628 : i32
      %dma_wait3A_630 = arith.constant 0 : i32
      %dma_wait3A_631 = tpu.memref_slice %arg14[%mul3A_629, %dma_wait3A_630] : memref<2048x128xf32, #tpu.memory_space<vmem_shared>> -> memref<128x128xf32, #tpu.memory_space<vmem_shared>>
      %dma_wait3A_632 = arith.constant 0 : i32
      %dma_wait3A_633 = tpu.memref_slice %arg14[%mul3A_629, %dma_wait3A_632] : memref<2048x128xf32, #tpu.memory_space<vmem_shared>> -> memref<128x128xf32, #tpu.memory_space<vmem_shared>>
      tpu.wait_dma2 semaphore(%arg21 : memref<!tpu.dma_semaphore, #tpu.memory_space<semaphore_mem>>) src(%dma_wait3A_633 : memref<128x128xf32, #tpu.memory_space<vmem_shared>>) dst(%arg10 : memref<128x128xf32, #tpu.memory_space<vmem>>)
      %dma_start3A_634 = arith.constant 5 : i32
      %dma_start3A_635 = arith.constant 0 : i32
      %dma_start3A_636 = tpu.memref_slice %arg8[%dma_start3A_634, %dma_start3A_635] : memref<8x128xi32, #tpu.memory_space<vmem>> -> memref<1x128xi32, #tpu.memory_space<vmem>>
      %dma_start3A_637 = tpu.memref_squeeze %dma_start3A_636 : memref<1x128xi32, #tpu.memory_space<vmem>> -> memref<128xi32, #tpu.memory_space<vmem>>
      %dma_start3A_638 = arith.constant 0 : i32
      %dma_start3A_639 = arith.constant 0 : i32
      %dma_start3A_640 = tpu.memref_slice %arg5[%dma_start3A_638, %dma_start3A_639] : memref<100000x128xf32, #tpu.memory_space<hbm>> -> memref<100000x128xf32, #tpu.memory_space<hbm>>
      tpu.enqueue_indirect_dma source(%dma_start3A_640 : memref<100000x128xf32, #tpu.memory_space<hbm>>) target(%arg10 : memref<128x128xf32, #tpu.memory_space<vmem>>) offsets(%dma_start3A_637 : memref<128xi32, #tpu.memory_space<vmem>>) semaphore(%arg19 : memref<!tpu.dma_semaphore, #tpu.memory_space<semaphore_mem>>) {add = true}
    } else {
    }
    %gt3A_493 = arith.constant 0 : i32
    %gt3A_494 = arith.cmpi sgt, %min3A_227, %gt3A_493 : i32
    %convert_element_type3A_495 = arith.extui %gt3A_494 : i1 to i32
    %cond3A_496 = arith.constant 0 : i32
    %cond3A_497 = arith.cmpi ne, %convert_element_type3A_495, %cond3A_496 : i32
    scf.if %cond3A_497 {
      %while3A = arith.constant 0 : i32
      %while3A_628 = arith.constant 0 : i32
      %while3A_629 = arith.subi %min3A_227, %while3A_628 : i32
      %while3A_630 = arith.addi %while3A_628, %while3A_629 : i32
      %while3A_631 = arith.constant 1 : i32
      %while3A_632 = arith.divsi %while3A_629, %while3A_631 : i32
      %while3A_633 = arith.muli %while3A_632, %while3A_631 : i32
      %while3A_634 = arith.addi %while3A_628, %while3A_633 : i32
      %while3A_635 = arith.constant 1 : i32
      scf.for %while3A_653 = %while3A_628 to %while3A_634 step %while3A_635  : i32 {
        %get3A_654 = arith.index_cast %while3A_653 : i32 to index
        %get3A_655 = arith.constant 0 : index
        %get3A_656 = tpu.vector_load %arg9[%get3A_654, %get3A_655] {strides = array<i32>} : memref<128x128xf32, #tpu.memory_space<vmem>>, vector<1x16xf32>,
        %get3A_657 = vector.shape_cast %get3A_656 : vector<1x16xf32> to vector<16xf32>
        %mul3A_658 = arith.constant 0.0883883461 : f32
        %mul3A_659 = vector.broadcast %mul3A_658 : f32 to vector<16xf32>
        %mul3A_660 = arith.mulf %get3A_657, %mul3A_659 : vector<16xf32>
        %swap3A = arith.index_cast %while3A_653 : i32 to index
        %swap3A_661 = arith.constant 0 : index
        %swap3A_662 = tpu.vector_load %arg9[%swap3A, %swap3A_661] {strides = array<i32>} : memref<128x128xf32, #tpu.memory_space<vmem>>, vector<1x16xf32>,
        %swap3A_663 = vector.shape_cast %swap3A_662 : vector<1x16xf32> to vector<16xf32>
        %swap3A_664 = vector.shape_cast %mul3A_660 : vector<16xf32> to vector<1x16xf32>
        tpu.vector_store %arg9[%swap3A, %swap3A_661], %swap3A_664 {strides = array<i32>} : memref<128x128xf32, #tpu.memory_space<vmem>>, vector<1x16xf32>,
        %get3A_665 = arith.index_cast %while3A_653 : i32 to index
        %get3A_666 = arith.constant 16 : index
        %get3A_667 = tpu.vector_load %arg9[%get3A_665, %get3A_666] {strides = array<i32>} : memref<128x128xf32, #tpu.memory_space<vmem>>, vector<1x16xf32>,
        %get3A_668 = vector.shape_cast %get3A_667 : vector<1x16xf32> to vector<16xf32>
        %mul3A_669 = arith.constant 0.0883883461 : f32
        %mul3A_670 = vector.broadcast %mul3A_669 : f32 to vector<16xf32>
        %mul3A_671 = arith.mulf %get3A_668, %mul3A_670 : vector<16xf32>
        %swap3A_672 = arith.index_cast %while3A_653 : i32 to index
        %swap3A_673 = arith.constant 16 : index
        %swap3A_674 = tpu.vector_load %arg9[%swap3A_672, %swap3A_673] {strides = array<i32>} : memref<128x128xf32, #tpu.memory_space<vmem>>, vector<1x16xf32>,
        %swap3A_675 = vector.shape_cast %swap3A_674 : vector<1x16xf32> to vector<16xf32>
        %swap3A_676 = vector.shape_cast %mul3A_671 : vector<16xf32> to vector<1x16xf32>
        tpu.vector_store %arg9[%swap3A_672, %swap3A_673], %swap3A_676 {strides = array<i32>} : memref<128x128xf32, #tpu.memory_space<vmem>>, vector<1x16xf32>,
        %get3A_677 = arith.index_cast %while3A_653 : i32 to index
        %get3A_678 = arith.constant 32 : index
        %get3A_679 = tpu.vector_load %arg9[%get3A_677, %get3A_678] {strides = array<i32>} : memref<128x128xf32, #tpu.memory_space<vmem>>, vector<1x16xf32>,
        %get3A_680 = vector.shape_cast %get3A_679 : vector<1x16xf32> to vector<16xf32>
        %mul3A_681 = arith.constant 0.0883883461 : f32
        %mul3A_682 = vector.broadcast %mul3A_681 : f32 to vector<16xf32>
        %mul3A_683 = arith.mulf %get3A_680, %mul3A_682 : vector<16xf32>
        %swap3A_684 = arith.index_cast %while3A_653 : i32 to index
        %swap3A_685 = arith.constant 32 : index
        %swap3A_686 = tpu.vector_load %arg9[%swap3A_684, %swap3A_685] {strides = array<i32>} : memref<128x128xf32, #tpu.memory_space<vmem>>, vector<1x16xf32>,
        %swap3A_687 = vector.shape_cast %swap3A_686 : vector<1x16xf32> to vector<16xf32>
        %swap3A_688 = vector.shape_cast %mul3A_683 : vector<16xf32> to vector<1x16xf32>
        tpu.vector_store %arg9[%swap3A_684, %swap3A_685], %swap3A_688 {strides = array<i32>} : memref<128x128xf32, #tpu.memory_space<vmem>>, vector<1x16xf32>,
        %get3A_689 = arith.index_cast %while3A_653 : i32 to index
        %get3A_690 = arith.constant 48 : index
        %get3A_691 = tpu.vector_load %arg9[%get3A_689, %get3A_690] {strides = array<i32>} : memref<128x128xf32, #tpu.memory_space<vmem>>, vector<1x16xf32>,
        %get3A_692 = vector.shape_cast %get3A_691 : vector<1x16xf32> to vector<16xf32>
        %mul3A_693 = arith.constant 0.0883883461 : f32
        %mul3A_694 = vector.broadcast %mul3A_693 : f32 to vector<16xf32>
        %mul3A_695 = arith.mulf %get3A_692, %mul3A_694 : vector<16xf32>
        %swap3A_696 = arith.index_cast %while3A_653 : i32 to index
        %swap3A_697 = arith.constant 48 : index
        %swap3A_698 = tpu.vector_load %arg9[%swap3A_696, %swap3A_697] {strides = array<i32>} : memref<128x128xf32, #tpu.memory_space<vmem>>, vector<1x16xf32>,
        %swap3A_699 = vector.shape_cast %swap3A_698 : vector<1x16xf32> to vector<16xf32>
        %swap3A_700 = vector.shape_cast %mul3A_695 : vector<16xf32> to vector<1x16xf32>
        tpu.vector_store %arg9[%swap3A_696, %swap3A_697], %swap3A_700 {strides = array<i32>} : memref<128x128xf32, #tpu.memory_space<vmem>>, vector<1x16xf32>,
        %get3A_701 = arith.index_cast %while3A_653 : i32 to index
        %get3A_702 = arith.constant 64 : index
        %get3A_703 = tpu.vector_load %arg9[%get3A_701, %get3A_702] {strides = array<i32>} : memref<128x128xf32, #tpu.memory_space<vmem>>, vector<1x16xf32>,
        %get3A_704 = vector.shape_cast %get3A_703 : vector<1x16xf32> to vector<16xf32>
        %mul3A_705 = arith.constant 0.0883883461 : f32
        %mul3A_706 = vector.broadcast %mul3A_705 : f32 to vector<16xf32>
        %mul3A_707 = arith.mulf %get3A_704, %mul3A_706 : vector<16xf32>
        %swap3A_708 = arith.index_cast %while3A_653 : i32 to index
        %swap3A_709 = arith.constant 64 : index
        %swap3A_710 = tpu.vector_load %arg9[%swap3A_708, %swap3A_709] {strides = array<i32>} : memref<128x128xf32, #tpu.memory_space<vmem>>, vector<1x16xf32>,
        %swap3A_711 = vector.shape_cast %swap3A_710 : vector<1x16xf32> to vector<16xf32>
        %swap3A_712 = vector.shape_cast %mul3A_707 : vector<16xf32> to vector<1x16xf32>
        tpu.vector_store %arg9[%swap3A_708, %swap3A_709], %swap3A_712 {strides = array<i32>} : memref<128x128xf32, #tpu.memory_space<vmem>>, vector<1x16xf32>,
        %get3A_713 = arith.index_cast %while3A_653 : i32 to index
        %get3A_714 = arith.constant 80 : index
        %get3A_715 = tpu.vector_load %arg9[%get3A_713, %get3A_714] {strides = array<i32>} : memref<128x128xf32, #tpu.memory_space<vmem>>, vector<1x16xf32>,
        %get3A_716 = vector.shape_cast %get3A_715 : vector<1x16xf32> to vector<16xf32>
        %mul3A_717 = arith.constant 0.0883883461 : f32
        %mul3A_718 = vector.broadcast %mul3A_717 : f32 to vector<16xf32>
        %mul3A_719 = arith.mulf %get3A_716, %mul3A_718 : vector<16xf32>
        %swap3A_720 = arith.index_cast %while3A_653 : i32 to index
        %swap3A_721 = arith.constant 80 : index
        %swap3A_722 = tpu.vector_load %arg9[%swap3A_720, %swap3A_721] {strides = array<i32>} : memref<128x128xf32, #tpu.memory_space<vmem>>, vector<1x16xf32>,
        %swap3A_723 = vector.shape_cast %swap3A_722 : vector<1x16xf32> to vector<16xf32>
        %swap3A_724 = vector.shape_cast %mul3A_719 : vector<16xf32> to vector<1x16xf32>
        tpu.vector_store %arg9[%swap3A_720, %swap3A_721], %swap3A_724 {strides = array<i32>} : memref<128x128xf32, #tpu.memory_space<vmem>>, vector<1x16xf32>,
        %get3A_725 = arith.index_cast %while3A_653 : i32 to index
        %get3A_726 = arith.constant 96 : index
        %get3A_727 = tpu.vector_load %arg9[%get3A_725, %get3A_726] {strides = array<i32>} : memref<128x128xf32, #tpu.memory_space<vmem>>, vector<1x16xf32>,
        %get3A_728 = vector.shape_cast %get3A_727 : vector<1x16xf32> to vector<16xf32>
        %mul3A_729 = arith.constant 0.0883883461 : f32
        %mul3A_730 = vector.broadcast %mul3A_729 : f32 to vector<16xf32>
        %mul3A_731 = arith.mulf %get3A_728, %mul3A_730 : vector<16xf32>
        %swap3A_732 = arith.index_cast %while3A_653 : i32 to index
        %swap3A_733 = arith.constant 96 : index
        %swap3A_734 = tpu.vector_load %arg9[%swap3A_732, %swap3A_733] {strides = array<i32>} : memref<128x128xf32, #tpu.memory_space<vmem>>, vector<1x16xf32>,
        %swap3A_735 = vector.shape_cast %swap3A_734 : vector<1x16xf32> to vector<16xf32>
        %swap3A_736 = vector.shape_cast %mul3A_731 : vector<16xf32> to vector<1x16xf32>
        tpu.vector_store %arg9[%swap3A_732, %swap3A_733], %swap3A_736 {strides = array<i32>} : memref<128x128xf32, #tpu.memory_space<vmem>>, vector<1x16xf32>,
        %get3A_737 = arith.index_cast %while3A_653 : i32 to index
        %get3A_738 = arith.constant 112 : index
        %get3A_739 = tpu.vector_load %arg9[%get3A_737, %get3A_738] {strides = array<i32>} : memref<128x128xf32, #tpu.memory_space<vmem>>, vector<1x16xf32>,
        %get3A_740 = vector.shape_cast %get3A_739 : vector<1x16xf32> to vector<16xf32>
        %mul3A_741 = arith.constant 0.0883883461 : f32
        %mul3A_742 = vector.broadcast %mul3A_741 : f32 to vector<16xf32>
        %mul3A_743 = arith.mulf %get3A_740, %mul3A_742 : vector<16xf32>
        %swap3A_744 = arith.index_cast %while3A_653 : i32 to index
        %swap3A_745 = arith.constant 112 : index
        %swap3A_746 = tpu.vector_load %arg9[%swap3A_744, %swap3A_745] {strides = array<i32>} : memref<128x128xf32, #tpu.memory_space<vmem>>, vector<1x16xf32>,
        %swap3A_747 = vector.shape_cast %swap3A_746 : vector<1x16xf32> to vector<16xf32>
        %swap3A_748 = vector.shape_cast %mul3A_743 : vector<16xf32> to vector<1x16xf32>
        tpu.vector_store %arg9[%swap3A_744, %swap3A_745], %swap3A_748 {strides = array<i32>} : memref<128x128xf32, #tpu.memory_space<vmem>>, vector<1x16xf32>,
      }
      %while3A_636 = arith.constant 1 : i32
      scf.for %while3A_653 = %while3A_634 to %while3A_630 step %while3A_636  : i32 {
        %get3A_654 = arith.index_cast %while3A_653 : i32 to index
        %get3A_655 = arith.constant 0 : index
        %get3A_656 = tpu.vector_load %arg9[%get3A_654, %get3A_655] {strides = array<i32>} : memref<128x128xf32, #tpu.memory_space<vmem>>, vector<1x16xf32>,
        %get3A_657 = vector.shape_cast %get3A_656 : vector<1x16xf32> to vector<16xf32>
        %mul3A_658 = arith.constant 0.0883883461 : f32
        %mul3A_659 = vector.broadcast %mul3A_658 : f32 to vector<16xf32>
        %mul3A_660 = arith.mulf %get3A_657, %mul3A_659 : vector<16xf32>
        %swap3A = arith.index_cast %while3A_653 : i32 to index
        %swap3A_661 = arith.constant 0 : index
        %swap3A_662 = tpu.vector_load %arg9[%swap3A, %swap3A_661] {strides = array<i32>} : memref<128x128xf32, #tpu.memory_space<vmem>>, vector<1x16xf32>,
        %swap3A_663 = vector.shape_cast %swap3A_662 : vector<1x16xf32> to vector<16xf32>
        %swap3A_664 = vector.shape_cast %mul3A_660 : vector<16xf32> to vector<1x16xf32>
        tpu.vector_store %arg9[%swap3A, %swap3A_661], %swap3A_664 {strides = array<i32>} : memref<128x128xf32, #tpu.memory_space<vmem>>, vector<1x16xf32>,
        %get3A_665 = arith.index_cast %while3A_653 : i32 to index
        %get3A_666 = arith.constant 16 : index
        %get3A_667 = tpu.vector_load %arg9[%get3A_665, %get3A_666] {strides = array<i32>} : memref<128x128xf32, #tpu.memory_space<vmem>>, vector<1x16xf32>,
        %get3A_668 = vector.shape_cast %get3A_667 : vector<1x16xf32> to vector<16xf32>
        %mul3A_669 = arith.constant 0.0883883461 : f32
        %mul3A_670 = vector.broadcast %mul3A_669 : f32 to vector<16xf32>
        %mul3A_671 = arith.mulf %get3A_668, %mul3A_670 : vector<16xf32>
        %swap3A_672 = arith.index_cast %while3A_653 : i32 to index
        %swap3A_673 = arith.constant 16 : index
        %swap3A_674 = tpu.vector_load %arg9[%swap3A_672, %swap3A_673] {strides = array<i32>} : memref<128x128xf32, #tpu.memory_space<vmem>>, vector<1x16xf32>,
        %swap3A_675 = vector.shape_cast %swap3A_674 : vector<1x16xf32> to vector<16xf32>
        %swap3A_676 = vector.shape_cast %mul3A_671 : vector<16xf32> to vector<1x16xf32>
        tpu.vector_store %arg9[%swap3A_672, %swap3A_673], %swap3A_676 {strides = array<i32>} : memref<128x128xf32, #tpu.memory_space<vmem>>, vector<1x16xf32>,
        %get3A_677 = arith.index_cast %while3A_653 : i32 to index
        %get3A_678 = arith.constant 32 : index
        %get3A_679 = tpu.vector_load %arg9[%get3A_677, %get3A_678] {strides = array<i32>} : memref<128x128xf32, #tpu.memory_space<vmem>>, vector<1x16xf32>,
        %get3A_680 = vector.shape_cast %get3A_679 : vector<1x16xf32> to vector<16xf32>
        %mul3A_681 = arith.constant 0.0883883461 : f32
        %mul3A_682 = vector.broadcast %mul3A_681 : f32 to vector<16xf32>
        %mul3A_683 = arith.mulf %get3A_680, %mul3A_682 : vector<16xf32>
        %swap3A_684 = arith.index_cast %while3A_653 : i32 to index
        %swap3A_685 = arith.constant 32 : index
        %swap3A_686 = tpu.vector_load %arg9[%swap3A_684, %swap3A_685] {strides = array<i32>} : memref<128x128xf32, #tpu.memory_space<vmem>>, vector<1x16xf32>,
        %swap3A_687 = vector.shape_cast %swap3A_686 : vector<1x16xf32> to vector<16xf32>
        %swap3A_688 = vector.shape_cast %mul3A_683 : vector<16xf32> to vector<1x16xf32>
        tpu.vector_store %arg9[%swap3A_684, %swap3A_685], %swap3A_688 {strides = array<i32>} : memref<128x128xf32, #tpu.memory_space<vmem>>, vector<1x16xf32>,
        %get3A_689 = arith.index_cast %while3A_653 : i32 to index
        %get3A_690 = arith.constant 48 : index
        %get3A_691 = tpu.vector_load %arg9[%get3A_689, %get3A_690] {strides = array<i32>} : memref<128x128xf32, #tpu.memory_space<vmem>>, vector<1x16xf32>,
        %get3A_692 = vector.shape_cast %get3A_691 : vector<1x16xf32> to vector<16xf32>
        %mul3A_693 = arith.constant 0.0883883461 : f32
        %mul3A_694 = vector.broadcast %mul3A_693 : f32 to vector<16xf32>
        %mul3A_695 = arith.mulf %get3A_692, %mul3A_694 : vector<16xf32>
        %swap3A_696 = arith.index_cast %while3A_653 : i32 to index
        %swap3A_697 = arith.constant 48 : index
        %swap3A_698 = tpu.vector_load %arg9[%swap3A_696, %swap3A_697] {strides = array<i32>} : memref<128x128xf32, #tpu.memory_space<vmem>>, vector<1x16xf32>,
        %swap3A_699 = vector.shape_cast %swap3A_698 : vector<1x16xf32> to vector<16xf32>
        %swap3A_700 = vector.shape_cast %mul3A_695 : vector<16xf32> to vector<1x16xf32>
        tpu.vector_store %arg9[%swap3A_696, %swap3A_697], %swap3A_700 {strides = array<i32>} : memref<128x128xf32, #tpu.memory_space<vmem>>, vector<1x16xf32>,
        %get3A_701 = arith.index_cast %while3A_653 : i32 to index
        %get3A_702 = arith.constant 64 : index
        %get3A_703 = tpu.vector_load %arg9[%get3A_701, %get3A_702] {strides = array<i32>} : memref<128x128xf32, #tpu.memory_space<vmem>>, vector<1x16xf32>,
        %get3A_704 = vector.shape_cast %get3A_703 : vector<1x16xf32> to vector<16xf32>
        %mul3A_705 = arith.constant 0.0883883461 : f32
        %mul3A_706 = vector.broadcast %mul3A_705 : f32 to vector<16xf32>
        %mul3A_707 = arith.mulf %get3A_704, %mul3A_706 : vector<16xf32>
        %swap3A_708 = arith.index_cast %while3A_653 : i32 to index
        %swap3A_709 = arith.constant 64 : index
        %swap3A_710 = tpu.vector_load %arg9[%swap3A_708, %swap3A_709] {strides = array<i32>} : memref<128x128xf32, #tpu.memory_space<vmem>>, vector<1x16xf32>,
        %swap3A_711 = vector.shape_cast %swap3A_710 : vector<1x16xf32> to vector<16xf32>
        %swap3A_712 = vector.shape_cast %mul3A_707 : vector<16xf32> to vector<1x16xf32>
        tpu.vector_store %arg9[%swap3A_708, %swap3A_709], %swap3A_712 {strides = array<i32>} : memref<128x128xf32, #tpu.memory_space<vmem>>, vector<1x16xf32>,
        %get3A_713 = arith.index_cast %while3A_653 : i32 to index
        %get3A_714 = arith.constant 80 : index
        %get3A_715 = tpu.vector_load %arg9[%get3A_713, %get3A_714] {strides = array<i32>} : memref<128x128xf32, #tpu.memory_space<vmem>>, vector<1x16xf32>,
        %get3A_716 = vector.shape_cast %get3A_715 : vector<1x16xf32> to vector<16xf32>
        %mul3A_717 = arith.constant 0.0883883461 : f32
        %mul3A_718 = vector.broadcast %mul3A_717 : f32 to vector<16xf32>
        %mul3A_719 = arith.mulf %get3A_716, %mul3A_718 : vector<16xf32>
        %swap3A_720 = arith.index_cast %while3A_653 : i32 to index
        %swap3A_721 = arith.constant 80 : index
        %swap3A_722 = tpu.vector_load %arg9[%swap3A_720, %swap3A_721] {strides = array<i32>} : memref<128x128xf32, #tpu.memory_space<vmem>>, vector<1x16xf32>,
        %swap3A_723 = vector.shape_cast %swap3A_722 : vector<1x16xf32> to vector<16xf32>
        %swap3A_724 = vector.shape_cast %mul3A_719 : vector<16xf32> to vector<1x16xf32>
        tpu.vector_store %arg9[%swap3A_720, %swap3A_721], %swap3A_724 {strides = array<i32>} : memref<128x128xf32, #tpu.memory_space<vmem>>, vector<1x16xf32>,
        %get3A_725 = arith.index_cast %while3A_653 : i32 to index
        %get3A_726 = arith.constant 96 : index
        %get3A_727 = tpu.vector_load %arg9[%get3A_725, %get3A_726] {strides = array<i32>} : memref<128x128xf32, #tpu.memory_space<vmem>>, vector<1x16xf32>,
        %get3A_728 = vector.shape_cast %get3A_727 : vector<1x16xf32> to vector<16xf32>
        %mul3A_729 = arith.constant 0.0883883461 : f32
        %mul3A_730 = vector.broadcast %mul3A_729 : f32 to vector<16xf32>
        %mul3A_731 = arith.mulf %get3A_728, %mul3A_730 : vector<16xf32>
        %swap3A_732 = arith.index_cast %while3A_653 : i32 to index
        %swap3A_733 = arith.constant 96 : index
        %swap3A_734 = tpu.vector_load %arg9[%swap3A_732, %swap3A_733] {strides = array<i32>} : memref<128x128xf32, #tpu.memory_space<vmem>>, vector<1x16xf32>,
        %swap3A_735 = vector.shape_cast %swap3A_734 : vector<1x16xf32> to vector<16xf32>
        %swap3A_736 = vector.shape_cast %mul3A_731 : vector<16xf32> to vector<1x16xf32>
        tpu.vector_store %arg9[%swap3A_732, %swap3A_733], %swap3A_736 {strides = array<i32>} : memref<128x128xf32, #tpu.memory_space<vmem>>, vector<1x16xf32>,
        %get3A_737 = arith.index_cast %while3A_653 : i32 to index
        %get3A_738 = arith.constant 112 : index
        %get3A_739 = tpu.vector_load %arg9[%get3A_737, %get3A_738] {strides = array<i32>} : memref<128x128xf32, #tpu.memory_space<vmem>>, vector<1x16xf32>,
        %get3A_740 = vector.shape_cast %get3A_739 : vector<1x16xf32> to vector<16xf32>
        %mul3A_741 = arith.constant 0.0883883461 : f32
        %mul3A_742 = vector.broadcast %mul3A_741 : f32 to vector<16xf32>
        %mul3A_743 = arith.mulf %get3A_740, %mul3A_742 : vector<16xf32>
        %swap3A_744 = arith.index_cast %while3A_653 : i32 to index
        %swap3A_745 = arith.constant 112 : index
        %swap3A_746 = tpu.vector_load %arg9[%swap3A_744, %swap3A_745] {strides = array<i32>} : memref<128x128xf32, #tpu.memory_space<vmem>>, vector<1x16xf32>,
        %swap3A_747 = vector.shape_cast %swap3A_746 : vector<1x16xf32> to vector<16xf32>
        %swap3A_748 = vector.shape_cast %mul3A_743 : vector<16xf32> to vector<1x16xf32>
        tpu.vector_store %arg9[%swap3A_744, %swap3A_745], %swap3A_748 {strides = array<i32>} : memref<128x128xf32, #tpu.memory_space<vmem>>, vector<1x16xf32>,
      }
      %while3A_637 = arith.constant 0 : i32
      %while3A_638 = arith.constant 128 : i32
      %while3A_639 = arith.subi %while3A_638, %min3A_227 : i32
      %while3A_640 = arith.addi %min3A_227, %while3A_639 : i32
      %while3A_641 = arith.constant 1 : i32
      %while3A_642 = arith.divsi %while3A_639, %while3A_641 : i32
      %while3A_643 = arith.muli %while3A_642, %while3A_641 : i32
      %while3A_644 = arith.addi %min3A_227, %while3A_643 : i32
      %while3A_645 = arith.constant 1 : i32
      scf.for %while3A_653 = %min3A_227 to %while3A_644 step %while3A_645  : i32 {
        %swap3A = arith.index_cast %while3A_653 : i32 to index
        %swap3A_654 = arith.constant 0 : index
        %swap3A_655 = tpu.vector_load %arg9[%swap3A, %swap3A_654] {strides = array<i32>} : memref<128x128xf32, #tpu.memory_space<vmem>>, vector<1x16xf32>,
        %swap3A_656 = vector.shape_cast %swap3A_655 : vector<1x16xf32> to vector<16xf32>
        %swap3A_657 = vector.shape_cast %broadcast_in_dim3A_269 : vector<16xf32> to vector<1x16xf32>
        tpu.vector_store %arg9[%swap3A, %swap3A_654], %swap3A_657 {strides = array<i32>} : memref<128x128xf32, #tpu.memory_space<vmem>>, vector<1x16xf32>,
        %swap3A_658 = arith.index_cast %while3A_653 : i32 to index
        %swap3A_659 = arith.constant 16 : index
        %swap3A_660 = tpu.vector_load %arg9[%swap3A_658, %swap3A_659] {strides = array<i32>} : memref<128x128xf32, #tpu.memory_space<vmem>>, vector<1x16xf32>,
        %swap3A_661 = vector.shape_cast %swap3A_660 : vector<1x16xf32> to vector<16xf32>
        %swap3A_662 = vector.shape_cast %broadcast_in_dim3A_269 : vector<16xf32> to vector<1x16xf32>
        tpu.vector_store %arg9[%swap3A_658, %swap3A_659], %swap3A_662 {strides = array<i32>} : memref<128x128xf32, #tpu.memory_space<vmem>>, vector<1x16xf32>,
        %swap3A_663 = arith.index_cast %while3A_653 : i32 to index
        %swap3A_664 = arith.constant 32 : index
        %swap3A_665 = tpu.vector_load %arg9[%swap3A_663, %swap3A_664] {strides = array<i32>} : memref<128x128xf32, #tpu.memory_space<vmem>>, vector<1x16xf32>,
        %swap3A_666 = vector.shape_cast %swap3A_665 : vector<1x16xf32> to vector<16xf32>
        %swap3A_667 = vector.shape_cast %broadcast_in_dim3A_269 : vector<16xf32> to vector<1x16xf32>
        tpu.vector_store %arg9[%swap3A_663, %swap3A_664], %swap3A_667 {strides = array<i32>} : memref<128x128xf32, #tpu.memory_space<vmem>>, vector<1x16xf32>,
        %swap3A_668 = arith.index_cast %while3A_653 : i32 to index
        %swap3A_669 = arith.constant 48 : index
        %swap3A_670 = tpu.vector_load %arg9[%swap3A_668, %swap3A_669] {strides = array<i32>} : memref<128x128xf32, #tpu.memory_space<vmem>>, vector<1x16xf32>,
        %swap3A_671 = vector.shape_cast %swap3A_670 : vector<1x16xf32> to vector<16xf32>
        %swap3A_672 = vector.shape_cast %broadcast_in_dim3A_269 : vector<16xf32> to vector<1x16xf32>
        tpu.vector_store %arg9[%swap3A_668, %swap3A_669], %swap3A_672 {strides = array<i32>} : memref<128x128xf32, #tpu.memory_space<vmem>>, vector<1x16xf32>,
        %swap3A_673 = arith.index_cast %while3A_653 : i32 to index
        %swap3A_674 = arith.constant 64 : index
        %swap3A_675 = tpu.vector_load %arg9[%swap3A_673, %swap3A_674] {strides = array<i32>} : memref<128x128xf32, #tpu.memory_space<vmem>>, vector<1x16xf32>,
        %swap3A_676 = vector.shape_cast %swap3A_675 : vector<1x16xf32> to vector<16xf32>
        %swap3A_677 = vector.shape_cast %broadcast_in_dim3A_269 : vector<16xf32> to vector<1x16xf32>
        tpu.vector_store %arg9[%swap3A_673, %swap3A_674], %swap3A_677 {strides = array<i32>} : memref<128x128xf32, #tpu.memory_space<vmem>>, vector<1x16xf32>,
        %swap3A_678 = arith.index_cast %while3A_653 : i32 to index
        %swap3A_679 = arith.constant 80 : index
        %swap3A_680 = tpu.vector_load %arg9[%swap3A_678, %swap3A_679] {strides = array<i32>} : memref<128x128xf32, #tpu.memory_space<vmem>>, vector<1x16xf32>,
        %swap3A_681 = vector.shape_cast %swap3A_680 : vector<1x16xf32> to vector<16xf32>
        %swap3A_682 = vector.shape_cast %broadcast_in_dim3A_269 : vector<16xf32> to vector<1x16xf32>
        tpu.vector_store %arg9[%swap3A_678, %swap3A_679], %swap3A_682 {strides = array<i32>} : memref<128x128xf32, #tpu.memory_space<vmem>>, vector<1x16xf32>,
        %swap3A_683 = arith.index_cast %while3A_653 : i32 to index
        %swap3A_684 = arith.constant 96 : index
        %swap3A_685 = tpu.vector_load %arg9[%swap3A_683, %swap3A_684] {strides = array<i32>} : memref<128x128xf32, #tpu.memory_space<vmem>>, vector<1x16xf32>,
        %swap3A_686 = vector.shape_cast %swap3A_685 : vector<1x16xf32> to vector<16xf32>
        %swap3A_687 = vector.shape_cast %broadcast_in_dim3A_269 : vector<16xf32> to vector<1x16xf32>
        tpu.vector_store %arg9[%swap3A_683, %swap3A_684], %swap3A_687 {strides = array<i32>} : memref<128x128xf32, #tpu.memory_space<vmem>>, vector<1x16xf32>,
        %swap3A_688 = arith.index_cast %while3A_653 : i32 to index
        %swap3A_689 = arith.constant 112 : index
        %swap3A_690 = tpu.vector_load %arg9[%swap3A_688, %swap3A_689] {strides = array<i32>} : memref<128x128xf32, #tpu.memory_space<vmem>>, vector<1x16xf32>,
        %swap3A_691 = vector.shape_cast %swap3A_690 : vector<1x16xf32> to vector<16xf32>
        %swap3A_692 = vector.shape_cast %broadcast_in_dim3A_269 : vector<16xf32> to vector<1x16xf32>
        tpu.vector_store %arg9[%swap3A_688, %swap3A_689], %swap3A_692 {strides = array<i32>} : memref<128x128xf32, #tpu.memory_space<vmem>>, vector<1x16xf32>,
      }
      %while3A_646 = arith.constant 1 : i32
      scf.for %while3A_653 = %while3A_644 to %while3A_640 step %while3A_646  : i32 {
        %swap3A = arith.index_cast %while3A_653 : i32 to index
        %swap3A_654 = arith.constant 0 : index
        %swap3A_655 = tpu.vector_load %arg9[%swap3A, %swap3A_654] {strides = array<i32>} : memref<128x128xf32, #tpu.memory_space<vmem>>, vector<1x16xf32>,
        %swap3A_656 = vector.shape_cast %swap3A_655 : vector<1x16xf32> to vector<16xf32>
        %swap3A_657 = vector.shape_cast %broadcast_in_dim3A_269 : vector<16xf32> to vector<1x16xf32>
        tpu.vector_store %arg9[%swap3A, %swap3A_654], %swap3A_657 {strides = array<i32>} : memref<128x128xf32, #tpu.memory_space<vmem>>, vector<1x16xf32>,
        %swap3A_658 = arith.index_cast %while3A_653 : i32 to index
        %swap3A_659 = arith.constant 16 : index
        %swap3A_660 = tpu.vector_load %arg9[%swap3A_658, %swap3A_659] {strides = array<i32>} : memref<128x128xf32, #tpu.memory_space<vmem>>, vector<1x16xf32>,
        %swap3A_661 = vector.shape_cast %swap3A_660 : vector<1x16xf32> to vector<16xf32>
        %swap3A_662 = vector.shape_cast %broadcast_in_dim3A_269 : vector<16xf32> to vector<1x16xf32>
        tpu.vector_store %arg9[%swap3A_658, %swap3A_659], %swap3A_662 {strides = array<i32>} : memref<128x128xf32, #tpu.memory_space<vmem>>, vector<1x16xf32>,
        %swap3A_663 = arith.index_cast %while3A_653 : i32 to index
        %swap3A_664 = arith.constant 32 : index
        %swap3A_665 = tpu.vector_load %arg9[%swap3A_663, %swap3A_664] {strides = array<i32>} : memref<128x128xf32, #tpu.memory_space<vmem>>, vector<1x16xf32>,
        %swap3A_666 = vector.shape_cast %swap3A_665 : vector<1x16xf32> to vector<16xf32>
        %swap3A_667 = vector.shape_cast %broadcast_in_dim3A_269 : vector<16xf32> to vector<1x16xf32>
        tpu.vector_store %arg9[%swap3A_663, %swap3A_664], %swap3A_667 {strides = array<i32>} : memref<128x128xf32, #tpu.memory_space<vmem>>, vector<1x16xf32>,
        %swap3A_668 = arith.index_cast %while3A_653 : i32 to index
        %swap3A_669 = arith.constant 48 : index
        %swap3A_670 = tpu.vector_load %arg9[%swap3A_668, %swap3A_669] {strides = array<i32>} : memref<128x128xf32, #tpu.memory_space<vmem>>, vector<1x16xf32>,
        %swap3A_671 = vector.shape_cast %swap3A_670 : vector<1x16xf32> to vector<16xf32>
        %swap3A_672 = vector.shape_cast %broadcast_in_dim3A_269 : vector<16xf32> to vector<1x16xf32>
        tpu.vector_store %arg9[%swap3A_668, %swap3A_669], %swap3A_672 {strides = array<i32>} : memref<128x128xf32, #tpu.memory_space<vmem>>, vector<1x16xf32>,
        %swap3A_673 = arith.index_cast %while3A_653 : i32 to index
        %swap3A_674 = arith.constant 64 : index
        %swap3A_675 = tpu.vector_load %arg9[%swap3A_673, %swap3A_674] {strides = array<i32>} : memref<128x128xf32, #tpu.memory_space<vmem>>, vector<1x16xf32>,
        %swap3A_676 = vector.shape_cast %swap3A_675 : vector<1x16xf32> to vector<16xf32>
        %swap3A_677 = vector.shape_cast %broadcast_in_dim3A_269 : vector<16xf32> to vector<1x16xf32>
        tpu.vector_store %arg9[%swap3A_673, %swap3A_674], %swap3A_677 {strides = array<i32>} : memref<128x128xf32, #tpu.memory_space<vmem>>, vector<1x16xf32>,
        %swap3A_678 = arith.index_cast %while3A_653 : i32 to index
        %swap3A_679 = arith.constant 80 : index
        %swap3A_680 = tpu.vector_load %arg9[%swap3A_678, %swap3A_679] {strides = array<i32>} : memref<128x128xf32, #tpu.memory_space<vmem>>, vector<1x16xf32>,
        %swap3A_681 = vector.shape_cast %swap3A_680 : vector<1x16xf32> to vector<16xf32>
        %swap3A_682 = vector.shape_cast %broadcast_in_dim3A_269 : vector<16xf32> to vector<1x16xf32>
        tpu.vector_store %arg9[%swap3A_678, %swap3A_679], %swap3A_682 {strides = array<i32>} : memref<128x128xf32, #tpu.memory_space<vmem>>, vector<1x16xf32>,
        %swap3A_683 = arith.index_cast %while3A_653 : i32 to index
        %swap3A_684 = arith.constant 96 : index
        %swap3A_685 = tpu.vector_load %arg9[%swap3A_683, %swap3A_684] {strides = array<i32>} : memref<128x128xf32, #tpu.memory_space<vmem>>, vector<1x16xf32>,
        %swap3A_686 = vector.shape_cast %swap3A_685 : vector<1x16xf32> to vector<16xf32>
        %swap3A_687 = vector.shape_cast %broadcast_in_dim3A_269 : vector<16xf32> to vector<1x16xf32>
        tpu.vector_store %arg9[%swap3A_683, %swap3A_684], %swap3A_687 {strides = array<i32>} : memref<128x128xf32, #tpu.memory_space<vmem>>, vector<1x16xf32>,
        %swap3A_688 = arith.index_cast %while3A_653 : i32 to index
        %swap3A_689 = arith.constant 112 : index
        %swap3A_690 = tpu.vector_load %arg9[%swap3A_688, %swap3A_689] {strides = array<i32>} : memref<128x128xf32, #tpu.memory_space<vmem>>, vector<1x16xf32>,
        %swap3A_691 = vector.shape_cast %swap3A_690 : vector<1x16xf32> to vector<16xf32>
        %swap3A_692 = vector.shape_cast %broadcast_in_dim3A_269 : vector<16xf32> to vector<1x16xf32>
        tpu.vector_store %arg9[%swap3A_688, %swap3A_689], %swap3A_692 {strides = array<i32>} : memref<128x128xf32, #tpu.memory_space<vmem>>, vector<1x16xf32>,
      }
      %mul3A_647 = arith.constant 128 : i32
      %mul3A_648 = arith.muli %add3A_78, %mul3A_647 : i32
      %dma_start3A_649 = arith.constant 0 : i32
      %dma_start3A_650 = tpu.memref_slice %arg7[%mul3A_648, %dma_start3A_649] : memref<32768x128xf32, #tpu.memory_space<hbm>> -> memref<128x128xf32, #tpu.memory_space<hbm>>
      %dma_start3A_651 = arith.constant 0 : i32
      %dma_start3A_652 = tpu.memref_slice %arg7[%mul3A_648, %dma_start3A_651] : memref<32768x128xf32, #tpu.memory_space<hbm>> -> memref<128x128xf32, #tpu.memory_space<hbm>>
      tpu.enqueue_dma source(%arg9 : memref<128x128xf32, #tpu.memory_space<vmem>>) target(%dma_start3A_652 : memref<128x128xf32, #tpu.memory_space<hbm>>) target_semaphore(%arg24 : memref<!tpu.dma_semaphore, #tpu.memory_space<semaphore_mem>>)
    } else {
    }
    %le3A_498 = arith.constant 0 : i32
    %le3A_499 = arith.cmpi sle, %min3A_227, %le3A_498 : i32
    %convert_element_type3A_500 = arith.extui %le3A_499 : i1 to i32
    %cond3A_501 = arith.constant 0 : i32
    %cond3A_502 = arith.cmpi ne, %convert_element_type3A_500, %cond3A_501 : i32
    scf.if %cond3A_502 {
      %mul3A_628 = arith.constant 128 : i32
      %mul3A_629 = arith.muli %add3A_78, %mul3A_628 : i32
      %dma_start3A_630 = arith.constant 0 : i32
      %dma_start3A_631 = tpu.memref_slice %arg7[%mul3A_629, %dma_start3A_630] : memref<32768x128xf32, #tpu.memory_space<hbm>> -> memref<128x128xf32, #tpu.memory_space<hbm>>
      tpu.enqueue_dma source(%arg15 : memref<128x128xf32, #tpu.memory_space<vmem_shared>>) target(%dma_start3A_631 : memref<128x128xf32, #tpu.memory_space<hbm>>) target_semaphore(%arg18 : memref<!tpu.dma_semaphore, #tpu.memory_space<semaphore_mem>>)
    } else {
    }
    %gt3A_503 = arith.constant 0 : i32
    %gt3A_504 = arith.cmpi sgt, %min3A_239, %gt3A_503 : i32
    %convert_element_type3A_505 = arith.extui %gt3A_504 : i1 to i32
    %cond3A_506 = arith.constant 0 : i32
    %cond3A_507 = arith.cmpi ne, %convert_element_type3A_505, %cond3A_506 : i32
    scf.if %cond3A_507 {
      %dma_wait3A_628 = arith.constant 5 : i32
      %dma_wait3A_629 = arith.constant 0 : i32
      %dma_wait3A_630 = tpu.memref_slice %arg8[%dma_wait3A_628, %dma_wait3A_629] : memref<8x128xi32, #tpu.memory_space<vmem>> -> memref<1x128xi32, #tpu.memory_space<vmem>>
      %dma_wait3A_631 = tpu.memref_squeeze %dma_wait3A_630 : memref<1x128xi32, #tpu.memory_space<vmem>> -> memref<128xi32, #tpu.memory_space<vmem>>
      %dma_wait3A_632 = arith.constant 0 : i32
      %dma_wait3A_633 = arith.constant 0 : i32
      %dma_wait3A_634 = tpu.memref_slice %arg5[%dma_wait3A_632, %dma_wait3A_633] : memref<100000x128xf32, #tpu.memory_space<hbm>> -> memref<100000x128xf32, #tpu.memory_space<hbm>>
      tpu.wait_indirect_dma semaphore(%arg19 : memref<!tpu.dma_semaphore, #tpu.memory_space<semaphore_mem>>) src(%dma_wait3A_634 : memref<100000x128xf32, #tpu.memory_space<hbm>>) dst(%arg10 : memref<128x128xf32, #tpu.memory_space<vmem>>)
    } else {
    }
    %gt3A_508 = arith.constant 0 : i32
    %gt3A_509 = arith.cmpi sgt, %min3A_215, %gt3A_508 : i32
    %convert_element_type3A_510 = arith.extui %gt3A_509 : i1 to i32
    %cond3A_511 = arith.constant 0 : i32
    %cond3A_512 = arith.cmpi ne, %convert_element_type3A_510, %cond3A_511 : i32
    scf.if %cond3A_512 {
      %mul3A_628 = arith.constant 128 : i32
      %mul3A_629 = arith.muli %add3A_75, %mul3A_628 : i32
      %dma_wait3A_630 = arith.constant 0 : i32
      %dma_wait3A_631 = tpu.memref_slice %arg7[%mul3A_629, %dma_wait3A_630] : memref<32768x128xf32, #tpu.memory_space<hbm>> -> memref<128x128xf32, #tpu.memory_space<hbm>>
      %dma_wait3A_632 = arith.constant 0 : i32
      %dma_wait3A_633 = tpu.memref_slice %arg7[%mul3A_629, %dma_wait3A_632] : memref<32768x128xf32, #tpu.memory_space<hbm>> -> memref<128x128xf32, #tpu.memory_space<hbm>>
      tpu.wait_dma2 semaphore(%arg27 : memref<!tpu.dma_semaphore, #tpu.memory_space<semaphore_mem>>) src(%arg12 : memref<128x128xf32, #tpu.memory_space<vmem>>) dst(%dma_wait3A_633 : memref<128x128xf32, #tpu.memory_space<hbm>>)
    } else {
    }
    %gt3A_513 = arith.constant 0 : i32
    %gt3A_514 = arith.cmpi sgt, %min3A_263, %gt3A_513 : i32
    %convert_element_type3A_515 = arith.extui %gt3A_514 : i1 to i32
    %cond3A_516 = arith.constant 0 : i32
    %cond3A_517 = arith.cmpi ne, %convert_element_type3A_515, %cond3A_516 : i32
    scf.if %cond3A_517 {
      %mul3A_628 = arith.constant 128 : i32
      %mul3A_629 = arith.muli %rem3A_63, %mul3A_628 : i32
      %dma_start3A_630 = arith.constant 0 : i32
      %dma_start3A_631 = tpu.memref_slice %arg14[%mul3A_629, %dma_start3A_630] : memref<2048x128xf32, #tpu.memory_space<vmem_shared>> -> memref<128x128xf32, #tpu.memory_space<vmem_shared>>
      %dma_start3A_632 = arith.constant 0 : i32
      %dma_start3A_633 = tpu.memref_slice %arg14[%mul3A_629, %dma_start3A_632] : memref<2048x128xf32, #tpu.memory_space<vmem_shared>> -> memref<128x128xf32, #tpu.memory_space<vmem_shared>>
      tpu.enqueue_dma source(%dma_start3A_633 : memref<128x128xf32, #tpu.memory_space<vmem_shared>>) target(%arg12 : memref<128x128xf32, #tpu.memory_space<vmem>>) target_semaphore(%arg23 : memref<!tpu.dma_semaphore, #tpu.memory_space<semaphore_mem>>)
    } else {
    }
    %gt3A_518 = arith.constant 0 : i32
    %gt3A_519 = arith.cmpi sgt, %min3A_251, %gt3A_518 : i32
    %convert_element_type3A_520 = arith.extui %gt3A_519 : i1 to i32
    %cond3A_521 = arith.constant 0 : i32
    %cond3A_522 = arith.cmpi ne, %convert_element_type3A_520, %cond3A_521 : i32
    scf.if %cond3A_522 {
      %mul3A_628 = arith.constant 128 : i32
      %mul3A_629 = arith.muli %rem3A_59, %mul3A_628 : i32
      %dma_wait3A_630 = arith.constant 0 : i32
      %dma_wait3A_631 = tpu.memref_slice %arg14[%mul3A_629, %dma_wait3A_630] : memref<2048x128xf32, #tpu.memory_space<vmem_shared>> -> memref<128x128xf32, #tpu.memory_space<vmem_shared>>
      %dma_wait3A_632 = arith.constant 0 : i32
      %dma_wait3A_633 = tpu.memref_slice %arg14[%mul3A_629, %dma_wait3A_632] : memref<2048x128xf32, #tpu.memory_space<vmem_shared>> -> memref<128x128xf32, #tpu.memory_space<vmem_shared>>
      tpu.wait_dma2 semaphore(%arg22 : memref<!tpu.dma_semaphore, #tpu.memory_space<semaphore_mem>>) src(%dma_wait3A_633 : memref<128x128xf32, #tpu.memory_space<vmem_shared>>) dst(%arg11 : memref<128x128xf32, #tpu.memory_space<vmem>>)
      %dma_start3A_634 = arith.constant 6 : i32
      %dma_start3A_635 = arith.constant 0 : i32
      %dma_start3A_636 = tpu.memref_slice %arg8[%dma_start3A_634, %dma_start3A_635] : memref<8x128xi32, #tpu.memory_space<vmem>> -> memref<1x128xi32, #tpu.memory_space<vmem>>
      %dma_start3A_637 = tpu.memref_squeeze %dma_start3A_636 : memref<1x128xi32, #tpu.memory_space<vmem>> -> memref<128xi32, #tpu.memory_space<vmem>>
      %dma_start3A_638 = arith.constant 0 : i32
      %dma_start3A_639 = arith.constant 0 : i32
      %dma_start3A_640 = tpu.memref_slice %arg5[%dma_start3A_638, %dma_start3A_639] : memref<100000x128xf32, #tpu.memory_space<hbm>> -> memref<100000x128xf32, #tpu.memory_space<hbm>>
      tpu.enqueue_indirect_dma source(%dma_start3A_640 : memref<100000x128xf32, #tpu.memory_space<hbm>>) target(%arg11 : memref<128x128xf32, #tpu.memory_space<vmem>>) offsets(%dma_start3A_637 : memref<128xi32, #tpu.memory_space<vmem>>) semaphore(%arg19 : memref<!tpu.dma_semaphore, #tpu.memory_space<semaphore_mem>>) {add = true}
    } else {
    }
    %gt3A_523 = arith.constant 0 : i32
    %gt3A_524 = arith.cmpi sgt, %min3A_239, %gt3A_523 : i32
    %convert_element_type3A_525 = arith.extui %gt3A_524 : i1 to i32
    %cond3A_526 = arith.constant 0 : i32
    %cond3A_527 = arith.cmpi ne, %convert_element_type3A_525, %cond3A_526 : i32
    scf.if %cond3A_527 {
      %while3A = arith.constant 0 : i32
      %while3A_628 = arith.constant 0 : i32
      %while3A_629 = arith.subi %min3A_239, %while3A_628 : i32
      %while3A_630 = arith.addi %while3A_628, %while3A_629 : i32
      %while3A_631 = arith.constant 1 : i32
      %while3A_632 = arith.divsi %while3A_629, %while3A_631 : i32
      %while3A_633 = arith.muli %while3A_632, %while3A_631 : i32
      %while3A_634 = arith.addi %while3A_628, %while3A_633 : i32
      %while3A_635 = arith.constant 1 : i32
      scf.for %while3A_653 = %while3A_628 to %while3A_634 step %while3A_635  : i32 {
        %get3A_654 = arith.index_cast %while3A_653 : i32 to index
        %get3A_655 = arith.constant 0 : index
        %get3A_656 = tpu.vector_load %arg10[%get3A_654, %get3A_655] {strides = array<i32>} : memref<128x128xf32, #tpu.memory_space<vmem>>, vector<1x16xf32>,
        %get3A_657 = vector.shape_cast %get3A_656 : vector<1x16xf32> to vector<16xf32>
        %mul3A_658 = arith.constant 0.0883883461 : f32
        %mul3A_659 = vector.broadcast %mul3A_658 : f32 to vector<16xf32>
        %mul3A_660 = arith.mulf %get3A_657, %mul3A_659 : vector<16xf32>
        %swap3A = arith.index_cast %while3A_653 : i32 to index
        %swap3A_661 = arith.constant 0 : index
        %swap3A_662 = tpu.vector_load %arg10[%swap3A, %swap3A_661] {strides = array<i32>} : memref<128x128xf32, #tpu.memory_space<vmem>>, vector<1x16xf32>,
        %swap3A_663 = vector.shape_cast %swap3A_662 : vector<1x16xf32> to vector<16xf32>
        %swap3A_664 = vector.shape_cast %mul3A_660 : vector<16xf32> to vector<1x16xf32>
        tpu.vector_store %arg10[%swap3A, %swap3A_661], %swap3A_664 {strides = array<i32>} : memref<128x128xf32, #tpu.memory_space<vmem>>, vector<1x16xf32>,
        %get3A_665 = arith.index_cast %while3A_653 : i32 to index
        %get3A_666 = arith.constant 16 : index
        %get3A_667 = tpu.vector_load %arg10[%get3A_665, %get3A_666] {strides = array<i32>} : memref<128x128xf32, #tpu.memory_space<vmem>>, vector<1x16xf32>,
        %get3A_668 = vector.shape_cast %get3A_667 : vector<1x16xf32> to vector<16xf32>
        %mul3A_669 = arith.constant 0.0883883461 : f32
        %mul3A_670 = vector.broadcast %mul3A_669 : f32 to vector<16xf32>
        %mul3A_671 = arith.mulf %get3A_668, %mul3A_670 : vector<16xf32>
        %swap3A_672 = arith.index_cast %while3A_653 : i32 to index
        %swap3A_673 = arith.constant 16 : index
        %swap3A_674 = tpu.vector_load %arg10[%swap3A_672, %swap3A_673] {strides = array<i32>} : memref<128x128xf32, #tpu.memory_space<vmem>>, vector<1x16xf32>,
        %swap3A_675 = vector.shape_cast %swap3A_674 : vector<1x16xf32> to vector<16xf32>
        %swap3A_676 = vector.shape_cast %mul3A_671 : vector<16xf32> to vector<1x16xf32>
        tpu.vector_store %arg10[%swap3A_672, %swap3A_673], %swap3A_676 {strides = array<i32>} : memref<128x128xf32, #tpu.memory_space<vmem>>, vector<1x16xf32>,
        %get3A_677 = arith.index_cast %while3A_653 : i32 to index
        %get3A_678 = arith.constant 32 : index
        %get3A_679 = tpu.vector_load %arg10[%get3A_677, %get3A_678] {strides = array<i32>} : memref<128x128xf32, #tpu.memory_space<vmem>>, vector<1x16xf32>,
        %get3A_680 = vector.shape_cast %get3A_679 : vector<1x16xf32> to vector<16xf32>
        %mul3A_681 = arith.constant 0.0883883461 : f32
        %mul3A_682 = vector.broadcast %mul3A_681 : f32 to vector<16xf32>
        %mul3A_683 = arith.mulf %get3A_680, %mul3A_682 : vector<16xf32>
        %swap3A_684 = arith.index_cast %while3A_653 : i32 to index
        %swap3A_685 = arith.constant 32 : index
        %swap3A_686 = tpu.vector_load %arg10[%swap3A_684, %swap3A_685] {strides = array<i32>} : memref<128x128xf32, #tpu.memory_space<vmem>>, vector<1x16xf32>,
        %swap3A_687 = vector.shape_cast %swap3A_686 : vector<1x16xf32> to vector<16xf32>
        %swap3A_688 = vector.shape_cast %mul3A_683 : vector<16xf32> to vector<1x16xf32>
        tpu.vector_store %arg10[%swap3A_684, %swap3A_685], %swap3A_688 {strides = array<i32>} : memref<128x128xf32, #tpu.memory_space<vmem>>, vector<1x16xf32>,
        %get3A_689 = arith.index_cast %while3A_653 : i32 to index
        %get3A_690 = arith.constant 48 : index
        %get3A_691 = tpu.vector_load %arg10[%get3A_689, %get3A_690] {strides = array<i32>} : memref<128x128xf32, #tpu.memory_space<vmem>>, vector<1x16xf32>,
        %get3A_692 = vector.shape_cast %get3A_691 : vector<1x16xf32> to vector<16xf32>
        %mul3A_693 = arith.constant 0.0883883461 : f32
        %mul3A_694 = vector.broadcast %mul3A_693 : f32 to vector<16xf32>
        %mul3A_695 = arith.mulf %get3A_692, %mul3A_694 : vector<16xf32>
        %swap3A_696 = arith.index_cast %while3A_653 : i32 to index
        %swap3A_697 = arith.constant 48 : index
        %swap3A_698 = tpu.vector_load %arg10[%swap3A_696, %swap3A_697] {strides = array<i32>} : memref<128x128xf32, #tpu.memory_space<vmem>>, vector<1x16xf32>,
        %swap3A_699 = vector.shape_cast %swap3A_698 : vector<1x16xf32> to vector<16xf32>
        %swap3A_700 = vector.shape_cast %mul3A_695 : vector<16xf32> to vector<1x16xf32>
        tpu.vector_store %arg10[%swap3A_696, %swap3A_697], %swap3A_700 {strides = array<i32>} : memref<128x128xf32, #tpu.memory_space<vmem>>, vector<1x16xf32>,
        %get3A_701 = arith.index_cast %while3A_653 : i32 to index
        %get3A_702 = arith.constant 64 : index
        %get3A_703 = tpu.vector_load %arg10[%get3A_701, %get3A_702] {strides = array<i32>} : memref<128x128xf32, #tpu.memory_space<vmem>>, vector<1x16xf32>,
        %get3A_704 = vector.shape_cast %get3A_703 : vector<1x16xf32> to vector<16xf32>
        %mul3A_705 = arith.constant 0.0883883461 : f32
        %mul3A_706 = vector.broadcast %mul3A_705 : f32 to vector<16xf32>
        %mul3A_707 = arith.mulf %get3A_704, %mul3A_706 : vector<16xf32>
        %swap3A_708 = arith.index_cast %while3A_653 : i32 to index
        %swap3A_709 = arith.constant 64 : index
        %swap3A_710 = tpu.vector_load %arg10[%swap3A_708, %swap3A_709] {strides = array<i32>} : memref<128x128xf32, #tpu.memory_space<vmem>>, vector<1x16xf32>,
        %swap3A_711 = vector.shape_cast %swap3A_710 : vector<1x16xf32> to vector<16xf32>
        %swap3A_712 = vector.shape_cast %mul3A_707 : vector<16xf32> to vector<1x16xf32>
        tpu.vector_store %arg10[%swap3A_708, %swap3A_709], %swap3A_712 {strides = array<i32>} : memref<128x128xf32, #tpu.memory_space<vmem>>, vector<1x16xf32>,
        %get3A_713 = arith.index_cast %while3A_653 : i32 to index
        %get3A_714 = arith.constant 80 : index
        %get3A_715 = tpu.vector_load %arg10[%get3A_713, %get3A_714] {strides = array<i32>} : memref<128x128xf32, #tpu.memory_space<vmem>>, vector<1x16xf32>,
        %get3A_716 = vector.shape_cast %get3A_715 : vector<1x16xf32> to vector<16xf32>
        %mul3A_717 = arith.constant 0.0883883461 : f32
        %mul3A_718 = vector.broadcast %mul3A_717 : f32 to vector<16xf32>
        %mul3A_719 = arith.mulf %get3A_716, %mul3A_718 : vector<16xf32>
        %swap3A_720 = arith.index_cast %while3A_653 : i32 to index
        %swap3A_721 = arith.constant 80 : index
        %swap3A_722 = tpu.vector_load %arg10[%swap3A_720, %swap3A_721] {strides = array<i32>} : memref<128x128xf32, #tpu.memory_space<vmem>>, vector<1x16xf32>,
        %swap3A_723 = vector.shape_cast %swap3A_722 : vector<1x16xf32> to vector<16xf32>
        %swap3A_724 = vector.shape_cast %mul3A_719 : vector<16xf32> to vector<1x16xf32>
        tpu.vector_store %arg10[%swap3A_720, %swap3A_721], %swap3A_724 {strides = array<i32>} : memref<128x128xf32, #tpu.memory_space<vmem>>, vector<1x16xf32>,
        %get3A_725 = arith.index_cast %while3A_653 : i32 to index
        %get3A_726 = arith.constant 96 : index
        %get3A_727 = tpu.vector_load %arg10[%get3A_725, %get3A_726] {strides = array<i32>} : memref<128x128xf32, #tpu.memory_space<vmem>>, vector<1x16xf32>,
        %get3A_728 = vector.shape_cast %get3A_727 : vector<1x16xf32> to vector<16xf32>
        %mul3A_729 = arith.constant 0.0883883461 : f32
        %mul3A_730 = vector.broadcast %mul3A_729 : f32 to vector<16xf32>
        %mul3A_731 = arith.mulf %get3A_728, %mul3A_730 : vector<16xf32>
        %swap3A_732 = arith.index_cast %while3A_653 : i32 to index
        %swap3A_733 = arith.constant 96 : index
        %swap3A_734 = tpu.vector_load %arg10[%swap3A_732, %swap3A_733] {strides = array<i32>} : memref<128x128xf32, #tpu.memory_space<vmem>>, vector<1x16xf32>,
        %swap3A_735 = vector.shape_cast %swap3A_734 : vector<1x16xf32> to vector<16xf32>
        %swap3A_736 = vector.shape_cast %mul3A_731 : vector<16xf32> to vector<1x16xf32>
        tpu.vector_store %arg10[%swap3A_732, %swap3A_733], %swap3A_736 {strides = array<i32>} : memref<128x128xf32, #tpu.memory_space<vmem>>, vector<1x16xf32>,
        %get3A_737 = arith.index_cast %while3A_653 : i32 to index
        %get3A_738 = arith.constant 112 : index
        %get3A_739 = tpu.vector_load %arg10[%get3A_737, %get3A_738] {strides = array<i32>} : memref<128x128xf32, #tpu.memory_space<vmem>>, vector<1x16xf32>,
        %get3A_740 = vector.shape_cast %get3A_739 : vector<1x16xf32> to vector<16xf32>
        %mul3A_741 = arith.constant 0.0883883461 : f32
        %mul3A_742 = vector.broadcast %mul3A_741 : f32 to vector<16xf32>
        %mul3A_743 = arith.mulf %get3A_740, %mul3A_742 : vector<16xf32>
        %swap3A_744 = arith.index_cast %while3A_653 : i32 to index
        %swap3A_745 = arith.constant 112 : index
        %swap3A_746 = tpu.vector_load %arg10[%swap3A_744, %swap3A_745] {strides = array<i32>} : memref<128x128xf32, #tpu.memory_space<vmem>>, vector<1x16xf32>,
        %swap3A_747 = vector.shape_cast %swap3A_746 : vector<1x16xf32> to vector<16xf32>
        %swap3A_748 = vector.shape_cast %mul3A_743 : vector<16xf32> to vector<1x16xf32>
        tpu.vector_store %arg10[%swap3A_744, %swap3A_745], %swap3A_748 {strides = array<i32>} : memref<128x128xf32, #tpu.memory_space<vmem>>, vector<1x16xf32>,
      }
      %while3A_636 = arith.constant 1 : i32
      scf.for %while3A_653 = %while3A_634 to %while3A_630 step %while3A_636  : i32 {
        %get3A_654 = arith.index_cast %while3A_653 : i32 to index
        %get3A_655 = arith.constant 0 : index
        %get3A_656 = tpu.vector_load %arg10[%get3A_654, %get3A_655] {strides = array<i32>} : memref<128x128xf32, #tpu.memory_space<vmem>>, vector<1x16xf32>,
        %get3A_657 = vector.shape_cast %get3A_656 : vector<1x16xf32> to vector<16xf32>
        %mul3A_658 = arith.constant 0.0883883461 : f32
        %mul3A_659 = vector.broadcast %mul3A_658 : f32 to vector<16xf32>
        %mul3A_660 = arith.mulf %get3A_657, %mul3A_659 : vector<16xf32>
        %swap3A = arith.index_cast %while3A_653 : i32 to index
        %swap3A_661 = arith.constant 0 : index
        %swap3A_662 = tpu.vector_load %arg10[%swap3A, %swap3A_661] {strides = array<i32>} : memref<128x128xf32, #tpu.memory_space<vmem>>, vector<1x16xf32>,
        %swap3A_663 = vector.shape_cast %swap3A_662 : vector<1x16xf32> to vector<16xf32>
        %swap3A_664 = vector.shape_cast %mul3A_660 : vector<16xf32> to vector<1x16xf32>
        tpu.vector_store %arg10[%swap3A, %swap3A_661], %swap3A_664 {strides = array<i32>} : memref<128x128xf32, #tpu.memory_space<vmem>>, vector<1x16xf32>,
        %get3A_665 = arith.index_cast %while3A_653 : i32 to index
        %get3A_666 = arith.constant 16 : index
        %get3A_667 = tpu.vector_load %arg10[%get3A_665, %get3A_666] {strides = array<i32>} : memref<128x128xf32, #tpu.memory_space<vmem>>, vector<1x16xf32>,
        %get3A_668 = vector.shape_cast %get3A_667 : vector<1x16xf32> to vector<16xf32>
        %mul3A_669 = arith.constant 0.0883883461 : f32
        %mul3A_670 = vector.broadcast %mul3A_669 : f32 to vector<16xf32>
        %mul3A_671 = arith.mulf %get3A_668, %mul3A_670 : vector<16xf32>
        %swap3A_672 = arith.index_cast %while3A_653 : i32 to index
        %swap3A_673 = arith.constant 16 : index
        %swap3A_674 = tpu.vector_load %arg10[%swap3A_672, %swap3A_673] {strides = array<i32>} : memref<128x128xf32, #tpu.memory_space<vmem>>, vector<1x16xf32>,
        %swap3A_675 = vector.shape_cast %swap3A_674 : vector<1x16xf32> to vector<16xf32>
        %swap3A_676 = vector.shape_cast %mul3A_671 : vector<16xf32> to vector<1x16xf32>
        tpu.vector_store %arg10[%swap3A_672, %swap3A_673], %swap3A_676 {strides = array<i32>} : memref<128x128xf32, #tpu.memory_space<vmem>>, vector<1x16xf32>,
        %get3A_677 = arith.index_cast %while3A_653 : i32 to index
        %get3A_678 = arith.constant 32 : index
        %get3A_679 = tpu.vector_load %arg10[%get3A_677, %get3A_678] {strides = array<i32>} : memref<128x128xf32, #tpu.memory_space<vmem>>, vector<1x16xf32>,
        %get3A_680 = vector.shape_cast %get3A_679 : vector<1x16xf32> to vector<16xf32>
        %mul3A_681 = arith.constant 0.0883883461 : f32
        %mul3A_682 = vector.broadcast %mul3A_681 : f32 to vector<16xf32>
        %mul3A_683 = arith.mulf %get3A_680, %mul3A_682 : vector<16xf32>
        %swap3A_684 = arith.index_cast %while3A_653 : i32 to index
        %swap3A_685 = arith.constant 32 : index
        %swap3A_686 = tpu.vector_load %arg10[%swap3A_684, %swap3A_685] {strides = array<i32>} : memref<128x128xf32, #tpu.memory_space<vmem>>, vector<1x16xf32>,
        %swap3A_687 = vector.shape_cast %swap3A_686 : vector<1x16xf32> to vector<16xf32>
        %swap3A_688 = vector.shape_cast %mul3A_683 : vector<16xf32> to vector<1x16xf32>
        tpu.vector_store %arg10[%swap3A_684, %swap3A_685], %swap3A_688 {strides = array<i32>} : memref<128x128xf32, #tpu.memory_space<vmem>>, vector<1x16xf32>,
        %get3A_689 = arith.index_cast %while3A_653 : i32 to index
        %get3A_690 = arith.constant 48 : index
        %get3A_691 = tpu.vector_load %arg10[%get3A_689, %get3A_690] {strides = array<i32>} : memref<128x128xf32, #tpu.memory_space<vmem>>, vector<1x16xf32>,
        %get3A_692 = vector.shape_cast %get3A_691 : vector<1x16xf32> to vector<16xf32>
        %mul3A_693 = arith.constant 0.0883883461 : f32
        %mul3A_694 = vector.broadcast %mul3A_693 : f32 to vector<16xf32>
        %mul3A_695 = arith.mulf %get3A_692, %mul3A_694 : vector<16xf32>
        %swap3A_696 = arith.index_cast %while3A_653 : i32 to index
        %swap3A_697 = arith.constant 48 : index
        %swap3A_698 = tpu.vector_load %arg10[%swap3A_696, %swap3A_697] {strides = array<i32>} : memref<128x128xf32, #tpu.memory_space<vmem>>, vector<1x16xf32>,
        %swap3A_699 = vector.shape_cast %swap3A_698 : vector<1x16xf32> to vector<16xf32>
        %swap3A_700 = vector.shape_cast %mul3A_695 : vector<16xf32> to vector<1x16xf32>
        tpu.vector_store %arg10[%swap3A_696, %swap3A_697], %swap3A_700 {strides = array<i32>} : memref<128x128xf32, #tpu.memory_space<vmem>>, vector<1x16xf32>,
        %get3A_701 = arith.index_cast %while3A_653 : i32 to index
        %get3A_702 = arith.constant 64 : index
        %get3A_703 = tpu.vector_load %arg10[%get3A_701, %get3A_702] {strides = array<i32>} : memref<128x128xf32, #tpu.memory_space<vmem>>, vector<1x16xf32>,
        %get3A_704 = vector.shape_cast %get3A_703 : vector<1x16xf32> to vector<16xf32>
        %mul3A_705 = arith.constant 0.0883883461 : f32
        %mul3A_706 = vector.broadcast %mul3A_705 : f32 to vector<16xf32>
        %mul3A_707 = arith.mulf %get3A_704, %mul3A_706 : vector<16xf32>
        %swap3A_708 = arith.index_cast %while3A_653 : i32 to index
        %swap3A_709 = arith.constant 64 : index
        %swap3A_710 = tpu.vector_load %arg10[%swap3A_708, %swap3A_709] {strides = array<i32>} : memref<128x128xf32, #tpu.memory_space<vmem>>, vector<1x16xf32>,
        %swap3A_711 = vector.shape_cast %swap3A_710 : vector<1x16xf32> to vector<16xf32>
        %swap3A_712 = vector.shape_cast %mul3A_707 : vector<16xf32> to vector<1x16xf32>
        tpu.vector_store %arg10[%swap3A_708, %swap3A_709], %swap3A_712 {strides = array<i32>} : memref<128x128xf32, #tpu.memory_space<vmem>>, vector<1x16xf32>,
        %get3A_713 = arith.index_cast %while3A_653 : i32 to index
        %get3A_714 = arith.constant 80 : index
        %get3A_715 = tpu.vector_load %arg10[%get3A_713, %get3A_714] {strides = array<i32>} : memref<128x128xf32, #tpu.memory_space<vmem>>, vector<1x16xf32>,
        %get3A_716 = vector.shape_cast %get3A_715 : vector<1x16xf32> to vector<16xf32>
        %mul3A_717 = arith.constant 0.0883883461 : f32
        %mul3A_718 = vector.broadcast %mul3A_717 : f32 to vector<16xf32>
        %mul3A_719 = arith.mulf %get3A_716, %mul3A_718 : vector<16xf32>
        %swap3A_720 = arith.index_cast %while3A_653 : i32 to index
        %swap3A_721 = arith.constant 80 : index
        %swap3A_722 = tpu.vector_load %arg10[%swap3A_720, %swap3A_721] {strides = array<i32>} : memref<128x128xf32, #tpu.memory_space<vmem>>, vector<1x16xf32>,
        %swap3A_723 = vector.shape_cast %swap3A_722 : vector<1x16xf32> to vector<16xf32>
        %swap3A_724 = vector.shape_cast %mul3A_719 : vector<16xf32> to vector<1x16xf32>
        tpu.vector_store %arg10[%swap3A_720, %swap3A_721], %swap3A_724 {strides = array<i32>} : memref<128x128xf32, #tpu.memory_space<vmem>>, vector<1x16xf32>,
        %get3A_725 = arith.index_cast %while3A_653 : i32 to index
        %get3A_726 = arith.constant 96 : index
        %get3A_727 = tpu.vector_load %arg10[%get3A_725, %get3A_726] {strides = array<i32>} : memref<128x128xf32, #tpu.memory_space<vmem>>, vector<1x16xf32>,
        %get3A_728 = vector.shape_cast %get3A_727 : vector<1x16xf32> to vector<16xf32>
        %mul3A_729 = arith.constant 0.0883883461 : f32
        %mul3A_730 = vector.broadcast %mul3A_729 : f32 to vector<16xf32>
        %mul3A_731 = arith.mulf %get3A_728, %mul3A_730 : vector<16xf32>
        %swap3A_732 = arith.index_cast %while3A_653 : i32 to index
        %swap3A_733 = arith.constant 96 : index
        %swap3A_734 = tpu.vector_load %arg10[%swap3A_732, %swap3A_733] {strides = array<i32>} : memref<128x128xf32, #tpu.memory_space<vmem>>, vector<1x16xf32>,
        %swap3A_735 = vector.shape_cast %swap3A_734 : vector<1x16xf32> to vector<16xf32>
        %swap3A_736 = vector.shape_cast %mul3A_731 : vector<16xf32> to vector<1x16xf32>
        tpu.vector_store %arg10[%swap3A_732, %swap3A_733], %swap3A_736 {strides = array<i32>} : memref<128x128xf32, #tpu.memory_space<vmem>>, vector<1x16xf32>,
        %get3A_737 = arith.index_cast %while3A_653 : i32 to index
        %get3A_738 = arith.constant 112 : index
        %get3A_739 = tpu.vector_load %arg10[%get3A_737, %get3A_738] {strides = array<i32>} : memref<128x128xf32, #tpu.memory_space<vmem>>, vector<1x16xf32>,
        %get3A_740 = vector.shape_cast %get3A_739 : vector<1x16xf32> to vector<16xf32>
        %mul3A_741 = arith.constant 0.0883883461 : f32
        %mul3A_742 = vector.broadcast %mul3A_741 : f32 to vector<16xf32>
        %mul3A_743 = arith.mulf %get3A_740, %mul3A_742 : vector<16xf32>
        %swap3A_744 = arith.index_cast %while3A_653 : i32 to index
        %swap3A_745 = arith.constant 112 : index
        %swap3A_746 = tpu.vector_load %arg10[%swap3A_744, %swap3A_745] {strides = array<i32>} : memref<128x128xf32, #tpu.memory_space<vmem>>, vector<1x16xf32>,
        %swap3A_747 = vector.shape_cast %swap3A_746 : vector<1x16xf32> to vector<16xf32>
        %swap3A_748 = vector.shape_cast %mul3A_743 : vector<16xf32> to vector<1x16xf32>
        tpu.vector_store %arg10[%swap3A_744, %swap3A_745], %swap3A_748 {strides = array<i32>} : memref<128x128xf32, #tpu.memory_space<vmem>>, vector<1x16xf32>,
      }
      %while3A_637 = arith.constant 0 : i32
      %while3A_638 = arith.constant 128 : i32
      %while3A_639 = arith.subi %while3A_638, %min3A_239 : i32
      %while3A_640 = arith.addi %min3A_239, %while3A_639 : i32
      %while3A_641 = arith.constant 1 : i32
      %while3A_642 = arith.divsi %while3A_639, %while3A_641 : i32
      %while3A_643 = arith.muli %while3A_642, %while3A_641 : i32
      %while3A_644 = arith.addi %min3A_239, %while3A_643 : i32
      %while3A_645 = arith.constant 1 : i32
      scf.for %while3A_653 = %min3A_239 to %while3A_644 step %while3A_645  : i32 {
        %swap3A = arith.index_cast %while3A_653 : i32 to index
        %swap3A_654 = arith.constant 0 : index
        %swap3A_655 = tpu.vector_load %arg10[%swap3A, %swap3A_654] {strides = array<i32>} : memref<128x128xf32, #tpu.memory_space<vmem>>, vector<1x16xf32>,
        %swap3A_656 = vector.shape_cast %swap3A_655 : vector<1x16xf32> to vector<16xf32>
        %swap3A_657 = vector.shape_cast %broadcast_in_dim3A_269 : vector<16xf32> to vector<1x16xf32>
        tpu.vector_store %arg10[%swap3A, %swap3A_654], %swap3A_657 {strides = array<i32>} : memref<128x128xf32, #tpu.memory_space<vmem>>, vector<1x16xf32>,
        %swap3A_658 = arith.index_cast %while3A_653 : i32 to index
        %swap3A_659 = arith.constant 16 : index
        %swap3A_660 = tpu.vector_load %arg10[%swap3A_658, %swap3A_659] {strides = array<i32>} : memref<128x128xf32, #tpu.memory_space<vmem>>, vector<1x16xf32>,
        %swap3A_661 = vector.shape_cast %swap3A_660 : vector<1x16xf32> to vector<16xf32>
        %swap3A_662 = vector.shape_cast %broadcast_in_dim3A_269 : vector<16xf32> to vector<1x16xf32>
        tpu.vector_store %arg10[%swap3A_658, %swap3A_659], %swap3A_662 {strides = array<i32>} : memref<128x128xf32, #tpu.memory_space<vmem>>, vector<1x16xf32>,
        %swap3A_663 = arith.index_cast %while3A_653 : i32 to index
        %swap3A_664 = arith.constant 32 : index
        %swap3A_665 = tpu.vector_load %arg10[%swap3A_663, %swap3A_664] {strides = array<i32>} : memref<128x128xf32, #tpu.memory_space<vmem>>, vector<1x16xf32>,
        %swap3A_666 = vector.shape_cast %swap3A_665 : vector<1x16xf32> to vector<16xf32>
        %swap3A_667 = vector.shape_cast %broadcast_in_dim3A_269 : vector<16xf32> to vector<1x16xf32>
        tpu.vector_store %arg10[%swap3A_663, %swap3A_664], %swap3A_667 {strides = array<i32>} : memref<128x128xf32, #tpu.memory_space<vmem>>, vector<1x16xf32>,
        %swap3A_668 = arith.index_cast %while3A_653 : i32 to index
        %swap3A_669 = arith.constant 48 : index
        %swap3A_670 = tpu.vector_load %arg10[%swap3A_668, %swap3A_669] {strides = array<i32>} : memref<128x128xf32, #tpu.memory_space<vmem>>, vector<1x16xf32>,
        %swap3A_671 = vector.shape_cast %swap3A_670 : vector<1x16xf32> to vector<16xf32>
        %swap3A_672 = vector.shape_cast %broadcast_in_dim3A_269 : vector<16xf32> to vector<1x16xf32>
        tpu.vector_store %arg10[%swap3A_668, %swap3A_669], %swap3A_672 {strides = array<i32>} : memref<128x128xf32, #tpu.memory_space<vmem>>, vector<1x16xf32>,
        %swap3A_673 = arith.index_cast %while3A_653 : i32 to index
        %swap3A_674 = arith.constant 64 : index
        %swap3A_675 = tpu.vector_load %arg10[%swap3A_673, %swap3A_674] {strides = array<i32>} : memref<128x128xf32, #tpu.memory_space<vmem>>, vector<1x16xf32>,
        %swap3A_676 = vector.shape_cast %swap3A_675 : vector<1x16xf32> to vector<16xf32>
        %swap3A_677 = vector.shape_cast %broadcast_in_dim3A_269 : vector<16xf32> to vector<1x16xf32>
        tpu.vector_store %arg10[%swap3A_673, %swap3A_674], %swap3A_677 {strides = array<i32>} : memref<128x128xf32, #tpu.memory_space<vmem>>, vector<1x16xf32>,
        %swap3A_678 = arith.index_cast %while3A_653 : i32 to index
        %swap3A_679 = arith.constant 80 : index
        %swap3A_680 = tpu.vector_load %arg10[%swap3A_678, %swap3A_679] {strides = array<i32>} : memref<128x128xf32, #tpu.memory_space<vmem>>, vector<1x16xf32>,
        %swap3A_681 = vector.shape_cast %swap3A_680 : vector<1x16xf32> to vector<16xf32>
        %swap3A_682 = vector.shape_cast %broadcast_in_dim3A_269 : vector<16xf32> to vector<1x16xf32>
        tpu.vector_store %arg10[%swap3A_678, %swap3A_679], %swap3A_682 {strides = array<i32>} : memref<128x128xf32, #tpu.memory_space<vmem>>, vector<1x16xf32>,
        %swap3A_683 = arith.index_cast %while3A_653 : i32 to index
        %swap3A_684 = arith.constant 96 : index
        %swap3A_685 = tpu.vector_load %arg10[%swap3A_683, %swap3A_684] {strides = array<i32>} : memref<128x128xf32, #tpu.memory_space<vmem>>, vector<1x16xf32>,
        %swap3A_686 = vector.shape_cast %swap3A_685 : vector<1x16xf32> to vector<16xf32>
        %swap3A_687 = vector.shape_cast %broadcast_in_dim3A_269 : vector<16xf32> to vector<1x16xf32>
        tpu.vector_store %arg10[%swap3A_683, %swap3A_684], %swap3A_687 {strides = array<i32>} : memref<128x128xf32, #tpu.memory_space<vmem>>, vector<1x16xf32>,
        %swap3A_688 = arith.index_cast %while3A_653 : i32 to index
        %swap3A_689 = arith.constant 112 : index
        %swap3A_690 = tpu.vector_load %arg10[%swap3A_688, %swap3A_689] {strides = array<i32>} : memref<128x128xf32, #tpu.memory_space<vmem>>, vector<1x16xf32>,
        %swap3A_691 = vector.shape_cast %swap3A_690 : vector<1x16xf32> to vector<16xf32>
        %swap3A_692 = vector.shape_cast %broadcast_in_dim3A_269 : vector<16xf32> to vector<1x16xf32>
        tpu.vector_store %arg10[%swap3A_688, %swap3A_689], %swap3A_692 {strides = array<i32>} : memref<128x128xf32, #tpu.memory_space<vmem>>, vector<1x16xf32>,
      }
      %while3A_646 = arith.constant 1 : i32
      scf.for %while3A_653 = %while3A_644 to %while3A_640 step %while3A_646  : i32 {
        %swap3A = arith.index_cast %while3A_653 : i32 to index
        %swap3A_654 = arith.constant 0 : index
        %swap3A_655 = tpu.vector_load %arg10[%swap3A, %swap3A_654] {strides = array<i32>} : memref<128x128xf32, #tpu.memory_space<vmem>>, vector<1x16xf32>,
        %swap3A_656 = vector.shape_cast %swap3A_655 : vector<1x16xf32> to vector<16xf32>
        %swap3A_657 = vector.shape_cast %broadcast_in_dim3A_269 : vector<16xf32> to vector<1x16xf32>
        tpu.vector_store %arg10[%swap3A, %swap3A_654], %swap3A_657 {strides = array<i32>} : memref<128x128xf32, #tpu.memory_space<vmem>>, vector<1x16xf32>,
        %swap3A_658 = arith.index_cast %while3A_653 : i32 to index
        %swap3A_659 = arith.constant 16 : index
        %swap3A_660 = tpu.vector_load %arg10[%swap3A_658, %swap3A_659] {strides = array<i32>} : memref<128x128xf32, #tpu.memory_space<vmem>>, vector<1x16xf32>,
        %swap3A_661 = vector.shape_cast %swap3A_660 : vector<1x16xf32> to vector<16xf32>
        %swap3A_662 = vector.shape_cast %broadcast_in_dim3A_269 : vector<16xf32> to vector<1x16xf32>
        tpu.vector_store %arg10[%swap3A_658, %swap3A_659], %swap3A_662 {strides = array<i32>} : memref<128x128xf32, #tpu.memory_space<vmem>>, vector<1x16xf32>,
        %swap3A_663 = arith.index_cast %while3A_653 : i32 to index
        %swap3A_664 = arith.constant 32 : index
        %swap3A_665 = tpu.vector_load %arg10[%swap3A_663, %swap3A_664] {strides = array<i32>} : memref<128x128xf32, #tpu.memory_space<vmem>>, vector<1x16xf32>,
        %swap3A_666 = vector.shape_cast %swap3A_665 : vector<1x16xf32> to vector<16xf32>
        %swap3A_667 = vector.shape_cast %broadcast_in_dim3A_269 : vector<16xf32> to vector<1x16xf32>
        tpu.vector_store %arg10[%swap3A_663, %swap3A_664], %swap3A_667 {strides = array<i32>} : memref<128x128xf32, #tpu.memory_space<vmem>>, vector<1x16xf32>,
        %swap3A_668 = arith.index_cast %while3A_653 : i32 to index
        %swap3A_669 = arith.constant 48 : index
        %swap3A_670 = tpu.vector_load %arg10[%swap3A_668, %swap3A_669] {strides = array<i32>} : memref<128x128xf32, #tpu.memory_space<vmem>>, vector<1x16xf32>,
        %swap3A_671 = vector.shape_cast %swap3A_670 : vector<1x16xf32> to vector<16xf32>
        %swap3A_672 = vector.shape_cast %broadcast_in_dim3A_269 : vector<16xf32> to vector<1x16xf32>
        tpu.vector_store %arg10[%swap3A_668, %swap3A_669], %swap3A_672 {strides = array<i32>} : memref<128x128xf32, #tpu.memory_space<vmem>>, vector<1x16xf32>,
        %swap3A_673 = arith.index_cast %while3A_653 : i32 to index
        %swap3A_674 = arith.constant 64 : index
        %swap3A_675 = tpu.vector_load %arg10[%swap3A_673, %swap3A_674] {strides = array<i32>} : memref<128x128xf32, #tpu.memory_space<vmem>>, vector<1x16xf32>,
        %swap3A_676 = vector.shape_cast %swap3A_675 : vector<1x16xf32> to vector<16xf32>
        %swap3A_677 = vector.shape_cast %broadcast_in_dim3A_269 : vector<16xf32> to vector<1x16xf32>
        tpu.vector_store %arg10[%swap3A_673, %swap3A_674], %swap3A_677 {strides = array<i32>} : memref<128x128xf32, #tpu.memory_space<vmem>>, vector<1x16xf32>,
        %swap3A_678 = arith.index_cast %while3A_653 : i32 to index
        %swap3A_679 = arith.constant 80 : index
        %swap3A_680 = tpu.vector_load %arg10[%swap3A_678, %swap3A_679] {strides = array<i32>} : memref<128x128xf32, #tpu.memory_space<vmem>>, vector<1x16xf32>,
        %swap3A_681 = vector.shape_cast %swap3A_680 : vector<1x16xf32> to vector<16xf32>
        %swap3A_682 = vector.shape_cast %broadcast_in_dim3A_269 : vector<16xf32> to vector<1x16xf32>
        tpu.vector_store %arg10[%swap3A_678, %swap3A_679], %swap3A_682 {strides = array<i32>} : memref<128x128xf32, #tpu.memory_space<vmem>>, vector<1x16xf32>,
        %swap3A_683 = arith.index_cast %while3A_653 : i32 to index
        %swap3A_684 = arith.constant 96 : index
        %swap3A_685 = tpu.vector_load %arg10[%swap3A_683, %swap3A_684] {strides = array<i32>} : memref<128x128xf32, #tpu.memory_space<vmem>>, vector<1x16xf32>,
        %swap3A_686 = vector.shape_cast %swap3A_685 : vector<1x16xf32> to vector<16xf32>
        %swap3A_687 = vector.shape_cast %broadcast_in_dim3A_269 : vector<16xf32> to vector<1x16xf32>
        tpu.vector_store %arg10[%swap3A_683, %swap3A_684], %swap3A_687 {strides = array<i32>} : memref<128x128xf32, #tpu.memory_space<vmem>>, vector<1x16xf32>,
        %swap3A_688 = arith.index_cast %while3A_653 : i32 to index
        %swap3A_689 = arith.constant 112 : index
        %swap3A_690 = tpu.vector_load %arg10[%swap3A_688, %swap3A_689] {strides = array<i32>} : memref<128x128xf32, #tpu.memory_space<vmem>>, vector<1x16xf32>,
        %swap3A_691 = vector.shape_cast %swap3A_690 : vector<1x16xf32> to vector<16xf32>
        %swap3A_692 = vector.shape_cast %broadcast_in_dim3A_269 : vector<16xf32> to vector<1x16xf32>
        tpu.vector_store %arg10[%swap3A_688, %swap3A_689], %swap3A_692 {strides = array<i32>} : memref<128x128xf32, #tpu.memory_space<vmem>>, vector<1x16xf32>,
      }
      %mul3A_647 = arith.constant 128 : i32
      %mul3A_648 = arith.muli %add3A_81, %mul3A_647 : i32
      %dma_start3A_649 = arith.constant 0 : i32
      %dma_start3A_650 = tpu.memref_slice %arg7[%mul3A_648, %dma_start3A_649] : memref<32768x128xf32, #tpu.memory_space<hbm>> -> memref<128x128xf32, #tpu.memory_space<hbm>>
      %dma_start3A_651 = arith.constant 0 : i32
      %dma_start3A_652 = tpu.memref_slice %arg7[%mul3A_648, %dma_start3A_651] : memref<32768x128xf32, #tpu.memory_space<hbm>> -> memref<128x128xf32, #tpu.memory_space<hbm>>
      tpu.enqueue_dma source(%arg10 : memref<128x128xf32, #tpu.memory_space<vmem>>) target(%dma_start3A_652 : memref<128x128xf32, #tpu.memory_space<hbm>>) target_semaphore(%arg25 : memref<!tpu.dma_semaphore, #tpu.memory_space<semaphore_mem>>)
    } else {
    }
    %le3A_528 = arith.constant 0 : i32
    %le3A_529 = arith.cmpi sle, %min3A_239, %le3A_528 : i32
    %convert_element_type3A_530 = arith.extui %le3A_529 : i1 to i32
    %cond3A_531 = arith.constant 0 : i32
    %cond3A_532 = arith.cmpi ne, %convert_element_type3A_530, %cond3A_531 : i32
    scf.if %cond3A_532 {
      %mul3A_628 = arith.constant 128 : i32
      %mul3A_629 = arith.muli %add3A_81, %mul3A_628 : i32
      %dma_start3A_630 = arith.constant 0 : i32
      %dma_start3A_631 = tpu.memref_slice %arg7[%mul3A_629, %dma_start3A_630] : memref<32768x128xf32, #tpu.memory_space<hbm>> -> memref<128x128xf32, #tpu.memory_space<hbm>>
      tpu.enqueue_dma source(%arg15 : memref<128x128xf32, #tpu.memory_space<vmem_shared>>) target(%dma_start3A_631 : memref<128x128xf32, #tpu.memory_space<hbm>>) target_semaphore(%arg18 : memref<!tpu.dma_semaphore, #tpu.memory_space<semaphore_mem>>)
    } else {
    }
    %gt3A_533 = arith.constant 0 : i32
    %gt3A_534 = arith.cmpi sgt, %min3A_251, %gt3A_533 : i32
    %convert_element_type3A_535 = arith.extui %gt3A_534 : i1 to i32
    %cond3A_536 = arith.constant 0 : i32
    %cond3A_537 = arith.cmpi ne, %convert_element_type3A_535, %cond3A_536 : i32
    scf.if %cond3A_537 {
      %dma_wait3A_628 = arith.constant 6 : i32
      %dma_wait3A_629 = arith.constant 0 : i32
      %dma_wait3A_630 = tpu.memref_slice %arg8[%dma_wait3A_628, %dma_wait3A_629] : memref<8x128xi32, #tpu.memory_space<vmem>> -> memref<1x128xi32, #tpu.memory_space<vmem>>
      %dma_wait3A_631 = tpu.memref_squeeze %dma_wait3A_630 : memref<1x128xi32, #tpu.memory_space<vmem>> -> memref<128xi32, #tpu.memory_space<vmem>>
      %dma_wait3A_632 = arith.constant 0 : i32
      %dma_wait3A_633 = arith.constant 0 : i32
      %dma_wait3A_634 = tpu.memref_slice %arg5[%dma_wait3A_632, %dma_wait3A_633] : memref<100000x128xf32, #tpu.memory_space<hbm>> -> memref<100000x128xf32, #tpu.memory_space<hbm>>
      tpu.wait_indirect_dma semaphore(%arg19 : memref<!tpu.dma_semaphore, #tpu.memory_space<semaphore_mem>>) src(%dma_wait3A_634 : memref<100000x128xf32, #tpu.memory_space<hbm>>) dst(%arg11 : memref<128x128xf32, #tpu.memory_space<vmem>>)
    } else {
    }
    %gt3A_538 = arith.constant 0 : i32
    %gt3A_539 = arith.cmpi sgt, %min3A_227, %gt3A_538 : i32
    %convert_element_type3A_540 = arith.extui %gt3A_539 : i1 to i32
    %cond3A_541 = arith.constant 0 : i32
    %cond3A_542 = arith.cmpi ne, %convert_element_type3A_540, %cond3A_541 : i32
    scf.if %cond3A_542 {
      %mul3A_628 = arith.constant 128 : i32
      %mul3A_629 = arith.muli %add3A_78, %mul3A_628 : i32
      %dma_wait3A_630 = arith.constant 0 : i32
      %dma_wait3A_631 = tpu.memref_slice %arg7[%mul3A_629, %dma_wait3A_630] : memref<32768x128xf32, #tpu.memory_space<hbm>> -> memref<128x128xf32, #tpu.memory_space<hbm>>
      %dma_wait3A_632 = arith.constant 0 : i32
      %dma_wait3A_633 = tpu.memref_slice %arg7[%mul3A_629, %dma_wait3A_632] : memref<32768x128xf32, #tpu.memory_space<hbm>> -> memref<128x128xf32, #tpu.memory_space<hbm>>
      tpu.wait_dma2 semaphore(%arg24 : memref<!tpu.dma_semaphore, #tpu.memory_space<semaphore_mem>>) src(%arg9 : memref<128x128xf32, #tpu.memory_space<vmem>>) dst(%dma_wait3A_633 : memref<128x128xf32, #tpu.memory_space<hbm>>)
    } else {
    }
    %gt3A_543 = arith.constant 0 : i32
    %gt3A_544 = arith.cmpi sgt, %min3A_263, %gt3A_543 : i32
    %convert_element_type3A_545 = arith.extui %gt3A_544 : i1 to i32
    %cond3A_546 = arith.constant 0 : i32
    %cond3A_547 = arith.cmpi ne, %convert_element_type3A_545, %cond3A_546 : i32
    scf.if %cond3A_547 {
      %mul3A_628 = arith.constant 128 : i32
      %mul3A_629 = arith.muli %rem3A_63, %mul3A_628 : i32
      %dma_wait3A_630 = arith.constant 0 : i32
      %dma_wait3A_631 = tpu.memref_slice %arg14[%mul3A_629, %dma_wait3A_630] : memref<2048x128xf32, #tpu.memory_space<vmem_shared>> -> memref<128x128xf32, #tpu.memory_space<vmem_shared>>
      %dma_wait3A_632 = arith.constant 0 : i32
      %dma_wait3A_633 = tpu.memref_slice %arg14[%mul3A_629, %dma_wait3A_632] : memref<2048x128xf32, #tpu.memory_space<vmem_shared>> -> memref<128x128xf32, #tpu.memory_space<vmem_shared>>
      tpu.wait_dma2 semaphore(%arg23 : memref<!tpu.dma_semaphore, #tpu.memory_space<semaphore_mem>>) src(%dma_wait3A_633 : memref<128x128xf32, #tpu.memory_space<vmem_shared>>) dst(%arg12 : memref<128x128xf32, #tpu.memory_space<vmem>>)
      %dma_start3A_634 = arith.constant 7 : i32
      %dma_start3A_635 = arith.constant 0 : i32
      %dma_start3A_636 = tpu.memref_slice %arg8[%dma_start3A_634, %dma_start3A_635] : memref<8x128xi32, #tpu.memory_space<vmem>> -> memref<1x128xi32, #tpu.memory_space<vmem>>
      %dma_start3A_637 = tpu.memref_squeeze %dma_start3A_636 : memref<1x128xi32, #tpu.memory_space<vmem>> -> memref<128xi32, #tpu.memory_space<vmem>>
      %dma_start3A_638 = arith.constant 0 : i32
      %dma_start3A_639 = arith.constant 0 : i32
      %dma_start3A_640 = tpu.memref_slice %arg5[%dma_start3A_638, %dma_start3A_639] : memref<100000x128xf32, #tpu.memory_space<hbm>> -> memref<100000x128xf32, #tpu.memory_space<hbm>>
      tpu.enqueue_indirect_dma source(%dma_start3A_640 : memref<100000x128xf32, #tpu.memory_space<hbm>>) target(%arg12 : memref<128x128xf32, #tpu.memory_space<vmem>>) offsets(%dma_start3A_637 : memref<128xi32, #tpu.memory_space<vmem>>) semaphore(%arg19 : memref<!tpu.dma_semaphore, #tpu.memory_space<semaphore_mem>>) {add = true}
    } else {
    }
    %gt3A_548 = arith.constant 0 : i32
    %gt3A_549 = arith.cmpi sgt, %min3A_251, %gt3A_548 : i32
    %convert_element_type3A_550 = arith.extui %gt3A_549 : i1 to i32
    %cond3A_551 = arith.constant 0 : i32
    %cond3A_552 = arith.cmpi ne, %convert_element_type3A_550, %cond3A_551 : i32
    scf.if %cond3A_552 {
      %while3A = arith.constant 0 : i32
      %while3A_628 = arith.constant 0 : i32
      %while3A_629 = arith.subi %min3A_251, %while3A_628 : i32
      %while3A_630 = arith.addi %while3A_628, %while3A_629 : i32
      %while3A_631 = arith.constant 1 : i32
      %while3A_632 = arith.divsi %while3A_629, %while3A_631 : i32
      %while3A_633 = arith.muli %while3A_632, %while3A_631 : i32
      %while3A_634 = arith.addi %while3A_628, %while3A_633 : i32
      %while3A_635 = arith.constant 1 : i32
      scf.for %while3A_653 = %while3A_628 to %while3A_634 step %while3A_635  : i32 {
        %get3A_654 = arith.index_cast %while3A_653 : i32 to index
        %get3A_655 = arith.constant 0 : index
        %get3A_656 = tpu.vector_load %arg11[%get3A_654, %get3A_655] {strides = array<i32>} : memref<128x128xf32, #tpu.memory_space<vmem>>, vector<1x16xf32>,
        %get3A_657 = vector.shape_cast %get3A_656 : vector<1x16xf32> to vector<16xf32>
        %mul3A_658 = arith.constant 0.0883883461 : f32
        %mul3A_659 = vector.broadcast %mul3A_658 : f32 to vector<16xf32>
        %mul3A_660 = arith.mulf %get3A_657, %mul3A_659 : vector<16xf32>
        %swap3A = arith.index_cast %while3A_653 : i32 to index
        %swap3A_661 = arith.constant 0 : index
        %swap3A_662 = tpu.vector_load %arg11[%swap3A, %swap3A_661] {strides = array<i32>} : memref<128x128xf32, #tpu.memory_space<vmem>>, vector<1x16xf32>,
        %swap3A_663 = vector.shape_cast %swap3A_662 : vector<1x16xf32> to vector<16xf32>
        %swap3A_664 = vector.shape_cast %mul3A_660 : vector<16xf32> to vector<1x16xf32>
        tpu.vector_store %arg11[%swap3A, %swap3A_661], %swap3A_664 {strides = array<i32>} : memref<128x128xf32, #tpu.memory_space<vmem>>, vector<1x16xf32>,
        %get3A_665 = arith.index_cast %while3A_653 : i32 to index
        %get3A_666 = arith.constant 16 : index
        %get3A_667 = tpu.vector_load %arg11[%get3A_665, %get3A_666] {strides = array<i32>} : memref<128x128xf32, #tpu.memory_space<vmem>>, vector<1x16xf32>,
        %get3A_668 = vector.shape_cast %get3A_667 : vector<1x16xf32> to vector<16xf32>
        %mul3A_669 = arith.constant 0.0883883461 : f32
        %mul3A_670 = vector.broadcast %mul3A_669 : f32 to vector<16xf32>
        %mul3A_671 = arith.mulf %get3A_668, %mul3A_670 : vector<16xf32>
        %swap3A_672 = arith.index_cast %while3A_653 : i32 to index
        %swap3A_673 = arith.constant 16 : index
        %swap3A_674 = tpu.vector_load %arg11[%swap3A_672, %swap3A_673] {strides = array<i32>} : memref<128x128xf32, #tpu.memory_space<vmem>>, vector<1x16xf32>,
        %swap3A_675 = vector.shape_cast %swap3A_674 : vector<1x16xf32> to vector<16xf32>
        %swap3A_676 = vector.shape_cast %mul3A_671 : vector<16xf32> to vector<1x16xf32>
        tpu.vector_store %arg11[%swap3A_672, %swap3A_673], %swap3A_676 {strides = array<i32>} : memref<128x128xf32, #tpu.memory_space<vmem>>, vector<1x16xf32>,
        %get3A_677 = arith.index_cast %while3A_653 : i32 to index
        %get3A_678 = arith.constant 32 : index
        %get3A_679 = tpu.vector_load %arg11[%get3A_677, %get3A_678] {strides = array<i32>} : memref<128x128xf32, #tpu.memory_space<vmem>>, vector<1x16xf32>,
        %get3A_680 = vector.shape_cast %get3A_679 : vector<1x16xf32> to vector<16xf32>
        %mul3A_681 = arith.constant 0.0883883461 : f32
        %mul3A_682 = vector.broadcast %mul3A_681 : f32 to vector<16xf32>
        %mul3A_683 = arith.mulf %get3A_680, %mul3A_682 : vector<16xf32>
        %swap3A_684 = arith.index_cast %while3A_653 : i32 to index
        %swap3A_685 = arith.constant 32 : index
        %swap3A_686 = tpu.vector_load %arg11[%swap3A_684, %swap3A_685] {strides = array<i32>} : memref<128x128xf32, #tpu.memory_space<vmem>>, vector<1x16xf32>,
        %swap3A_687 = vector.shape_cast %swap3A_686 : vector<1x16xf32> to vector<16xf32>
        %swap3A_688 = vector.shape_cast %mul3A_683 : vector<16xf32> to vector<1x16xf32>
        tpu.vector_store %arg11[%swap3A_684, %swap3A_685], %swap3A_688 {strides = array<i32>} : memref<128x128xf32, #tpu.memory_space<vmem>>, vector<1x16xf32>,
        %get3A_689 = arith.index_cast %while3A_653 : i32 to index
        %get3A_690 = arith.constant 48 : index
        %get3A_691 = tpu.vector_load %arg11[%get3A_689, %get3A_690] {strides = array<i32>} : memref<128x128xf32, #tpu.memory_space<vmem>>, vector<1x16xf32>,
        %get3A_692 = vector.shape_cast %get3A_691 : vector<1x16xf32> to vector<16xf32>
        %mul3A_693 = arith.constant 0.0883883461 : f32
        %mul3A_694 = vector.broadcast %mul3A_693 : f32 to vector<16xf32>
        %mul3A_695 = arith.mulf %get3A_692, %mul3A_694 : vector<16xf32>
        %swap3A_696 = arith.index_cast %while3A_653 : i32 to index
        %swap3A_697 = arith.constant 48 : index
        %swap3A_698 = tpu.vector_load %arg11[%swap3A_696, %swap3A_697] {strides = array<i32>} : memref<128x128xf32, #tpu.memory_space<vmem>>, vector<1x16xf32>,
        %swap3A_699 = vector.shape_cast %swap3A_698 : vector<1x16xf32> to vector<16xf32>
        %swap3A_700 = vector.shape_cast %mul3A_695 : vector<16xf32> to vector<1x16xf32>
        tpu.vector_store %arg11[%swap3A_696, %swap3A_697], %swap3A_700 {strides = array<i32>} : memref<128x128xf32, #tpu.memory_space<vmem>>, vector<1x16xf32>,
        %get3A_701 = arith.index_cast %while3A_653 : i32 to index
        %get3A_702 = arith.constant 64 : index
        %get3A_703 = tpu.vector_load %arg11[%get3A_701, %get3A_702] {strides = array<i32>} : memref<128x128xf32, #tpu.memory_space<vmem>>, vector<1x16xf32>,
        %get3A_704 = vector.shape_cast %get3A_703 : vector<1x16xf32> to vector<16xf32>
        %mul3A_705 = arith.constant 0.0883883461 : f32
        %mul3A_706 = vector.broadcast %mul3A_705 : f32 to vector<16xf32>
        %mul3A_707 = arith.mulf %get3A_704, %mul3A_706 : vector<16xf32>
        %swap3A_708 = arith.index_cast %while3A_653 : i32 to index
        %swap3A_709 = arith.constant 64 : index
        %swap3A_710 = tpu.vector_load %arg11[%swap3A_708, %swap3A_709] {strides = array<i32>} : memref<128x128xf32, #tpu.memory_space<vmem>>, vector<1x16xf32>,
        %swap3A_711 = vector.shape_cast %swap3A_710 : vector<1x16xf32> to vector<16xf32>
        %swap3A_712 = vector.shape_cast %mul3A_707 : vector<16xf32> to vector<1x16xf32>
        tpu.vector_store %arg11[%swap3A_708, %swap3A_709], %swap3A_712 {strides = array<i32>} : memref<128x128xf32, #tpu.memory_space<vmem>>, vector<1x16xf32>,
        %get3A_713 = arith.index_cast %while3A_653 : i32 to index
        %get3A_714 = arith.constant 80 : index
        %get3A_715 = tpu.vector_load %arg11[%get3A_713, %get3A_714] {strides = array<i32>} : memref<128x128xf32, #tpu.memory_space<vmem>>, vector<1x16xf32>,
        %get3A_716 = vector.shape_cast %get3A_715 : vector<1x16xf32> to vector<16xf32>
        %mul3A_717 = arith.constant 0.0883883461 : f32
        %mul3A_718 = vector.broadcast %mul3A_717 : f32 to vector<16xf32>
        %mul3A_719 = arith.mulf %get3A_716, %mul3A_718 : vector<16xf32>
        %swap3A_720 = arith.index_cast %while3A_653 : i32 to index
        %swap3A_721 = arith.constant 80 : index
        %swap3A_722 = tpu.vector_load %arg11[%swap3A_720, %swap3A_721] {strides = array<i32>} : memref<128x128xf32, #tpu.memory_space<vmem>>, vector<1x16xf32>,
        %swap3A_723 = vector.shape_cast %swap3A_722 : vector<1x16xf32> to vector<16xf32>
        %swap3A_724 = vector.shape_cast %mul3A_719 : vector<16xf32> to vector<1x16xf32>
        tpu.vector_store %arg11[%swap3A_720, %swap3A_721], %swap3A_724 {strides = array<i32>} : memref<128x128xf32, #tpu.memory_space<vmem>>, vector<1x16xf32>,
        %get3A_725 = arith.index_cast %while3A_653 : i32 to index
        %get3A_726 = arith.constant 96 : index
        %get3A_727 = tpu.vector_load %arg11[%get3A_725, %get3A_726] {strides = array<i32>} : memref<128x128xf32, #tpu.memory_space<vmem>>, vector<1x16xf32>,
        %get3A_728 = vector.shape_cast %get3A_727 : vector<1x16xf32> to vector<16xf32>
        %mul3A_729 = arith.constant 0.0883883461 : f32
        %mul3A_730 = vector.broadcast %mul3A_729 : f32 to vector<16xf32>
        %mul3A_731 = arith.mulf %get3A_728, %mul3A_730 : vector<16xf32>
        %swap3A_732 = arith.index_cast %while3A_653 : i32 to index
        %swap3A_733 = arith.constant 96 : index
        %swap3A_734 = tpu.vector_load %arg11[%swap3A_732, %swap3A_733] {strides = array<i32>} : memref<128x128xf32, #tpu.memory_space<vmem>>, vector<1x16xf32>,
        %swap3A_735 = vector.shape_cast %swap3A_734 : vector<1x16xf32> to vector<16xf32>
        %swap3A_736 = vector.shape_cast %mul3A_731 : vector<16xf32> to vector<1x16xf32>
        tpu.vector_store %arg11[%swap3A_732, %swap3A_733], %swap3A_736 {strides = array<i32>} : memref<128x128xf32, #tpu.memory_space<vmem>>, vector<1x16xf32>,
        %get3A_737 = arith.index_cast %while3A_653 : i32 to index
        %get3A_738 = arith.constant 112 : index
        %get3A_739 = tpu.vector_load %arg11[%get3A_737, %get3A_738] {strides = array<i32>} : memref<128x128xf32, #tpu.memory_space<vmem>>, vector<1x16xf32>,
        %get3A_740 = vector.shape_cast %get3A_739 : vector<1x16xf32> to vector<16xf32>
        %mul3A_741 = arith.constant 0.0883883461 : f32
        %mul3A_742 = vector.broadcast %mul3A_741 : f32 to vector<16xf32>
        %mul3A_743 = arith.mulf %get3A_740, %mul3A_742 : vector<16xf32>
        %swap3A_744 = arith.index_cast %while3A_653 : i32 to index
        %swap3A_745 = arith.constant 112 : index
        %swap3A_746 = tpu.vector_load %arg11[%swap3A_744, %swap3A_745] {strides = array<i32>} : memref<128x128xf32, #tpu.memory_space<vmem>>, vector<1x16xf32>,
        %swap3A_747 = vector.shape_cast %swap3A_746 : vector<1x16xf32> to vector<16xf32>
        %swap3A_748 = vector.shape_cast %mul3A_743 : vector<16xf32> to vector<1x16xf32>
        tpu.vector_store %arg11[%swap3A_744, %swap3A_745], %swap3A_748 {strides = array<i32>} : memref<128x128xf32, #tpu.memory_space<vmem>>, vector<1x16xf32>,
      }
      %while3A_636 = arith.constant 1 : i32
      scf.for %while3A_653 = %while3A_634 to %while3A_630 step %while3A_636  : i32 {
        %get3A_654 = arith.index_cast %while3A_653 : i32 to index
        %get3A_655 = arith.constant 0 : index
        %get3A_656 = tpu.vector_load %arg11[%get3A_654, %get3A_655] {strides = array<i32>} : memref<128x128xf32, #tpu.memory_space<vmem>>, vector<1x16xf32>,
        %get3A_657 = vector.shape_cast %get3A_656 : vector<1x16xf32> to vector<16xf32>
        %mul3A_658 = arith.constant 0.0883883461 : f32
        %mul3A_659 = vector.broadcast %mul3A_658 : f32 to vector<16xf32>
        %mul3A_660 = arith.mulf %get3A_657, %mul3A_659 : vector<16xf32>
        %swap3A = arith.index_cast %while3A_653 : i32 to index
        %swap3A_661 = arith.constant 0 : index
        %swap3A_662 = tpu.vector_load %arg11[%swap3A, %swap3A_661] {strides = array<i32>} : memref<128x128xf32, #tpu.memory_space<vmem>>, vector<1x16xf32>,
        %swap3A_663 = vector.shape_cast %swap3A_662 : vector<1x16xf32> to vector<16xf32>
        %swap3A_664 = vector.shape_cast %mul3A_660 : vector<16xf32> to vector<1x16xf32>
        tpu.vector_store %arg11[%swap3A, %swap3A_661], %swap3A_664 {strides = array<i32>} : memref<128x128xf32, #tpu.memory_space<vmem>>, vector<1x16xf32>,
        %get3A_665 = arith.index_cast %while3A_653 : i32 to index
        %get3A_666 = arith.constant 16 : index
        %get3A_667 = tpu.vector_load %arg11[%get3A_665, %get3A_666] {strides = array<i32>} : memref<128x128xf32, #tpu.memory_space<vmem>>, vector<1x16xf32>,
        %get3A_668 = vector.shape_cast %get3A_667 : vector<1x16xf32> to vector<16xf32>
        %mul3A_669 = arith.constant 0.0883883461 : f32
        %mul3A_670 = vector.broadcast %mul3A_669 : f32 to vector<16xf32>
        %mul3A_671 = arith.mulf %get3A_668, %mul3A_670 : vector<16xf32>
        %swap3A_672 = arith.index_cast %while3A_653 : i32 to index
        %swap3A_673 = arith.constant 16 : index
        %swap3A_674 = tpu.vector_load %arg11[%swap3A_672, %swap3A_673] {strides = array<i32>} : memref<128x128xf32, #tpu.memory_space<vmem>>, vector<1x16xf32>,
        %swap3A_675 = vector.shape_cast %swap3A_674 : vector<1x16xf32> to vector<16xf32>
        %swap3A_676 = vector.shape_cast %mul3A_671 : vector<16xf32> to vector<1x16xf32>
        tpu.vector_store %arg11[%swap3A_672, %swap3A_673], %swap3A_676 {strides = array<i32>} : memref<128x128xf32, #tpu.memory_space<vmem>>, vector<1x16xf32>,
        %get3A_677 = arith.index_cast %while3A_653 : i32 to index
        %get3A_678 = arith.constant 32 : index
        %get3A_679 = tpu.vector_load %arg11[%get3A_677, %get3A_678] {strides = array<i32>} : memref<128x128xf32, #tpu.memory_space<vmem>>, vector<1x16xf32>,
        %get3A_680 = vector.shape_cast %get3A_679 : vector<1x16xf32> to vector<16xf32>
        %mul3A_681 = arith.constant 0.0883883461 : f32
        %mul3A_682 = vector.broadcast %mul3A_681 : f32 to vector<16xf32>
        %mul3A_683 = arith.mulf %get3A_680, %mul3A_682 : vector<16xf32>
        %swap3A_684 = arith.index_cast %while3A_653 : i32 to index
        %swap3A_685 = arith.constant 32 : index
        %swap3A_686 = tpu.vector_load %arg11[%swap3A_684, %swap3A_685] {strides = array<i32>} : memref<128x128xf32, #tpu.memory_space<vmem>>, vector<1x16xf32>,
        %swap3A_687 = vector.shape_cast %swap3A_686 : vector<1x16xf32> to vector<16xf32>
        %swap3A_688 = vector.shape_cast %mul3A_683 : vector<16xf32> to vector<1x16xf32>
        tpu.vector_store %arg11[%swap3A_684, %swap3A_685], %swap3A_688 {strides = array<i32>} : memref<128x128xf32, #tpu.memory_space<vmem>>, vector<1x16xf32>,
        %get3A_689 = arith.index_cast %while3A_653 : i32 to index
        %get3A_690 = arith.constant 48 : index
        %get3A_691 = tpu.vector_load %arg11[%get3A_689, %get3A_690] {strides = array<i32>} : memref<128x128xf32, #tpu.memory_space<vmem>>, vector<1x16xf32>,
        %get3A_692 = vector.shape_cast %get3A_691 : vector<1x16xf32> to vector<16xf32>
        %mul3A_693 = arith.constant 0.0883883461 : f32
        %mul3A_694 = vector.broadcast %mul3A_693 : f32 to vector<16xf32>
        %mul3A_695 = arith.mulf %get3A_692, %mul3A_694 : vector<16xf32>
        %swap3A_696 = arith.index_cast %while3A_653 : i32 to index
        %swap3A_697 = arith.constant 48 : index
        %swap3A_698 = tpu.vector_load %arg11[%swap3A_696, %swap3A_697] {strides = array<i32>} : memref<128x128xf32, #tpu.memory_space<vmem>>, vector<1x16xf32>,
        %swap3A_699 = vector.shape_cast %swap3A_698 : vector<1x16xf32> to vector<16xf32>
        %swap3A_700 = vector.shape_cast %mul3A_695 : vector<16xf32> to vector<1x16xf32>
        tpu.vector_store %arg11[%swap3A_696, %swap3A_697], %swap3A_700 {strides = array<i32>} : memref<128x128xf32, #tpu.memory_space<vmem>>, vector<1x16xf32>,
        %get3A_701 = arith.index_cast %while3A_653 : i32 to index
        %get3A_702 = arith.constant 64 : index
        %get3A_703 = tpu.vector_load %arg11[%get3A_701, %get3A_702] {strides = array<i32>} : memref<128x128xf32, #tpu.memory_space<vmem>>, vector<1x16xf32>,
        %get3A_704 = vector.shape_cast %get3A_703 : vector<1x16xf32> to vector<16xf32>
        %mul3A_705 = arith.constant 0.0883883461 : f32
        %mul3A_706 = vector.broadcast %mul3A_705 : f32 to vector<16xf32>
        %mul3A_707 = arith.mulf %get3A_704, %mul3A_706 : vector<16xf32>
        %swap3A_708 = arith.index_cast %while3A_653 : i32 to index
        %swap3A_709 = arith.constant 64 : index
        %swap3A_710 = tpu.vector_load %arg11[%swap3A_708, %swap3A_709] {strides = array<i32>} : memref<128x128xf32, #tpu.memory_space<vmem>>, vector<1x16xf32>,
        %swap3A_711 = vector.shape_cast %swap3A_710 : vector<1x16xf32> to vector<16xf32>
        %swap3A_712 = vector.shape_cast %mul3A_707 : vector<16xf32> to vector<1x16xf32>
        tpu.vector_store %arg11[%swap3A_708, %swap3A_709], %swap3A_712 {strides = array<i32>} : memref<128x128xf32, #tpu.memory_space<vmem>>, vector<1x16xf32>,
        %get3A_713 = arith.index_cast %while3A_653 : i32 to index
        %get3A_714 = arith.constant 80 : index
        %get3A_715 = tpu.vector_load %arg11[%get3A_713, %get3A_714] {strides = array<i32>} : memref<128x128xf32, #tpu.memory_space<vmem>>, vector<1x16xf32>,
        %get3A_716 = vector.shape_cast %get3A_715 : vector<1x16xf32> to vector<16xf32>
        %mul3A_717 = arith.constant 0.0883883461 : f32
        %mul3A_718 = vector.broadcast %mul3A_717 : f32 to vector<16xf32>
        %mul3A_719 = arith.mulf %get3A_716, %mul3A_718 : vector<16xf32>
        %swap3A_720 = arith.index_cast %while3A_653 : i32 to index
        %swap3A_721 = arith.constant 80 : index
        %swap3A_722 = tpu.vector_load %arg11[%swap3A_720, %swap3A_721] {strides = array<i32>} : memref<128x128xf32, #tpu.memory_space<vmem>>, vector<1x16xf32>,
        %swap3A_723 = vector.shape_cast %swap3A_722 : vector<1x16xf32> to vector<16xf32>
        %swap3A_724 = vector.shape_cast %mul3A_719 : vector<16xf32> to vector<1x16xf32>
        tpu.vector_store %arg11[%swap3A_720, %swap3A_721], %swap3A_724 {strides = array<i32>} : memref<128x128xf32, #tpu.memory_space<vmem>>, vector<1x16xf32>,
        %get3A_725 = arith.index_cast %while3A_653 : i32 to index
        %get3A_726 = arith.constant 96 : index
        %get3A_727 = tpu.vector_load %arg11[%get3A_725, %get3A_726] {strides = array<i32>} : memref<128x128xf32, #tpu.memory_space<vmem>>, vector<1x16xf32>,
        %get3A_728 = vector.shape_cast %get3A_727 : vector<1x16xf32> to vector<16xf32>
        %mul3A_729 = arith.constant 0.0883883461 : f32
        %mul3A_730 = vector.broadcast %mul3A_729 : f32 to vector<16xf32>
        %mul3A_731 = arith.mulf %get3A_728, %mul3A_730 : vector<16xf32>
        %swap3A_732 = arith.index_cast %while3A_653 : i32 to index
        %swap3A_733 = arith.constant 96 : index
        %swap3A_734 = tpu.vector_load %arg11[%swap3A_732, %swap3A_733] {strides = array<i32>} : memref<128x128xf32, #tpu.memory_space<vmem>>, vector<1x16xf32>,
        %swap3A_735 = vector.shape_cast %swap3A_734 : vector<1x16xf32> to vector<16xf32>
        %swap3A_736 = vector.shape_cast %mul3A_731 : vector<16xf32> to vector<1x16xf32>
        tpu.vector_store %arg11[%swap3A_732, %swap3A_733], %swap3A_736 {strides = array<i32>} : memref<128x128xf32, #tpu.memory_space<vmem>>, vector<1x16xf32>,
        %get3A_737 = arith.index_cast %while3A_653 : i32 to index
        %get3A_738 = arith.constant 112 : index
        %get3A_739 = tpu.vector_load %arg11[%get3A_737, %get3A_738] {strides = array<i32>} : memref<128x128xf32, #tpu.memory_space<vmem>>, vector<1x16xf32>,
        %get3A_740 = vector.shape_cast %get3A_739 : vector<1x16xf32> to vector<16xf32>
        %mul3A_741 = arith.constant 0.0883883461 : f32
        %mul3A_742 = vector.broadcast %mul3A_741 : f32 to vector<16xf32>
        %mul3A_743 = arith.mulf %get3A_740, %mul3A_742 : vector<16xf32>
        %swap3A_744 = arith.index_cast %while3A_653 : i32 to index
        %swap3A_745 = arith.constant 112 : index
        %swap3A_746 = tpu.vector_load %arg11[%swap3A_744, %swap3A_745] {strides = array<i32>} : memref<128x128xf32, #tpu.memory_space<vmem>>, vector<1x16xf32>,
        %swap3A_747 = vector.shape_cast %swap3A_746 : vector<1x16xf32> to vector<16xf32>
        %swap3A_748 = vector.shape_cast %mul3A_743 : vector<16xf32> to vector<1x16xf32>
        tpu.vector_store %arg11[%swap3A_744, %swap3A_745], %swap3A_748 {strides = array<i32>} : memref<128x128xf32, #tpu.memory_space<vmem>>, vector<1x16xf32>,
      }
      %while3A_637 = arith.constant 0 : i32
      %while3A_638 = arith.constant 128 : i32
      %while3A_639 = arith.subi %while3A_638, %min3A_251 : i32
      %while3A_640 = arith.addi %min3A_251, %while3A_639 : i32
      %while3A_641 = arith.constant 1 : i32
      %while3A_642 = arith.divsi %while3A_639, %while3A_641 : i32
      %while3A_643 = arith.muli %while3A_642, %while3A_641 : i32
      %while3A_644 = arith.addi %min3A_251, %while3A_643 : i32
      %while3A_645 = arith.constant 1 : i32
      scf.for %while3A_653 = %min3A_251 to %while3A_644 step %while3A_645  : i32 {
        %swap3A = arith.index_cast %while3A_653 : i32 to index
        %swap3A_654 = arith.constant 0 : index
        %swap3A_655 = tpu.vector_load %arg11[%swap3A, %swap3A_654] {strides = array<i32>} : memref<128x128xf32, #tpu.memory_space<vmem>>, vector<1x16xf32>,
        %swap3A_656 = vector.shape_cast %swap3A_655 : vector<1x16xf32> to vector<16xf32>
        %swap3A_657 = vector.shape_cast %broadcast_in_dim3A_269 : vector<16xf32> to vector<1x16xf32>
        tpu.vector_store %arg11[%swap3A, %swap3A_654], %swap3A_657 {strides = array<i32>} : memref<128x128xf32, #tpu.memory_space<vmem>>, vector<1x16xf32>,
        %swap3A_658 = arith.index_cast %while3A_653 : i32 to index
        %swap3A_659 = arith.constant 16 : index
        %swap3A_660 = tpu.vector_load %arg11[%swap3A_658, %swap3A_659] {strides = array<i32>} : memref<128x128xf32, #tpu.memory_space<vmem>>, vector<1x16xf32>,
        %swap3A_661 = vector.shape_cast %swap3A_660 : vector<1x16xf32> to vector<16xf32>
        %swap3A_662 = vector.shape_cast %broadcast_in_dim3A_269 : vector<16xf32> to vector<1x16xf32>
        tpu.vector_store %arg11[%swap3A_658, %swap3A_659], %swap3A_662 {strides = array<i32>} : memref<128x128xf32, #tpu.memory_space<vmem>>, vector<1x16xf32>,
        %swap3A_663 = arith.index_cast %while3A_653 : i32 to index
        %swap3A_664 = arith.constant 32 : index
        %swap3A_665 = tpu.vector_load %arg11[%swap3A_663, %swap3A_664] {strides = array<i32>} : memref<128x128xf32, #tpu.memory_space<vmem>>, vector<1x16xf32>,
        %swap3A_666 = vector.shape_cast %swap3A_665 : vector<1x16xf32> to vector<16xf32>
        %swap3A_667 = vector.shape_cast %broadcast_in_dim3A_269 : vector<16xf32> to vector<1x16xf32>
        tpu.vector_store %arg11[%swap3A_663, %swap3A_664], %swap3A_667 {strides = array<i32>} : memref<128x128xf32, #tpu.memory_space<vmem>>, vector<1x16xf32>,
        %swap3A_668 = arith.index_cast %while3A_653 : i32 to index
        %swap3A_669 = arith.constant 48 : index
        %swap3A_670 = tpu.vector_load %arg11[%swap3A_668, %swap3A_669] {strides = array<i32>} : memref<128x128xf32, #tpu.memory_space<vmem>>, vector<1x16xf32>,
        %swap3A_671 = vector.shape_cast %swap3A_670 : vector<1x16xf32> to vector<16xf32>
        %swap3A_672 = vector.shape_cast %broadcast_in_dim3A_269 : vector<16xf32> to vector<1x16xf32>
        tpu.vector_store %arg11[%swap3A_668, %swap3A_669], %swap3A_672 {strides = array<i32>} : memref<128x128xf32, #tpu.memory_space<vmem>>, vector<1x16xf32>,
        %swap3A_673 = arith.index_cast %while3A_653 : i32 to index
        %swap3A_674 = arith.constant 64 : index
        %swap3A_675 = tpu.vector_load %arg11[%swap3A_673, %swap3A_674] {strides = array<i32>} : memref<128x128xf32, #tpu.memory_space<vmem>>, vector<1x16xf32>,
        %swap3A_676 = vector.shape_cast %swap3A_675 : vector<1x16xf32> to vector<16xf32>
        %swap3A_677 = vector.shape_cast %broadcast_in_dim3A_269 : vector<16xf32> to vector<1x16xf32>
        tpu.vector_store %arg11[%swap3A_673, %swap3A_674], %swap3A_677 {strides = array<i32>} : memref<128x128xf32, #tpu.memory_space<vmem>>, vector<1x16xf32>,
        %swap3A_678 = arith.index_cast %while3A_653 : i32 to index
        %swap3A_679 = arith.constant 80 : index
        %swap3A_680 = tpu.vector_load %arg11[%swap3A_678, %swap3A_679] {strides = array<i32>} : memref<128x128xf32, #tpu.memory_space<vmem>>, vector<1x16xf32>,
        %swap3A_681 = vector.shape_cast %swap3A_680 : vector<1x16xf32> to vector<16xf32>
        %swap3A_682 = vector.shape_cast %broadcast_in_dim3A_269 : vector<16xf32> to vector<1x16xf32>
        tpu.vector_store %arg11[%swap3A_678, %swap3A_679], %swap3A_682 {strides = array<i32>} : memref<128x128xf32, #tpu.memory_space<vmem>>, vector<1x16xf32>,
        %swap3A_683 = arith.index_cast %while3A_653 : i32 to index
        %swap3A_684 = arith.constant 96 : index
        %swap3A_685 = tpu.vector_load %arg11[%swap3A_683, %swap3A_684] {strides = array<i32>} : memref<128x128xf32, #tpu.memory_space<vmem>>, vector<1x16xf32>,
        %swap3A_686 = vector.shape_cast %swap3A_685 : vector<1x16xf32> to vector<16xf32>
        %swap3A_687 = vector.shape_cast %broadcast_in_dim3A_269 : vector<16xf32> to vector<1x16xf32>
        tpu.vector_store %arg11[%swap3A_683, %swap3A_684], %swap3A_687 {strides = array<i32>} : memref<128x128xf32, #tpu.memory_space<vmem>>, vector<1x16xf32>,
        %swap3A_688 = arith.index_cast %while3A_653 : i32 to index
        %swap3A_689 = arith.constant 112 : index
        %swap3A_690 = tpu.vector_load %arg11[%swap3A_688, %swap3A_689] {strides = array<i32>} : memref<128x128xf32, #tpu.memory_space<vmem>>, vector<1x16xf32>,
        %swap3A_691 = vector.shape_cast %swap3A_690 : vector<1x16xf32> to vector<16xf32>
        %swap3A_692 = vector.shape_cast %broadcast_in_dim3A_269 : vector<16xf32> to vector<1x16xf32>
        tpu.vector_store %arg11[%swap3A_688, %swap3A_689], %swap3A_692 {strides = array<i32>} : memref<128x128xf32, #tpu.memory_space<vmem>>, vector<1x16xf32>,
      }
      %while3A_646 = arith.constant 1 : i32
      scf.for %while3A_653 = %while3A_644 to %while3A_640 step %while3A_646  : i32 {
        %swap3A = arith.index_cast %while3A_653 : i32 to index
        %swap3A_654 = arith.constant 0 : index
        %swap3A_655 = tpu.vector_load %arg11[%swap3A, %swap3A_654] {strides = array<i32>} : memref<128x128xf32, #tpu.memory_space<vmem>>, vector<1x16xf32>,
        %swap3A_656 = vector.shape_cast %swap3A_655 : vector<1x16xf32> to vector<16xf32>
        %swap3A_657 = vector.shape_cast %broadcast_in_dim3A_269 : vector<16xf32> to vector<1x16xf32>
        tpu.vector_store %arg11[%swap3A, %swap3A_654], %swap3A_657 {strides = array<i32>} : memref<128x128xf32, #tpu.memory_space<vmem>>, vector<1x16xf32>,
        %swap3A_658 = arith.index_cast %while3A_653 : i32 to index
        %swap3A_659 = arith.constant 16 : index
        %swap3A_660 = tpu.vector_load %arg11[%swap3A_658, %swap3A_659] {strides = array<i32>} : memref<128x128xf32, #tpu.memory_space<vmem>>, vector<1x16xf32>,
        %swap3A_661 = vector.shape_cast %swap3A_660 : vector<1x16xf32> to vector<16xf32>
        %swap3A_662 = vector.shape_cast %broadcast_in_dim3A_269 : vector<16xf32> to vector<1x16xf32>
        tpu.vector_store %arg11[%swap3A_658, %swap3A_659], %swap3A_662 {strides = array<i32>} : memref<128x128xf32, #tpu.memory_space<vmem>>, vector<1x16xf32>,
        %swap3A_663 = arith.index_cast %while3A_653 : i32 to index
        %swap3A_664 = arith.constant 32 : index
        %swap3A_665 = tpu.vector_load %arg11[%swap3A_663, %swap3A_664] {strides = array<i32>} : memref<128x128xf32, #tpu.memory_space<vmem>>, vector<1x16xf32>,
        %swap3A_666 = vector.shape_cast %swap3A_665 : vector<1x16xf32> to vector<16xf32>
        %swap3A_667 = vector.shape_cast %broadcast_in_dim3A_269 : vector<16xf32> to vector<1x16xf32>
        tpu.vector_store %arg11[%swap3A_663, %swap3A_664], %swap3A_667 {strides = array<i32>} : memref<128x128xf32, #tpu.memory_space<vmem>>, vector<1x16xf32>,
        %swap3A_668 = arith.index_cast %while3A_653 : i32 to index
        %swap3A_669 = arith.constant 48 : index
        %swap3A_670 = tpu.vector_load %arg11[%swap3A_668, %swap3A_669] {strides = array<i32>} : memref<128x128xf32, #tpu.memory_space<vmem>>, vector<1x16xf32>,
        %swap3A_671 = vector.shape_cast %swap3A_670 : vector<1x16xf32> to vector<16xf32>
        %swap3A_672 = vector.shape_cast %broadcast_in_dim3A_269 : vector<16xf32> to vector<1x16xf32>
        tpu.vector_store %arg11[%swap3A_668, %swap3A_669], %swap3A_672 {strides = array<i32>} : memref<128x128xf32, #tpu.memory_space<vmem>>, vector<1x16xf32>,
        %swap3A_673 = arith.index_cast %while3A_653 : i32 to index
        %swap3A_674 = arith.constant 64 : index
        %swap3A_675 = tpu.vector_load %arg11[%swap3A_673, %swap3A_674] {strides = array<i32>} : memref<128x128xf32, #tpu.memory_space<vmem>>, vector<1x16xf32>,
        %swap3A_676 = vector.shape_cast %swap3A_675 : vector<1x16xf32> to vector<16xf32>
        %swap3A_677 = vector.shape_cast %broadcast_in_dim3A_269 : vector<16xf32> to vector<1x16xf32>
        tpu.vector_store %arg11[%swap3A_673, %swap3A_674], %swap3A_677 {strides = array<i32>} : memref<128x128xf32, #tpu.memory_space<vmem>>, vector<1x16xf32>,
        %swap3A_678 = arith.index_cast %while3A_653 : i32 to index
        %swap3A_679 = arith.constant 80 : index
        %swap3A_680 = tpu.vector_load %arg11[%swap3A_678, %swap3A_679] {strides = array<i32>} : memref<128x128xf32, #tpu.memory_space<vmem>>, vector<1x16xf32>,
        %swap3A_681 = vector.shape_cast %swap3A_680 : vector<1x16xf32> to vector<16xf32>
        %swap3A_682 = vector.shape_cast %broadcast_in_dim3A_269 : vector<16xf32> to vector<1x16xf32>
        tpu.vector_store %arg11[%swap3A_678, %swap3A_679], %swap3A_682 {strides = array<i32>} : memref<128x128xf32, #tpu.memory_space<vmem>>, vector<1x16xf32>,
        %swap3A_683 = arith.index_cast %while3A_653 : i32 to index
        %swap3A_684 = arith.constant 96 : index
        %swap3A_685 = tpu.vector_load %arg11[%swap3A_683, %swap3A_684] {strides = array<i32>} : memref<128x128xf32, #tpu.memory_space<vmem>>, vector<1x16xf32>,
        %swap3A_686 = vector.shape_cast %swap3A_685 : vector<1x16xf32> to vector<16xf32>
        %swap3A_687 = vector.shape_cast %broadcast_in_dim3A_269 : vector<16xf32> to vector<1x16xf32>
        tpu.vector_store %arg11[%swap3A_683, %swap3A_684], %swap3A_687 {strides = array<i32>} : memref<128x128xf32, #tpu.memory_space<vmem>>, vector<1x16xf32>,
        %swap3A_688 = arith.index_cast %while3A_653 : i32 to index
        %swap3A_689 = arith.constant 112 : index
        %swap3A_690 = tpu.vector_load %arg11[%swap3A_688, %swap3A_689] {strides = array<i32>} : memref<128x128xf32, #tpu.memory_space<vmem>>, vector<1x16xf32>,
        %swap3A_691 = vector.shape_cast %swap3A_690 : vector<1x16xf32> to vector<16xf32>
        %swap3A_692 = vector.shape_cast %broadcast_in_dim3A_269 : vector<16xf32> to vector<1x16xf32>
        tpu.vector_store %arg11[%swap3A_688, %swap3A_689], %swap3A_692 {strides = array<i32>} : memref<128x128xf32, #tpu.memory_space<vmem>>, vector<1x16xf32>,
      }
      %mul3A_647 = arith.constant 128 : i32
      %mul3A_648 = arith.muli %add3A_84, %mul3A_647 : i32
      %dma_start3A_649 = arith.constant 0 : i32
      %dma_start3A_650 = tpu.memref_slice %arg7[%mul3A_648, %dma_start3A_649] : memref<32768x128xf32, #tpu.memory_space<hbm>> -> memref<128x128xf32, #tpu.memory_space<hbm>>
      %dma_start3A_651 = arith.constant 0 : i32
      %dma_start3A_652 = tpu.memref_slice %arg7[%mul3A_648, %dma_start3A_651] : memref<32768x128xf32, #tpu.memory_space<hbm>> -> memref<128x128xf32, #tpu.memory_space<hbm>>
      tpu.enqueue_dma source(%arg11 : memref<128x128xf32, #tpu.memory_space<vmem>>) target(%dma_start3A_652 : memref<128x128xf32, #tpu.memory_space<hbm>>) target_semaphore(%arg26 : memref<!tpu.dma_semaphore, #tpu.memory_space<semaphore_mem>>)
    } else {
    }
    %le3A_553 = arith.constant 0 : i32
    %le3A_554 = arith.cmpi sle, %min3A_251, %le3A_553 : i32
    %convert_element_type3A_555 = arith.extui %le3A_554 : i1 to i32
    %cond3A_556 = arith.constant 0 : i32
    %cond3A_557 = arith.cmpi ne, %convert_element_type3A_555, %cond3A_556 : i32
    scf.if %cond3A_557 {
      %mul3A_628 = arith.constant 128 : i32
      %mul3A_629 = arith.muli %add3A_84, %mul3A_628 : i32
      %dma_start3A_630 = arith.constant 0 : i32
      %dma_start3A_631 = tpu.memref_slice %arg7[%mul3A_629, %dma_start3A_630] : memref<32768x128xf32, #tpu.memory_space<hbm>> -> memref<128x128xf32, #tpu.memory_space<hbm>>
      tpu.enqueue_dma source(%arg15 : memref<128x128xf32, #tpu.memory_space<vmem_shared>>) target(%dma_start3A_631 : memref<128x128xf32, #tpu.memory_space<hbm>>) target_semaphore(%arg18 : memref<!tpu.dma_semaphore, #tpu.memory_space<semaphore_mem>>)
    } else {
    }
    %gt3A_558 = arith.constant 0 : i32
    %gt3A_559 = arith.cmpi sgt, %min3A_263, %gt3A_558 : i32
    %convert_element_type3A_560 = arith.extui %gt3A_559 : i1 to i32
    %cond3A_561 = arith.constant 0 : i32
    %cond3A_562 = arith.cmpi ne, %convert_element_type3A_560, %cond3A_561 : i32
    scf.if %cond3A_562 {
      %dma_wait3A_628 = arith.constant 7 : i32
      %dma_wait3A_629 = arith.constant 0 : i32
      %dma_wait3A_630 = tpu.memref_slice %arg8[%dma_wait3A_628, %dma_wait3A_629] : memref<8x128xi32, #tpu.memory_space<vmem>> -> memref<1x128xi32, #tpu.memory_space<vmem>>
      %dma_wait3A_631 = tpu.memref_squeeze %dma_wait3A_630 : memref<1x128xi32, #tpu.memory_space<vmem>> -> memref<128xi32, #tpu.memory_space<vmem>>
      %dma_wait3A_632 = arith.constant 0 : i32
      %dma_wait3A_633 = arith.constant 0 : i32
      %dma_wait3A_634 = tpu.memref_slice %arg5[%dma_wait3A_632, %dma_wait3A_633] : memref<100000x128xf32, #tpu.memory_space<hbm>> -> memref<100000x128xf32, #tpu.memory_space<hbm>>
      tpu.wait_indirect_dma semaphore(%arg19 : memref<!tpu.dma_semaphore, #tpu.memory_space<semaphore_mem>>) src(%dma_wait3A_634 : memref<100000x128xf32, #tpu.memory_space<hbm>>) dst(%arg12 : memref<128x128xf32, #tpu.memory_space<vmem>>)
    } else {
    }
    %gt3A_563 = arith.constant 0 : i32
    %gt3A_564 = arith.cmpi sgt, %min3A_239, %gt3A_563 : i32
    %convert_element_type3A_565 = arith.extui %gt3A_564 : i1 to i32
    %cond3A_566 = arith.constant 0 : i32
    %cond3A_567 = arith.cmpi ne, %convert_element_type3A_565, %cond3A_566 : i32
    scf.if %cond3A_567 {
      %mul3A_628 = arith.constant 128 : i32
      %mul3A_629 = arith.muli %add3A_81, %mul3A_628 : i32
      %dma_wait3A_630 = arith.constant 0 : i32
      %dma_wait3A_631 = tpu.memref_slice %arg7[%mul3A_629, %dma_wait3A_630] : memref<32768x128xf32, #tpu.memory_space<hbm>> -> memref<128x128xf32, #tpu.memory_space<hbm>>
      %dma_wait3A_632 = arith.constant 0 : i32
      %dma_wait3A_633 = tpu.memref_slice %arg7[%mul3A_629, %dma_wait3A_632] : memref<32768x128xf32, #tpu.memory_space<hbm>> -> memref<128x128xf32, #tpu.memory_space<hbm>>
      tpu.wait_dma2 semaphore(%arg25 : memref<!tpu.dma_semaphore, #tpu.memory_space<semaphore_mem>>) src(%arg10 : memref<128x128xf32, #tpu.memory_space<vmem>>) dst(%dma_wait3A_633 : memref<128x128xf32, #tpu.memory_space<hbm>>)
    } else {
    }
    %gt3A_568 = arith.constant 0 : i32
    %gt3A_569 = arith.cmpi sgt, %min3A_263, %gt3A_568 : i32
    %convert_element_type3A_570 = arith.extui %gt3A_569 : i1 to i32
    %cond3A_571 = arith.constant 0 : i32
    %cond3A_572 = arith.cmpi ne, %convert_element_type3A_570, %cond3A_571 : i32
    scf.if %cond3A_572 {
      %while3A = arith.constant 0 : i32
      %while3A_628 = arith.constant 0 : i32
      %while3A_629 = arith.subi %min3A_263, %while3A_628 : i32
      %while3A_630 = arith.addi %while3A_628, %while3A_629 : i32
      %while3A_631 = arith.constant 1 : i32
      %while3A_632 = arith.divsi %while3A_629, %while3A_631 : i32
      %while3A_633 = arith.muli %while3A_632, %while3A_631 : i32
      %while3A_634 = arith.addi %while3A_628, %while3A_633 : i32
      %while3A_635 = arith.constant 1 : i32
      scf.for %while3A_653 = %while3A_628 to %while3A_634 step %while3A_635  : i32 {
        %get3A_654 = arith.index_cast %while3A_653 : i32 to index
        %get3A_655 = arith.constant 0 : index
        %get3A_656 = tpu.vector_load %arg12[%get3A_654, %get3A_655] {strides = array<i32>} : memref<128x128xf32, #tpu.memory_space<vmem>>, vector<1x16xf32>,
        %get3A_657 = vector.shape_cast %get3A_656 : vector<1x16xf32> to vector<16xf32>
        %mul3A_658 = arith.constant 0.0883883461 : f32
        %mul3A_659 = vector.broadcast %mul3A_658 : f32 to vector<16xf32>
        %mul3A_660 = arith.mulf %get3A_657, %mul3A_659 : vector<16xf32>
        %swap3A = arith.index_cast %while3A_653 : i32 to index
        %swap3A_661 = arith.constant 0 : index
        %swap3A_662 = tpu.vector_load %arg12[%swap3A, %swap3A_661] {strides = array<i32>} : memref<128x128xf32, #tpu.memory_space<vmem>>, vector<1x16xf32>,
        %swap3A_663 = vector.shape_cast %swap3A_662 : vector<1x16xf32> to vector<16xf32>
        %swap3A_664 = vector.shape_cast %mul3A_660 : vector<16xf32> to vector<1x16xf32>
        tpu.vector_store %arg12[%swap3A, %swap3A_661], %swap3A_664 {strides = array<i32>} : memref<128x128xf32, #tpu.memory_space<vmem>>, vector<1x16xf32>,
        %get3A_665 = arith.index_cast %while3A_653 : i32 to index
        %get3A_666 = arith.constant 16 : index
        %get3A_667 = tpu.vector_load %arg12[%get3A_665, %get3A_666] {strides = array<i32>} : memref<128x128xf32, #tpu.memory_space<vmem>>, vector<1x16xf32>,
        %get3A_668 = vector.shape_cast %get3A_667 : vector<1x16xf32> to vector<16xf32>
        %mul3A_669 = arith.constant 0.0883883461 : f32
        %mul3A_670 = vector.broadcast %mul3A_669 : f32 to vector<16xf32>
        %mul3A_671 = arith.mulf %get3A_668, %mul3A_670 : vector<16xf32>
        %swap3A_672 = arith.index_cast %while3A_653 : i32 to index
        %swap3A_673 = arith.constant 16 : index
        %swap3A_674 = tpu.vector_load %arg12[%swap3A_672, %swap3A_673] {strides = array<i32>} : memref<128x128xf32, #tpu.memory_space<vmem>>, vector<1x16xf32>,
        %swap3A_675 = vector.shape_cast %swap3A_674 : vector<1x16xf32> to vector<16xf32>
        %swap3A_676 = vector.shape_cast %mul3A_671 : vector<16xf32> to vector<1x16xf32>
        tpu.vector_store %arg12[%swap3A_672, %swap3A_673], %swap3A_676 {strides = array<i32>} : memref<128x128xf32, #tpu.memory_space<vmem>>, vector<1x16xf32>,
        %get3A_677 = arith.index_cast %while3A_653 : i32 to index
        %get3A_678 = arith.constant 32 : index
        %get3A_679 = tpu.vector_load %arg12[%get3A_677, %get3A_678] {strides = array<i32>} : memref<128x128xf32, #tpu.memory_space<vmem>>, vector<1x16xf32>,
        %get3A_680 = vector.shape_cast %get3A_679 : vector<1x16xf32> to vector<16xf32>
        %mul3A_681 = arith.constant 0.0883883461 : f32
        %mul3A_682 = vector.broadcast %mul3A_681 : f32 to vector<16xf32>
        %mul3A_683 = arith.mulf %get3A_680, %mul3A_682 : vector<16xf32>
        %swap3A_684 = arith.index_cast %while3A_653 : i32 to index
        %swap3A_685 = arith.constant 32 : index
        %swap3A_686 = tpu.vector_load %arg12[%swap3A_684, %swap3A_685] {strides = array<i32>} : memref<128x128xf32, #tpu.memory_space<vmem>>, vector<1x16xf32>,
        %swap3A_687 = vector.shape_cast %swap3A_686 : vector<1x16xf32> to vector<16xf32>
        %swap3A_688 = vector.shape_cast %mul3A_683 : vector<16xf32> to vector<1x16xf32>
        tpu.vector_store %arg12[%swap3A_684, %swap3A_685], %swap3A_688 {strides = array<i32>} : memref<128x128xf32, #tpu.memory_space<vmem>>, vector<1x16xf32>,
        %get3A_689 = arith.index_cast %while3A_653 : i32 to index
        %get3A_690 = arith.constant 48 : index
        %get3A_691 = tpu.vector_load %arg12[%get3A_689, %get3A_690] {strides = array<i32>} : memref<128x128xf32, #tpu.memory_space<vmem>>, vector<1x16xf32>,
        %get3A_692 = vector.shape_cast %get3A_691 : vector<1x16xf32> to vector<16xf32>
        %mul3A_693 = arith.constant 0.0883883461 : f32
        %mul3A_694 = vector.broadcast %mul3A_693 : f32 to vector<16xf32>
        %mul3A_695 = arith.mulf %get3A_692, %mul3A_694 : vector<16xf32>
        %swap3A_696 = arith.index_cast %while3A_653 : i32 to index
        %swap3A_697 = arith.constant 48 : index
        %swap3A_698 = tpu.vector_load %arg12[%swap3A_696, %swap3A_697] {strides = array<i32>} : memref<128x128xf32, #tpu.memory_space<vmem>>, vector<1x16xf32>,
        %swap3A_699 = vector.shape_cast %swap3A_698 : vector<1x16xf32> to vector<16xf32>
        %swap3A_700 = vector.shape_cast %mul3A_695 : vector<16xf32> to vector<1x16xf32>
        tpu.vector_store %arg12[%swap3A_696, %swap3A_697], %swap3A_700 {strides = array<i32>} : memref<128x128xf32, #tpu.memory_space<vmem>>, vector<1x16xf32>,
        %get3A_701 = arith.index_cast %while3A_653 : i32 to index
        %get3A_702 = arith.constant 64 : index
        %get3A_703 = tpu.vector_load %arg12[%get3A_701, %get3A_702] {strides = array<i32>} : memref<128x128xf32, #tpu.memory_space<vmem>>, vector<1x16xf32>,
        %get3A_704 = vector.shape_cast %get3A_703 : vector<1x16xf32> to vector<16xf32>
        %mul3A_705 = arith.constant 0.0883883461 : f32
        %mul3A_706 = vector.broadcast %mul3A_705 : f32 to vector<16xf32>
        %mul3A_707 = arith.mulf %get3A_704, %mul3A_706 : vector<16xf32>
        %swap3A_708 = arith.index_cast %while3A_653 : i32 to index
        %swap3A_709 = arith.constant 64 : index
        %swap3A_710 = tpu.vector_load %arg12[%swap3A_708, %swap3A_709] {strides = array<i32>} : memref<128x128xf32, #tpu.memory_space<vmem>>, vector<1x16xf32>,
        %swap3A_711 = vector.shape_cast %swap3A_710 : vector<1x16xf32> to vector<16xf32>
        %swap3A_712 = vector.shape_cast %mul3A_707 : vector<16xf32> to vector<1x16xf32>
        tpu.vector_store %arg12[%swap3A_708, %swap3A_709], %swap3A_712 {strides = array<i32>} : memref<128x128xf32, #tpu.memory_space<vmem>>, vector<1x16xf32>,
        %get3A_713 = arith.index_cast %while3A_653 : i32 to index
        %get3A_714 = arith.constant 80 : index
        %get3A_715 = tpu.vector_load %arg12[%get3A_713, %get3A_714] {strides = array<i32>} : memref<128x128xf32, #tpu.memory_space<vmem>>, vector<1x16xf32>,
        %get3A_716 = vector.shape_cast %get3A_715 : vector<1x16xf32> to vector<16xf32>
        %mul3A_717 = arith.constant 0.0883883461 : f32
        %mul3A_718 = vector.broadcast %mul3A_717 : f32 to vector<16xf32>
        %mul3A_719 = arith.mulf %get3A_716, %mul3A_718 : vector<16xf32>
        %swap3A_720 = arith.index_cast %while3A_653 : i32 to index
        %swap3A_721 = arith.constant 80 : index
        %swap3A_722 = tpu.vector_load %arg12[%swap3A_720, %swap3A_721] {strides = array<i32>} : memref<128x128xf32, #tpu.memory_space<vmem>>, vector<1x16xf32>,
        %swap3A_723 = vector.shape_cast %swap3A_722 : vector<1x16xf32> to vector<16xf32>
        %swap3A_724 = vector.shape_cast %mul3A_719 : vector<16xf32> to vector<1x16xf32>
        tpu.vector_store %arg12[%swap3A_720, %swap3A_721], %swap3A_724 {strides = array<i32>} : memref<128x128xf32, #tpu.memory_space<vmem>>, vector<1x16xf32>,
        %get3A_725 = arith.index_cast %while3A_653 : i32 to index
        %get3A_726 = arith.constant 96 : index
        %get3A_727 = tpu.vector_load %arg12[%get3A_725, %get3A_726] {strides = array<i32>} : memref<128x128xf32, #tpu.memory_space<vmem>>, vector<1x16xf32>,
        %get3A_728 = vector.shape_cast %get3A_727 : vector<1x16xf32> to vector<16xf32>
        %mul3A_729 = arith.constant 0.0883883461 : f32
        %mul3A_730 = vector.broadcast %mul3A_729 : f32 to vector<16xf32>
        %mul3A_731 = arith.mulf %get3A_728, %mul3A_730 : vector<16xf32>
        %swap3A_732 = arith.index_cast %while3A_653 : i32 to index
        %swap3A_733 = arith.constant 96 : index
        %swap3A_734 = tpu.vector_load %arg12[%swap3A_732, %swap3A_733] {strides = array<i32>} : memref<128x128xf32, #tpu.memory_space<vmem>>, vector<1x16xf32>,
        %swap3A_735 = vector.shape_cast %swap3A_734 : vector<1x16xf32> to vector<16xf32>
        %swap3A_736 = vector.shape_cast %mul3A_731 : vector<16xf32> to vector<1x16xf32>
        tpu.vector_store %arg12[%swap3A_732, %swap3A_733], %swap3A_736 {strides = array<i32>} : memref<128x128xf32, #tpu.memory_space<vmem>>, vector<1x16xf32>,
        %get3A_737 = arith.index_cast %while3A_653 : i32 to index
        %get3A_738 = arith.constant 112 : index
        %get3A_739 = tpu.vector_load %arg12[%get3A_737, %get3A_738] {strides = array<i32>} : memref<128x128xf32, #tpu.memory_space<vmem>>, vector<1x16xf32>,
        %get3A_740 = vector.shape_cast %get3A_739 : vector<1x16xf32> to vector<16xf32>
        %mul3A_741 = arith.constant 0.0883883461 : f32
        %mul3A_742 = vector.broadcast %mul3A_741 : f32 to vector<16xf32>
        %mul3A_743 = arith.mulf %get3A_740, %mul3A_742 : vector<16xf32>
        %swap3A_744 = arith.index_cast %while3A_653 : i32 to index
        %swap3A_745 = arith.constant 112 : index
        %swap3A_746 = tpu.vector_load %arg12[%swap3A_744, %swap3A_745] {strides = array<i32>} : memref<128x128xf32, #tpu.memory_space<vmem>>, vector<1x16xf32>,
        %swap3A_747 = vector.shape_cast %swap3A_746 : vector<1x16xf32> to vector<16xf32>
        %swap3A_748 = vector.shape_cast %mul3A_743 : vector<16xf32> to vector<1x16xf32>
        tpu.vector_store %arg12[%swap3A_744, %swap3A_745], %swap3A_748 {strides = array<i32>} : memref<128x128xf32, #tpu.memory_space<vmem>>, vector<1x16xf32>,
      }
      %while3A_636 = arith.constant 1 : i32
      scf.for %while3A_653 = %while3A_634 to %while3A_630 step %while3A_636  : i32 {
        %get3A_654 = arith.index_cast %while3A_653 : i32 to index
        %get3A_655 = arith.constant 0 : index
        %get3A_656 = tpu.vector_load %arg12[%get3A_654, %get3A_655] {strides = array<i32>} : memref<128x128xf32, #tpu.memory_space<vmem>>, vector<1x16xf32>,
        %get3A_657 = vector.shape_cast %get3A_656 : vector<1x16xf32> to vector<16xf32>
        %mul3A_658 = arith.constant 0.0883883461 : f32
        %mul3A_659 = vector.broadcast %mul3A_658 : f32 to vector<16xf32>
        %mul3A_660 = arith.mulf %get3A_657, %mul3A_659 : vector<16xf32>
        %swap3A = arith.index_cast %while3A_653 : i32 to index
        %swap3A_661 = arith.constant 0 : index
        %swap3A_662 = tpu.vector_load %arg12[%swap3A, %swap3A_661] {strides = array<i32>} : memref<128x128xf32, #tpu.memory_space<vmem>>, vector<1x16xf32>,
        %swap3A_663 = vector.shape_cast %swap3A_662 : vector<1x16xf32> to vector<16xf32>
        %swap3A_664 = vector.shape_cast %mul3A_660 : vector<16xf32> to vector<1x16xf32>
        tpu.vector_store %arg12[%swap3A, %swap3A_661], %swap3A_664 {strides = array<i32>} : memref<128x128xf32, #tpu.memory_space<vmem>>, vector<1x16xf32>,
        %get3A_665 = arith.index_cast %while3A_653 : i32 to index
        %get3A_666 = arith.constant 16 : index
        %get3A_667 = tpu.vector_load %arg12[%get3A_665, %get3A_666] {strides = array<i32>} : memref<128x128xf32, #tpu.memory_space<vmem>>, vector<1x16xf32>,
        %get3A_668 = vector.shape_cast %get3A_667 : vector<1x16xf32> to vector<16xf32>
        %mul3A_669 = arith.constant 0.0883883461 : f32
        %mul3A_670 = vector.broadcast %mul3A_669 : f32 to vector<16xf32>
        %mul3A_671 = arith.mulf %get3A_668, %mul3A_670 : vector<16xf32>
        %swap3A_672 = arith.index_cast %while3A_653 : i32 to index
        %swap3A_673 = arith.constant 16 : index
        %swap3A_674 = tpu.vector_load %arg12[%swap3A_672, %swap3A_673] {strides = array<i32>} : memref<128x128xf32, #tpu.memory_space<vmem>>, vector<1x16xf32>,
        %swap3A_675 = vector.shape_cast %swap3A_674 : vector<1x16xf32> to vector<16xf32>
        %swap3A_676 = vector.shape_cast %mul3A_671 : vector<16xf32> to vector<1x16xf32>
        tpu.vector_store %arg12[%swap3A_672, %swap3A_673], %swap3A_676 {strides = array<i32>} : memref<128x128xf32, #tpu.memory_space<vmem>>, vector<1x16xf32>,
        %get3A_677 = arith.index_cast %while3A_653 : i32 to index
        %get3A_678 = arith.constant 32 : index
        %get3A_679 = tpu.vector_load %arg12[%get3A_677, %get3A_678] {strides = array<i32>} : memref<128x128xf32, #tpu.memory_space<vmem>>, vector<1x16xf32>,
        %get3A_680 = vector.shape_cast %get3A_679 : vector<1x16xf32> to vector<16xf32>
        %mul3A_681 = arith.constant 0.0883883461 : f32
        %mul3A_682 = vector.broadcast %mul3A_681 : f32 to vector<16xf32>
        %mul3A_683 = arith.mulf %get3A_680, %mul3A_682 : vector<16xf32>
        %swap3A_684 = arith.index_cast %while3A_653 : i32 to index
        %swap3A_685 = arith.constant 32 : index
        %swap3A_686 = tpu.vector_load %arg12[%swap3A_684, %swap3A_685] {strides = array<i32>} : memref<128x128xf32, #tpu.memory_space<vmem>>, vector<1x16xf32>,
        %swap3A_687 = vector.shape_cast %swap3A_686 : vector<1x16xf32> to vector<16xf32>
        %swap3A_688 = vector.shape_cast %mul3A_683 : vector<16xf32> to vector<1x16xf32>
        tpu.vector_store %arg12[%swap3A_684, %swap3A_685], %swap3A_688 {strides = array<i32>} : memref<128x128xf32, #tpu.memory_space<vmem>>, vector<1x16xf32>,
        %get3A_689 = arith.index_cast %while3A_653 : i32 to index
        %get3A_690 = arith.constant 48 : index
        %get3A_691 = tpu.vector_load %arg12[%get3A_689, %get3A_690] {strides = array<i32>} : memref<128x128xf32, #tpu.memory_space<vmem>>, vector<1x16xf32>,
        %get3A_692 = vector.shape_cast %get3A_691 : vector<1x16xf32> to vector<16xf32>
        %mul3A_693 = arith.constant 0.0883883461 : f32
        %mul3A_694 = vector.broadcast %mul3A_693 : f32 to vector<16xf32>
        %mul3A_695 = arith.mulf %get3A_692, %mul3A_694 : vector<16xf32>
        %swap3A_696 = arith.index_cast %while3A_653 : i32 to index
        %swap3A_697 = arith.constant 48 : index
        %swap3A_698 = tpu.vector_load %arg12[%swap3A_696, %swap3A_697] {strides = array<i32>} : memref<128x128xf32, #tpu.memory_space<vmem>>, vector<1x16xf32>,
        %swap3A_699 = vector.shape_cast %swap3A_698 : vector<1x16xf32> to vector<16xf32>
        %swap3A_700 = vector.shape_cast %mul3A_695 : vector<16xf32> to vector<1x16xf32>
        tpu.vector_store %arg12[%swap3A_696, %swap3A_697], %swap3A_700 {strides = array<i32>} : memref<128x128xf32, #tpu.memory_space<vmem>>, vector<1x16xf32>,
        %get3A_701 = arith.index_cast %while3A_653 : i32 to index
        %get3A_702 = arith.constant 64 : index
        %get3A_703 = tpu.vector_load %arg12[%get3A_701, %get3A_702] {strides = array<i32>} : memref<128x128xf32, #tpu.memory_space<vmem>>, vector<1x16xf32>,
        %get3A_704 = vector.shape_cast %get3A_703 : vector<1x16xf32> to vector<16xf32>
        %mul3A_705 = arith.constant 0.0883883461 : f32
        %mul3A_706 = vector.broadcast %mul3A_705 : f32 to vector<16xf32>
        %mul3A_707 = arith.mulf %get3A_704, %mul3A_706 : vector<16xf32>
        %swap3A_708 = arith.index_cast %while3A_653 : i32 to index
        %swap3A_709 = arith.constant 64 : index
        %swap3A_710 = tpu.vector_load %arg12[%swap3A_708, %swap3A_709] {strides = array<i32>} : memref<128x128xf32, #tpu.memory_space<vmem>>, vector<1x16xf32>,
        %swap3A_711 = vector.shape_cast %swap3A_710 : vector<1x16xf32> to vector<16xf32>
        %swap3A_712 = vector.shape_cast %mul3A_707 : vector<16xf32> to vector<1x16xf32>
        tpu.vector_store %arg12[%swap3A_708, %swap3A_709], %swap3A_712 {strides = array<i32>} : memref<128x128xf32, #tpu.memory_space<vmem>>, vector<1x16xf32>,
        %get3A_713 = arith.index_cast %while3A_653 : i32 to index
        %get3A_714 = arith.constant 80 : index
        %get3A_715 = tpu.vector_load %arg12[%get3A_713, %get3A_714] {strides = array<i32>} : memref<128x128xf32, #tpu.memory_space<vmem>>, vector<1x16xf32>,
        %get3A_716 = vector.shape_cast %get3A_715 : vector<1x16xf32> to vector<16xf32>
        %mul3A_717 = arith.constant 0.0883883461 : f32
        %mul3A_718 = vector.broadcast %mul3A_717 : f32 to vector<16xf32>
        %mul3A_719 = arith.mulf %get3A_716, %mul3A_718 : vector<16xf32>
        %swap3A_720 = arith.index_cast %while3A_653 : i32 to index
        %swap3A_721 = arith.constant 80 : index
        %swap3A_722 = tpu.vector_load %arg12[%swap3A_720, %swap3A_721] {strides = array<i32>} : memref<128x128xf32, #tpu.memory_space<vmem>>, vector<1x16xf32>,
        %swap3A_723 = vector.shape_cast %swap3A_722 : vector<1x16xf32> to vector<16xf32>
        %swap3A_724 = vector.shape_cast %mul3A_719 : vector<16xf32> to vector<1x16xf32>
        tpu.vector_store %arg12[%swap3A_720, %swap3A_721], %swap3A_724 {strides = array<i32>} : memref<128x128xf32, #tpu.memory_space<vmem>>, vector<1x16xf32>,
        %get3A_725 = arith.index_cast %while3A_653 : i32 to index
        %get3A_726 = arith.constant 96 : index
        %get3A_727 = tpu.vector_load %arg12[%get3A_725, %get3A_726] {strides = array<i32>} : memref<128x128xf32, #tpu.memory_space<vmem>>, vector<1x16xf32>,
        %get3A_728 = vector.shape_cast %get3A_727 : vector<1x16xf32> to vector<16xf32>
        %mul3A_729 = arith.constant 0.0883883461 : f32
        %mul3A_730 = vector.broadcast %mul3A_729 : f32 to vector<16xf32>
        %mul3A_731 = arith.mulf %get3A_728, %mul3A_730 : vector<16xf32>
        %swap3A_732 = arith.index_cast %while3A_653 : i32 to index
        %swap3A_733 = arith.constant 96 : index
        %swap3A_734 = tpu.vector_load %arg12[%swap3A_732, %swap3A_733] {strides = array<i32>} : memref<128x128xf32, #tpu.memory_space<vmem>>, vector<1x16xf32>,
        %swap3A_735 = vector.shape_cast %swap3A_734 : vector<1x16xf32> to vector<16xf32>
        %swap3A_736 = vector.shape_cast %mul3A_731 : vector<16xf32> to vector<1x16xf32>
        tpu.vector_store %arg12[%swap3A_732, %swap3A_733], %swap3A_736 {strides = array<i32>} : memref<128x128xf32, #tpu.memory_space<vmem>>, vector<1x16xf32>,
        %get3A_737 = arith.index_cast %while3A_653 : i32 to index
        %get3A_738 = arith.constant 112 : index
        %get3A_739 = tpu.vector_load %arg12[%get3A_737, %get3A_738] {strides = array<i32>} : memref<128x128xf32, #tpu.memory_space<vmem>>, vector<1x16xf32>,
        %get3A_740 = vector.shape_cast %get3A_739 : vector<1x16xf32> to vector<16xf32>
        %mul3A_741 = arith.constant 0.0883883461 : f32
        %mul3A_742 = vector.broadcast %mul3A_741 : f32 to vector<16xf32>
        %mul3A_743 = arith.mulf %get3A_740, %mul3A_742 : vector<16xf32>
        %swap3A_744 = arith.index_cast %while3A_653 : i32 to index
        %swap3A_745 = arith.constant 112 : index
        %swap3A_746 = tpu.vector_load %arg12[%swap3A_744, %swap3A_745] {strides = array<i32>} : memref<128x128xf32, #tpu.memory_space<vmem>>, vector<1x16xf32>,
        %swap3A_747 = vector.shape_cast %swap3A_746 : vector<1x16xf32> to vector<16xf32>
        %swap3A_748 = vector.shape_cast %mul3A_743 : vector<16xf32> to vector<1x16xf32>
        tpu.vector_store %arg12[%swap3A_744, %swap3A_745], %swap3A_748 {strides = array<i32>} : memref<128x128xf32, #tpu.memory_space<vmem>>, vector<1x16xf32>,
      }
      %while3A_637 = arith.constant 0 : i32
      %while3A_638 = arith.constant 128 : i32
      %while3A_639 = arith.subi %while3A_638, %min3A_263 : i32
      %while3A_640 = arith.addi %min3A_263, %while3A_639 : i32
      %while3A_641 = arith.constant 1 : i32
      %while3A_642 = arith.divsi %while3A_639, %while3A_641 : i32
      %while3A_643 = arith.muli %while3A_642, %while3A_641 : i32
      %while3A_644 = arith.addi %min3A_263, %while3A_643 : i32
      %while3A_645 = arith.constant 1 : i32
      scf.for %while3A_653 = %min3A_263 to %while3A_644 step %while3A_645  : i32 {
        %swap3A = arith.index_cast %while3A_653 : i32 to index
        %swap3A_654 = arith.constant 0 : index
        %swap3A_655 = tpu.vector_load %arg12[%swap3A, %swap3A_654] {strides = array<i32>} : memref<128x128xf32, #tpu.memory_space<vmem>>, vector<1x16xf32>,
        %swap3A_656 = vector.shape_cast %swap3A_655 : vector<1x16xf32> to vector<16xf32>
        %swap3A_657 = vector.shape_cast %broadcast_in_dim3A_269 : vector<16xf32> to vector<1x16xf32>
        tpu.vector_store %arg12[%swap3A, %swap3A_654], %swap3A_657 {strides = array<i32>} : memref<128x128xf32, #tpu.memory_space<vmem>>, vector<1x16xf32>,
        %swap3A_658 = arith.index_cast %while3A_653 : i32 to index
        %swap3A_659 = arith.constant 16 : index
        %swap3A_660 = tpu.vector_load %arg12[%swap3A_658, %swap3A_659] {strides = array<i32>} : memref<128x128xf32, #tpu.memory_space<vmem>>, vector<1x16xf32>,
        %swap3A_661 = vector.shape_cast %swap3A_660 : vector<1x16xf32> to vector<16xf32>
        %swap3A_662 = vector.shape_cast %broadcast_in_dim3A_269 : vector<16xf32> to vector<1x16xf32>
        tpu.vector_store %arg12[%swap3A_658, %swap3A_659], %swap3A_662 {strides = array<i32>} : memref<128x128xf32, #tpu.memory_space<vmem>>, vector<1x16xf32>,
        %swap3A_663 = arith.index_cast %while3A_653 : i32 to index
        %swap3A_664 = arith.constant 32 : index
        %swap3A_665 = tpu.vector_load %arg12[%swap3A_663, %swap3A_664] {strides = array<i32>} : memref<128x128xf32, #tpu.memory_space<vmem>>, vector<1x16xf32>,
        %swap3A_666 = vector.shape_cast %swap3A_665 : vector<1x16xf32> to vector<16xf32>
        %swap3A_667 = vector.shape_cast %broadcast_in_dim3A_269 : vector<16xf32> to vector<1x16xf32>
        tpu.vector_store %arg12[%swap3A_663, %swap3A_664], %swap3A_667 {strides = array<i32>} : memref<128x128xf32, #tpu.memory_space<vmem>>, vector<1x16xf32>,
        %swap3A_668 = arith.index_cast %while3A_653 : i32 to index
        %swap3A_669 = arith.constant 48 : index
        %swap3A_670 = tpu.vector_load %arg12[%swap3A_668, %swap3A_669] {strides = array<i32>} : memref<128x128xf32, #tpu.memory_space<vmem>>, vector<1x16xf32>,
        %swap3A_671 = vector.shape_cast %swap3A_670 : vector<1x16xf32> to vector<16xf32>
        %swap3A_672 = vector.shape_cast %broadcast_in_dim3A_269 : vector<16xf32> to vector<1x16xf32>
        tpu.vector_store %arg12[%swap3A_668, %swap3A_669], %swap3A_672 {strides = array<i32>} : memref<128x128xf32, #tpu.memory_space<vmem>>, vector<1x16xf32>,
        %swap3A_673 = arith.index_cast %while3A_653 : i32 to index
        %swap3A_674 = arith.constant 64 : index
        %swap3A_675 = tpu.vector_load %arg12[%swap3A_673, %swap3A_674] {strides = array<i32>} : memref<128x128xf32, #tpu.memory_space<vmem>>, vector<1x16xf32>,
        %swap3A_676 = vector.shape_cast %swap3A_675 : vector<1x16xf32> to vector<16xf32>
        %swap3A_677 = vector.shape_cast %broadcast_in_dim3A_269 : vector<16xf32> to vector<1x16xf32>
        tpu.vector_store %arg12[%swap3A_673, %swap3A_674], %swap3A_677 {strides = array<i32>} : memref<128x128xf32, #tpu.memory_space<vmem>>, vector<1x16xf32>,
        %swap3A_678 = arith.index_cast %while3A_653 : i32 to index
        %swap3A_679 = arith.constant 80 : index
        %swap3A_680 = tpu.vector_load %arg12[%swap3A_678, %swap3A_679] {strides = array<i32>} : memref<128x128xf32, #tpu.memory_space<vmem>>, vector<1x16xf32>,
        %swap3A_681 = vector.shape_cast %swap3A_680 : vector<1x16xf32> to vector<16xf32>
        %swap3A_682 = vector.shape_cast %broadcast_in_dim3A_269 : vector<16xf32> to vector<1x16xf32>
        tpu.vector_store %arg12[%swap3A_678, %swap3A_679], %swap3A_682 {strides = array<i32>} : memref<128x128xf32, #tpu.memory_space<vmem>>, vector<1x16xf32>,
        %swap3A_683 = arith.index_cast %while3A_653 : i32 to index
        %swap3A_684 = arith.constant 96 : index
        %swap3A_685 = tpu.vector_load %arg12[%swap3A_683, %swap3A_684] {strides = array<i32>} : memref<128x128xf32, #tpu.memory_space<vmem>>, vector<1x16xf32>,
        %swap3A_686 = vector.shape_cast %swap3A_685 : vector<1x16xf32> to vector<16xf32>
        %swap3A_687 = vector.shape_cast %broadcast_in_dim3A_269 : vector<16xf32> to vector<1x16xf32>
        tpu.vector_store %arg12[%swap3A_683, %swap3A_684], %swap3A_687 {strides = array<i32>} : memref<128x128xf32, #tpu.memory_space<vmem>>, vector<1x16xf32>,
        %swap3A_688 = arith.index_cast %while3A_653 : i32 to index
        %swap3A_689 = arith.constant 112 : index
        %swap3A_690 = tpu.vector_load %arg12[%swap3A_688, %swap3A_689] {strides = array<i32>} : memref<128x128xf32, #tpu.memory_space<vmem>>, vector<1x16xf32>,
        %swap3A_691 = vector.shape_cast %swap3A_690 : vector<1x16xf32> to vector<16xf32>
        %swap3A_692 = vector.shape_cast %broadcast_in_dim3A_269 : vector<16xf32> to vector<1x16xf32>
        tpu.vector_store %arg12[%swap3A_688, %swap3A_689], %swap3A_692 {strides = array<i32>} : memref<128x128xf32, #tpu.memory_space<vmem>>, vector<1x16xf32>,
      }
      %while3A_646 = arith.constant 1 : i32
      scf.for %while3A_653 = %while3A_644 to %while3A_640 step %while3A_646  : i32 {
        %swap3A = arith.index_cast %while3A_653 : i32 to index
        %swap3A_654 = arith.constant 0 : index
        %swap3A_655 = tpu.vector_load %arg12[%swap3A, %swap3A_654] {strides = array<i32>} : memref<128x128xf32, #tpu.memory_space<vmem>>, vector<1x16xf32>,
        %swap3A_656 = vector.shape_cast %swap3A_655 : vector<1x16xf32> to vector<16xf32>
        %swap3A_657 = vector.shape_cast %broadcast_in_dim3A_269 : vector<16xf32> to vector<1x16xf32>
        tpu.vector_store %arg12[%swap3A, %swap3A_654], %swap3A_657 {strides = array<i32>} : memref<128x128xf32, #tpu.memory_space<vmem>>, vector<1x16xf32>,
        %swap3A_658 = arith.index_cast %while3A_653 : i32 to index
        %swap3A_659 = arith.constant 16 : index
        %swap3A_660 = tpu.vector_load %arg12[%swap3A_658, %swap3A_659] {strides = array<i32>} : memref<128x128xf32, #tpu.memory_space<vmem>>, vector<1x16xf32>,
        %swap3A_661 = vector.shape_cast %swap3A_660 : vector<1x16xf32> to vector<16xf32>
        %swap3A_662 = vector.shape_cast %broadcast_in_dim3A_269 : vector<16xf32> to vector<1x16xf32>
        tpu.vector_store %arg12[%swap3A_658, %swap3A_659], %swap3A_662 {strides = array<i32>} : memref<128x128xf32, #tpu.memory_space<vmem>>, vector<1x16xf32>,
        %swap3A_663 = arith.index_cast %while3A_653 : i32 to index
        %swap3A_664 = arith.constant 32 : index
        %swap3A_665 = tpu.vector_load %arg12[%swap3A_663, %swap3A_664] {strides = array<i32>} : memref<128x128xf32, #tpu.memory_space<vmem>>, vector<1x16xf32>,
        %swap3A_666 = vector.shape_cast %swap3A_665 : vector<1x16xf32> to vector<16xf32>
        %swap3A_667 = vector.shape_cast %broadcast_in_dim3A_269 : vector<16xf32> to vector<1x16xf32>
        tpu.vector_store %arg12[%swap3A_663, %swap3A_664], %swap3A_667 {strides = array<i32>} : memref<128x128xf32, #tpu.memory_space<vmem>>, vector<1x16xf32>,
        %swap3A_668 = arith.index_cast %while3A_653 : i32 to index
        %swap3A_669 = arith.constant 48 : index
        %swap3A_670 = tpu.vector_load %arg12[%swap3A_668, %swap3A_669] {strides = array<i32>} : memref<128x128xf32, #tpu.memory_space<vmem>>, vector<1x16xf32>,
        %swap3A_671 = vector.shape_cast %swap3A_670 : vector<1x16xf32> to vector<16xf32>
        %swap3A_672 = vector.shape_cast %broadcast_in_dim3A_269 : vector<16xf32> to vector<1x16xf32>
        tpu.vector_store %arg12[%swap3A_668, %swap3A_669], %swap3A_672 {strides = array<i32>} : memref<128x128xf32, #tpu.memory_space<vmem>>, vector<1x16xf32>,
        %swap3A_673 = arith.index_cast %while3A_653 : i32 to index
        %swap3A_674 = arith.constant 64 : index
        %swap3A_675 = tpu.vector_load %arg12[%swap3A_673, %swap3A_674] {strides = array<i32>} : memref<128x128xf32, #tpu.memory_space<vmem>>, vector<1x16xf32>,
        %swap3A_676 = vector.shape_cast %swap3A_675 : vector<1x16xf32> to vector<16xf32>
        %swap3A_677 = vector.shape_cast %broadcast_in_dim3A_269 : vector<16xf32> to vector<1x16xf32>
        tpu.vector_store %arg12[%swap3A_673, %swap3A_674], %swap3A_677 {strides = array<i32>} : memref<128x128xf32, #tpu.memory_space<vmem>>, vector<1x16xf32>,
        %swap3A_678 = arith.index_cast %while3A_653 : i32 to index
        %swap3A_679 = arith.constant 80 : index
        %swap3A_680 = tpu.vector_load %arg12[%swap3A_678, %swap3A_679] {strides = array<i32>} : memref<128x128xf32, #tpu.memory_space<vmem>>, vector<1x16xf32>,
        %swap3A_681 = vector.shape_cast %swap3A_680 : vector<1x16xf32> to vector<16xf32>
        %swap3A_682 = vector.shape_cast %broadcast_in_dim3A_269 : vector<16xf32> to vector<1x16xf32>
        tpu.vector_store %arg12[%swap3A_678, %swap3A_679], %swap3A_682 {strides = array<i32>} : memref<128x128xf32, #tpu.memory_space<vmem>>, vector<1x16xf32>,
        %swap3A_683 = arith.index_cast %while3A_653 : i32 to index
        %swap3A_684 = arith.constant 96 : index
        %swap3A_685 = tpu.vector_load %arg12[%swap3A_683, %swap3A_684] {strides = array<i32>} : memref<128x128xf32, #tpu.memory_space<vmem>>, vector<1x16xf32>,
        %swap3A_686 = vector.shape_cast %swap3A_685 : vector<1x16xf32> to vector<16xf32>
        %swap3A_687 = vector.shape_cast %broadcast_in_dim3A_269 : vector<16xf32> to vector<1x16xf32>
        tpu.vector_store %arg12[%swap3A_683, %swap3A_684], %swap3A_687 {strides = array<i32>} : memref<128x128xf32, #tpu.memory_space<vmem>>, vector<1x16xf32>,
        %swap3A_688 = arith.index_cast %while3A_653 : i32 to index
        %swap3A_689 = arith.constant 112 : index
        %swap3A_690 = tpu.vector_load %arg12[%swap3A_688, %swap3A_689] {strides = array<i32>} : memref<128x128xf32, #tpu.memory_space<vmem>>, vector<1x16xf32>,
        %swap3A_691 = vector.shape_cast %swap3A_690 : vector<1x16xf32> to vector<16xf32>
        %swap3A_692 = vector.shape_cast %broadcast_in_dim3A_269 : vector<16xf32> to vector<1x16xf32>
        tpu.vector_store %arg12[%swap3A_688, %swap3A_689], %swap3A_692 {strides = array<i32>} : memref<128x128xf32, #tpu.memory_space<vmem>>, vector<1x16xf32>,
      }
      %mul3A_647 = arith.constant 128 : i32
      %mul3A_648 = arith.muli %add3A_87, %mul3A_647 : i32
      %dma_start3A_649 = arith.constant 0 : i32
      %dma_start3A_650 = tpu.memref_slice %arg7[%mul3A_648, %dma_start3A_649] : memref<32768x128xf32, #tpu.memory_space<hbm>> -> memref<128x128xf32, #tpu.memory_space<hbm>>
      %dma_start3A_651 = arith.constant 0 : i32
      %dma_start3A_652 = tpu.memref_slice %arg7[%mul3A_648, %dma_start3A_651] : memref<32768x128xf32, #tpu.memory_space<hbm>> -> memref<128x128xf32, #tpu.memory_space<hbm>>
      tpu.enqueue_dma source(%arg12 : memref<128x128xf32, #tpu.memory_space<vmem>>) target(%dma_start3A_652 : memref<128x128xf32, #tpu.memory_space<hbm>>) target_semaphore(%arg27 : memref<!tpu.dma_semaphore, #tpu.memory_space<semaphore_mem>>)
    } else {
    }
    %le3A_573 = arith.constant 0 : i32
    %le3A_574 = arith.cmpi sle, %min3A_263, %le3A_573 : i32
    %convert_element_type3A_575 = arith.extui %le3A_574 : i1 to i32
    %cond3A_576 = arith.constant 0 : i32
    %cond3A_577 = arith.cmpi ne, %convert_element_type3A_575, %cond3A_576 : i32
    scf.if %cond3A_577 {
      %mul3A_628 = arith.constant 128 : i32
      %mul3A_629 = arith.muli %add3A_87, %mul3A_628 : i32
      %dma_start3A_630 = arith.constant 0 : i32
      %dma_start3A_631 = tpu.memref_slice %arg7[%mul3A_629, %dma_start3A_630] : memref<32768x128xf32, #tpu.memory_space<hbm>> -> memref<128x128xf32, #tpu.memory_space<hbm>>
      tpu.enqueue_dma source(%arg15 : memref<128x128xf32, #tpu.memory_space<vmem_shared>>) target(%dma_start3A_631 : memref<128x128xf32, #tpu.memory_space<hbm>>) target_semaphore(%arg18 : memref<!tpu.dma_semaphore, #tpu.memory_space<semaphore_mem>>)
    } else {
    }
    %gt3A_578 = arith.constant 0 : i32
    %gt3A_579 = arith.cmpi sgt, %min3A_251, %gt3A_578 : i32
    %convert_element_type3A_580 = arith.extui %gt3A_579 : i1 to i32
    %cond3A_581 = arith.constant 0 : i32
    %cond3A_582 = arith.cmpi ne, %convert_element_type3A_580, %cond3A_581 : i32
    scf.if %cond3A_582 {
      %mul3A_628 = arith.constant 128 : i32
      %mul3A_629 = arith.muli %add3A_84, %mul3A_628 : i32
      %dma_wait3A_630 = arith.constant 0 : i32
      %dma_wait3A_631 = tpu.memref_slice %arg7[%mul3A_629, %dma_wait3A_630] : memref<32768x128xf32, #tpu.memory_space<hbm>> -> memref<128x128xf32, #tpu.memory_space<hbm>>
      %dma_wait3A_632 = arith.constant 0 : i32
      %dma_wait3A_633 = tpu.memref_slice %arg7[%mul3A_629, %dma_wait3A_632] : memref<32768x128xf32, #tpu.memory_space<hbm>> -> memref<128x128xf32, #tpu.memory_space<hbm>>
      tpu.wait_dma2 semaphore(%arg26 : memref<!tpu.dma_semaphore, #tpu.memory_space<semaphore_mem>>) src(%arg11 : memref<128x128xf32, #tpu.memory_space<vmem>>) dst(%dma_wait3A_633 : memref<128x128xf32, #tpu.memory_space<hbm>>)
    } else {
    }
    %gt3A_583 = arith.constant 0 : i32
    %gt3A_584 = arith.cmpi sgt, %min3A_263, %gt3A_583 : i32
    %convert_element_type3A_585 = arith.extui %gt3A_584 : i1 to i32
    %cond3A_586 = arith.constant 0 : i32
    %cond3A_587 = arith.cmpi ne, %convert_element_type3A_585, %cond3A_586 : i32
    scf.if %cond3A_587 {
      %mul3A_628 = arith.constant 128 : i32
      %mul3A_629 = arith.muli %add3A_87, %mul3A_628 : i32
      %dma_wait3A_630 = arith.constant 0 : i32
      %dma_wait3A_631 = tpu.memref_slice %arg7[%mul3A_629, %dma_wait3A_630] : memref<32768x128xf32, #tpu.memory_space<hbm>> -> memref<128x128xf32, #tpu.memory_space<hbm>>
      %dma_wait3A_632 = arith.constant 0 : i32
      %dma_wait3A_633 = tpu.memref_slice %arg7[%mul3A_629, %dma_wait3A_632] : memref<32768x128xf32, #tpu.memory_space<hbm>> -> memref<128x128xf32, #tpu.memory_space<hbm>>
      tpu.wait_dma2 semaphore(%arg27 : memref<!tpu.dma_semaphore, #tpu.memory_space<semaphore_mem>>) src(%arg12 : memref<128x128xf32, #tpu.memory_space<vmem>>) dst(%dma_wait3A_633 : memref<128x128xf32, #tpu.memory_space<hbm>>)
    } else {
    }
    %le3A_588 = arith.constant 0 : i32
    %le3A_589 = arith.cmpi sle, %min3A, %le3A_588 : i32
    %convert_element_type3A_590 = arith.extui %le3A_589 : i1 to i32
    %cond3A_591 = arith.constant 0 : i32
    %cond3A_592 = arith.cmpi ne, %convert_element_type3A_590, %cond3A_591 : i32
    scf.if %cond3A_592 {
      %mul3A_628 = arith.constant 128 : i32
      %mul3A_629 = arith.muli %add3A_66, %mul3A_628 : i32
      %dma_wait3A_630 = arith.constant 0 : i32
      %dma_wait3A_631 = tpu.memref_slice %arg7[%mul3A_629, %dma_wait3A_630] : memref<32768x128xf32, #tpu.memory_space<hbm>> -> memref<128x128xf32, #tpu.memory_space<hbm>>
      tpu.wait_dma2 semaphore(%arg18 : memref<!tpu.dma_semaphore, #tpu.memory_space<semaphore_mem>>) src(%arg15 : memref<128x128xf32, #tpu.memory_space<vmem_shared>>) dst(%dma_wait3A_631 : memref<128x128xf32, #tpu.memory_space<hbm>>)
    } else {
    }
    %le3A_593 = arith.constant 0 : i32
    %le3A_594 = arith.cmpi sle, %min3A_191, %le3A_593 : i32
    %convert_element_type3A_595 = arith.extui %le3A_594 : i1 to i32
    %cond3A_596 = arith.constant 0 : i32
    %cond3A_597 = arith.cmpi ne, %convert_element_type3A_595, %cond3A_596 : i32
    scf.if %cond3A_597 {
      %mul3A_628 = arith.constant 128 : i32
      %mul3A_629 = arith.muli %add3A_69, %mul3A_628 : i32
      %dma_wait3A_630 = arith.constant 0 : i32
      %dma_wait3A_631 = tpu.memref_slice %arg7[%mul3A_629, %dma_wait3A_630] : memref<32768x128xf32, #tpu.memory_space<hbm>> -> memref<128x128xf32, #tpu.memory_space<hbm>>
      tpu.wait_dma2 semaphore(%arg18 : memref<!tpu.dma_semaphore, #tpu.memory_space<semaphore_mem>>) src(%arg15 : memref<128x128xf32, #tpu.memory_space<vmem_shared>>) dst(%dma_wait3A_631 : memref<128x128xf32, #tpu.memory_space<hbm>>)
    } else {
    }
    %le3A_598 = arith.constant 0 : i32
    %le3A_599 = arith.cmpi sle, %min3A_203, %le3A_598 : i32
    %convert_element_type3A_600 = arith.extui %le3A_599 : i1 to i32
    %cond3A_601 = arith.constant 0 : i32
    %cond3A_602 = arith.cmpi ne, %convert_element_type3A_600, %cond3A_601 : i32
    scf.if %cond3A_602 {
      %mul3A_628 = arith.constant 128 : i32
      %mul3A_629 = arith.muli %add3A_72, %mul3A_628 : i32
      %dma_wait3A_630 = arith.constant 0 : i32
      %dma_wait3A_631 = tpu.memref_slice %arg7[%mul3A_629, %dma_wait3A_630] : memref<32768x128xf32, #tpu.memory_space<hbm>> -> memref<128x128xf32, #tpu.memory_space<hbm>>
      tpu.wait_dma2 semaphore(%arg18 : memref<!tpu.dma_semaphore, #tpu.memory_space<semaphore_mem>>) src(%arg15 : memref<128x128xf32, #tpu.memory_space<vmem_shared>>) dst(%dma_wait3A_631 : memref<128x128xf32, #tpu.memory_space<hbm>>)
    } else {
    }
    %le3A_603 = arith.constant 0 : i32
    %le3A_604 = arith.cmpi sle, %min3A_215, %le3A_603 : i32
    %convert_element_type3A_605 = arith.extui %le3A_604 : i1 to i32
    %cond3A_606 = arith.constant 0 : i32
    %cond3A_607 = arith.cmpi ne, %convert_element_type3A_605, %cond3A_606 : i32
    scf.if %cond3A_607 {
      %mul3A_628 = arith.constant 128 : i32
      %mul3A_629 = arith.muli %add3A_75, %mul3A_628 : i32
      %dma_wait3A_630 = arith.constant 0 : i32
      %dma_wait3A_631 = tpu.memref_slice %arg7[%mul3A_629, %dma_wait3A_630] : memref<32768x128xf32, #tpu.memory_space<hbm>> -> memref<128x128xf32, #tpu.memory_space<hbm>>
      tpu.wait_dma2 semaphore(%arg18 : memref<!tpu.dma_semaphore, #tpu.memory_space<semaphore_mem>>) src(%arg15 : memref<128x128xf32, #tpu.memory_space<vmem_shared>>) dst(%dma_wait3A_631 : memref<128x128xf32, #tpu.memory_space<hbm>>)
    } else {
    }
    %le3A_608 = arith.constant 0 : i32
    %le3A_609 = arith.cmpi sle, %min3A_227, %le3A_608 : i32
    %convert_element_type3A_610 = arith.extui %le3A_609 : i1 to i32
    %cond3A_611 = arith.constant 0 : i32
    %cond3A_612 = arith.cmpi ne, %convert_element_type3A_610, %cond3A_611 : i32
    scf.if %cond3A_612 {
      %mul3A_628 = arith.constant 128 : i32
      %mul3A_629 = arith.muli %add3A_78, %mul3A_628 : i32
      %dma_wait3A_630 = arith.constant 0 : i32
      %dma_wait3A_631 = tpu.memref_slice %arg7[%mul3A_629, %dma_wait3A_630] : memref<32768x128xf32, #tpu.memory_space<hbm>> -> memref<128x128xf32, #tpu.memory_space<hbm>>
      tpu.wait_dma2 semaphore(%arg18 : memref<!tpu.dma_semaphore, #tpu.memory_space<semaphore_mem>>) src(%arg15 : memref<128x128xf32, #tpu.memory_space<vmem_shared>>) dst(%dma_wait3A_631 : memref<128x128xf32, #tpu.memory_space<hbm>>)
    } else {
    }
    %le3A_613 = arith.constant 0 : i32
    %le3A_614 = arith.cmpi sle, %min3A_239, %le3A_613 : i32
    %convert_element_type3A_615 = arith.extui %le3A_614 : i1 to i32
    %cond3A_616 = arith.constant 0 : i32
    %cond3A_617 = arith.cmpi ne, %convert_element_type3A_615, %cond3A_616 : i32
    scf.if %cond3A_617 {
      %mul3A_628 = arith.constant 128 : i32
      %mul3A_629 = arith.muli %add3A_81, %mul3A_628 : i32
      %dma_wait3A_630 = arith.constant 0 : i32
      %dma_wait3A_631 = tpu.memref_slice %arg7[%mul3A_629, %dma_wait3A_630] : memref<32768x128xf32, #tpu.memory_space<hbm>> -> memref<128x128xf32, #tpu.memory_space<hbm>>
      tpu.wait_dma2 semaphore(%arg18 : memref<!tpu.dma_semaphore, #tpu.memory_space<semaphore_mem>>) src(%arg15 : memref<128x128xf32, #tpu.memory_space<vmem_shared>>) dst(%dma_wait3A_631 : memref<128x128xf32, #tpu.memory_space<hbm>>)
    } else {
    }
    %le3A_618 = arith.constant 0 : i32
    %le3A_619 = arith.cmpi sle, %min3A_251, %le3A_618 : i32
    %convert_element_type3A_620 = arith.extui %le3A_619 : i1 to i32
    %cond3A_621 = arith.constant 0 : i32
    %cond3A_622 = arith.cmpi ne, %convert_element_type3A_620, %cond3A_621 : i32
    scf.if %cond3A_622 {
      %mul3A_628 = arith.constant 128 : i32
      %mul3A_629 = arith.muli %add3A_84, %mul3A_628 : i32
      %dma_wait3A_630 = arith.constant 0 : i32
      %dma_wait3A_631 = tpu.memref_slice %arg7[%mul3A_629, %dma_wait3A_630] : memref<32768x128xf32, #tpu.memory_space<hbm>> -> memref<128x128xf32, #tpu.memory_space<hbm>>
      tpu.wait_dma2 semaphore(%arg18 : memref<!tpu.dma_semaphore, #tpu.memory_space<semaphore_mem>>) src(%arg15 : memref<128x128xf32, #tpu.memory_space<vmem_shared>>) dst(%dma_wait3A_631 : memref<128x128xf32, #tpu.memory_space<hbm>>)
    } else {
    }
    %le3A_623 = arith.constant 0 : i32
    %le3A_624 = arith.cmpi sle, %min3A_263, %le3A_623 : i32
    %convert_element_type3A_625 = arith.extui %le3A_624 : i1 to i32
    %cond3A_626 = arith.constant 0 : i32
    %cond3A_627 = arith.cmpi ne, %convert_element_type3A_625, %cond3A_626 : i32
    scf.if %cond3A_627 {
      %mul3A_628 = arith.constant 128 : i32
      %mul3A_629 = arith.muli %add3A_87, %mul3A_628 : i32
      %dma_wait3A_630 = arith.constant 0 : i32
      %dma_wait3A_631 = tpu.memref_slice %arg7[%mul3A_629, %dma_wait3A_630] : memref<32768x128xf32, #tpu.memory_space<hbm>> -> memref<128x128xf32, #tpu.memory_space<hbm>>
      tpu.wait_dma2 semaphore(%arg18 : memref<!tpu.dma_semaphore, #tpu.memory_space<semaphore_mem>>) src(%arg15 : memref<128x128xf32, #tpu.memory_space<vmem_shared>>) dst(%dma_wait3A_631 : memref<128x128xf32, #tpu.memory_space<hbm>>)
    } else {
    }
    return
  }
}

</mosaic_0001>

<sc_bundles>
// kernel: _run.3.cloned.1.call-start
scs
__scs_entry_jumppad:
0x0: {  	(pc) =	sbr.rel $0x88, $3  }
0x1: {  	(tag) =	ssettag $0x0;
	lr =	simm.s32 $0x1  }
0x2: {  	[smem:$0x3F9C] =	sst lr;
	_ =	strace $0xD0000000  }
0x3: {  	_ = 	snop  }
0x4: {  	_ = 	snop  }
0x5: {  	_ = 	snop  }
0x6: {  	_ = 	snop  }
0x7: {  	_ = 	snop  }
__scs_overlays_trampoline_lowered:
0x8: {  	[smem:$0x3FAB] =	sst s0  }
0x9: {  	[smem:$0x3FAC] =	sst s1  }
0xa: {  	[smem:$0x3FAD] =	sst s2  }
0xb: {  	[smem:$0x3FAE] =	sst s3  }
0xc: {  	[smem:$0x3FAF] =	sst s4  }
0xd: {  	[smem:$0x3FB0] =	sst s5  }
0xe: {  	[smem:$0x3FB1] =	sst s6  }
0xf: {  	[smem:$0x3FB2] =	sst s7  }
0x10: {  	[smem:$0x3FB3] =	sst s8  }
0x11: {  	[smem:$0x3FB4] =	sst s9;
	s0 =	simm.s32 @!p0 $0x0  }
0x12: {  	s1 =	sld [smem:$0x3F9A];
	s0 =	simm.s32 @p0 $0x1  }
0x13: {  	[smem:$0x3FB5] =	sst s0;
	s0 =	simm.s32 @!p1 $0x0  }
0x14: {  	s2 =	sld [smem:$0x3F99];
	s0 =	simm.s32 @p1 $0x1  }
0x15: {  	[smem:$0x3FB6] =	sst s0;
	s0 =	simm.s32 @!p2 $0x0  }
0x16: {  	s3 =	sld [smem:$0x3FDB];
	s0 =	simm.s32 @p2 $0x1  }
0x17: {  	s4 =	simm.s32 $0x1BF5;
	[smem:$0x3FB8] =	sst s0  }
0x18: {  	s0 =	sld [smem:$0x3F9B];
	_ =	swait.ge [sflag:s4], $0x0  }
0x19: {  	s7 =	sld [smem:$0x3F9C]  }
0x1a: {  	s8 =	sadd.s32 $0xFFFFE003, lr  }
0x1b: {  	s9 =	sadd.s32 $0xFFFFFEF7, lr;
	s5 =	simm.s32 $0xFFFFFFFF;
	p2 =	slt.u32 s8, $0xFFFFF086  }
0x1c: {  	p1 =	slt.u32 s9, $0xF7A;
	s5 =	simm.s32 @!p2 $0x0  }
0x1d: {  	s5 =	simm.s32 @p1 $0x1;
	p0 =	seq.s32 s7, s2  }
0x1e: {  	s7 =	smul.u32 @!p0 $0xF7A, s2;
	p2 =	seq.s32 @!p0 s5, $0x0  }
0x1f: {  	s9 =	smul.u32 $0xF7A, s1;
	s8 =	simm.s32 @!p0 $0x1BF5;
	p2 =	por !p2, p0  }
0x20: {  	[sflag:s8] =	ssyncset.s32 @!p0 $0xFFFFF086;
	s6 =	sadd.s32 @!p0 s3, s7;
	s7 =	simm.s32 @!p0 $0x108  }
0x21: {  	s3 =	sadd.s32 s3, s9;
	s6 =	sadd.s32 @!p0 $0x88, s6;
	s7 =	simm.s32 @p2 $0x1082  }
0x22: {  	[simem:s7], [sflag:s8] =	dma.local @!p0 [hbm:s6], $0xF7A  }
0x23: {  	s9 =	sor.u32 $0xD0000000, s2;
	s6 =	simm.s32 $0x108;
	_ =	swait.ge @!p0 [sflag:s8], $0x0  }
0x24: {  	s3 =	sadd.s32 $0x88, s3;
	s6 =	simm.s32 @!p1 $0x1082;
	[sflag:s4] =	ssyncset.s32 $0xFFFFF086  }
0x25: {  	[simem:s6], [sflag:s4] =	dma.local [hbm:s3], $0xF7A  }
0x26: {  	[smem:$0x3F9C] =	sst s1;
	(tag) =	ssettag s2;
	_ =	strace s9  }
0x27: {  	s1 =	sld [smem:$0x3FAC]  }
0x28: {  	s2 =	sld [smem:$0x3FAD]  }
0x29: {  	s4 =	sld [smem:$0x3FAF]  }
0x2a: {  	p0 =	seq.s32 s5, $0x0;
	s5 =	sld [smem:$0x3FB0]  }
0x2b: {  	s6 =	sld [smem:$0x3FB1]  }
0x2c: {  	s7 =	sld [smem:$0x3FB2]  }
0x2d: {  	s3 =	simm.s32 $0x108;
	s8 =	sld [smem:$0x3FB3]  }
0x2e: {  	s3 =	simm.s32 @!p0 $0x1082;
	s9 =	sld [smem:$0x3FB4]  }
0x2f: {  	lr =	sadd.s32 s0, s3;
	s0 =	sld [smem:$0x3FAB]  }
0x30: {  	s3 =	sld [smem:$0x3FAE]  }
0x31: {  	[smem:$0x3FB7] =	sst s10  }
0x32: {  	s10 =	sld [smem:$0x3FB5];
	_ =	sdelay $0x3  }
0x33: {  	p0 =	seq.s32 s10, $0x1;
	s10 =	sld [smem:$0x3FB7];
	_ =	sdelay $0x3  }
0x34: {  	[smem:$0x3FB7] =	sst s10  }
0x35: {  	s10 =	sld [smem:$0x3FB6];
	_ =	sdelay $0x3  }
0x36: {  	p1 =	seq.s32 s10, $0x1;
	s10 =	sld [smem:$0x3FB7];
	_ =	sdelay $0x3  }
0x37: {  	[smem:$0x3FB7] =	sst s10  }
0x38: {  	s10 =	sld [smem:$0x3FB8]  }
0x39: {  	_ = 	snop;
	(pc) =	sbr.ind lr, $3  }
0x3a: {  	_ = 	snop  }
0x3b: {  	_ = 	snop  }
0x3c: {  	p2 =	seq.s32 s10, $0x1;
	s10 =	sld [smem:$0x3FB7]  }
0x3d: {  	_ =	shalt  }
0x3e: {  	_ =	shalt  }
0x3f: {  	_ =	shalt  }
0x40: {  	_ =	shalt  }
0x41: {  	_ =	shalt  }
0x42: {  	_ =	shalt  }
0x43: {  	_ =	shalt  }
0x44: {  	_ =	shalt  }
0x45: {  	_ =	shalt  }
0x46: {  	_ =	shalt  }
0x47: {  	_ =	shalt  }
0x48: {  	_ =	shalt  }
0x49: {  	_ =	shalt  }
0x4a: {  	_ =	shalt  }
0x4b: {  	_ =	shalt  }
0x4c: {  	_ =	shalt  }
0x4d: {  	_ =	shalt  }
0x4e: {  	_ =	shalt  }
0x4f: {  	_ =	shalt  }
0x50: {  	_ =	shalt  }
0x51: {  	_ =	shalt  }
0x52: {  	_ =	shalt  }
0x53: {  	_ =	shalt  }
0x54: {  	_ =	shalt  }
0x55: {  	_ =	shalt  }
0x56: {  	_ =	shalt  }
0x57: {  	_ =	shalt  }
0x58: {  	_ =	shalt  }
0x59: {  	_ =	shalt  }
0x5a: {  	_ =	shalt  }
0x5b: {  	_ =	shalt  }
0x5c: {  	_ =	shalt  }
0x5d: {  	_ =	shalt  }
0x5e: {  	_ =	shalt  }
0x5f: {  	_ =	shalt  }
0x60: {  	_ =	shalt  }
0x61: {  	_ =	shalt  }
0x62: {  	_ =	shalt  }
0x63: {  	_ =	shalt  }
0x64: {  	_ =	shalt  }
0x65: {  	_ =	shalt  }
0x66: {  	_ =	shalt  }
0x67: {  	_ =	shalt  }
0x68: {  	_ =	shalt  }
0x69: {  	_ =	shalt  }
0x6a: {  	_ =	shalt  }
0x6b: {  	_ =	shalt  }
0x6c: {  	_ =	shalt  }
0x6d: {  	_ =	shalt  }
0x6e: {  	_ =	shalt  }
0x6f: {  	_ =	shalt  }
0x70: {  	_ =	shalt  }
0x71: {  	_ =	shalt  }
0x72: {  	_ =	shalt  }
0x73: {  	_ =	shalt  }
0x74: {  	_ =	shalt  }
0x75: {  	_ =	shalt  }
0x76: {  	_ =	shalt  }
0x77: {  	_ =	shalt  }
0x78: {  	_ =	shalt  }
0x79: {  	_ =	shalt  }
0x7a: {  	_ =	shalt  }
0x7b: {  	_ =	shalt  }
0x7c: {  	_ =	shalt  }
0x7d: {  	_ =	shalt  }
0x7e: {  	_ =	shalt  }
0x7f: {  	_ =	shalt  }
0x80: {  	_ =	shalt  }
0x81: {  	_ =	shalt  }
0x82: {  	_ =	shalt  }
0x83: {  	_ =	shalt  }
0x84: {  	_ =	shalt  }
0x85: {  	_ =	shalt  }
0x86: {  	_ =	shalt  }
0x87: {  	_ =	shalt  }
.Lfunc_end0:
.L_simem_size_0:
called_computation_lowered:
.L_overlay_start_0:
0x88: {  	s2 =	sld [smem:$0x3FD9]  }
0x89: {  	s3 =	sld [smem:$0x3FFE];
	_ =	sdelay $0x1  }
0x8a: {  	s1 =	srdreg.scid  }
0x8b: {  	s0 =	sand.u32 $0x1, s1  }
0x8c: {  	s18 =	sshll.u32 s0, $0xA;
	s2 =	sadd.s32 s3, s2  }
0x8d: {  	s2 =	sadd.s32 s2, s18  }
0x8e: {  	[smem:$0x3FC3] =	sst s2  }
0x8f: {  	_ = 	snop  }
0x90: {  	s2 =	sld [smem:$0x3FC9]  }
0x91: {  	s19 =	sld [smem:$0x3FC8]  }
0x92: {  	s4 =	sld [smem:$0x3FC7]  }
0x93: {  	s5 =	sld [smem:$0x3FC6]  }
0x94: {  	s6 =	sld [smem:$0x3FC5]  }
0x95: {  	s7 =	sld [smem:$0x3FD0];
	(tm) =	ssettm $0x1  }
0x96: {  	s8 =	sld [smem:$0x3FFB];
	_ =	sdelay $0x3  }
0x97: {  	_ =	strace s8  }
0x98: {  	s8 =	sld [smem:$0x3FFC];
	_ =	sdelay $0x3  }
0x99: {  	_ =	strace s8  }
0x9a: {  	s8 =	sld [smem:$0x3FFD];
	_ =	sdelay $0x3  }
0x9b: {  	_ =	strace s8  }
0x9c: {  	_ =	strace $0x8FFFFFFF  }
0x9d: {  	s20 =	sld [smem:$0x3FDB];
	_ =	sdelay $0x1  }
0x9e: {  	s9 =	simm.s32 $_scs_section_size  }
0x9f: {  	s10 =	simm.s32 $_size__tile_overlayer_lowered;
	s11 =	simm.s32 $_tile_overlayer_lowered  }
0xa0: {  	s23 =	simm.s32 $0x1BFF;
	s22 =	sshll.u32 s11, $0x1;
	s8 =	sadd.s32 s9, s20  }
0xa1: {  	s12 =	simm.s32 $0x0;
	s21 =	sshll.u32 s10, $0x1;
	s10 =	sadd.s32 s22, s8  }
0xa2: {  	[timem:s12], [sflag:s23] =	dma.local [hbm:s10], s21  }
0xa3: {  	_ =	swait.ge [sflag:s23], s21  }
0xa4: {  	s9 =	ssub.s32 $0x0, s21;
	[sflag:s23] =	ssyncset.done $0x0  }
0xa5: {  	[sflag:s23] =	ssyncadd.s32 s9;
	_ =	sdelay $0x1  }
0xa6: {  	s24 =	simm.s32 $0x1B8B  }
0xa7: {  	_ =	swait.ge [sflag:s24], $0x1  }
0xa8: {  	[sflag:s24] =	ssyncset.done $0x0  }
0xa9: {  	s25 =	simm.s32 $0x1B8E;
	[sflag:s24] =	ssyncadd.s32 $0xFFFFFFFF  }
0xaa: {  	s26 =	simm.s32 $execute0_lowered;
	[smem:$0x3FD2] =	sst s25  }
0xab: {  	s9 =	sshll.u32 s26, $0x1;
	_ =	strace $0x80000046;
	[dreg:$0x1] =	wrdreg $0xFFFFFFFF  }
0xac: {  	s28 =	simm.s32 $_size_execute0_lowered;
	s8 =	sadd.s32 s8, s9;
	[dreg:$0x0] =	wrdreg $0x0  }
0xad: {  	s9 =	sshll.u32 s28, $0x1;
	[dreg:$0x2] =	wrdreg s8  }
0xae: {  	[dreg:$0x3] =	wrdreg s9  }
0xaf: {  	[dreg:$0x4] =	wrdreg $0xC0  }
0xb0: {  	_ =	task [dreg:s12], $0x5FFFF  }
0xb1: {  	[dreg:$0x1] =	wrdreg $0xFFFFFFFF  }
0xb2: {  	[dreg:$0x0] =	wrdreg $0x60  }
0xb3: {  	[dreg:$0x2] =	wrdreg s2  }
0xb4: {  	[dreg:$0x3] =	wrdreg s19  }
0xb5: {  	[dreg:$0x4] =	wrdreg s4  }
0xb6: {  	[dreg:$0x5] =	wrdreg s5  }
0xb7: {  	[dreg:$0x6] =	wrdreg s6  }
0xb8: {  	[dreg:$0x7] =	wrdreg s7  }
0xb9: {  	[dreg:$0x8] =	wrdreg $0x104800  }
0xba: {  	[dreg:$0x9] =	wrdreg $0x144800  }
0xbb: {  	[dreg:$0xa] =	wrdreg $0x9  }
0xbc: {  	_ =	task.clear_ibuf [dreg:s12], $0xBFFFF;
	_ =	strace $0x90000046  }
0xbd: {  	s29 =	simm.s32 $0x9;
	_ =	strace $0x80000048  }
0xbe: {  	_ =	swait.ge [sflag:s29], $0x1  }
0xbf: {  	[sflag:s29] =	ssyncadd.s32 $0xFFFFFFFF  }
0xc0: {  	_ =	strace $0x90000048  }
0xc1: {  	_ =	sfence  }
0xc2: {  	s30 =	sld [smem:$0x0];
	_ =	sdelay $0x2  }
0xc3: {  	s31 =	sshll.u32 s1, $0xD;
	s1 =	sshrl.u32 s1, $0x2  }
0xc4: {  	s3 =	sand.u32 $0x4000, s31;
	s1 =	sadd.s32 s1, s30  }
0xc5: {  	s0 =	sor.u32 s3, s0;
	s1 =	sshll.u32 s1, $0x11  }
0xc6: {  	s0 =	sor.u32 s1, s0  }
0xc7: {  	s0 =	sadd.s32 $0x8F2B, s0  }
0xc8: {  	[sflag:s0] =	ssyncadd.remote.s32 $0x1  }
0xc9: {  	_ =	sfence.sel $0xFFFF  }
0xca: {  	[dreg:$0x0] =	wrdreg $0xFFFFFFFF;
	(pc) =	sbr.abs _section_cstart, $3  }
0xcb: {  	[dreg:$0x1] =	wrdreg $0xFFFFFFFF  }
0xcc: {  	_ =	task.clear_ibuf [dreg:s12], $0x2FFFF;
	_ =	strace $0x9FFFFFFF  }
0xcd: {  	(tm) =	ssettm $0x7FFFFFFF  }
tec
execute0_lowered:
.L_overlay_start_1:
0x0: {  	(tag) =	ssettag $0x1  }
0x1: {  	s0 =	srdreg.scid  }
0x2: {  	s10 =	stileid.u32;
	s1 =	sand.u32 $0x1, s0  }
0x3: {  	s20 =	sadd.s32 $0x2, s10;
	s3 =	sadd.s32 $0x4, s10;
	s21 =	sadd.s32 $0x6, s10  }
0x4: {  	s22 =	sadd.s32 $0xA, s10;
	s11 =	sxor.u32 $0x8, s10;
	p0 =	sne.s32 s10, $0x0  }
0x5: {  	s0 =	ssub.s32 $0x2, s1;
	s8 =	sand.u32 $0xF, s20;
	s3 =	sand.u32 $0xF, s3  }
0x6: {  	s6 =	sand.u32 $0xF, s21;
	s15 =	sshll.u32 s1, $0x7;
	s7 =	sand.u32 $0xF, s22  }
0x7: {  	s21 =	sshll.u32 s10, $0x7;
	s2 =	sshrl.u32 s0, $0x1;
	s14 =	sshll.u32 s8, $0x7  }
0x8: {  	s30 =	sshll.u32 s3, $0x7;
	s19 =	sshll.u32 s6, $0x7;
	[dreg:$0x10] =	wrdreg s21  }
0x9: {  	s9 =	ssub.s32 s0, s2;
	s0 =	sshll.u32 s1, $0x3;
	[dreg:$0xd] =	wrdreg s14  }
0xa: {  	s1 =	sor.u32 s10, s15;
	s14 =	sand.u32 $0x380, s14;
	[dreg:$0xe] =	wrdreg s30  }
0xb: {  	[dreg:$0xf] =	wrdreg s19;
	s19 =	sand.u32 $0x380, s19;
	s4 =	sor.u32 $0x1, s0  }
0xc: {  	s5 =	sor.u32 $0x2, s0;
	s12 =	sor.u32 $0x3, s0;
	[dreg:$0x9] =	wrdreg s4  }
0xd: {  	s13 =	sor.u32 $0x4, s0;
	s20 =	sshll.u32 s1, $0x7;
	[dreg:$0xa] =	wrdreg s5  }
0xe: {  	s23 =	sshll.u32 s4, $0x4;
	s24 =	sshll.u32 s5, $0x4;
	[dreg:$0xb] =	wrdreg s12  }
0xf: {  	s25 =	sshll.u32 s12, $0x4;
	[dreg:$0xc] =	wrdreg s13;
	s26 =	sshll.u32 s13, $0x4  }
0x10: {  	s22 =	sand.u32 $0x4400, s20;
	s2 =	sor.u32 s8, s23;
	s4 =	sor.u32 s3, s24  }
0x11: {  	s5 =	sor.u32 s6, s25;
	s12 =	sor.u32 s11, s26;
	s24 =	sadd.s32 $0xC, s10  }
0x12: {  	s25 =	sor.u32 $0x6, s0;
	s8 =	sshll.u32 s8, $0xE;
	s3 =	sshll.u32 s3, $0xE  }
0x13: {  	s6 =	sshll.u32 s6, $0xE;
	s28 =	sshll.u32 s2, $0x7;
	s16 =	sshll.u32 s4, $0x7  }
0x14: {  	s31 =	sshll.u32 s5, $0x7;
	s23 =	sshll.u32 s12, $0x7;
	s24 =	sand.u32 $0xF, s24  }
0x15: {  	[dreg:$0x12] =	wrdreg s25;
	s2 =	sshll.u32 s2, $0xB;
	s13 =	sand.u32 $0x4C00, s28  }
0x16: {  	s29 =	sand.u32 $0x5400, s16;
	s16 =	sand.u32 $0x5C00, s31;
	s28 =	sshll.u32 s7, $0x7  }
0x17: {  	s31 =	sshll.u32 s24, $0x7;
	s17 =	sor.u32 s14, s13;
	s14 =	sand.u32 $0x380, s30  }
0x18: {  	s19 =	sor.u32 s19, s16;
	s13 =	sand.u32 $0x6400, s23;
	[dreg:$0x13] =	wrdreg s28  }
0x19: {  	s16 =	sshll.u32 s25, $0x4;
	[dreg:$0x14] =	wrdreg s31;
	s18 =	sor.u32 s14, s29  }
0x1a: {  	s14 =	sand.u32 $0x380, s21;
	s21 =	sor.u32 $0x5, s0;
	s29 =	sadd.s32 $0xE, s10  }
0x1b: {  	s17 =	sshrl.u32 s17, $0x3;
	s20 =	sor.u32 s14, s22;
	[dreg:$0x11] =	wrdreg s21  }
0x1c: {  	s21 =	sshll.u32 s21, $0x4;
	s22 =	sor.u32 s14, s13;
	s15 =	sor.u32 s15, s29  }
0x1d: {  	s25 =	sand.u32 $0xF, s29;
	s29 =	rddreg [dreg:$0x0];
	s18 =	sshrl.u32 s18, $0x3  }
0x1e: {  	s14 =	sor.u32 s7, s21;
	s21 =	sand.u32 $0x380, s28;
	s28 =	sshll.u32 s25, $0x7  }
0x1f: {  	s20 =	sshrl.u32 s20, $0x3;
	s17 =	sadd.s32 s29, s17;
	s26 =	sshll.u32 s14, $0x7  }
0x20: {  	[dreg:$0x15] =	wrdreg s28;
	s28 =	sand.u32 $0x380, s28;
	s13 =	sand.u32 $0x6C00, s26  }
0x21: {  	s20 =	sadd.s32 s29, s20;
	s21 =	sor.u32 s21, s13;
	s13 =	sor.u32 s24, s16  }
0x22: {  	[dreg:$0x17] =	wrdreg s17;
	s16 =	sor.u32 $0x70, s15;
	s23 =	sshll.u32 s13, $0x7  }
0x23: {  	[dreg:$0x16] =	wrdreg s20;
	s26 =	sshll.u32 s16, $0x7;
	s30 =	sand.u32 $0x7400, s23  }
0x24: {  	s23 =	sand.u32 $0x380, s31;
	s26 =	sand.u32 $0x7C00, s26;
	s31 =	sshrl.u32 s19, $0x3  }
0x25: {  	s19 =	sshrl.u32 s21, $0x3;
	s15 =	sor.u32 s23, s30;
	s23 =	sor.u32 s28, s26  }
0x26: {  	s30 =	sadd.s32 s29, s18;
	s18 =	sshrl.u32 s22, $0x3;
	s22 =	rddreg [dreg:$0x1]  }
0x27: {  	s20 =	sadd.s32 s29, s19;
	s19 =	sshll.u32 s24, $0xE;
	s24 =	rddreg [dreg:$0x5]  }
0x28: {  	s17 =	sadd.s32 s29, s31;
	s31 =	sshll.u32 s10, $0xE;
	[dreg:$0x18] =	wrdreg s30  }
0x29: {  	s26 =	sshll.u32 s5, $0xB;
	[dreg:$0x19] =	wrdreg s17;
	s17 =	sadd.s32 s29, s18  }
0x2a: {  	[dreg:$0x1b] =	wrdreg s20;
	s15 =	sshrl.u32 s15, $0x3;
	s21 =	sshrl.u32 s23, $0x3  }
0x2b: {  	s23 =	sshll.u32 s10, $0xB;
	s30 =	rddreg [dreg:$0x6];
	s18 =	sshll.u32 s7, $0xE  }
0x2c: {  	s20 =	sshll.u32 s25, $0xE;
	s2 =	sadd.s32 s24, s2;
	[dreg:$0x1a] =	wrdreg s17  }
0x2d: {  	s25 =	sshll.u32 s4, $0xB;
	s15 =	sadd.s32 s29, s15;
	[smem:$0x7FC] =	sst s2  }
0x2e: {  	s5 =	sadd.s32 s24, s26;
	s28 =	sadd.s32 s29, s21;
	[dreg:$0x1c] =	wrdreg s15  }
0x2f: {  	s29 =	sadd.s32 s22, s23;
	s23 =	sadd.s32 s31, s30;
	[dreg:$0x1d] =	wrdreg s28  }
0x30: {  	s8 =	sadd.s32 s8, s30;
	s3 =	sadd.s32 s3, s30;
	[dreg:$0x1e] =	wrdreg s29  }
0x31: {  	s21 =	sadd.s32 s20, s30;
	s22 =	sshll.u32 s1, $0xB;
	[dreg:$0x1f] =	wrdreg s8  }
0x32: {  	s1 =	simm.s32 $0x0;
	s4 =	sadd.s32 s24, s25;
	[smem:$0x7F5] =	sst s3  }
0x33: {  	s31 =	sshll.u32 s16, $0xB;
	s2 =	simm.s32 @!p0 $0x0;
	[smem:$0x7FA] =	sst s21  }
0x34: {  	s20 =	simm.s32 $0xD;
	s8 =	sshll.u32 s11, $0xE;
	[smem:$0x7FF] =	sst s1  }
0x35: {  	s3 =	sadd.s32 s6, s30;
	s6 =	rddreg [dreg:$0x3];
	s28 =	sshll.u32 s12, $0xB  }
0x36: {  	s29 =	sshll.u32 s14, $0xB;
	s15 =	rddreg [dreg:$0x7];
	s2 =	simm.s32 @p0 $0x1  }
0x37: {  	s21 =	simm.s32 $0x2;
	[smem:$0x7F6] =	sst s3;
	s17 =	sadd.s32 s8, s30  }
0x38: {  	s3 =	sadd.s32 s18, s30;
	s14 =	sadd.s32 s24, s28;
	s7 =	sadd.s32 s24, s29  }
0x39: {  	s8 =	sadd.s32 s24, s31;
	s18 =	sshll.u32 s11, $0x7;
	[smem:$0x7F7] =	sst s17  }
.Ltmp0:
0x3a: {  	[smem:$0x7F8] =	sst s3;
	s3 =	sadd.s32 s19, s30;
	(pc) =	sbr.rel .LBB2_1-.Ltmp0, $4  }
0x3b: {  	s30 =	sshll.u32 s13, $0xB;
	s17 =	sshll.u32 s10, $0x6;
	s19 =	smax.u32 s9, $0x1  }
0x3c: {  	s10 =	simm.s32 $0x0;
	[smem:$0x7F9] =	sst s3;
	s3 =	sadd.s32 s24, s22  }
0x3d: {  	s16 =	sadd.s32 s24, s30;
	s9 =	sor.u32 $0x1C02, s17;
	[smem:$0x7FB] =	sst s3  }
0x3e: {  	v0 =	vimm.f32 $0.0e+00;
	s22 =	simm.s32 $0x1;
	_ =	strace $0x80000047;
	[smem:$0x7FD] =	sst s2  }
.LBB2_72:
0x3f: {  	s2 =	sor.u32 $0x1C03, s17;
	s3 =	sshrl.u32 s15, $0x3  }
0x40: {  	[hbm:s8], [sflag:s2] =	dma.local [spmem:s3], $0x800  }
.LBB2_73:
0x41: {  	s2 =	simm.s32 @!p2 $0xB  }
0x42: {  	_ =	swait.ge @!p2 [sflag:s2], $0x4000  }
0x43: {  	[sflag:s2] =	ssyncset.done @!p2 $0x0  }
0x44: {  	[sflag:s2] =	ssyncadd.s32 @!p2 $0xFFFFC000;
	s2 =	simm.s32 @!p3 $0xC  }
0x45: {  	_ =	swait.ge @!p3 [sflag:s2], $0x4000  }
0x46: {  	s28 =	sld [smem:$0x7F4];
	_ =	sdelay $0x2  }
0x47: {  	[sflag:s2] =	ssyncset.done @!p3 $0x0;
	p1 =	seq.s32 s28, $0x1  }
0x48: {  	[sflag:s2] =	ssyncadd.s32 @!p3 $0xFFFFC000;
	s2 =	simm.s32 @!p1 $0x3  }
0x49: {  	_ =	swait.ge @!p1 [sflag:s2], $0x800  }
0x4a: {  	s29 =	sld [smem:$0x7F3];
	_ =	sdelay $0x1  }
0x4b: {  	[sflag:s2] =	ssyncset.done @!p1 $0x0  }
0x4c: {  	[sflag:s2] =	ssyncadd.s32 @!p1 $0xFFFFF800;
	p1 =	seq.s32 s29, $0x1  }
0x4d: {  	s2 =	simm.s32 @!p1 $0x3  }
0x4e: {  	_ =	swait.ge @!p1 [sflag:s2], $0x800  }
0x4f: {  	s30 =	sld [smem:$0x7F2];
	_ =	sdelay $0x1  }
0x50: {  	[sflag:s2] =	ssyncset.done @!p1 $0x0  }
0x51: {  	[sflag:s2] =	ssyncadd.s32 @!p1 $0xFFFFF800;
	p1 =	seq.s32 s30, $0x1  }
0x52: {  	s2 =	simm.s32 @!p1 $0x3  }
0x53: {  	_ =	swait.ge @!p1 [sflag:s2], $0x800  }
0x54: {  	s31 =	sld [smem:$0x7F1];
	_ =	sdelay $0x1  }
0x55: {  	[sflag:s2] =	ssyncset.done @!p1 $0x0  }
0x56: {  	[sflag:s2] =	ssyncadd.s32 @!p1 $0xFFFFF800;
	p1 =	seq.s32 s31, $0x1  }
0x57: {  	s2 =	simm.s32 @!p1 $0x3  }
0x58: {  	_ =	swait.ge @!p1 [sflag:s2], $0x800  }
0x59: {  	[sflag:s2] =	ssyncset.done @!p1 $0x0  }
0x5a: {  	[sflag:s2] =	ssyncadd.s32 @!p1 $0xFFFFF800;
	s2 =	simm.s32 @!p0 $0x3  }
0x5b: {  	_ =	swait.ge @!p0 [sflag:s2], $0x800  }
0x5c: {  	[sflag:s2] =	ssyncset.done @!p0 $0x0  }
0x5d: {  	[sflag:s2] =	ssyncadd.s32 @!p0 $0xFFFFF800;
	s2 =	simm.s32 @!p5 $0x3  }
0x5e: {  	_ =	swait.ge @!p5 [sflag:s2], $0x800  }
0x5f: {  	[sflag:s2] =	ssyncset.done @!p5 $0x0  }
0x60: {  	s10 =	sadd.s32 $0x1, s10;
	[sflag:s2] =	ssyncadd.s32 @!p5 $0xFFFFF800;
	s2 =	simm.s32 @!p6 $0x3  }
0x61: {  	p0 =	sne.s32 s10, s19;
	_ =	swait.ge @!p6 [sflag:s2], $0x800  }
.Ltmp1:
0x62: {  	[sflag:s2] =	ssyncset.done @!p6 $0x0;
	(pc) =	sbr.rel @!p0 .LBB2_74-.Ltmp1, $4  }
0x63: {  	[sflag:s2] =	ssyncadd.s32 @!p6 $0xFFFFF800;
	s2 =	simm.s32 @!p4 $0x3  }
0x64: {  	_ =	swait.ge @!p4 [sflag:s2], $0x800  }
0x65: {  	[sflag:s2] =	ssyncset.done @!p4 $0x0  }
0x66: {  	[sflag:s2] =	ssyncadd.s32 @!p4 $0xFFFFF800  }
.LBB2_1:
0x67: {  	s2 =	rddreg [dreg:$0x16]  }
0x68: {  	s26 =	rddreg [dreg:$0x17]  }
0x69: {  	[tilespmem:s1], [sflag:$0x1] =	stream.linear.gather [hbm4b:s2+s1], $0x80, $0x38;
	[tilespmem:$0x14880] =	vst v63  }
0x6a: {  	s3 =	simm.s32 $0x80;
	s11 =	rddreg [dreg:$0x18]  }
0x6b: {  	[tilespmem:s3], [sflag:$0x1] =	stream.linear.gather [hbm4b:s26+s1], $0x80, $0x38;
	[tilespmem:$0x14880] =	vst v63  }
0x6c: {  	s12 =	simm.s32 $0x100;
	s13 =	rddreg [dreg:$0x19]  }
0x6d: {  	[tilespmem:s12], [sflag:$0x1] =	stream.linear.gather [hbm4b:s11+s1], $0x80, $0x38;
	[tilespmem:$0x14880] =	vst v63  }
0x6e: {  	s24 =	simm.s32 $0x180;
	s25 =	rddreg [dreg:$0x1a]  }
0x6f: {  	[tilespmem:s24], [sflag:$0x1] =	stream.linear.gather [hbm4b:s13+s1], $0x80, $0x38;
	[tilespmem:$0x14880] =	vst v63  }
0x70: {  	s26 =	simm.s32 $0x200;
	s11 =	rddreg [dreg:$0x1b]  }
0x71: {  	[tilespmem:s26], [sflag:$0x1] =	stream.linear.gather [hbm4b:s25+s1], $0x80, $0x38;
	[tilespmem:$0x14880] =	vst v63  }
0x72: {  	s12 =	simm.s32 $0x280;
	s13 =	rddreg [dreg:$0x1c]  }
0x73: {  	[tilespmem:s12], [sflag:$0x1] =	stream.linear.gather [hbm4b:s11+s1], $0x80, $0x38;
	[tilespmem:$0x14880] =	vst v63  }
0x74: {  	s24 =	simm.s32 $0x300;
	s25 =	rddreg [dreg:$0x1d]  }
0x75: {  	[tilespmem:s24], [sflag:$0x1] =	stream.linear.gather [hbm4b:s13+s1], $0x80, $0x38;
	[tilespmem:$0x14880] =	vst v63  }
0x76: {  	s3 =	sshrl.u32 s23, $0x3;
	s26 =	simm.s32 $0x380;
	s11 =	rddreg [dreg:$0x1e]  }
0x77: {  	[tilespmem:s26], [sflag:$0x1] =	stream.linear.gather [hbm4b:s25+s1], $0x80, $0x38;
	[tilespmem:$0x14880] =	vst v63  }
0x78: {  	[spmem:s3], [sflag:s9] =	dma.local [hbm:s11], $0x800  }
0x79: {  	s12 =	simm.s32 $0x10400;
	s2 =	rddreg [dreg:$0x2]  }
0x7a: {  	[tilespmem:s12], [sflag:$0xD] =	stream.linear.gather [hbm4b:s2+s1], $0x10, $0x38;
	[tilespmem:$0x14880] =	vst v63  }
0x7b: {  	_ =	swait.ge [sflag:s20], $0x10  }
0x7c: {  	[sflag:s20] =	ssyncset.done $0x0  }
0x7d: {  	[sflag:s20] =	ssyncadd.s32 $0xFFFFFFF0  }
0x7e: {  	s13 =	rddreg [dreg:$0x9];
	v1 =	vld [tilespmem:s0+$0x10400]  }
0x7f: {  	s24 =	rddreg [dreg:$0xa];
	v2 =	vld [tilespmem:s13+$0x10400]  }
0x80: {  	s25 =	rddreg [dreg:$0xb];
	v3 =	vld [tilespmem:s24+$0x10400]  }
0x81: {  	s26 =	rddreg [dreg:$0xc];
	v4 =	vld [tilespmem:s25+$0x10400]  }
0x82: {  	s3 =	rddreg [dreg:$0x11];
	v5 =	vld [tilespmem:s26+$0x10400]  }
0x83: {  	s11 =	rddreg [dreg:$0x12];
	(v2sf) =	vpush v1, $0x0;
	v1 =	vld [tilespmem:s3+$0x10400]  }
0x84: {  	(v2sf) =	vpush v2, $0x0;
	v2 =	vld [tilespmem:s11+$0x10400]  }
0x85: {  	(v2sf) =	vpush v3, $0x0;
	v3 =	vld [tilespmem:s0+$0x10407]  }
0x86: {  	(v2sf) =	vpush v4, $0x0  }
0x87: {  	(v2sf) =	vpush v5, $0x0  }
0x88: {  	(v2sf) =	vpush v1, $0x0  }
0x89: {  	(v2sf) =	vpush v2, $0x0  }
0x8a: {  	(v2sf) =	vpush v3, $0x0;
	_ =	sdelay $0x7  }
0x8b: {  	s2 =	spop (v2sf)  }
0x8c: {  	s3 =	spop (v2sf)  }
0x8d: {  	s13 =	spop (v2sf)  }
0x8e: {  	s12 =	sld [smem:$0x7FD];
	s26 =	spop (v2sf)  }
0x8f: {  	s28 =	spop (v2sf)  }
0x90: {  	s25 =	spop (v2sf)  }
0x91: {  	s30 =	rddreg [dreg:$0x4];
	p0 =	seq.s32 s12, $0x1;
	s24 =	spop (v2sf)  }
0x92: {  	s12 =	sshrl.u32 @!p0 s15, $0x3;
	s29 =	simm.s32 @!p0 $0x1C0D;
	s11 =	spop (v2sf)  }
0x93: {  	[spmem:s12], [sflag:s29] =	dma.local @!p0 [hbm:s30], $0x800  }
0x94: {  	s12 =	simm.s32 @!p0 $0xD  }
0x95: {  	_ =	swait.ge @!p0 [sflag:s12], $0x800  }
0x96: {  	[sflag:s12] =	ssyncset.done @!p0 $0x0  }
0x97: {  	[sflag:s12] =	ssyncadd.s32 @!p0 $0xFFFFF800  }
0x98: {  	_ =	swait.ge [sflag:s21], $0x800  }
0x99: {  	[sflag:s21] =	ssyncset.done $0x0  }
0x9a: {  	[sflag:s21] =	ssyncadd.s32 $0xFFFFF800  }
0x9b: {  	[bflag:$0x0] =	sbarrier.arrive $0xFFFF  }
0x9c: {  	_ =	swait.ge [sflag:s22], $0x80  }
0x9d: {  	[sflag:s22] =	ssyncset.done $0x0  }
0x9e: {  	[sflag:s22] =	ssyncadd.s32 $0xFFFFFF80  }
0x9f: {  	_ =	swait.ge [sflag:s22], $0x80  }
0xa0: {  	[sflag:s22] =	ssyncset.done $0x0  }
0xa1: {  	[sflag:s22] =	ssyncadd.s32 $0xFFFFFF80  }
0xa2: {  	_ =	swait.ge [sflag:s22], $0x80  }
0xa3: {  	[sflag:s22] =	ssyncset.done $0x0  }
0xa4: {  	[sflag:s22] =	ssyncadd.s32 $0xFFFFFF80  }
0xa5: {  	_ =	swait.ge [sflag:s22], $0x80  }
0xa6: {  	[sflag:s22] =	ssyncset.done $0x0  }
0xa7: {  	[sflag:s22] =	ssyncadd.s32 $0xFFFFFF80  }
0xa8: {  	_ =	swait.ge [sflag:s22], $0x80  }
0xa9: {  	[sflag:s22] =	ssyncset.done $0x0  }
0xaa: {  	[sflag:s22] =	ssyncadd.s32 $0xFFFFFF80  }
0xab: {  	_ =	swait.ge [sflag:s22], $0x80  }
0xac: {  	[sflag:s22] =	ssyncset.done $0x0  }
0xad: {  	[sflag:s22] =	ssyncadd.s32 $0xFFFFFF80  }
0xae: {  	_ =	swait.ge [sflag:s22], $0x80  }
0xaf: {  	[sflag:s22] =	ssyncset.done $0x0  }
0xb0: {  	s12 =	rddreg [dreg:$0x10];
	[sflag:s22] =	ssyncadd.s32 $0xFFFFFF80  }
0xb1: {  	s30 =	ssub.s32 s2, s12;
	_ =	swait.ge [sflag:s22], $0x80  }
0xb2: {  	p1 =	slt.s32 s30, $0x1;
	[sflag:s22] =	ssyncset.done $0x0  }
0xb3: {  	s2 =	simm.s32 @!p1 $0x400;
	s12 =	simm.s32 @!p1 $0x5;
	[sflag:s22] =	ssyncadd.s32 $0xFFFFFF80  }
0xb4: {  	[tilespmem:s2], [sflag:$0x5] =	stream.linear.gather @!p1 [spmem:s23], $0x4000, $0x38;
	[tilespmem:$0x14880] =	vst v63  }
0xb5: {  	_ =	swait.ge @!p1 [sflag:s12], $0x4000  }
0xb6: {  	[sflag:s12] =	ssyncset.done @!p1 $0x0  }
0xb7: {  	s29 =	simm.s32 @!p1 $0x0;
	[sflag:s12] =	ssyncadd.s32 @!p1 $0xFFFFC000;
	s12 =	simm.s32 @!p1 $0x80  }
0xb8: {  	[tilespmem:s2], [sflag:$0x4] =	stream.indirect.gather.add.f32 @!p1 [hbm:s6], $0x80, s29, s12, $0xb8;
	[tilespmem:$0x14880] =	vst v63  }
0xb9: {  	s12 =	rddreg [dreg:$0xd]  }
0xba: {  	s12 =	ssub.s32 s3, s12  }
0xbb: {  	p2 =	slt.s32 s12, $0x1  }
0xbc: {  	s3 =	rddreg [dreg:$0x1f];
	s2 =	simm.s32 @!p2 $0x4400  }
0xbd: {  	[tilespmem:s2], [sflag:$0x6] =	stream.linear.gather @!p2 [spmem:s3], $0x4000, $0x38;
	[tilespmem:$0x14880] =	vst v63  }
0xbe: {  	s3 =	simm.s32 @!p1 $0x4  }
0xbf: {  	s29 =	rddreg [dreg:$0xe];
	_ =	swait.ge @!p1 [sflag:s3], $0x4000  }
0xc0: {  	s29 =	ssub.s32 s13, s29;
	s13 =	sld [smem:$0x7F5]  }
0xc1: {  	p0 =	slt.s32 s29, $0x1;
	[sflag:s3] =	ssyncset.done @!p1 $0x0  }
0xc2: {  	[sflag:s3] =	ssyncadd.s32 @!p1 $0xFFFFC000;
	s3 =	simm.s32 @!p0 $0x8400  }
0xc3: {  	[tilespmem:s3], [sflag:$0x7] =	stream.linear.gather @!p0 [spmem:s13], $0x4000, $0x38;
	[tilespmem:$0x14880] =	vst v63  }
0xc4: {  	s3 =	simm.s32 @!p2 $0x6  }
0xc5: {  	_ =	swait.ge @!p2 [sflag:s3], $0x4000  }
0xc6: {  	p3 =	sgt.s32 s30, $0x0;
	[sflag:s3] =	ssyncset.done @!p2 $0x0  }
.Ltmp2:
0xc7: {  	[sflag:s3] =	ssyncadd.s32 @!p2 $0xFFFFC000;
	s3 =	simm.s32 @!p2 $0x80;
	(pc) =	sbr.rel @p1 .LBB2_9-.Ltmp2, $4  }
0xc8: {  	[tilespmem:s2], [sflag:$0x4] =	stream.indirect.gather.add.f32 @!p2 [hbm:s6], $0x80, s3, s3, $0xb8;
	[tilespmem:$0x14880] =	vst v63  }
0xc9: {  	s2 =	smov.u32 s30;
	s3 =	simm.s32 @!p3 $0x0  }
0xca: {  	s3 =	simm.s32 @p3 $0x1;
	s2 =	simm.s32 @!p3 $0x0  }
0xcb: {  	s13 =	simm.s32 $0x440;
	[smem:$0x7F4] =	sst s3;
	s31 =	smin.u32 s2, $0x80  }
0xcc: {  	v4 =	vld [tilespmem:s13+$0xFFFFFFC0]  }
0xcd: {  	v6 =	vld [tilespmem:s13+$0xFFFFFFD0];
	p3 =	seq.s32 s31, $0x1  }
.Ltmp3:
0xce: {  	v5 =	vld [tilespmem:s13+$0xFFFFFFE0];
	(pc) =	sbr.rel @p3 .LBB2_4-.Ltmp3, $4  }
0xcf: {  	v2 =	vld [tilespmem:s13+$0x0]  }
0xd0: {  	v1 =	vld [tilespmem:s13+$0x10]  }
0xd1: {  	v3 =	vld [tilespmem:s13+$0x20];
	v7 =	vmul.f32 $8.838834610e-02, v4  }
0xd2: {  	s2 =	sadd.s32 $0xFFFFFFFF, s31;
	s3 =	simm.s32 $0x440;
	v6 =	vmul.f32 $8.838834610e-02, v6;
	v4 =	vld [tilespmem:s13+$0x30]  }
.LBB2_3:
0xd3: {  	p3 =	seq.s32 s2, $0x1;
	[tilespmem:s13+$0xFFFFFFC0] =	vst v7;
	v5 =	vmul.f32 $8.838834610e-02, v5;
	v7 =	vld [tilespmem:s13+$0xFFFFFFF0];
	s3 =	sadd.s32 $0x80, s3  }
0xd4: {  	v8 =	vld [tilespmem:s3+$0xFFFFFFC0];
	[tilespmem:s13+$0xFFFFFFD0] =	vst v6;
	v2 =	vmul.f32 $8.838834610e-02, v2  }
0xd5: {  	v6 =	vld [tilespmem:s3+$0xFFFFFFD0];
	[tilespmem:s13+$0xFFFFFFE0] =	vst v5;
	v1 =	vmul.f32 $8.838834610e-02, v1  }
.Ltmp4:
0xd6: {  	v5 =	vld [tilespmem:s3+$0xFFFFFFE0];
	[tilespmem:s13+$0x0] =	vst v2;
	v3 =	vmul.f32 $8.838834610e-02, v3;
	(pc) =	sbr.rel @!p3 .LBB2_3-.Ltmp4, $4  }
0xd7: {  	v2 =	vld [tilespmem:s3+$0x0];
	[tilespmem:s13+$0x10] =	vst v1;
	v4 =	vmul.f32 $8.838834610e-02, v4  }
0xd8: {  	v1 =	vld [tilespmem:s3+$0x10];
	v9 =	vmul.f32 $8.838834610e-02, v7;
	[tilespmem:s13+$0x20] =	vst v3  }
0xd9: {  	v7 =	vmul.f32 $8.838834610e-02, v8;
	v3 =	vld [tilespmem:s3+$0x20];
	[tilespmem:s13+$0x30] =	vst v4  }
0xda: {  	s2 =	sadd.s32 $0xFFFFFFFF, s2;
	v6 =	vmul.f32 $8.838834610e-02, v6;
	v4 =	vld [tilespmem:s3+$0x30];
	[tilespmem:s13+$0xFFFFFFF0] =	vst v9;
	s13 =	smov.u32 s3  }
.LBB2_4:
0xdb: {  	[tilespmem:s13+$0xFFFFFFC0] =	vst v7;
	v5 =	vmul.f32 $8.838834610e-02, v5;
	v63 =	vld [tilespmem:s13+$0xFFFFFFF0]  }
0xdc: {  	[tilespmem:s13+$0xFFFFFFD0] =	vst v6;
	v2 =	vmul.f32 $8.838834610e-02, v2  }
0xdd: {  	p3 =	sgt.u32 s30, $0x7F;
	[tilespmem:s13+$0xFFFFFFE0] =	vst v5;
	v1 =	vmul.f32 $8.838834610e-02, v1  }
.Ltmp5:
0xde: {  	[tilespmem:s13+$0x0] =	vst v2;
	v2 =	vmul.f32 $8.838834610e-02, v3;
	(pc) =	sbr.rel @p3 .LBB2_8-.Ltmp5, $4  }
0xdf: {  	[tilespmem:s13+$0x10] =	vst v1;
	v1 =	vmul.f32 $8.838834610e-02, v4  }
0xe0: {  	v3 =	vmul.f32 $8.838834610e-02, v63;
	[tilespmem:s13+$0x20] =	vst v2  }
0xe1: {  	[tilespmem:s13+$0x30] =	vst v1  }
0xe2: {  	[tilespmem:s13+$0xFFFFFFF0] =	vst v3  }
0xe3: {  	s3 =	sshll.u32 s31, $0x9  }
0xe4: {  	p3 =	sne.s32 s3, $0xFE00  }
.Ltmp6:
0xe5: {  	_ = 	snop;
	(pc) =	sbr.rel @!p3 .LBB2_7-.Ltmp6, $2  }
0xe6: {  	_ =	sdelay $0x2  }
0xe7: {  	s2 =	sshra.s32 s3, $0x2;
	s3 =	sadd.s32 $0x200, s3  }
.LBB2_6:
0xe8: {  	p3 =	sne.s32 s3, $0xFE00;
	[tilespmem:s2+$0x470] =	vst v0  }
0xe9: {  	[tilespmem:s2+$0x400] =	vst v0  }
0xea: {  	[tilespmem:s2+$0x410] =	vst v0  }
.Ltmp7:
0xeb: {  	[tilespmem:s2+$0x420] =	vst v0;
	(pc) =	sbr.rel @p3 .LBB2_6-.Ltmp7, $4  }
0xec: {  	[tilespmem:s2+$0x430] =	vst v0  }
0xed: {  	[tilespmem:s2+$0x440] =	vst v0  }
0xee: {  	[tilespmem:s2+$0x450] =	vst v0  }
0xef: {  	[tilespmem:s2+$0x460] =	vst v0;
	s2 =	sshra.s32 s3, $0x2;
	s3 =	sadd.s32 $0x200, s3  }
.LBB2_7:
0xf0: {  	[tilespmem:s2+$0x470] =	vst v0  }
0xf1: {  	[tilespmem:s2+$0x400] =	vst v0  }
0xf2: {  	[tilespmem:s2+$0x410] =	vst v0  }
0xf3: {  	[tilespmem:s2+$0x420] =	vst v0  }
0xf4: {  	[tilespmem:s2+$0x430] =	vst v0  }
0xf5: {  	[tilespmem:s2+$0x440] =	vst v0  }
0xf6: {  	[tilespmem:s2+$0x450] =	vst v0  }
0xf7: {  	[tilespmem:s2+$0x460] =	vst v0  }
.LBB2_8:
.Ltmp8:
0xf8: {  	(pc) =	sbr.rel .LBB2_10-.Ltmp8, $3  }
0xf9: {  	s2 =	sld [smem:$0x7FB];
	_ =	sdelay $0x1  }
0xfa: {  	s3 =	simm.s32 $0x400  }
0xfb: {  	[hbm4b:s2+s1] =	stream.linear.scatter [tilespmem:s3], [sflag:$0x9], $0x4000, $0x38;
	[tilespmem:$0x14880] =	vst v63  }
.LBB2_9:
0xfc: {  	s13 =	sld [smem:$0x7FB];
	_ =	sdelay $0x1  }
0xfd: {  	s2 =	sor.u32 $0x1C03, s17;
	s3 =	sshrl.u32 s15, $0x3  }
0xfe: {  	[hbm:s13], [sflag:s2] =	dma.local [spmem:s3], $0x800  }
.LBB2_10:
0xff: {  	s2 =	simm.s32 @!p2 $0x4  }
0x100: {  	s3 =	rddreg [dreg:$0xf];
	_ =	swait.ge @!p2 [sflag:s2], $0x4000  }
0x101: {  	s26 =	ssub.s32 s26, s3;
	s3 =	sld [smem:$0x7F6]  }
0x102: {  	[sflag:s2] =	ssyncset.done @!p2 $0x0;
	p5 =	slt.s32 s26, $0x1  }
0x103: {  	[sflag:s2] =	ssyncadd.s32 @!p2 $0xFFFFC000;
	s2 =	simm.s32 @!p5 $0xC400  }
0x104: {  	[tilespmem:s2], [sflag:$0x8] =	stream.linear.gather @!p5 [spmem:s3], $0x4000, $0x38;
	[tilespmem:$0x14880] =	vst v63  }
0x105: {  	s2 =	simm.s32 @!p0 $0x7  }
0x106: {  	p3 =	sgt.s32 s12, $0x0;
	_ =	swait.ge @!p0 [sflag:s2], $0x4000  }
0x107: {  	s13 =	simm.s32 @!p0 $0x8400;
	s3 =	simm.s32 @!p0 $0x100;
	[sflag:s2] =	ssyncset.done @!p0 $0x0  }
.Ltmp9:
0x108: {  	[sflag:s2] =	ssyncadd.s32 @!p0 $0xFFFFC000;
	s2 =	simm.s32 @!p0 $0x80;
	(pc) =	sbr.rel @p2 .LBB2_18-.Ltmp9, $4  }
0x109: {  	[tilespmem:s13], [sflag:$0x4] =	stream.indirect.gather.add.f32 @!p0 [hbm:s6], $0x80, s3, s2, $0xb8;
	[tilespmem:$0x14880] =	vst v63  }
0x10a: {  	s30 =	smov.u32 s12;
	s2 =	simm.s32 @!p3 $0x0  }
0x10b: {  	s30 =	simm.s32 @!p3 $0x0;
	s2 =	simm.s32 @p3 $0x1  }
0x10c: {  	s30 =	smin.u32 s30, $0x80;
	s13 =	simm.s32 $0x4440;
	[smem:$0x7F3] =	sst s2  }
0x10d: {  	v4 =	vld [tilespmem:s13+$0xFFFFFFC0]  }
0x10e: {  	v6 =	vld [tilespmem:s13+$0xFFFFFFD0];
	p3 =	seq.s32 s30, $0x1  }
.Ltmp10:
0x10f: {  	v5 =	vld [tilespmem:s13+$0xFFFFFFE0];
	(pc) =	sbr.rel @p3 .LBB2_13-.Ltmp10, $4  }
0x110: {  	v2 =	vld [tilespmem:s13+$0x0]  }
0x111: {  	v1 =	vld [tilespmem:s13+$0x10]  }
0x112: {  	v3 =	vld [tilespmem:s13+$0x20];
	v7 =	vmul.f32 $8.838834610e-02, v4  }
0x113: {  	s2 =	sadd.s32 $0xFFFFFFFF, s30;
	s3 =	simm.s32 $0x4440;
	v6 =	vmul.f32 $8.838834610e-02, v6;
	v4 =	vld [tilespmem:s13+$0x30]  }
.LBB2_12:
0x114: {  	p3 =	seq.s32 s2, $0x1;
	[tilespmem:s13+$0xFFFFFFC0] =	vst v7;
	v5 =	vmul.f32 $8.838834610e-02, v5;
	v7 =	vld [tilespmem:s13+$0xFFFFFFF0];
	s3 =	sadd.s32 $0x80, s3  }
0x115: {  	v8 =	vld [tilespmem:s3+$0xFFFFFFC0];
	[tilespmem:s13+$0xFFFFFFD0] =	vst v6;
	v2 =	vmul.f32 $8.838834610e-02, v2  }
0x116: {  	v6 =	vld [tilespmem:s3+$0xFFFFFFD0];
	[tilespmem:s13+$0xFFFFFFE0] =	vst v5;
	v1 =	vmul.f32 $8.838834610e-02, v1  }
.Ltmp11:
0x117: {  	v5 =	vld [tilespmem:s3+$0xFFFFFFE0];
	[tilespmem:s13+$0x0] =	vst v2;
	v3 =	vmul.f32 $8.838834610e-02, v3;
	(pc) =	sbr.rel @!p3 .LBB2_12-.Ltmp11, $4  }
0x118: {  	v2 =	vld [tilespmem:s3+$0x0];
	[tilespmem:s13+$0x10] =	vst v1;
	v4 =	vmul.f32 $8.838834610e-02, v4  }
0x119: {  	v1 =	vld [tilespmem:s3+$0x10];
	v9 =	vmul.f32 $8.838834610e-02, v7;
	[tilespmem:s13+$0x20] =	vst v3  }
0x11a: {  	v7 =	vmul.f32 $8.838834610e-02, v8;
	v3 =	vld [tilespmem:s3+$0x20];
	[tilespmem:s13+$0x30] =	vst v4  }
0x11b: {  	s2 =	sadd.s32 $0xFFFFFFFF, s2;
	v6 =	vmul.f32 $8.838834610e-02, v6;
	v4 =	vld [tilespmem:s3+$0x30];
	[tilespmem:s13+$0xFFFFFFF0] =	vst v9;
	s13 =	smov.u32 s3  }
.LBB2_13:
0x11c: {  	[tilespmem:s13+$0xFFFFFFC0] =	vst v7;
	v5 =	vmul.f32 $8.838834610e-02, v5;
	v63 =	vld [tilespmem:s13+$0xFFFFFFF0]  }
0x11d: {  	[tilespmem:s13+$0xFFFFFFD0] =	vst v6;
	v2 =	vmul.f32 $8.838834610e-02, v2  }
0x11e: {  	p3 =	sgt.u32 s12, $0x7F;
	[tilespmem:s13+$0xFFFFFFE0] =	vst v5;
	v1 =	vmul.f32 $8.838834610e-02, v1  }
.Ltmp12:
0x11f: {  	[tilespmem:s13+$0x0] =	vst v2;
	v2 =	vmul.f32 $8.838834610e-02, v3;
	(pc) =	sbr.rel @p3 .LBB2_17-.Ltmp12, $4  }
0x120: {  	[tilespmem:s13+$0x10] =	vst v1;
	v1 =	vmul.f32 $8.838834610e-02, v4  }
0x121: {  	v3 =	vmul.f32 $8.838834610e-02, v63;
	[tilespmem:s13+$0x20] =	vst v2  }
0x122: {  	[tilespmem:s13+$0x30] =	vst v1  }
0x123: {  	[tilespmem:s13+$0xFFFFFFF0] =	vst v3  }
0x124: {  	s3 =	sshll.u32 s30, $0x9  }
0x125: {  	p3 =	sne.s32 s3, $0xFE00  }
.Ltmp13:
0x126: {  	_ = 	snop;
	(pc) =	sbr.rel @!p3 .LBB2_16-.Ltmp13, $2  }
0x127: {  	_ =	sdelay $0x2  }
0x128: {  	s2 =	sshra.s32 s3, $0x2;
	s3 =	sadd.s32 $0x200, s3  }
.LBB2_15:
0x129: {  	p3 =	sne.s32 s3, $0xFE00;
	[tilespmem:s2+$0x4470] =	vst v0  }
0x12a: {  	[tilespmem:s2+$0x4400] =	vst v0  }
0x12b: {  	[tilespmem:s2+$0x4410] =	vst v0  }
.Ltmp14:
0x12c: {  	[tilespmem:s2+$0x4420] =	vst v0;
	(pc) =	sbr.rel @p3 .LBB2_15-.Ltmp14, $4  }
0x12d: {  	[tilespmem:s2+$0x4430] =	vst v0  }
0x12e: {  	[tilespmem:s2+$0x4440] =	vst v0  }
0x12f: {  	[tilespmem:s2+$0x4450] =	vst v0  }
0x130: {  	[tilespmem:s2+$0x4460] =	vst v0;
	s2 =	sshra.s32 s3, $0x2;
	s3 =	sadd.s32 $0x200, s3  }
.LBB2_16:
0x131: {  	[tilespmem:s2+$0x4470] =	vst v0  }
0x132: {  	[tilespmem:s2+$0x4400] =	vst v0  }
0x133: {  	[tilespmem:s2+$0x4410] =	vst v0  }
0x134: {  	[tilespmem:s2+$0x4420] =	vst v0  }
0x135: {  	[tilespmem:s2+$0x4430] =	vst v0  }
0x136: {  	[tilespmem:s2+$0x4440] =	vst v0  }
0x137: {  	[tilespmem:s2+$0x4450] =	vst v0  }
0x138: {  	[tilespmem:s2+$0x4460] =	vst v0  }
.LBB2_17:
.Ltmp15:
0x139: {  	(pc) =	sbr.rel .LBB2_19-.Ltmp15, $3  }
0x13a: {  	s2 =	sld [smem:$0x7FC];
	_ =	sdelay $0x1  }
0x13b: {  	s3 =	simm.s32 $0x4400  }
0x13c: {  	[hbm4b:s2+s1] =	stream.linear.scatter [tilespmem:s3], [sflag:$0xA], $0x4000, $0x38;
	[tilespmem:$0x14880] =	vst v63  }
.LBB2_18:
0x13d: {  	s12 =	sld [smem:$0x7FC];
	_ =	sdelay $0x1  }
0x13e: {  	s2 =	sor.u32 $0x1C03, s17;
	s3 =	sshrl.u32 s15, $0x3  }
0x13f: {  	[hbm:s12], [sflag:s2] =	dma.local [spmem:s3], $0x800  }
.LBB2_19:
0x140: {  	s2 =	simm.s32 @!p0 $0x4  }
0x141: {  	_ =	swait.ge @!p0 [sflag:s2], $0x4000  }
0x142: {  	[sflag:s2] =	ssyncset.done @!p0 $0x0  }
0x143: {  	[sflag:s2] =	ssyncadd.s32 @!p0 $0xFFFFC000;
	s2 =	simm.s32 @!p1 $0x9  }
0x144: {  	_ =	swait.ge @!p1 [sflag:s2], $0x4000  }
0x145: {  	s28 =	ssub.s32 s28, s18;
	s3 =	sld [smem:$0x7F7]  }
0x146: {  	p6 =	slt.s32 s28, $0x1;
	[sflag:s2] =	ssyncset.done @!p1 $0x0  }
0x147: {  	[sflag:s2] =	ssyncadd.s32 @!p1 $0xFFFFC000;
	s2 =	simm.s32 @!p6 $0x400  }
0x148: {  	[tilespmem:s2], [sflag:$0x5] =	stream.linear.gather @!p6 [spmem:s3], $0x4000, $0x38;
	[tilespmem:$0x14880] =	vst v63  }
0x149: {  	s2 =	simm.s32 @!p5 $0x8  }
0x14a: {  	s12 =	simm.s32 @!p5 $0xC400;
	_ =	swait.ge @!p5 [sflag:s2], $0x4000  }
0x14b: {  	p1 =	sgt.s32 s29, $0x0;
	s3 =	simm.s32 @!p5 $0x180;
	[sflag:s2] =	ssyncset.done @!p5 $0x0  }
.Ltmp16:
0x14c: {  	[sflag:s2] =	ssyncadd.s32 @!p5 $0xFFFFC000;
	s2 =	simm.s32 @!p5 $0x80;
	(pc) =	sbr.rel @p0 .LBB2_27-.Ltmp16, $4  }
0x14d: {  	[tilespmem:s12], [sflag:$0x4] =	stream.indirect.gather.add.f32 @!p5 [hbm:s6], $0x80, s3, s2, $0xb8;
	[tilespmem:$0x14880] =	vst v63  }
0x14e: {  	s13 =	smov.u32 s29;
	s2 =	simm.s32 @!p1 $0x0  }
0x14f: {  	s13 =	simm.s32 @!p1 $0x0;
	s2 =	simm.s32 @p1 $0x1  }
0x150: {  	s12 =	smin.u32 s13, $0x80;
	s13 =	simm.s32 $0x8440;
	[smem:$0x7F2] =	sst s2  }
0x151: {  	v4 =	vld [tilespmem:s13+$0xFFFFFFC0]  }
0x152: {  	v6 =	vld [tilespmem:s13+$0xFFFFFFD0];
	p1 =	seq.s32 s12, $0x1  }
.Ltmp17:
0x153: {  	v5 =	vld [tilespmem:s13+$0xFFFFFFE0];
	(pc) =	sbr.rel @p1 .LBB2_22-.Ltmp17, $4  }
0x154: {  	v2 =	vld [tilespmem:s13+$0x0]  }
0x155: {  	v1 =	vld [tilespmem:s13+$0x10]  }
0x156: {  	v3 =	vld [tilespmem:s13+$0x20];
	v7 =	vmul.f32 $8.838834610e-02, v4  }
0x157: {  	s2 =	sadd.s32 $0xFFFFFFFF, s12;
	s3 =	simm.s32 $0x8440;
	v6 =	vmul.f32 $8.838834610e-02, v6;
	v4 =	vld [tilespmem:s13+$0x30]  }
.LBB2_21:
0x158: {  	p1 =	seq.s32 s2, $0x1;
	[tilespmem:s13+$0xFFFFFFC0] =	vst v7;
	v5 =	vmul.f32 $8.838834610e-02, v5;
	v7 =	vld [tilespmem:s13+$0xFFFFFFF0];
	s3 =	sadd.s32 $0x80, s3  }
0x159: {  	v8 =	vld [tilespmem:s3+$0xFFFFFFC0];
	[tilespmem:s13+$0xFFFFFFD0] =	vst v6;
	v2 =	vmul.f32 $8.838834610e-02, v2  }
0x15a: {  	v6 =	vld [tilespmem:s3+$0xFFFFFFD0];
	[tilespmem:s13+$0xFFFFFFE0] =	vst v5;
	v1 =	vmul.f32 $8.838834610e-02, v1  }
.Ltmp18:
0x15b: {  	v5 =	vld [tilespmem:s3+$0xFFFFFFE0];
	[tilespmem:s13+$0x0] =	vst v2;
	v3 =	vmul.f32 $8.838834610e-02, v3;
	(pc) =	sbr.rel @!p1 .LBB2_21-.Ltmp18, $4  }
0x15c: {  	v2 =	vld [tilespmem:s3+$0x0];
	[tilespmem:s13+$0x10] =	vst v1;
	v4 =	vmul.f32 $8.838834610e-02, v4  }
0x15d: {  	v1 =	vld [tilespmem:s3+$0x10];
	v9 =	vmul.f32 $8.838834610e-02, v7;
	[tilespmem:s13+$0x20] =	vst v3  }
0x15e: {  	v7 =	vmul.f32 $8.838834610e-02, v8;
	v3 =	vld [tilespmem:s3+$0x20];
	[tilespmem:s13+$0x30] =	vst v4  }
0x15f: {  	s2 =	sadd.s32 $0xFFFFFFFF, s2;
	v6 =	vmul.f32 $8.838834610e-02, v6;
	v4 =	vld [tilespmem:s3+$0x30];
	[tilespmem:s13+$0xFFFFFFF0] =	vst v9;
	s13 =	smov.u32 s3  }
.LBB2_22:
0x160: {  	[tilespmem:s13+$0xFFFFFFC0] =	vst v7;
	v5 =	vmul.f32 $8.838834610e-02, v5;
	v63 =	vld [tilespmem:s13+$0xFFFFFFF0]  }
0x161: {  	[tilespmem:s13+$0xFFFFFFD0] =	vst v6;
	v2 =	vmul.f32 $8.838834610e-02, v2  }
0x162: {  	p1 =	sgt.u32 s29, $0x7F;
	[tilespmem:s13+$0xFFFFFFE0] =	vst v5;
	v1 =	vmul.f32 $8.838834610e-02, v1  }
.Ltmp19:
0x163: {  	[tilespmem:s13+$0x0] =	vst v2;
	v2 =	vmul.f32 $8.838834610e-02, v3;
	(pc) =	sbr.rel @p1 .LBB2_26-.Ltmp19, $4  }
0x164: {  	[tilespmem:s13+$0x10] =	vst v1;
	v1 =	vmul.f32 $8.838834610e-02, v4  }
0x165: {  	v3 =	vmul.f32 $8.838834610e-02, v63;
	[tilespmem:s13+$0x20] =	vst v2  }
0x166: {  	[tilespmem:s13+$0x30] =	vst v1  }
0x167: {  	[tilespmem:s13+$0xFFFFFFF0] =	vst v3  }
0x168: {  	s3 =	sshll.u32 s12, $0x9  }
0x169: {  	p1 =	sne.s32 s3, $0xFE00  }
.Ltmp20:
0x16a: {  	_ = 	snop;
	(pc) =	sbr.rel @!p1 .LBB2_25-.Ltmp20, $2  }
0x16b: {  	_ =	sdelay $0x2  }
0x16c: {  	s2 =	sshra.s32 s3, $0x2;
	s3 =	sadd.s32 $0x200, s3  }
.LBB2_24:
0x16d: {  	p1 =	sne.s32 s3, $0xFE00;
	[tilespmem:s2+$0x8470] =	vst v0  }
0x16e: {  	[tilespmem:s2+$0x8400] =	vst v0  }
0x16f: {  	[tilespmem:s2+$0x8410] =	vst v0  }
.Ltmp21:
0x170: {  	[tilespmem:s2+$0x8420] =	vst v0;
	(pc) =	sbr.rel @p1 .LBB2_24-.Ltmp21, $4  }
0x171: {  	[tilespmem:s2+$0x8430] =	vst v0  }
0x172: {  	[tilespmem:s2+$0x8440] =	vst v0  }
0x173: {  	[tilespmem:s2+$0x8450] =	vst v0  }
0x174: {  	[tilespmem:s2+$0x8460] =	vst v0;
	s2 =	sshra.s32 s3, $0x2;
	s3 =	sadd.s32 $0x200, s3  }
.LBB2_25:
0x175: {  	[tilespmem:s2+$0x8470] =	vst v0  }
0x176: {  	[tilespmem:s2+$0x8400] =	vst v0  }
0x177: {  	[tilespmem:s2+$0x8410] =	vst v0  }
0x178: {  	[tilespmem:s2+$0x8420] =	vst v0  }
0x179: {  	[tilespmem:s2+$0x8430] =	vst v0  }
0x17a: {  	[tilespmem:s2+$0x8440] =	vst v0  }
0x17b: {  	[tilespmem:s2+$0x8450] =	vst v0  }
0x17c: {  	[tilespmem:s2+$0x8460] =	vst v0  }
.LBB2_26:
.Ltmp22:
0x17d: {  	(pc) =	sbr.rel .LBB2_28-.Ltmp22, $3  }
0x17e: {  	_ =	sdelay $0x1  }
0x17f: {  	s2 =	simm.s32 $0x8400  }
0x180: {  	[hbm4b:s4+s1] =	stream.linear.scatter [tilespmem:s2], [sflag:$0xB], $0x4000, $0x38;
	[tilespmem:$0x14880] =	vst v63  }
.LBB2_27:
0x181: {  	s2 =	sor.u32 $0x1C03, s17;
	s3 =	sshrl.u32 s15, $0x3  }
0x182: {  	[hbm:s4], [sflag:s2] =	dma.local [spmem:s3], $0x800  }
.LBB2_28:
0x183: {  	s2 =	simm.s32 @!p5 $0x4  }
0x184: {  	_ =	swait.ge @!p5 [sflag:s2], $0x4000  }
0x185: {  	[sflag:s2] =	ssyncset.done @!p5 $0x0  }
0x186: {  	[sflag:s2] =	ssyncadd.s32 @!p5 $0xFFFFC000;
	s2 =	simm.s32 @!p2 $0xA  }
0x187: {  	s3 =	rddreg [dreg:$0x13];
	_ =	swait.ge @!p2 [sflag:s2], $0x4000  }
0x188: {  	s25 =	ssub.s32 s25, s3;
	s3 =	sld [smem:$0x7F8]  }
0x189: {  	p1 =	slt.s32 s25, $0x1;
	[sflag:s2] =	ssyncset.done @!p2 $0x0  }
0x18a: {  	[sflag:s2] =	ssyncadd.s32 @!p2 $0xFFFFC000;
	s2 =	simm.s32 @!p1 $0x4400  }
0x18b: {  	[tilespmem:s2], [sflag:$0x6] =	stream.linear.gather @!p1 [spmem:s3], $0x4000, $0x38;
	[tilespmem:$0x14880] =	vst v63  }
0x18c: {  	s2 =	simm.s32 @!p6 $0x5  }
0x18d: {  	s12 =	simm.s32 @!p6 $0x400;
	_ =	swait.ge @!p6 [sflag:s2], $0x4000  }
0x18e: {  	p2 =	sgt.s32 s26, $0x0;
	s3 =	simm.s32 @!p6 $0x200;
	[sflag:s2] =	ssyncset.done @!p6 $0x0  }
.Ltmp23:
0x18f: {  	[sflag:s2] =	ssyncadd.s32 @!p6 $0xFFFFC000;
	s2 =	simm.s32 @!p6 $0x80;
	(pc) =	sbr.rel @p5 .LBB2_36-.Ltmp23, $4  }
0x190: {  	[tilespmem:s12], [sflag:$0x4] =	stream.indirect.gather.add.f32 @!p6 [hbm:s6], $0x80, s3, s2, $0xb8;
	[tilespmem:$0x14880] =	vst v63  }
0x191: {  	s13 =	smov.u32 s26;
	s2 =	simm.s32 @!p2 $0x0  }
0x192: {  	s13 =	simm.s32 @!p2 $0x0;
	s2 =	simm.s32 @p2 $0x1  }
0x193: {  	s12 =	smin.u32 s13, $0x80;
	s13 =	simm.s32 $0xC440;
	[smem:$0x7F1] =	sst s2  }
0x194: {  	v4 =	vld [tilespmem:s13+$0xFFFFFFC0]  }
0x195: {  	v6 =	vld [tilespmem:s13+$0xFFFFFFD0];
	p2 =	seq.s32 s12, $0x1  }
.Ltmp24:
0x196: {  	v5 =	vld [tilespmem:s13+$0xFFFFFFE0];
	(pc) =	sbr.rel @p2 .LBB2_31-.Ltmp24, $4  }
0x197: {  	v2 =	vld [tilespmem:s13+$0x0]  }
0x198: {  	v1 =	vld [tilespmem:s13+$0x10]  }
0x199: {  	v3 =	vld [tilespmem:s13+$0x20];
	v7 =	vmul.f32 $8.838834610e-02, v4  }
0x19a: {  	s2 =	sadd.s32 $0xFFFFFFFF, s12;
	s3 =	simm.s32 $0xC440;
	v6 =	vmul.f32 $8.838834610e-02, v6;
	v4 =	vld [tilespmem:s13+$0x30]  }
.LBB2_30:
0x19b: {  	p2 =	seq.s32 s2, $0x1;
	[tilespmem:s13+$0xFFFFFFC0] =	vst v7;
	v5 =	vmul.f32 $8.838834610e-02, v5;
	v7 =	vld [tilespmem:s13+$0xFFFFFFF0];
	s3 =	sadd.s32 $0x80, s3  }
0x19c: {  	v8 =	vld [tilespmem:s3+$0xFFFFFFC0];
	[tilespmem:s13+$0xFFFFFFD0] =	vst v6;
	v2 =	vmul.f32 $8.838834610e-02, v2  }
0x19d: {  	v6 =	vld [tilespmem:s3+$0xFFFFFFD0];
	[tilespmem:s13+$0xFFFFFFE0] =	vst v5;
	v1 =	vmul.f32 $8.838834610e-02, v1  }
.Ltmp25:
0x19e: {  	v5 =	vld [tilespmem:s3+$0xFFFFFFE0];
	[tilespmem:s13+$0x0] =	vst v2;
	v3 =	vmul.f32 $8.838834610e-02, v3;
	(pc) =	sbr.rel @!p2 .LBB2_30-.Ltmp25, $4  }
0x19f: {  	v2 =	vld [tilespmem:s3+$0x0];
	[tilespmem:s13+$0x10] =	vst v1;
	v4 =	vmul.f32 $8.838834610e-02, v4  }
0x1a0: {  	v1 =	vld [tilespmem:s3+$0x10];
	v9 =	vmul.f32 $8.838834610e-02, v7;
	[tilespmem:s13+$0x20] =	vst v3  }
0x1a1: {  	v7 =	vmul.f32 $8.838834610e-02, v8;
	v3 =	vld [tilespmem:s3+$0x20];
	[tilespmem:s13+$0x30] =	vst v4  }
0x1a2: {  	s2 =	sadd.s32 $0xFFFFFFFF, s2;
	v6 =	vmul.f32 $8.838834610e-02, v6;
	v4 =	vld [tilespmem:s3+$0x30];
	[tilespmem:s13+$0xFFFFFFF0] =	vst v9;
	s13 =	smov.u32 s3  }
.LBB2_31:
0x1a3: {  	[tilespmem:s13+$0xFFFFFFC0] =	vst v7;
	v5 =	vmul.f32 $8.838834610e-02, v5;
	v63 =	vld [tilespmem:s13+$0xFFFFFFF0]  }
0x1a4: {  	[tilespmem:s13+$0xFFFFFFD0] =	vst v6;
	v2 =	vmul.f32 $8.838834610e-02, v2  }
0x1a5: {  	p2 =	sgt.u32 s26, $0x7F;
	[tilespmem:s13+$0xFFFFFFE0] =	vst v5;
	v1 =	vmul.f32 $8.838834610e-02, v1  }
.Ltmp26:
0x1a6: {  	[tilespmem:s13+$0x0] =	vst v2;
	v2 =	vmul.f32 $8.838834610e-02, v3;
	(pc) =	sbr.rel @p2 .LBB2_35-.Ltmp26, $4  }
0x1a7: {  	[tilespmem:s13+$0x10] =	vst v1;
	v1 =	vmul.f32 $8.838834610e-02, v4  }
0x1a8: {  	v3 =	vmul.f32 $8.838834610e-02, v63;
	[tilespmem:s13+$0x20] =	vst v2  }
0x1a9: {  	[tilespmem:s13+$0x30] =	vst v1  }
0x1aa: {  	[tilespmem:s13+$0xFFFFFFF0] =	vst v3  }
0x1ab: {  	s3 =	sshll.u32 s12, $0x9  }
0x1ac: {  	p2 =	sne.s32 s3, $0xFE00  }
.Ltmp27:
0x1ad: {  	_ = 	snop;
	(pc) =	sbr.rel @!p2 .LBB2_34-.Ltmp27, $2  }
0x1ae: {  	_ =	sdelay $0x2  }
0x1af: {  	s2 =	sshra.s32 s3, $0x2;
	s3 =	sadd.s32 $0x200, s3  }
.LBB2_33:
0x1b0: {  	p2 =	sne.s32 s3, $0xFE00;
	[tilespmem:s2+$0xC470] =	vst v0  }
0x1b1: {  	[tilespmem:s2+$0xC400] =	vst v0  }
0x1b2: {  	[tilespmem:s2+$0xC410] =	vst v0  }
.Ltmp28:
0x1b3: {  	[tilespmem:s2+$0xC420] =	vst v0;
	(pc) =	sbr.rel @p2 .LBB2_33-.Ltmp28, $4  }
0x1b4: {  	[tilespmem:s2+$0xC430] =	vst v0  }
0x1b5: {  	[tilespmem:s2+$0xC440] =	vst v0  }
0x1b6: {  	[tilespmem:s2+$0xC450] =	vst v0  }
0x1b7: {  	[tilespmem:s2+$0xC460] =	vst v0;
	s2 =	sshra.s32 s3, $0x2;
	s3 =	sadd.s32 $0x200, s3  }
.LBB2_34:
0x1b8: {  	[tilespmem:s2+$0xC470] =	vst v0  }
0x1b9: {  	[tilespmem:s2+$0xC400] =	vst v0  }
0x1ba: {  	[tilespmem:s2+$0xC410] =	vst v0  }
0x1bb: {  	[tilespmem:s2+$0xC420] =	vst v0  }
0x1bc: {  	[tilespmem:s2+$0xC430] =	vst v0  }
0x1bd: {  	[tilespmem:s2+$0xC440] =	vst v0  }
0x1be: {  	[tilespmem:s2+$0xC450] =	vst v0  }
0x1bf: {  	[tilespmem:s2+$0xC460] =	vst v0  }
.LBB2_35:
.Ltmp29:
0x1c0: {  	(pc) =	sbr.rel .LBB2_37-.Ltmp29, $3  }
0x1c1: {  	_ =	sdelay $0x1  }
0x1c2: {  	s2 =	simm.s32 $0xC400  }
0x1c3: {  	[hbm4b:s5+s1] =	stream.linear.scatter [tilespmem:s2], [sflag:$0xC], $0x4000, $0x38;
	[tilespmem:$0x14880] =	vst v63  }
.LBB2_36:
0x1c4: {  	s2 =	sor.u32 $0x1C03, s17;
	s3 =	sshrl.u32 s15, $0x3  }
0x1c5: {  	[hbm:s5], [sflag:s2] =	dma.local [spmem:s3], $0x800  }
.LBB2_37:
0x1c6: {  	s2 =	simm.s32 @!p6 $0x4  }
0x1c7: {  	_ =	swait.ge @!p6 [sflag:s2], $0x4000  }
0x1c8: {  	[sflag:s2] =	ssyncset.done @!p6 $0x0  }
0x1c9: {  	[sflag:s2] =	ssyncadd.s32 @!p6 $0xFFFFC000;
	s2 =	simm.s32 @!p0 $0xB  }
0x1ca: {  	s3 =	rddreg [dreg:$0x14];
	_ =	swait.ge @!p0 [sflag:s2], $0x4000  }
0x1cb: {  	s24 =	ssub.s32 s24, s3;
	s3 =	sld [smem:$0x7F9]  }
0x1cc: {  	p2 =	slt.s32 s24, $0x1;
	[sflag:s2] =	ssyncset.done @!p0 $0x0  }
0x1cd: {  	[sflag:s2] =	ssyncadd.s32 @!p0 $0xFFFFC000;
	s2 =	simm.s32 @!p2 $0x8400  }
0x1ce: {  	[tilespmem:s2], [sflag:$0x7] =	stream.linear.gather @!p2 [spmem:s3], $0x4000, $0x38;
	[tilespmem:$0x14880] =	vst v63  }
0x1cf: {  	s13 =	smov.u32 s28;
	s2 =	simm.s32 @!p1 $0x6  }
.Ltmp30:
0x1d0: {  	p0 =	sgt.s32 s28, $0x0;
	_ =	swait.ge @!p1 [sflag:s2], $0x4000;
	(pc) =	sbr.rel @p6 .LBB2_45-.Ltmp30, $4  }
0x1d1: {  	s12 =	simm.s32 @!p1 $0x4400;
	s13 =	simm.s32 @!p0 $0x0;
	[sflag:s2] =	ssyncset.done @!p1 $0x0  }
0x1d2: {  	s3 =	simm.s32 @!p1 $0x280;
	[sflag:s2] =	ssyncadd.s32 @!p1 $0xFFFFC000;
	s2 =	simm.s32 @!p1 $0x80  }
0x1d3: {  	[tilespmem:s12], [sflag:$0x4] =	stream.indirect.gather.add.f32 @!p1 [hbm:s6], $0x80, s3, s2, $0xb8;
	[tilespmem:$0x14880] =	vst v63  }
0x1d4: {  	s12 =	smin.u32 s13, $0x80;
	s13 =	simm.s32 $0x440  }
0x1d5: {  	v4 =	vld [tilespmem:s13+$0xFFFFFFC0]  }
0x1d6: {  	v6 =	vld [tilespmem:s13+$0xFFFFFFD0];
	p3 =	seq.s32 s12, $0x1  }
.Ltmp31:
0x1d7: {  	v5 =	vld [tilespmem:s13+$0xFFFFFFE0];
	(pc) =	sbr.rel @p3 .LBB2_40-.Ltmp31, $4  }
0x1d8: {  	v2 =	vld [tilespmem:s13+$0x0]  }
0x1d9: {  	v1 =	vld [tilespmem:s13+$0x10]  }
0x1da: {  	v3 =	vld [tilespmem:s13+$0x20];
	v7 =	vmul.f32 $8.838834610e-02, v4  }
0x1db: {  	s2 =	sadd.s32 $0xFFFFFFFF, s12;
	s3 =	simm.s32 $0x440;
	v6 =	vmul.f32 $8.838834610e-02, v6;
	v4 =	vld [tilespmem:s13+$0x30]  }
.LBB2_39:
0x1dc: {  	p3 =	seq.s32 s2, $0x1;
	[tilespmem:s13+$0xFFFFFFC0] =	vst v7;
	v5 =	vmul.f32 $8.838834610e-02, v5;
	v7 =	vld [tilespmem:s13+$0xFFFFFFF0];
	s3 =	sadd.s32 $0x80, s3  }
0x1dd: {  	v8 =	vld [tilespmem:s3+$0xFFFFFFC0];
	[tilespmem:s13+$0xFFFFFFD0] =	vst v6;
	v2 =	vmul.f32 $8.838834610e-02, v2  }
0x1de: {  	v6 =	vld [tilespmem:s3+$0xFFFFFFD0];
	[tilespmem:s13+$0xFFFFFFE0] =	vst v5;
	v1 =	vmul.f32 $8.838834610e-02, v1  }
.Ltmp32:
0x1df: {  	v5 =	vld [tilespmem:s3+$0xFFFFFFE0];
	[tilespmem:s13+$0x0] =	vst v2;
	v3 =	vmul.f32 $8.838834610e-02, v3;
	(pc) =	sbr.rel @!p3 .LBB2_39-.Ltmp32, $4  }
0x1e0: {  	v2 =	vld [tilespmem:s3+$0x0];
	[tilespmem:s13+$0x10] =	vst v1;
	v4 =	vmul.f32 $8.838834610e-02, v4  }
0x1e1: {  	v1 =	vld [tilespmem:s3+$0x10];
	v9 =	vmul.f32 $8.838834610e-02, v7;
	[tilespmem:s13+$0x20] =	vst v3  }
0x1e2: {  	v7 =	vmul.f32 $8.838834610e-02, v8;
	v3 =	vld [tilespmem:s3+$0x20];
	[tilespmem:s13+$0x30] =	vst v4  }
0x1e3: {  	s2 =	sadd.s32 $0xFFFFFFFF, s2;
	v6 =	vmul.f32 $8.838834610e-02, v6;
	v4 =	vld [tilespmem:s3+$0x30];
	[tilespmem:s13+$0xFFFFFFF0] =	vst v9;
	s13 =	smov.u32 s3  }
.LBB2_40:
0x1e4: {  	[tilespmem:s13+$0xFFFFFFC0] =	vst v7;
	v5 =	vmul.f32 $8.838834610e-02, v5;
	v63 =	vld [tilespmem:s13+$0xFFFFFFF0]  }
0x1e5: {  	[tilespmem:s13+$0xFFFFFFD0] =	vst v6;
	v2 =	vmul.f32 $8.838834610e-02, v2  }
0x1e6: {  	p3 =	sgt.u32 s28, $0x7F;
	[tilespmem:s13+$0xFFFFFFE0] =	vst v5;
	v1 =	vmul.f32 $8.838834610e-02, v1  }
.Ltmp33:
0x1e7: {  	[tilespmem:s13+$0x0] =	vst v2;
	v2 =	vmul.f32 $8.838834610e-02, v3;
	(pc) =	sbr.rel @p3 .LBB2_44-.Ltmp33, $4  }
0x1e8: {  	[tilespmem:s13+$0x10] =	vst v1;
	v1 =	vmul.f32 $8.838834610e-02, v4  }
0x1e9: {  	v3 =	vmul.f32 $8.838834610e-02, v63;
	[tilespmem:s13+$0x20] =	vst v2  }
0x1ea: {  	[tilespmem:s13+$0x30] =	vst v1  }
0x1eb: {  	[tilespmem:s13+$0xFFFFFFF0] =	vst v3  }
0x1ec: {  	s3 =	sshll.u32 s12, $0x9  }
0x1ed: {  	p3 =	sne.s32 s3, $0xFE00  }
.Ltmp34:
0x1ee: {  	_ = 	snop;
	(pc) =	sbr.rel @!p3 .LBB2_43-.Ltmp34, $2  }
0x1ef: {  	_ =	sdelay $0x2  }
0x1f0: {  	s2 =	sshra.s32 s3, $0x2;
	s3 =	sadd.s32 $0x200, s3  }
.LBB2_42:
0x1f1: {  	p3 =	sne.s32 s3, $0xFE00;
	[tilespmem:s2+$0x470] =	vst v0  }
0x1f2: {  	[tilespmem:s2+$0x400] =	vst v0  }
0x1f3: {  	[tilespmem:s2+$0x410] =	vst v0  }
.Ltmp35:
0x1f4: {  	[tilespmem:s2+$0x420] =	vst v0;
	(pc) =	sbr.rel @p3 .LBB2_42-.Ltmp35, $4  }
0x1f5: {  	[tilespmem:s2+$0x430] =	vst v0  }
0x1f6: {  	[tilespmem:s2+$0x440] =	vst v0  }
0x1f7: {  	[tilespmem:s2+$0x450] =	vst v0  }
0x1f8: {  	[tilespmem:s2+$0x460] =	vst v0;
	s2 =	sshra.s32 s3, $0x2;
	s3 =	sadd.s32 $0x200, s3  }
.LBB2_43:
0x1f9: {  	[tilespmem:s2+$0x470] =	vst v0  }
0x1fa: {  	[tilespmem:s2+$0x400] =	vst v0  }
0x1fb: {  	[tilespmem:s2+$0x410] =	vst v0  }
0x1fc: {  	[tilespmem:s2+$0x420] =	vst v0  }
0x1fd: {  	[tilespmem:s2+$0x430] =	vst v0  }
0x1fe: {  	[tilespmem:s2+$0x440] =	vst v0  }
0x1ff: {  	[tilespmem:s2+$0x450] =	vst v0  }
0x200: {  	[tilespmem:s2+$0x460] =	vst v0  }
.LBB2_44:
.Ltmp36:
0x201: {  	(pc) =	sbr.rel .LBB2_46-.Ltmp36, $3  }
0x202: {  	_ =	sdelay $0x1  }
0x203: {  	s2 =	simm.s32 $0x400  }
0x204: {  	[hbm4b:s14+s1] =	stream.linear.scatter [tilespmem:s2], [sflag:$0x9], $0x4000, $0x38;
	[tilespmem:$0x14880] =	vst v63  }
.LBB2_45:
0x205: {  	s2 =	sor.u32 $0x1C03, s17;
	s3 =	sshrl.u32 s15, $0x3  }
0x206: {  	[hbm:s14], [sflag:s2] =	dma.local [spmem:s3], $0x800  }
.LBB2_46:
0x207: {  	s2 =	simm.s32 @!p1 $0x4  }
0x208: {  	_ =	swait.ge @!p1 [sflag:s2], $0x4000  }
0x209: {  	[sflag:s2] =	ssyncset.done @!p1 $0x0  }
0x20a: {  	[sflag:s2] =	ssyncadd.s32 @!p1 $0xFFFFC000;
	s2 =	simm.s32 @!p5 $0xC  }
0x20b: {  	s3 =	rddreg [dreg:$0x15];
	_ =	swait.ge @!p5 [sflag:s2], $0x4000  }
0x20c: {  	s11 =	ssub.s32 s11, s3;
	s3 =	sld [smem:$0x7FA]  }
0x20d: {  	p3 =	slt.s32 s11, $0x1;
	[sflag:s2] =	ssyncset.done @!p5 $0x0  }
0x20e: {  	[sflag:s2] =	ssyncadd.s32 @!p5 $0xFFFFC000;
	s2 =	simm.s32 @!p3 $0xC400  }
0x20f: {  	[tilespmem:s2], [sflag:$0x8] =	stream.linear.gather @!p3 [spmem:s3], $0x4000, $0x38;
	[tilespmem:$0x14880] =	vst v63  }
0x210: {  	s13 =	smov.u32 s25;
	s2 =	simm.s32 @!p2 $0x7  }
.Ltmp37:
0x211: {  	p5 =	sgt.s32 s25, $0x0;
	_ =	swait.ge @!p2 [sflag:s2], $0x4000;
	(pc) =	sbr.rel @p1 .LBB2_54-.Ltmp37, $4  }
0x212: {  	s12 =	simm.s32 @!p2 $0x8400;
	s13 =	simm.s32 @!p5 $0x0;
	[sflag:s2] =	ssyncset.done @!p2 $0x0  }
0x213: {  	s3 =	simm.s32 @!p2 $0x300;
	[sflag:s2] =	ssyncadd.s32 @!p2 $0xFFFFC000;
	s2 =	simm.s32 @!p2 $0x80  }
0x214: {  	[tilespmem:s12], [sflag:$0x4] =	stream.indirect.gather.add.f32 @!p2 [hbm:s6], $0x80, s3, s2, $0xb8;
	[tilespmem:$0x14880] =	vst v63  }
0x215: {  	s12 =	smin.u32 s13, $0x80;
	s13 =	simm.s32 $0x4440  }
0x216: {  	v4 =	vld [tilespmem:s13+$0xFFFFFFC0]  }
0x217: {  	v6 =	vld [tilespmem:s13+$0xFFFFFFD0];
	p4 =	seq.s32 s12, $0x1  }
.Ltmp38:
0x218: {  	v5 =	vld [tilespmem:s13+$0xFFFFFFE0];
	(pc) =	sbr.rel @p4 .LBB2_49-.Ltmp38, $4  }
0x219: {  	v2 =	vld [tilespmem:s13+$0x0]  }
0x21a: {  	v1 =	vld [tilespmem:s13+$0x10]  }
0x21b: {  	v3 =	vld [tilespmem:s13+$0x20];
	v7 =	vmul.f32 $8.838834610e-02, v4  }
0x21c: {  	s2 =	sadd.s32 $0xFFFFFFFF, s12;
	s3 =	simm.s32 $0x4440;
	v6 =	vmul.f32 $8.838834610e-02, v6;
	v4 =	vld [tilespmem:s13+$0x30]  }
.LBB2_48:
0x21d: {  	p4 =	seq.s32 s2, $0x1;
	[tilespmem:s13+$0xFFFFFFC0] =	vst v7;
	v5 =	vmul.f32 $8.838834610e-02, v5;
	v7 =	vld [tilespmem:s13+$0xFFFFFFF0];
	s3 =	sadd.s32 $0x80, s3  }
0x21e: {  	v8 =	vld [tilespmem:s3+$0xFFFFFFC0];
	[tilespmem:s13+$0xFFFFFFD0] =	vst v6;
	v2 =	vmul.f32 $8.838834610e-02, v2  }
0x21f: {  	v6 =	vld [tilespmem:s3+$0xFFFFFFD0];
	[tilespmem:s13+$0xFFFFFFE0] =	vst v5;
	v1 =	vmul.f32 $8.838834610e-02, v1  }
.Ltmp39:
0x220: {  	v5 =	vld [tilespmem:s3+$0xFFFFFFE0];
	[tilespmem:s13+$0x0] =	vst v2;
	v3 =	vmul.f32 $8.838834610e-02, v3;
	(pc) =	sbr.rel @!p4 .LBB2_48-.Ltmp39, $4  }
0x221: {  	v2 =	vld [tilespmem:s3+$0x0];
	[tilespmem:s13+$0x10] =	vst v1;
	v4 =	vmul.f32 $8.838834610e-02, v4  }
0x222: {  	v1 =	vld [tilespmem:s3+$0x10];
	v9 =	vmul.f32 $8.838834610e-02, v7;
	[tilespmem:s13+$0x20] =	vst v3  }
0x223: {  	v7 =	vmul.f32 $8.838834610e-02, v8;
	v3 =	vld [tilespmem:s3+$0x20];
	[tilespmem:s13+$0x30] =	vst v4  }
0x224: {  	s2 =	sadd.s32 $0xFFFFFFFF, s2;
	v6 =	vmul.f32 $8.838834610e-02, v6;
	v4 =	vld [tilespmem:s3+$0x30];
	[tilespmem:s13+$0xFFFFFFF0] =	vst v9;
	s13 =	smov.u32 s3  }
.LBB2_49:
0x225: {  	[tilespmem:s13+$0xFFFFFFC0] =	vst v7;
	v5 =	vmul.f32 $8.838834610e-02, v5;
	v63 =	vld [tilespmem:s13+$0xFFFFFFF0]  }
0x226: {  	[tilespmem:s13+$0xFFFFFFD0] =	vst v6;
	v2 =	vmul.f32 $8.838834610e-02, v2  }
0x227: {  	p4 =	sgt.u32 s25, $0x7F;
	[tilespmem:s13+$0xFFFFFFE0] =	vst v5;
	v1 =	vmul.f32 $8.838834610e-02, v1  }
.Ltmp40:
0x228: {  	[tilespmem:s13+$0x0] =	vst v2;
	v2 =	vmul.f32 $8.838834610e-02, v3;
	(pc) =	sbr.rel @p4 .LBB2_53-.Ltmp40, $4  }
0x229: {  	[tilespmem:s13+$0x10] =	vst v1;
	v1 =	vmul.f32 $8.838834610e-02, v4  }
0x22a: {  	v3 =	vmul.f32 $8.838834610e-02, v63;
	[tilespmem:s13+$0x20] =	vst v2  }
0x22b: {  	[tilespmem:s13+$0x30] =	vst v1  }
0x22c: {  	[tilespmem:s13+$0xFFFFFFF0] =	vst v3  }
0x22d: {  	s3 =	sshll.u32 s12, $0x9  }
0x22e: {  	p4 =	sne.s32 s3, $0xFE00  }
.Ltmp41:
0x22f: {  	_ = 	snop;
	(pc) =	sbr.rel @!p4 .LBB2_52-.Ltmp41, $2  }
0x230: {  	_ =	sdelay $0x2  }
0x231: {  	s2 =	sshra.s32 s3, $0x2;
	s3 =	sadd.s32 $0x200, s3  }
.LBB2_51:
0x232: {  	p4 =	sne.s32 s3, $0xFE00;
	[tilespmem:s2+$0x4470] =	vst v0  }
0x233: {  	[tilespmem:s2+$0x4400] =	vst v0  }
0x234: {  	[tilespmem:s2+$0x4410] =	vst v0  }
.Ltmp42:
0x235: {  	[tilespmem:s2+$0x4420] =	vst v0;
	(pc) =	sbr.rel @p4 .LBB2_51-.Ltmp42, $4  }
0x236: {  	[tilespmem:s2+$0x4430] =	vst v0  }
0x237: {  	[tilespmem:s2+$0x4440] =	vst v0  }
0x238: {  	[tilespmem:s2+$0x4450] =	vst v0  }
0x239: {  	[tilespmem:s2+$0x4460] =	vst v0;
	s2 =	sshra.s32 s3, $0x2;
	s3 =	sadd.s32 $0x200, s3  }
.LBB2_52:
0x23a: {  	[tilespmem:s2+$0x4470] =	vst v0  }
0x23b: {  	[tilespmem:s2+$0x4400] =	vst v0  }
0x23c: {  	[tilespmem:s2+$0x4410] =	vst v0  }
0x23d: {  	[tilespmem:s2+$0x4420] =	vst v0  }
0x23e: {  	[tilespmem:s2+$0x4430] =	vst v0  }
0x23f: {  	[tilespmem:s2+$0x4440] =	vst v0  }
0x240: {  	[tilespmem:s2+$0x4450] =	vst v0  }
0x241: {  	[tilespmem:s2+$0x4460] =	vst v0  }
.LBB2_53:
.Ltmp43:
0x242: {  	(pc) =	sbr.rel .LBB2_55-.Ltmp43, $3  }
0x243: {  	_ =	sdelay $0x1  }
0x244: {  	s2 =	simm.s32 $0x4400  }
0x245: {  	[hbm4b:s7+s1] =	stream.linear.scatter [tilespmem:s2], [sflag:$0xA], $0x4000, $0x38;
	[tilespmem:$0x14880] =	vst v63  }
.LBB2_54:
0x246: {  	s2 =	sor.u32 $0x1C03, s17;
	s3 =	sshrl.u32 s15, $0x3  }
0x247: {  	[hbm:s7], [sflag:s2] =	dma.local [spmem:s3], $0x800  }
.LBB2_55:
0x248: {  	s2 =	simm.s32 @!p2 $0x4  }
0x249: {  	_ =	swait.ge @!p2 [sflag:s2], $0x4000  }
0x24a: {  	[sflag:s2] =	ssyncset.done @!p2 $0x0  }
0x24b: {  	[sflag:s2] =	ssyncadd.s32 @!p2 $0xFFFFC000;
	s2 =	simm.s32 @!p6 $0x9  }
0x24c: {  	_ =	swait.ge @!p6 [sflag:s2], $0x4000  }
0x24d: {  	[sflag:s2] =	ssyncset.done @!p6 $0x0  }
0x24e: {  	s3 =	simm.s32 @!p3 $0x380;
	[sflag:s2] =	ssyncadd.s32 @!p6 $0xFFFFC000;
	s2 =	simm.s32 @!p3 $0x8  }
.Ltmp44:
0x24f: {  	s12 =	simm.s32 @!p3 $0xC400;
	_ =	swait.ge @!p3 [sflag:s2], $0x4000;
	(pc) =	sbr.rel @p2 .LBB2_63-.Ltmp44, $4  }
0x250: {  	s13 =	smov.u32 s24;
	p6 =	sgt.s32 s24, $0x0;
	[sflag:s2] =	ssyncset.done @!p3 $0x0  }
0x251: {  	s13 =	simm.s32 @!p6 $0x0;
	[sflag:s2] =	ssyncadd.s32 @!p3 $0xFFFFC000;
	s2 =	simm.s32 @!p3 $0x80  }
0x252: {  	[tilespmem:s12], [sflag:$0x4] =	stream.indirect.gather.add.f32 @!p3 [hbm:s6], $0x80, s3, s2, $0xb8;
	[tilespmem:$0x14880] =	vst v63  }
0x253: {  	s12 =	smin.u32 s13, $0x80;
	s13 =	simm.s32 $0x8440  }
0x254: {  	v4 =	vld [tilespmem:s13+$0xFFFFFFC0]  }
0x255: {  	v6 =	vld [tilespmem:s13+$0xFFFFFFD0];
	p4 =	seq.s32 s12, $0x1  }
.Ltmp45:
0x256: {  	v5 =	vld [tilespmem:s13+$0xFFFFFFE0];
	(pc) =	sbr.rel @p4 .LBB2_58-.Ltmp45, $4  }
0x257: {  	v2 =	vld [tilespmem:s13+$0x0]  }
0x258: {  	v1 =	vld [tilespmem:s13+$0x10]  }
0x259: {  	v3 =	vld [tilespmem:s13+$0x20];
	v7 =	vmul.f32 $8.838834610e-02, v4  }
0x25a: {  	s2 =	sadd.s32 $0xFFFFFFFF, s12;
	s3 =	simm.s32 $0x8440;
	v6 =	vmul.f32 $8.838834610e-02, v6;
	v4 =	vld [tilespmem:s13+$0x30]  }
.LBB2_57:
0x25b: {  	p4 =	seq.s32 s2, $0x1;
	[tilespmem:s13+$0xFFFFFFC0] =	vst v7;
	v5 =	vmul.f32 $8.838834610e-02, v5;
	v7 =	vld [tilespmem:s13+$0xFFFFFFF0];
	s3 =	sadd.s32 $0x80, s3  }
0x25c: {  	v8 =	vld [tilespmem:s3+$0xFFFFFFC0];
	[tilespmem:s13+$0xFFFFFFD0] =	vst v6;
	v2 =	vmul.f32 $8.838834610e-02, v2  }
0x25d: {  	v6 =	vld [tilespmem:s3+$0xFFFFFFD0];
	[tilespmem:s13+$0xFFFFFFE0] =	vst v5;
	v1 =	vmul.f32 $8.838834610e-02, v1  }
.Ltmp46:
0x25e: {  	v5 =	vld [tilespmem:s3+$0xFFFFFFE0];
	[tilespmem:s13+$0x0] =	vst v2;
	v3 =	vmul.f32 $8.838834610e-02, v3;
	(pc) =	sbr.rel @!p4 .LBB2_57-.Ltmp46, $4  }
0x25f: {  	v2 =	vld [tilespmem:s3+$0x0];
	[tilespmem:s13+$0x10] =	vst v1;
	v4 =	vmul.f32 $8.838834610e-02, v4  }
0x260: {  	v1 =	vld [tilespmem:s3+$0x10];
	v9 =	vmul.f32 $8.838834610e-02, v7;
	[tilespmem:s13+$0x20] =	vst v3  }
0x261: {  	v7 =	vmul.f32 $8.838834610e-02, v8;
	v3 =	vld [tilespmem:s3+$0x20];
	[tilespmem:s13+$0x30] =	vst v4  }
0x262: {  	s2 =	sadd.s32 $0xFFFFFFFF, s2;
	v6 =	vmul.f32 $8.838834610e-02, v6;
	v4 =	vld [tilespmem:s3+$0x30];
	[tilespmem:s13+$0xFFFFFFF0] =	vst v9;
	s13 =	smov.u32 s3  }
.LBB2_58:
0x263: {  	[tilespmem:s13+$0xFFFFFFC0] =	vst v7;
	v5 =	vmul.f32 $8.838834610e-02, v5;
	v63 =	vld [tilespmem:s13+$0xFFFFFFF0]  }
0x264: {  	[tilespmem:s13+$0xFFFFFFD0] =	vst v6;
	v2 =	vmul.f32 $8.838834610e-02, v2  }
0x265: {  	p4 =	sgt.u32 s24, $0x7F;
	[tilespmem:s13+$0xFFFFFFE0] =	vst v5;
	v1 =	vmul.f32 $8.838834610e-02, v1  }
.Ltmp47:
0x266: {  	[tilespmem:s13+$0x0] =	vst v2;
	v2 =	vmul.f32 $8.838834610e-02, v3;
	(pc) =	sbr.rel @p4 .LBB2_62-.Ltmp47, $4  }
0x267: {  	[tilespmem:s13+$0x10] =	vst v1;
	v1 =	vmul.f32 $8.838834610e-02, v4  }
0x268: {  	v3 =	vmul.f32 $8.838834610e-02, v63;
	[tilespmem:s13+$0x20] =	vst v2  }
0x269: {  	[tilespmem:s13+$0x30] =	vst v1  }
0x26a: {  	[tilespmem:s13+$0xFFFFFFF0] =	vst v3  }
0x26b: {  	s3 =	sshll.u32 s12, $0x9  }
0x26c: {  	p4 =	sne.s32 s3, $0xFE00  }
.Ltmp48:
0x26d: {  	_ = 	snop;
	(pc) =	sbr.rel @!p4 .LBB2_61-.Ltmp48, $2  }
0x26e: {  	_ =	sdelay $0x2  }
0x26f: {  	s2 =	sshra.s32 s3, $0x2;
	s3 =	sadd.s32 $0x200, s3  }
.LBB2_60:
0x270: {  	p4 =	sne.s32 s3, $0xFE00;
	[tilespmem:s2+$0x8470] =	vst v0  }
0x271: {  	[tilespmem:s2+$0x8400] =	vst v0  }
0x272: {  	[tilespmem:s2+$0x8410] =	vst v0  }
.Ltmp49:
0x273: {  	[tilespmem:s2+$0x8420] =	vst v0;
	(pc) =	sbr.rel @p4 .LBB2_60-.Ltmp49, $4  }
0x274: {  	[tilespmem:s2+$0x8430] =	vst v0  }
0x275: {  	[tilespmem:s2+$0x8440] =	vst v0  }
0x276: {  	[tilespmem:s2+$0x8450] =	vst v0  }
0x277: {  	[tilespmem:s2+$0x8460] =	vst v0;
	s2 =	sshra.s32 s3, $0x2;
	s3 =	sadd.s32 $0x200, s3  }
.LBB2_61:
0x278: {  	[tilespmem:s2+$0x8470] =	vst v0  }
0x279: {  	[tilespmem:s2+$0x8400] =	vst v0  }
0x27a: {  	[tilespmem:s2+$0x8410] =	vst v0  }
0x27b: {  	[tilespmem:s2+$0x8420] =	vst v0  }
0x27c: {  	[tilespmem:s2+$0x8430] =	vst v0  }
0x27d: {  	[tilespmem:s2+$0x8440] =	vst v0  }
0x27e: {  	[tilespmem:s2+$0x8450] =	vst v0  }
0x27f: {  	[tilespmem:s2+$0x8460] =	vst v0  }
.LBB2_62:
.Ltmp50:
0x280: {  	(pc) =	sbr.rel .LBB2_64-.Ltmp50, $3  }
0x281: {  	_ =	sdelay $0x1  }
0x282: {  	s2 =	simm.s32 $0x8400  }
0x283: {  	[hbm4b:s16+s1] =	stream.linear.scatter [tilespmem:s2], [sflag:$0xB], $0x4000, $0x38;
	[tilespmem:$0x14880] =	vst v63  }
.LBB2_63:
0x284: {  	s2 =	sor.u32 $0x1C03, s17;
	s3 =	sshrl.u32 s15, $0x3  }
0x285: {  	[hbm:s16], [sflag:s2] =	dma.local [spmem:s3], $0x800  }
.LBB2_64:
0x286: {  	s2 =	simm.s32 @!p3 $0x4  }
0x287: {  	_ =	swait.ge @!p3 [sflag:s2], $0x4000  }
.Ltmp51:
0x288: {  	[sflag:s2] =	ssyncset.done @!p3 $0x0;
	(pc) =	sbr.rel @p3 .LBB2_72-.Ltmp51, $4  }
0x289: {  	[sflag:s2] =	ssyncadd.s32 @!p3 $0xFFFFC000;
	s2 =	simm.s32 @!p1 $0xA  }
0x28a: {  	p4 =	sgt.s32 s11, $0x0;
	s3 =	smov.u32 s11;
	_ =	swait.ge @!p1 [sflag:s2], $0x4000  }
0x28b: {  	s3 =	simm.s32 @!p4 $0x0;
	[sflag:s2] =	ssyncset.done @!p1 $0x0  }
0x28c: {  	s13 =	simm.s32 $0xC440;
	s12 =	smin.u32 s3, $0x80;
	[sflag:s2] =	ssyncadd.s32 @!p1 $0xFFFFC000  }
0x28d: {  	v4 =	vld [tilespmem:s13+$0xFFFFFFC0]  }
0x28e: {  	v6 =	vld [tilespmem:s13+$0xFFFFFFD0];
	p1 =	seq.s32 s12, $0x1  }
.Ltmp52:
0x28f: {  	v5 =	vld [tilespmem:s13+$0xFFFFFFE0];
	(pc) =	sbr.rel @p1 .LBB2_67-.Ltmp52, $4  }
0x290: {  	v2 =	vld [tilespmem:s13+$0x0]  }
0x291: {  	v1 =	vld [tilespmem:s13+$0x10]  }
0x292: {  	v3 =	vld [tilespmem:s13+$0x20];
	v7 =	vmul.f32 $8.838834610e-02, v4  }
0x293: {  	s2 =	sadd.s32 $0xFFFFFFFF, s12;
	s3 =	simm.s32 $0xC440;
	v6 =	vmul.f32 $8.838834610e-02, v6;
	v4 =	vld [tilespmem:s13+$0x30]  }
.LBB2_66:
0x294: {  	p1 =	seq.s32 s2, $0x1;
	[tilespmem:s13+$0xFFFFFFC0] =	vst v7;
	v5 =	vmul.f32 $8.838834610e-02, v5;
	v7 =	vld [tilespmem:s13+$0xFFFFFFF0];
	s3 =	sadd.s32 $0x80, s3  }
0x295: {  	v8 =	vld [tilespmem:s3+$0xFFFFFFC0];
	[tilespmem:s13+$0xFFFFFFD0] =	vst v6;
	v2 =	vmul.f32 $8.838834610e-02, v2  }
0x296: {  	v6 =	vld [tilespmem:s3+$0xFFFFFFD0];
	[tilespmem:s13+$0xFFFFFFE0] =	vst v5;
	v1 =	vmul.f32 $8.838834610e-02, v1  }
.Ltmp53:
0x297: {  	v5 =	vld [tilespmem:s3+$0xFFFFFFE0];
	[tilespmem:s13+$0x0] =	vst v2;
	v3 =	vmul.f32 $8.838834610e-02, v3;
	(pc) =	sbr.rel @!p1 .LBB2_66-.Ltmp53, $4  }
0x298: {  	v2 =	vld [tilespmem:s3+$0x0];
	[tilespmem:s13+$0x10] =	vst v1;
	v4 =	vmul.f32 $8.838834610e-02, v4  }
0x299: {  	v1 =	vld [tilespmem:s3+$0x10];
	v9 =	vmul.f32 $8.838834610e-02, v7;
	[tilespmem:s13+$0x20] =	vst v3  }
0x29a: {  	v7 =	vmul.f32 $8.838834610e-02, v8;
	v3 =	vld [tilespmem:s3+$0x20];
	[tilespmem:s13+$0x30] =	vst v4  }
0x29b: {  	s2 =	sadd.s32 $0xFFFFFFFF, s2;
	v6 =	vmul.f32 $8.838834610e-02, v6;
	v4 =	vld [tilespmem:s3+$0x30];
	[tilespmem:s13+$0xFFFFFFF0] =	vst v9;
	s13 =	smov.u32 s3  }
.LBB2_67:
0x29c: {  	[tilespmem:s13+$0xFFFFFFC0] =	vst v7;
	v5 =	vmul.f32 $8.838834610e-02, v5;
	v63 =	vld [tilespmem:s13+$0xFFFFFFF0]  }
0x29d: {  	[tilespmem:s13+$0xFFFFFFD0] =	vst v6;
	v2 =	vmul.f32 $8.838834610e-02, v2  }
0x29e: {  	p1 =	sgt.u32 s11, $0x7F;
	[tilespmem:s13+$0xFFFFFFE0] =	vst v5;
	v1 =	vmul.f32 $8.838834610e-02, v1  }
.Ltmp54:
0x29f: {  	[tilespmem:s13+$0x0] =	vst v2;
	v2 =	vmul.f32 $8.838834610e-02, v3;
	(pc) =	sbr.rel @p1 .LBB2_71-.Ltmp54, $4  }
0x2a0: {  	[tilespmem:s13+$0x10] =	vst v1;
	v1 =	vmul.f32 $8.838834610e-02, v4  }
0x2a1: {  	v3 =	vmul.f32 $8.838834610e-02, v63;
	[tilespmem:s13+$0x20] =	vst v2  }
0x2a2: {  	[tilespmem:s13+$0x30] =	vst v1  }
0x2a3: {  	[tilespmem:s13+$0xFFFFFFF0] =	vst v3  }
0x2a4: {  	s3 =	sshll.u32 s12, $0x9  }
0x2a5: {  	p1 =	sne.s32 s3, $0xFE00  }
.Ltmp55:
0x2a6: {  	_ = 	snop;
	(pc) =	sbr.rel @!p1 .LBB2_70-.Ltmp55, $2  }
0x2a7: {  	_ =	sdelay $0x2  }
0x2a8: {  	s2 =	sshra.s32 s3, $0x2;
	s3 =	sadd.s32 $0x200, s3  }
.LBB2_69:
0x2a9: {  	p1 =	sne.s32 s3, $0xFE00;
	[tilespmem:s2+$0xC470] =	vst v0  }
0x2aa: {  	[tilespmem:s2+$0xC400] =	vst v0  }
0x2ab: {  	[tilespmem:s2+$0xC410] =	vst v0  }
.Ltmp56:
0x2ac: {  	[tilespmem:s2+$0xC420] =	vst v0;
	(pc) =	sbr.rel @p1 .LBB2_69-.Ltmp56, $4  }
0x2ad: {  	[tilespmem:s2+$0xC430] =	vst v0  }
0x2ae: {  	[tilespmem:s2+$0xC440] =	vst v0  }
0x2af: {  	[tilespmem:s2+$0xC450] =	vst v0  }
0x2b0: {  	[tilespmem:s2+$0xC460] =	vst v0;
	s2 =	sshra.s32 s3, $0x2;
	s3 =	sadd.s32 $0x200, s3  }
.LBB2_70:
0x2b1: {  	[tilespmem:s2+$0xC470] =	vst v0  }
0x2b2: {  	[tilespmem:s2+$0xC400] =	vst v0  }
0x2b3: {  	[tilespmem:s2+$0xC410] =	vst v0  }
0x2b4: {  	[tilespmem:s2+$0xC420] =	vst v0  }
0x2b5: {  	[tilespmem:s2+$0xC430] =	vst v0  }
0x2b6: {  	[tilespmem:s2+$0xC440] =	vst v0  }
0x2b7: {  	[tilespmem:s2+$0xC450] =	vst v0  }
0x2b8: {  	[tilespmem:s2+$0xC460] =	vst v0  }
.LBB2_71:
.Ltmp57:
0x2b9: {  	(pc) =	sbr.rel .LBB2_73-.Ltmp57, $3  }
0x2ba: {  	_ =	sdelay $0x1  }
0x2bb: {  	s2 =	simm.s32 $0xC400  }
0x2bc: {  	[hbm4b:s8+s1] =	stream.linear.scatter [tilespmem:s2], [sflag:$0xC], $0x4000, $0x38;
	[tilespmem:$0x14880] =	vst v63  }
.LBB2_74:
0x2bd: {  	_ =	sfence.sel $0x180000  }
0x2be: {  	[bflag:$0x0] =	sbarrier.arrive $0xFFFF  }
0x2bf: {  	_ =	strace $0x90000047  }
0x2c0: {  	[bflag:$0x2] =	sbarrier.arrive $0xFFFF  }
0x2c1: {  	s1 =	sld [smem:$0x7FD];
	_ =	sdelay $0x2  }
0x2c2: {  	s0 =	rddreg [dreg:$0x8];
	p0 =	seq.s32 s1, $0x1  }
0x2c3: {  	s0 =	sadd.s32 @!p0 $0x100000, s0  }
0x2c4: {  	[sflag:s0] =	ssyncadd.tile.s32 @!p0 $0x1;
	_ =	shalt  }
.Lfunc_end2:
_tile_overlayer_lowered:
.L_overlay_start_2:
0x2c5: {  	(tag) =	ssettag $0x2  }
0x2c6: {  	s0 =	rddreg [dreg:$0x0];
	s2 =	stileid.u32  }
0x2c7: {  	s1 =	rddreg [dreg:$0x1];
	p0 =	sne.s32 s2, $0x0  }
0x2c8: {  	s3 =	rddreg [dreg:$0x2];
	[bflag:$0x3] =	sbarrier.arrive $0xFFFF;
	s2 =	simm.s32 @!p0 $0x1C0D  }
0x2c9: {  	[timem:s3], [sflag:s2] =	dma.local @!p0 [hbm:s0], s1  }
0x2ca: {  	s0 =	simm.s32 @!p0 $0xD  }
0x2cb: {  	_ =	swait.ge @!p0 [sflag:s0], s1  }
0x2cc: {  	s1 =	ssub.s32 @!p0 $0x0, s1;
	[sflag:s0] =	ssyncset.done @!p0 $0x0  }
0x2cd: {  	[sflag:s0] =	ssyncadd.s32 @!p0 s1  }
0x2ce: {  	[bflag:$0x3] =	sbarrier.arrive $0xFFFF  }
0x2cf: {  	_ =	shalt  }

</sc_bundles>
